<compile_context>
chip_gen: v7x
topology: tpu7x:2x2x1
jax: 0.10.2.dev20260603
libtpu: 0.0.44.dev20260713+nightly
codegen_flags: <defaults>
</compile_context>

<pallas_src>
import dataclasses
import functools

import jax
import jax.numpy as jnp
from jax import lax
from jax.experimental import pallas as pl
from jax.experimental.pallas import tpu as pltpu
from jax.experimental.pallas import tpu_sc as plsc

N = 10000
D = 128
E = 320000

NC = 2
NS = 16
LANES = 16
NW = NC * NS

K = 128
NBUF = 2
NCHUNK0 = 80
NCHUNK1 = 80
MAXC = max(NCHUNK0, NCHUNK1)
EPW = (NCHUNK0 + NCHUNK1) * K // 2
EP = NW * EPW

N_PAD = 10240
ROWS_PER_TILE = N_PAD // NS
ZCHUNK = K

_MESH = plsc.VectorSubcoreMesh(
    core_axis_name="c", subcore_axis_name="s", num_cores=NC, num_subcores=NS)

_SC_PARAMS = pltpu.CompilerParams()
if "needs_layout_passes" in pltpu.CompilerParams.__dataclass_fields__:
    _SC_PARAMS = dataclasses.replace(_SC_PARAMS, needs_layout_passes=False)


def _gemm_body(h_ref, w_ref, norm_ref, g_ref):
    g_ref[...] = jnp.dot(
        h_ref[...], w_ref[...], preferred_element_type=jnp.float32
    ) * norm_ref[...]


def _compute_g(h, W, norm):
    M = 1000
    return pl.pallas_call(
        _gemm_body,
        grid=(N // M,),
        in_specs=[
            pl.BlockSpec((M, D), lambda i: (i, i * 0)),
            pl.BlockSpec((D, D), lambda i: (i * 0, i * 0)),
            pl.BlockSpec((M, 1), lambda i: (i, i * 0)),
        ],
        out_specs=pl.BlockSpec((M, D), lambda i: (i, i * 0)),
        out_shape=jax.ShapeDtypeStruct((N, D), jnp.float32),
    )(h, W, norm)


NCHUNK = EPW // K


def _floop(n, body, unroll=None):
    def wrapped(i, carry):
        body(i)
        return carry
    lax.fori_loop(jnp.int32(0), jnp.int32(n), wrapped, None, unroll=unroll)


def _floopd(n, body):
    def wrapped(i, carry):
        body(i)
        return carry
    lax.fori_loop(jnp.int32(0), n, wrapped, None)


def _sc_body(g_hbm, src_hbm, dst_hbm, w_hbm, out_hbm,
             src_all, dstb, wb, rows, acc, gsems, dsems, wsems):
    i32 = jnp.int32
    cid = lax.axis_index("c").astype(i32)
    sid = lax.axis_index("s").astype(i32)
    wid = sid * i32(NC) + cid

    zero16 = jnp.zeros((LANES,), jnp.float32)

    def _zero_row(r):
        for c in range(D // LANES):
            rows[0][r, pl.ds(c * LANES, LANES)] = zero16
    _floop(K, _zero_row)

    tile_base = sid * i32(ROWS_PER_TILE)
    for j in range(ROWS_PER_TILE // ZCHUNK):
        pltpu.sync_copy(
            rows[0].at[pl.ds(0, ZCHUNK)],
            acc.at[pl.ds(tile_base + i32(j * ZCHUNK), ZCHUNK)],
        )

    pltpu.sync_copy(src_hbm.at[wid], src_all)

    plsc.subcore_barrier()

    def _idx_prefetch(i, p):
        pltpu.async_copy(dst_hbm.at[wid, i], dstb.at[i32(p)], dsems[p])
        pltpu.async_copy(w_hbm.at[wid, i], wb.at[pl.ds(p * K, K)], wsems[p])

    def _idx_wait(p):
        z = i32(0)
        pltpu.make_async_copy(
            dst_hbm.at[wid, z], dstb.at[i32(p)], dsems[p]).wait()
        pltpu.make_async_copy(
            w_hbm.at[wid, z], wb.at[pl.ds(p * K, K)], wsems[p]).wait()

    def _gather_start(i, p):
        pltpu.async_copy(g_hbm.at[src_all.at[i]], rows[p], gsems[p])

    def _gather_wait(p):
        pltpu.make_async_copy(
            g_hbm.at[src_all.at[jnp.int32(0)]], rows[p], gsems[p]).wait()

    def _scale(p):
        base = i32(p * K)
        U = 4
        def body(eu):
            e0 = eu * i32(U)
            for u in range(U):
                e = e0 + i32(u)
                eidx = jnp.broadcast_to(base + e, (LANES,))
                wv = plsc.load_gather(wb, [eidx])
                for c in range(D // LANES):
                    sl = pl.ds(c * LANES, LANES)
                    rows[p][e, sl] = rows[p][e, sl] * wv
        _floop(K // U, body)

    for p in range(NBUF):
        _idx_prefetch(i32(p), p)
    for p in range(NBUF - 1):
        _gather_start(i32(p), p)

    def _quad(j):
        i0 = j * i32(NBUF)
        for p in range(NBUF):
            i = i0 + i32(p)
            _gather_start(i + i32(NBUF - 1), (p + NBUF - 1) % NBUF)
            _gather_wait(p)
            _idx_wait(p)
            _scale(p)
            pltpu.sync_copy(rows[p], acc.at[dstb.at[i32(p)]], add=True)
            _idx_prefetch(i + i32(NBUF), p)

    _floop(MAXC // NBUF, _quad)
    for p in range(NBUF - 1):
        _gather_wait(p)
    for p in range(NBUF):
        _idx_wait(p)

    plsc.subcore_barrier()

    for j in range(ROWS_PER_TILE // ZCHUNK):
        sl = pl.ds(tile_base + i32(j * ZCHUNK), ZCHUNK)
        pltpu.sync_copy(acc.at[sl], out_hbm.at[cid, sl])


@functools.partial(
    pl.kernel,
    out_type=jax.ShapeDtypeStruct((NC, N_PAD, D), jnp.float32),
    mesh=_MESH,
    scratch_types=[
        pltpu.VMEM((MAXC + NBUF, K), jnp.int32),
        pltpu.VMEM((NBUF, K), jnp.int32),
        pltpu.VMEM((NBUF * K,), jnp.float32),
        [pltpu.VMEM((K, D), jnp.float32)] * NBUF,
        pltpu.VMEM_SHARED((N_PAD, D), jnp.float32),
        [pltpu.SemaphoreType.DMA] * NBUF,
        [pltpu.SemaphoreType.DMA] * NBUF,
        [pltpu.SemaphoreType.DMA] * NBUF,
    ],
    compiler_params=_SC_PARAMS,
)
def _sc_scatter(g_hbm, src_hbm, dst_hbm, w_hbm, out_hbm,
                src_all, dstb, wb, rows, acc, gsems, dsems, wsems):
    _sc_body(g_hbm, src_hbm, dst_hbm, w_hbm, out_hbm,
             src_all, dstb, wb, rows, acc, gsems, dsems, wsems)


def _combine_body(p_ref, norm_ref, b_ref, o_ref):
    o_ref[...] = (p_ref[0] + p_ref[1]) * norm_ref[...] + b_ref[...]


def _combine(partials, norm, b2d):
    M = 1000
    return pl.pallas_call(
        _combine_body,
        grid=(N // M,),
        in_specs=[
            pl.BlockSpec((NC, M, D), lambda i: (i * 0, i, i * 0)),
            pl.BlockSpec((M, 1), lambda i: (i, i * 0)),
            pl.BlockSpec((1, D), lambda i: (i * 0, i * 0)),
        ],
        out_specs=pl.BlockSpec((M, D), lambda i: (i, i * 0)),
        out_shape=jax.ShapeDtypeStruct((N, D), jnp.float32),
    )(partials, norm, b2d)


def kernel(h, edge_index, norm, edge_weight, W, b):
    src = edge_index[0].astype(jnp.int32)
    dst = edge_index[1].astype(jnp.int32)
    w = edge_weight.reshape(E).astype(jnp.float32)

    pad = EP - E
    src = jnp.concatenate([src, jnp.zeros((pad,), jnp.int32)])
    dst = jnp.concatenate([dst, jnp.zeros((pad,), jnp.int32)])
    w = jnp.concatenate([w, jnp.zeros((pad,), jnp.float32)])

    def _pack(a, dtype):
        a0 = a[:NS * NCHUNK0 * K].reshape(NS, NCHUNK0, K)
        a1 = a[NS * NCHUNK0 * K:].reshape(NS, NCHUNK1, K)
        z0 = jnp.zeros((NS, MAXC + NBUF - NCHUNK0, K), dtype)
        z1 = jnp.zeros((NS, MAXC + NBUF - NCHUNK1, K), dtype)
        a0 = jnp.concatenate([a0, z0], axis=1)
        a1 = jnp.concatenate([a1, z1], axis=1)
        return jnp.stack([a0, a1], axis=1).reshape(NW, MAXC + NBUF, K)

    src = _pack(src, jnp.int32)
    dst = _pack(dst, jnp.int32)
    w = _pack(w, jnp.float32)

    g = _compute_g(h, W, norm)
    partials = _sc_scatter(g, src, dst, w)
    return _combine(partials, norm, b.reshape(1, D))

# --- scband reference (transcript-rebuilt; emitter-appended) ---
"""Pipeline reference for scband-graph-conv-40501541601587 (READ-ONLY COPY).

The authoritative reference and input builder live on the scoring server;
editing this copy changes nothing except your own understanding.
"""

import jax
jax.config.update('jax_enable_x64', True)
import jax.numpy as jnp
import numpy as np

N = 10000
E = 320000
D_IN = 128
D_OUT = 128

def setup_inputs(seed: int = 0) -> dict:
    key = jax.random.key(seed)
    k1, k2, k3, k4, k5 = jax.random.split(key, 5)
    h = jax.random.normal(k1, (N, D_IN), dtype=jnp.float32)
    edge_index = jax.random.randint(k2, (2, E), 0, N, dtype=jnp.int64)
    norm = jax.random.uniform(k3, (N, 1), dtype=jnp.float32)
    edge_weight = jax.random.uniform(k4, (E, 1), dtype=jnp.float32)
    # learned parameters (xavier-uniform weight, zero bias as in reset_parameters)
    limit = float(np.sqrt(6.0 / (D_IN + D_OUT)))
    W = jax.random.uniform(k5, (D_IN, D_OUT), dtype=jnp.float32, minval=-limit, maxval=limit)
    b = jnp.zeros((D_OUT,), dtype=jnp.float32)
    return {'h': h, 'edge_index': edge_index, 'norm': norm, 'edge_weight': edge_weight, 'W': W, 'b': b}

def reference(h, edge_index, norm, edge_weight, W, b):
    # h = torch.mm(h, self.weight)
    h2 = jnp.dot(h, W)
    src = edge_index[0]
    dst = edge_index[1]
    # nb_compute with edge_weight: sum over in-edges of (src.norm * src.h * edge_weight)
    msg = (norm[src] * h2[src]) * edge_weight  # gather on src nodes
    agg = jax.ops.segment_sum(msg, dst, num_segments=N)  # scatter-add to dst nodes
    out = agg * norm  # h = h * v.norm
    out = out + b  # bias
    # activation is None (falsy) -> skipped
    return out

if __name__ == "__main__":
    import jax
    _d = setup_inputs()
    print(jax.jit(kernel)(*tuple(_d.values())))

</pallas_src>

<mosaic_0001>
#map = affine_map<(d0, d1) -> (0, 0)>
#map1 = affine_map<(d0, d1) -> (0, 0, 0)>
module attributes {stable_mosaic.version = 14 : i64} {
  func.func @_sc_scatter(%arg0: i32, %arg1: i32, %arg2: memref<10000x128xf32, #tpu.memory_space<hbm>>, %arg3: memref<32x82x128xi32, #tpu.memory_space<hbm>>, %arg4: memref<32x82x128xi32, #tpu.memory_space<hbm>>, %arg5: memref<32x82x128xf32, #tpu.memory_space<hbm>>, %arg6: memref<2x10240x128xf32, #tpu.memory_space<hbm>>, %arg7: memref<82x128xi32, #tpu.memory_space<vmem>>, %arg8: memref<2x128xi32, #tpu.memory_space<vmem>>, %arg9: memref<256xf32, #tpu.memory_space<vmem>>, %arg10: memref<128x128xf32, #tpu.memory_space<vmem>>, %arg11: memref<128x128xf32, #tpu.memory_space<vmem>>, %arg12: memref<10240x128xf32, #tpu.memory_space<vmem_shared>>, %arg13: memref<!tpu.dma_semaphore, #tpu.memory_space<semaphore_mem>>, %arg14: memref<!tpu.dma_semaphore, #tpu.memory_space<semaphore_mem>>, %arg15: memref<!tpu.dma_semaphore, #tpu.memory_space<semaphore_mem>>, %arg16: memref<!tpu.dma_semaphore, #tpu.memory_space<semaphore_mem>>, %arg17: memref<!tpu.dma_semaphore, #tpu.memory_space<semaphore_mem>>, %arg18: memref<!tpu.dma_semaphore, #tpu.memory_space<semaphore_mem>>) attributes {dimension_semantics = [#tpu.dimension_semantics<core_parallel>, #tpu.dimension_semantics<subcore_parallel>], iteration_bounds = array<i64: 2, 16>, scalar_prefetch = 0 : i64, scratch_operands = 12 : i64, tpu.core_type = #tpu.core_type<sc_vector_subcore>, window_params = [{transform_indices = #map}, {transform_indices = #map1}, {transform_indices = #map1}, {transform_indices = #map1}, {transform_indices = #map1}]} {
    %mul3A = arith.constant 2 : i32
    %mul3A_0 = arith.muli %arg1, %mul3A : i32
    %add3A = arith.addi %mul3A_0, %arg0 : i32
    %broadcast_in_dim3A = arith.constant 0.000000e+00 : f32
    %broadcast_in_dim3A_1 = vector.broadcast %broadcast_in_dim3A : f32 to vector<16xf32>
    %while3A = arith.constant 0 : i32
    %while3A_2 = arith.constant 128 : i32
    %while3A_3 = arith.subi %while3A_2, %while3A : i32
    %while3A_4 = arith.addi %while3A, %while3A_3 : i32
    %while3A_5 = arith.constant 1 : i32
    %while3A_6 = arith.divsi %while3A_3, %while3A_5 : i32
    %while3A_7 = arith.muli %while3A_6, %while3A_5 : i32
    %while3A_8 = arith.addi %while3A, %while3A_7 : i32
    %while3A_9 = arith.constant 1 : i32
    scf.for %while3A_156 = %while3A to %while3A_8 step %while3A_9  : i32 {
      %swap3A = arith.index_cast %while3A_156 : i32 to index
      %swap3A_157 = arith.constant 0 : index
      %swap3A_158 = tpu.vector_load %arg10[%swap3A, %swap3A_157] {strides = array<i32>} : memref<128x128xf32, #tpu.memory_space<vmem>>, vector<16xf32>,
      tpu.vector_store %arg10[%swap3A, %swap3A_157], %broadcast_in_dim3A_1 {strides = array<i32>} : memref<128x128xf32, #tpu.memory_space<vmem>>, vector<16xf32>,
      %swap3A_159 = arith.index_cast %while3A_156 : i32 to index
      %swap3A_160 = arith.constant 16 : index
      %swap3A_161 = tpu.vector_load %arg10[%swap3A_159, %swap3A_160] {strides = array<i32>} : memref<128x128xf32, #tpu.memory_space<vmem>>, vector<16xf32>,
      tpu.vector_store %arg10[%swap3A_159, %swap3A_160], %broadcast_in_dim3A_1 {strides = array<i32>} : memref<128x128xf32, #tpu.memory_space<vmem>>, vector<16xf32>,
      %swap3A_162 = arith.index_cast %while3A_156 : i32 to index
      %swap3A_163 = arith.constant 32 : index
      %swap3A_164 = tpu.vector_load %arg10[%swap3A_162, %swap3A_163] {strides = array<i32>} : memref<128x128xf32, #tpu.memory_space<vmem>>, vector<16xf32>,
      tpu.vector_store %arg10[%swap3A_162, %swap3A_163], %broadcast_in_dim3A_1 {strides = array<i32>} : memref<128x128xf32, #tpu.memory_space<vmem>>, vector<16xf32>,
      %swap3A_165 = arith.index_cast %while3A_156 : i32 to index
      %swap3A_166 = arith.constant 48 : index
      %swap3A_167 = tpu.vector_load %arg10[%swap3A_165, %swap3A_166] {strides = array<i32>} : memref<128x128xf32, #tpu.memory_space<vmem>>, vector<16xf32>,
      tpu.vector_store %arg10[%swap3A_165, %swap3A_166], %broadcast_in_dim3A_1 {strides = array<i32>} : memref<128x128xf32, #tpu.memory_space<vmem>>, vector<16xf32>,
      %swap3A_168 = arith.index_cast %while3A_156 : i32 to index
      %swap3A_169 = arith.constant 64 : index
      %swap3A_170 = tpu.vector_load %arg10[%swap3A_168, %swap3A_169] {strides = array<i32>} : memref<128x128xf32, #tpu.memory_space<vmem>>, vector<16xf32>,
      tpu.vector_store %arg10[%swap3A_168, %swap3A_169], %broadcast_in_dim3A_1 {strides = array<i32>} : memref<128x128xf32, #tpu.memory_space<vmem>>, vector<16xf32>,
      %swap3A_171 = arith.index_cast %while3A_156 : i32 to index
      %swap3A_172 = arith.constant 80 : index
      %swap3A_173 = tpu.vector_load %arg10[%swap3A_171, %swap3A_172] {strides = array<i32>} : memref<128x128xf32, #tpu.memory_space<vmem>>, vector<16xf32>,
      tpu.vector_store %arg10[%swap3A_171, %swap3A_172], %broadcast_in_dim3A_1 {strides = array<i32>} : memref<128x128xf32, #tpu.memory_space<vmem>>, vector<16xf32>,
      %swap3A_174 = arith.index_cast %while3A_156 : i32 to index
      %swap3A_175 = arith.constant 96 : index
      %swap3A_176 = tpu.vector_load %arg10[%swap3A_174, %swap3A_175] {strides = array<i32>} : memref<128x128xf32, #tpu.memory_space<vmem>>, vector<16xf32>,
      tpu.vector_store %arg10[%swap3A_174, %swap3A_175], %broadcast_in_dim3A_1 {strides = array<i32>} : memref<128x128xf32, #tpu.memory_space<vmem>>, vector<16xf32>,
      %swap3A_177 = arith.index_cast %while3A_156 : i32 to index
      %swap3A_178 = arith.constant 112 : index
      %swap3A_179 = tpu.vector_load %arg10[%swap3A_177, %swap3A_178] {strides = array<i32>} : memref<128x128xf32, #tpu.memory_space<vmem>>, vector<16xf32>,
      tpu.vector_store %arg10[%swap3A_177, %swap3A_178], %broadcast_in_dim3A_1 {strides = array<i32>} : memref<128x128xf32, #tpu.memory_space<vmem>>, vector<16xf32>,
    }
    %while3A_10 = arith.constant 1 : i32
    scf.for %while3A_156 = %while3A_8 to %while3A_4 step %while3A_10  : i32 {
      %swap3A = arith.index_cast %while3A_156 : i32 to index
      %swap3A_157 = arith.constant 0 : index
      %swap3A_158 = tpu.vector_load %arg10[%swap3A, %swap3A_157] {strides = array<i32>} : memref<128x128xf32, #tpu.memory_space<vmem>>, vector<16xf32>,
      tpu.vector_store %arg10[%swap3A, %swap3A_157], %broadcast_in_dim3A_1 {strides = array<i32>} : memref<128x128xf32, #tpu.memory_space<vmem>>, vector<16xf32>,
      %swap3A_159 = arith.index_cast %while3A_156 : i32 to index
      %swap3A_160 = arith.constant 16 : index
      %swap3A_161 = tpu.vector_load %arg10[%swap3A_159, %swap3A_160] {strides = array<i32>} : memref<128x128xf32, #tpu.memory_space<vmem>>, vector<16xf32>,
      tpu.vector_store %arg10[%swap3A_159, %swap3A_160], %broadcast_in_dim3A_1 {strides = array<i32>} : memref<128x128xf32, #tpu.memory_space<vmem>>, vector<16xf32>,
      %swap3A_162 = arith.index_cast %while3A_156 : i32 to index
      %swap3A_163 = arith.constant 32 : index
      %swap3A_164 = tpu.vector_load %arg10[%swap3A_162, %swap3A_163] {strides = array<i32>} : memref<128x128xf32, #tpu.memory_space<vmem>>, vector<16xf32>,
      tpu.vector_store %arg10[%swap3A_162, %swap3A_163], %broadcast_in_dim3A_1 {strides = array<i32>} : memref<128x128xf32, #tpu.memory_space<vmem>>, vector<16xf32>,
      %swap3A_165 = arith.index_cast %while3A_156 : i32 to index
      %swap3A_166 = arith.constant 48 : index
      %swap3A_167 = tpu.vector_load %arg10[%swap3A_165, %swap3A_166] {strides = array<i32>} : memref<128x128xf32, #tpu.memory_space<vmem>>, vector<16xf32>,
      tpu.vector_store %arg10[%swap3A_165, %swap3A_166], %broadcast_in_dim3A_1 {strides = array<i32>} : memref<128x128xf32, #tpu.memory_space<vmem>>, vector<16xf32>,
      %swap3A_168 = arith.index_cast %while3A_156 : i32 to index
      %swap3A_169 = arith.constant 64 : index
      %swap3A_170 = tpu.vector_load %arg10[%swap3A_168, %swap3A_169] {strides = array<i32>} : memref<128x128xf32, #tpu.memory_space<vmem>>, vector<16xf32>,
      tpu.vector_store %arg10[%swap3A_168, %swap3A_169], %broadcast_in_dim3A_1 {strides = array<i32>} : memref<128x128xf32, #tpu.memory_space<vmem>>, vector<16xf32>,
      %swap3A_171 = arith.index_cast %while3A_156 : i32 to index
      %swap3A_172 = arith.constant 80 : index
      %swap3A_173 = tpu.vector_load %arg10[%swap3A_171, %swap3A_172] {strides = array<i32>} : memref<128x128xf32, #tpu.memory_space<vmem>>, vector<16xf32>,
      tpu.vector_store %arg10[%swap3A_171, %swap3A_172], %broadcast_in_dim3A_1 {strides = array<i32>} : memref<128x128xf32, #tpu.memory_space<vmem>>, vector<16xf32>,
      %swap3A_174 = arith.index_cast %while3A_156 : i32 to index
      %swap3A_175 = arith.constant 96 : index
      %swap3A_176 = tpu.vector_load %arg10[%swap3A_174, %swap3A_175] {strides = array<i32>} : memref<128x128xf32, #tpu.memory_space<vmem>>, vector<16xf32>,
      tpu.vector_store %arg10[%swap3A_174, %swap3A_175], %broadcast_in_dim3A_1 {strides = array<i32>} : memref<128x128xf32, #tpu.memory_space<vmem>>, vector<16xf32>,
      %swap3A_177 = arith.index_cast %while3A_156 : i32 to index
      %swap3A_178 = arith.constant 112 : index
      %swap3A_179 = tpu.vector_load %arg10[%swap3A_177, %swap3A_178] {strides = array<i32>} : memref<128x128xf32, #tpu.memory_space<vmem>>, vector<16xf32>,
      tpu.vector_store %arg10[%swap3A_177, %swap3A_178], %broadcast_in_dim3A_1 {strides = array<i32>} : memref<128x128xf32, #tpu.memory_space<vmem>>, vector<16xf32>,
    }
    %mul3A_11 = arith.constant 640 : i32
    %mul3A_12 = arith.muli %arg1, %mul3A_11 : i32
    %add3A_13 = arith.constant 0 : i32
    %add3A_14 = arith.addi %mul3A_12, %add3A_13 : i32
    "tpu.region"() ({
      %run_scoped3A = tpu.sem_alloc : memref<!tpu.dma_semaphore, #tpu.memory_space<semaphore_mem>>
      %dma_start3A_156 = arith.constant 0 : i32
      %dma_start3A_157 = arith.constant 0 : i32
      %dma_start3A_158 = tpu.memref_slice %arg10[%dma_start3A_156, %dma_start3A_157] : memref<128x128xf32, #tpu.memory_space<vmem>> -> memref<128x128xf32, #tpu.memory_space<vmem>>
      %dma_start3A_159 = arith.constant 0 : i32
      %dma_start3A_160 = tpu.memref_slice %arg12[%add3A_14, %dma_start3A_159] : memref<10240x128xf32, #tpu.memory_space<vmem_shared>> -> memref<128x128xf32, #tpu.memory_space<vmem_shared>>
      %dma_start3A_161 = arith.constant 0 : i32
      %dma_start3A_162 = tpu.memref_slice %arg12[%add3A_14, %dma_start3A_161] : memref<10240x128xf32, #tpu.memory_space<vmem_shared>> -> memref<128x128xf32, #tpu.memory_space<vmem_shared>>
      %dma_start3A_163 = arith.constant 0 : i32
      %dma_start3A_164 = arith.constant 0 : i32
      %dma_start3A_165 = tpu.memref_slice %arg10[%dma_start3A_163, %dma_start3A_164] : memref<128x128xf32, #tpu.memory_space<vmem>> -> memref<128x128xf32, #tpu.memory_space<vmem>>
      tpu.enqueue_dma source(%dma_start3A_165 : memref<128x128xf32, #tpu.memory_space<vmem>>) target(%dma_start3A_162 : memref<128x128xf32, #tpu.memory_space<vmem_shared>>) target_semaphore(%run_scoped3A : memref<!tpu.dma_semaphore, #tpu.memory_space<semaphore_mem>>)
      %dma_wait3A_166 = arith.constant 0 : i32
      %dma_wait3A_167 = arith.constant 0 : i32
      %dma_wait3A_168 = tpu.memref_slice %arg10[%dma_wait3A_166, %dma_wait3A_167] : memref<128x128xf32, #tpu.memory_space<vmem>> -> memref<128x128xf32, #tpu.memory_space<vmem>>
      %dma_wait3A_169 = arith.constant 0 : i32
      %dma_wait3A_170 = tpu.memref_slice %arg12[%add3A_14, %dma_wait3A_169] : memref<10240x128xf32, #tpu.memory_space<vmem_shared>> -> memref<128x128xf32, #tpu.memory_space<vmem_shared>>
      %dma_wait3A_171 = arith.constant 0 : i32
      %dma_wait3A_172 = tpu.memref_slice %arg12[%add3A_14, %dma_wait3A_171] : memref<10240x128xf32, #tpu.memory_space<vmem_shared>> -> memref<128x128xf32, #tpu.memory_space<vmem_shared>>
      %dma_wait3A_173 = arith.constant 0 : i32
      %dma_wait3A_174 = arith.constant 0 : i32
      %dma_wait3A_175 = tpu.memref_slice %arg10[%dma_wait3A_173, %dma_wait3A_174] : memref<128x128xf32, #tpu.memory_space<vmem>> -> memref<128x128xf32, #tpu.memory_space<vmem>>
      tpu.wait_dma2 semaphore(%run_scoped3A : memref<!tpu.dma_semaphore, #tpu.memory_space<semaphore_mem>>) src(%dma_wait3A_175 : memref<128x128xf32, #tpu.memory_space<vmem>>) dst(%dma_wait3A_172 : memref<128x128xf32, #tpu.memory_space<vmem_shared>>)
      tpu.yield
    }) : () -> ()
    %add3A_15 = arith.constant 128 : i32
    %add3A_16 = arith.addi %mul3A_12, %add3A_15 : i32
    "tpu.region"() ({
      %run_scoped3A = tpu.sem_alloc : memref<!tpu.dma_semaphore, #tpu.memory_space<semaphore_mem>>
      %dma_start3A_156 = arith.constant 0 : i32
      %dma_start3A_157 = arith.constant 0 : i32
      %dma_start3A_158 = tpu.memref_slice %arg10[%dma_start3A_156, %dma_start3A_157] : memref<128x128xf32, #tpu.memory_space<vmem>> -> memref<128x128xf32, #tpu.memory_space<vmem>>
      %dma_start3A_159 = arith.constant 0 : i32
      %dma_start3A_160 = tpu.memref_slice %arg12[%add3A_16, %dma_start3A_159] : memref<10240x128xf32, #tpu.memory_space<vmem_shared>> -> memref<128x128xf32, #tpu.memory_space<vmem_shared>>
      %dma_start3A_161 = arith.constant 0 : i32
      %dma_start3A_162 = tpu.memref_slice %arg12[%add3A_16, %dma_start3A_161] : memref<10240x128xf32, #tpu.memory_space<vmem_shared>> -> memref<128x128xf32, #tpu.memory_space<vmem_shared>>
      %dma_start3A_163 = arith.constant 0 : i32
      %dma_start3A_164 = arith.constant 0 : i32
      %dma_start3A_165 = tpu.memref_slice %arg10[%dma_start3A_163, %dma_start3A_164] : memref<128x128xf32, #tpu.memory_space<vmem>> -> memref<128x128xf32, #tpu.memory_space<vmem>>
      tpu.enqueue_dma source(%dma_start3A_165 : memref<128x128xf32, #tpu.memory_space<vmem>>) target(%dma_start3A_162 : memref<128x128xf32, #tpu.memory_space<vmem_shared>>) target_semaphore(%run_scoped3A : memref<!tpu.dma_semaphore, #tpu.memory_space<semaphore_mem>>)
      %dma_wait3A_166 = arith.constant 0 : i32
      %dma_wait3A_167 = arith.constant 0 : i32
      %dma_wait3A_168 = tpu.memref_slice %arg10[%dma_wait3A_166, %dma_wait3A_167] : memref<128x128xf32, #tpu.memory_space<vmem>> -> memref<128x128xf32, #tpu.memory_space<vmem>>
      %dma_wait3A_169 = arith.constant 0 : i32
      %dma_wait3A_170 = tpu.memref_slice %arg12[%add3A_16, %dma_wait3A_169] : memref<10240x128xf32, #tpu.memory_space<vmem_shared>> -> memref<128x128xf32, #tpu.memory_space<vmem_shared>>
      %dma_wait3A_171 = arith.constant 0 : i32
      %dma_wait3A_172 = tpu.memref_slice %arg12[%add3A_16, %dma_wait3A_171] : memref<10240x128xf32, #tpu.memory_space<vmem_shared>> -> memref<128x128xf32, #tpu.memory_space<vmem_shared>>
      %dma_wait3A_173 = arith.constant 0 : i32
      %dma_wait3A_174 = arith.constant 0 : i32
      %dma_wait3A_175 = tpu.memref_slice %arg10[%dma_wait3A_173, %dma_wait3A_174] : memref<128x128xf32, #tpu.memory_space<vmem>> -> memref<128x128xf32, #tpu.memory_space<vmem>>
      tpu.wait_dma2 semaphore(%run_scoped3A : memref<!tpu.dma_semaphore, #tpu.memory_space<semaphore_mem>>) src(%dma_wait3A_175 : memref<128x128xf32, #tpu.memory_space<vmem>>) dst(%dma_wait3A_172 : memref<128x128xf32, #tpu.memory_space<vmem_shared>>)
      tpu.yield
    }) : () -> ()
    %add3A_17 = arith.constant 256 : i32
    %add3A_18 = arith.addi %mul3A_12, %add3A_17 : i32
    "tpu.region"() ({
      %run_scoped3A = tpu.sem_alloc : memref<!tpu.dma_semaphore, #tpu.memory_space<semaphore_mem>>
      %dma_start3A_156 = arith.constant 0 : i32
      %dma_start3A_157 = arith.constant 0 : i32
      %dma_start3A_158 = tpu.memref_slice %arg10[%dma_start3A_156, %dma_start3A_157] : memref<128x128xf32, #tpu.memory_space<vmem>> -> memref<128x128xf32, #tpu.memory_space<vmem>>
      %dma_start3A_159 = arith.constant 0 : i32
      %dma_start3A_160 = tpu.memref_slice %arg12[%add3A_18, %dma_start3A_159] : memref<10240x128xf32, #tpu.memory_space<vmem_shared>> -> memref<128x128xf32, #tpu.memory_space<vmem_shared>>
      %dma_start3A_161 = arith.constant 0 : i32
      %dma_start3A_162 = tpu.memref_slice %arg12[%add3A_18, %dma_start3A_161] : memref<10240x128xf32, #tpu.memory_space<vmem_shared>> -> memref<128x128xf32, #tpu.memory_space<vmem_shared>>
      %dma_start3A_163 = arith.constant 0 : i32
      %dma_start3A_164 = arith.constant 0 : i32
      %dma_start3A_165 = tpu.memref_slice %arg10[%dma_start3A_163, %dma_start3A_164] : memref<128x128xf32, #tpu.memory_space<vmem>> -> memref<128x128xf32, #tpu.memory_space<vmem>>
      tpu.enqueue_dma source(%dma_start3A_165 : memref<128x128xf32, #tpu.memory_space<vmem>>) target(%dma_start3A_162 : memref<128x128xf32, #tpu.memory_space<vmem_shared>>) target_semaphore(%run_scoped3A : memref<!tpu.dma_semaphore, #tpu.memory_space<semaphore_mem>>)
      %dma_wait3A_166 = arith.constant 0 : i32
      %dma_wait3A_167 = arith.constant 0 : i32
      %dma_wait3A_168 = tpu.memref_slice %arg10[%dma_wait3A_166, %dma_wait3A_167] : memref<128x128xf32, #tpu.memory_space<vmem>> -> memref<128x128xf32, #tpu.memory_space<vmem>>
      %dma_wait3A_169 = arith.constant 0 : i32
      %dma_wait3A_170 = tpu.memref_slice %arg12[%add3A_18, %dma_wait3A_169] : memref<10240x128xf32, #tpu.memory_space<vmem_shared>> -> memref<128x128xf32, #tpu.memory_space<vmem_shared>>
      %dma_wait3A_171 = arith.constant 0 : i32
      %dma_wait3A_172 = tpu.memref_slice %arg12[%add3A_18, %dma_wait3A_171] : memref<10240x128xf32, #tpu.memory_space<vmem_shared>> -> memref<128x128xf32, #tpu.memory_space<vmem_shared>>
      %dma_wait3A_173 = arith.constant 0 : i32
      %dma_wait3A_174 = arith.constant 0 : i32
      %dma_wait3A_175 = tpu.memref_slice %arg10[%dma_wait3A_173, %dma_wait3A_174] : memref<128x128xf32, #tpu.memory_space<vmem>> -> memref<128x128xf32, #tpu.memory_space<vmem>>
      tpu.wait_dma2 semaphore(%run_scoped3A : memref<!tpu.dma_semaphore, #tpu.memory_space<semaphore_mem>>) src(%dma_wait3A_175 : memref<128x128xf32, #tpu.memory_space<vmem>>) dst(%dma_wait3A_172 : memref<128x128xf32, #tpu.memory_space<vmem_shared>>)
      tpu.yield
    }) : () -> ()
    %add3A_19 = arith.constant 384 : i32
    %add3A_20 = arith.addi %mul3A_12, %add3A_19 : i32
    "tpu.region"() ({
      %run_scoped3A = tpu.sem_alloc : memref<!tpu.dma_semaphore, #tpu.memory_space<semaphore_mem>>
      %dma_start3A_156 = arith.constant 0 : i32
      %dma_start3A_157 = arith.constant 0 : i32
      %dma_start3A_158 = tpu.memref_slice %arg10[%dma_start3A_156, %dma_start3A_157] : memref<128x128xf32, #tpu.memory_space<vmem>> -> memref<128x128xf32, #tpu.memory_space<vmem>>
      %dma_start3A_159 = arith.constant 0 : i32
      %dma_start3A_160 = tpu.memref_slice %arg12[%add3A_20, %dma_start3A_159] : memref<10240x128xf32, #tpu.memory_space<vmem_shared>> -> memref<128x128xf32, #tpu.memory_space<vmem_shared>>
      %dma_start3A_161 = arith.constant 0 : i32
      %dma_start3A_162 = tpu.memref_slice %arg12[%add3A_20, %dma_start3A_161] : memref<10240x128xf32, #tpu.memory_space<vmem_shared>> -> memref<128x128xf32, #tpu.memory_space<vmem_shared>>
      %dma_start3A_163 = arith.constant 0 : i32
      %dma_start3A_164 = arith.constant 0 : i32
      %dma_start3A_165 = tpu.memref_slice %arg10[%dma_start3A_163, %dma_start3A_164] : memref<128x128xf32, #tpu.memory_space<vmem>> -> memref<128x128xf32, #tpu.memory_space<vmem>>
      tpu.enqueue_dma source(%dma_start3A_165 : memref<128x128xf32, #tpu.memory_space<vmem>>) target(%dma_start3A_162 : memref<128x128xf32, #tpu.memory_space<vmem_shared>>) target_semaphore(%run_scoped3A : memref<!tpu.dma_semaphore, #tpu.memory_space<semaphore_mem>>)
      %dma_wait3A_166 = arith.constant 0 : i32
      %dma_wait3A_167 = arith.constant 0 : i32
      %dma_wait3A_168 = tpu.memref_slice %arg10[%dma_wait3A_166, %dma_wait3A_167] : memref<128x128xf32, #tpu.memory_space<vmem>> -> memref<128x128xf32, #tpu.memory_space<vmem>>
      %dma_wait3A_169 = arith.constant 0 : i32
      %dma_wait3A_170 = tpu.memref_slice %arg12[%add3A_20, %dma_wait3A_169] : memref<10240x128xf32, #tpu.memory_space<vmem_shared>> -> memref<128x128xf32, #tpu.memory_space<vmem_shared>>
      %dma_wait3A_171 = arith.constant 0 : i32
      %dma_wait3A_172 = tpu.memref_slice %arg12[%add3A_20, %dma_wait3A_171] : memref<10240x128xf32, #tpu.memory_space<vmem_shared>> -> memref<128x128xf32, #tpu.memory_space<vmem_shared>>
      %dma_wait3A_173 = arith.constant 0 : i32
      %dma_wait3A_174 = arith.constant 0 : i32
      %dma_wait3A_175 = tpu.memref_slice %arg10[%dma_wait3A_173, %dma_wait3A_174] : memref<128x128xf32, #tpu.memory_space<vmem>> -> memref<128x128xf32, #tpu.memory_space<vmem>>
      tpu.wait_dma2 semaphore(%run_scoped3A : memref<!tpu.dma_semaphore, #tpu.memory_space<semaphore_mem>>) src(%dma_wait3A_175 : memref<128x128xf32, #tpu.memory_space<vmem>>) dst(%dma_wait3A_172 : memref<128x128xf32, #tpu.memory_space<vmem_shared>>)
      tpu.yield
    }) : () -> ()
    %add3A_21 = arith.constant 512 : i32
    %add3A_22 = arith.addi %mul3A_12, %add3A_21 : i32
    "tpu.region"() ({
      %run_scoped3A = tpu.sem_alloc : memref<!tpu.dma_semaphore, #tpu.memory_space<semaphore_mem>>
      %dma_start3A_156 = arith.constant 0 : i32
      %dma_start3A_157 = arith.constant 0 : i32
      %dma_start3A_158 = tpu.memref_slice %arg10[%dma_start3A_156, %dma_start3A_157] : memref<128x128xf32, #tpu.memory_space<vmem>> -> memref<128x128xf32, #tpu.memory_space<vmem>>
      %dma_start3A_159 = arith.constant 0 : i32
      %dma_start3A_160 = tpu.memref_slice %arg12[%add3A_22, %dma_start3A_159] : memref<10240x128xf32, #tpu.memory_space<vmem_shared>> -> memref<128x128xf32, #tpu.memory_space<vmem_shared>>
      %dma_start3A_161 = arith.constant 0 : i32
      %dma_start3A_162 = tpu.memref_slice %arg12[%add3A_22, %dma_start3A_161] : memref<10240x128xf32, #tpu.memory_space<vmem_shared>> -> memref<128x128xf32, #tpu.memory_space<vmem_shared>>
      %dma_start3A_163 = arith.constant 0 : i32
      %dma_start3A_164 = arith.constant 0 : i32
      %dma_start3A_165 = tpu.memref_slice %arg10[%dma_start3A_163, %dma_start3A_164] : memref<128x128xf32, #tpu.memory_space<vmem>> -> memref<128x128xf32, #tpu.memory_space<vmem>>
      tpu.enqueue_dma source(%dma_start3A_165 : memref<128x128xf32, #tpu.memory_space<vmem>>) target(%dma_start3A_162 : memref<128x128xf32, #tpu.memory_space<vmem_shared>>) target_semaphore(%run_scoped3A : memref<!tpu.dma_semaphore, #tpu.memory_space<semaphore_mem>>)
      %dma_wait3A_166 = arith.constant 0 : i32
      %dma_wait3A_167 = arith.constant 0 : i32
      %dma_wait3A_168 = tpu.memref_slice %arg10[%dma_wait3A_166, %dma_wait3A_167] : memref<128x128xf32, #tpu.memory_space<vmem>> -> memref<128x128xf32, #tpu.memory_space<vmem>>
      %dma_wait3A_169 = arith.constant 0 : i32
      %dma_wait3A_170 = tpu.memref_slice %arg12[%add3A_22, %dma_wait3A_169] : memref<10240x128xf32, #tpu.memory_space<vmem_shared>> -> memref<128x128xf32, #tpu.memory_space<vmem_shared>>
      %dma_wait3A_171 = arith.constant 0 : i32
      %dma_wait3A_172 = tpu.memref_slice %arg12[%add3A_22, %dma_wait3A_171] : memref<10240x128xf32, #tpu.memory_space<vmem_shared>> -> memref<128x128xf32, #tpu.memory_space<vmem_shared>>
      %dma_wait3A_173 = arith.constant 0 : i32
      %dma_wait3A_174 = arith.constant 0 : i32
      %dma_wait3A_175 = tpu.memref_slice %arg10[%dma_wait3A_173, %dma_wait3A_174] : memref<128x128xf32, #tpu.memory_space<vmem>> -> memref<128x128xf32, #tpu.memory_space<vmem>>
      tpu.wait_dma2 semaphore(%run_scoped3A : memref<!tpu.dma_semaphore, #tpu.memory_space<semaphore_mem>>) src(%dma_wait3A_175 : memref<128x128xf32, #tpu.memory_space<vmem>>) dst(%dma_wait3A_172 : memref<128x128xf32, #tpu.memory_space<vmem_shared>>)
      tpu.yield
    }) : () -> ()
    "tpu.region"() ({
      %run_scoped3A = tpu.sem_alloc : memref<!tpu.dma_semaphore, #tpu.memory_space<semaphore_mem>>
      %dma_start3A_156 = arith.constant 0 : i32
      %dma_start3A_157 = arith.constant 0 : i32
      %dma_start3A_158 = tpu.memref_slice %arg3[%add3A, %dma_start3A_156, %dma_start3A_157] : memref<32x82x128xi32, #tpu.memory_space<hbm>> -> memref<1x82x128xi32, #tpu.memory_space<hbm>>
      %dma_start3A_159 = tpu.memref_squeeze %dma_start3A_158 : memref<1x82x128xi32, #tpu.memory_space<hbm>> -> memref<82x128xi32, #tpu.memory_space<hbm>>
      %dma_start3A_160 = arith.constant 0 : i32
      %dma_start3A_161 = arith.constant 0 : i32
      %dma_start3A_162 = tpu.memref_slice %arg3[%add3A, %dma_start3A_160, %dma_start3A_161] : memref<32x82x128xi32, #tpu.memory_space<hbm>> -> memref<1x82x128xi32, #tpu.memory_space<hbm>>
      %dma_start3A_163 = tpu.memref_squeeze %dma_start3A_162 : memref<1x82x128xi32, #tpu.memory_space<hbm>> -> memref<82x128xi32, #tpu.memory_space<hbm>>
      tpu.enqueue_dma source(%dma_start3A_163 : memref<82x128xi32, #tpu.memory_space<hbm>>) target(%arg7 : memref<82x128xi32, #tpu.memory_space<vmem>>) target_semaphore(%run_scoped3A : memref<!tpu.dma_semaphore, #tpu.memory_space<semaphore_mem>>)
      %dma_wait3A_164 = arith.constant 0 : i32
      %dma_wait3A_165 = arith.constant 0 : i32
      %dma_wait3A_166 = tpu.memref_slice %arg3[%add3A, %dma_wait3A_164, %dma_wait3A_165] : memref<32x82x128xi32, #tpu.memory_space<hbm>> -> memref<1x82x128xi32, #tpu.memory_space<hbm>>
      %dma_wait3A_167 = tpu.memref_squeeze %dma_wait3A_166 : memref<1x82x128xi32, #tpu.memory_space<hbm>> -> memref<82x128xi32, #tpu.memory_space<hbm>>
      %dma_wait3A_168 = arith.constant 0 : i32
      %dma_wait3A_169 = arith.constant 0 : i32
      %dma_wait3A_170 = tpu.memref_slice %arg3[%add3A, %dma_wait3A_168, %dma_wait3A_169] : memref<32x82x128xi32, #tpu.memory_space<hbm>> -> memref<1x82x128xi32, #tpu.memory_space<hbm>>
      %dma_wait3A_171 = tpu.memref_squeeze %dma_wait3A_170 : memref<1x82x128xi32, #tpu.memory_space<hbm>> -> memref<82x128xi32, #tpu.memory_space<hbm>>
      tpu.wait_dma2 semaphore(%run_scoped3A : memref<!tpu.dma_semaphore, #tpu.memory_space<semaphore_mem>>) src(%dma_wait3A_171 : memref<82x128xi32, #tpu.memory_space<hbm>>) dst(%arg7 : memref<82x128xi32, #tpu.memory_space<vmem>>)
      tpu.yield
    }) : () -> ()
    %barrier3A = arith.constant 0 : index
    tpu.barrier barrier_id(%barrier3A)
    %dma_start3A = arith.constant 0 : i32
    %dma_start3A_23 = arith.constant 0 : i32
    %dma_start3A_24 = arith.constant 0 : i32
    %dma_start3A_25 = tpu.memref_slice %arg8[%dma_start3A_23, %dma_start3A_24] : memref<2x128xi32, #tpu.memory_space<vmem>> -> memref<1x128xi32, #tpu.memory_space<vmem>>
    %dma_start3A_26 = tpu.memref_squeeze %dma_start3A_25 : memref<1x128xi32, #tpu.memory_space<vmem>> -> memref<128xi32, #tpu.memory_space<vmem>>
    %dma_start3A_27 = arith.constant 0 : i32
    %dma_start3A_28 = tpu.memref_slice %arg4[%add3A, %dma_start3A, %dma_start3A_27] : memref<32x82x128xi32, #tpu.memory_space<hbm>> -> memref<1x1x128xi32, #tpu.memory_space<hbm>>
    %dma_start3A_29 = tpu.memref_squeeze %dma_start3A_28 : memref<1x1x128xi32, #tpu.memory_space<hbm>> -> memref<128xi32, #tpu.memory_space<hbm>>
    %dma_start3A_30 = arith.constant 0 : i32
    %dma_start3A_31 = tpu.memref_slice %arg8[%dma_start3A_23, %dma_start3A_30] : memref<2x128xi32, #tpu.memory_space<vmem>> -> memref<1x128xi32, #tpu.memory_space<vmem>>
    %dma_start3A_32 = tpu.memref_squeeze %dma_start3A_31 : memref<1x128xi32, #tpu.memory_space<vmem>> -> memref<128xi32, #tpu.memory_space<vmem>>
    %dma_start3A_33 = arith.constant 0 : i32
    %dma_start3A_34 = tpu.memref_slice %arg4[%add3A, %dma_start3A, %dma_start3A_33] : memref<32x82x128xi32, #tpu.memory_space<hbm>> -> memref<1x1x128xi32, #tpu.memory_space<hbm>>
    %dma_start3A_35 = tpu.memref_squeeze %dma_start3A_34 : memref<1x1x128xi32, #tpu.memory_space<hbm>> -> memref<128xi32, #tpu.memory_space<hbm>>
    tpu.enqueue_dma source(%dma_start3A_35 : memref<128xi32, #tpu.memory_space<hbm>>) target(%dma_start3A_32 : memref<128xi32, #tpu.memory_space<vmem>>) target_semaphore(%arg15 : memref<!tpu.dma_semaphore, #tpu.memory_space<semaphore_mem>>)
    %dma_start3A_36 = arith.constant 0 : i32
    %dma_start3A_37 = arith.constant 0 : i32
    %dma_start3A_38 = tpu.memref_slice %arg9[%dma_start3A_37] : memref<256xf32, #tpu.memory_space<vmem>> -> memref<128xf32, #tpu.memory_space<vmem>>
    %dma_start3A_39 = arith.constant 0 : i32
    %dma_start3A_40 = tpu.memref_slice %arg5[%add3A, %dma_start3A_36, %dma_start3A_39] : memref<32x82x128xf32, #tpu.memory_space<hbm>> -> memref<1x1x128xf32, #tpu.memory_space<hbm>>
    %dma_start3A_41 = tpu.memref_squeeze %dma_start3A_40 : memref<1x1x128xf32, #tpu.memory_space<hbm>> -> memref<128xf32, #tpu.memory_space<hbm>>
    %dma_start3A_42 = arith.constant 0 : i32
    %dma_start3A_43 = tpu.memref_slice %arg9[%dma_start3A_42] : memref<256xf32, #tpu.memory_space<vmem>> -> memref<128xf32, #tpu.memory_space<vmem>>
    %dma_start3A_44 = arith.constant 0 : i32
    %dma_start3A_45 = tpu.memref_slice %arg5[%add3A, %dma_start3A_36, %dma_start3A_44] : memref<32x82x128xf32, #tpu.memory_space<hbm>> -> memref<1x1x128xf32, #tpu.memory_space<hbm>>
    %dma_start3A_46 = tpu.memref_squeeze %dma_start3A_45 : memref<1x1x128xf32, #tpu.memory_space<hbm>> -> memref<128xf32, #tpu.memory_space<hbm>>
    tpu.enqueue_dma source(%dma_start3A_46 : memref<128xf32, #tpu.memory_space<hbm>>) target(%dma_start3A_43 : memref<128xf32, #tpu.memory_space<vmem>>) target_semaphore(%arg17 : memref<!tpu.dma_semaphore, #tpu.memory_space<semaphore_mem>>)
    %dma_start3A_47 = arith.constant 1 : i32
    %dma_start3A_48 = arith.constant 1 : i32
    %dma_start3A_49 = arith.constant 0 : i32
    %dma_start3A_50 = tpu.memref_slice %arg8[%dma_start3A_48, %dma_start3A_49] : memref<2x128xi32, #tpu.memory_space<vmem>> -> memref<1x128xi32, #tpu.memory_space<vmem>>
    %dma_start3A_51 = tpu.memref_squeeze %dma_start3A_50 : memref<1x128xi32, #tpu.memory_space<vmem>> -> memref<128xi32, #tpu.memory_space<vmem>>
    %dma_start3A_52 = arith.constant 0 : i32
    %dma_start3A_53 = tpu.memref_slice %arg4[%add3A, %dma_start3A_47, %dma_start3A_52] : memref<32x82x128xi32, #tpu.memory_space<hbm>> -> memref<1x1x128xi32, #tpu.memory_space<hbm>>
    %dma_start3A_54 = tpu.memref_squeeze %dma_start3A_53 : memref<1x1x128xi32, #tpu.memory_space<hbm>> -> memref<128xi32, #tpu.memory_space<hbm>>
    %dma_start3A_55 = arith.constant 0 : i32
    %dma_start3A_56 = tpu.memref_slice %arg8[%dma_start3A_48, %dma_start3A_55] : memref<2x128xi32, #tpu.memory_space<vmem>> -> memref<1x128xi32, #tpu.memory_space<vmem>>
    %dma_start3A_57 = tpu.memref_squeeze %dma_start3A_56 : memref<1x128xi32, #tpu.memory_space<vmem>> -> memref<128xi32, #tpu.memory_space<vmem>>
    %dma_start3A_58 = arith.constant 0 : i32
    %dma_start3A_59 = tpu.memref_slice %arg4[%add3A, %dma_start3A_47, %dma_start3A_58] : memref<32x82x128xi32, #tpu.memory_space<hbm>> -> memref<1x1x128xi32, #tpu.memory_space<hbm>>
    %dma_start3A_60 = tpu.memref_squeeze %dma_start3A_59 : memref<1x1x128xi32, #tpu.memory_space<hbm>> -> memref<128xi32, #tpu.memory_space<hbm>>
    tpu.enqueue_dma source(%dma_start3A_60 : memref<128xi32, #tpu.memory_space<hbm>>) target(%dma_start3A_57 : memref<128xi32, #tpu.memory_space<vmem>>) target_semaphore(%arg16 : memref<!tpu.dma_semaphore, #tpu.memory_space<semaphore_mem>>)
    %dma_start3A_61 = arith.constant 1 : i32
    %dma_start3A_62 = arith.constant 128 : i32
    %dma_start3A_63 = tpu.memref_slice %arg9[%dma_start3A_62] : memref<256xf32, #tpu.memory_space<vmem>> -> memref<128xf32, #tpu.memory_space<vmem>>
    %dma_start3A_64 = arith.constant 0 : i32
    %dma_start3A_65 = tpu.memref_slice %arg5[%add3A, %dma_start3A_61, %dma_start3A_64] : memref<32x82x128xf32, #tpu.memory_space<hbm>> -> memref<1x1x128xf32, #tpu.memory_space<hbm>>
    %dma_start3A_66 = tpu.memref_squeeze %dma_start3A_65 : memref<1x1x128xf32, #tpu.memory_space<hbm>> -> memref<128xf32, #tpu.memory_space<hbm>>
    %dma_start3A_67 = arith.constant 128 : i32
    %dma_start3A_68 = tpu.memref_slice %arg9[%dma_start3A_67] : memref<256xf32, #tpu.memory_space<vmem>> -> memref<128xf32, #tpu.memory_space<vmem>>
    %dma_start3A_69 = arith.constant 0 : i32
    %dma_start3A_70 = tpu.memref_slice %arg5[%add3A, %dma_start3A_61, %dma_start3A_69] : memref<32x82x128xf32, #tpu.memory_space<hbm>> -> memref<1x1x128xf32, #tpu.memory_space<hbm>>
    %dma_start3A_71 = tpu.memref_squeeze %dma_start3A_70 : memref<1x1x128xf32, #tpu.memory_space<hbm>> -> memref<128xf32, #tpu.memory_space<hbm>>
    tpu.enqueue_dma source(%dma_start3A_71 : memref<128xf32, #tpu.memory_space<hbm>>) target(%dma_start3A_68 : memref<128xf32, #tpu.memory_space<vmem>>) target_semaphore(%arg18 : memref<!tpu.dma_semaphore, #tpu.memory_space<semaphore_mem>>)
    %dma_start3A_72 = arith.constant 0 : i32
    %dma_start3A_73 = arith.constant 0 : i32
    %dma_start3A_74 = tpu.memref_slice %arg7[%dma_start3A_72, %dma_start3A_73] : memref<82x128xi32, #tpu.memory_space<vmem>> -> memref<1x128xi32, #tpu.memory_space<vmem>>
    %dma_start3A_75 = tpu.memref_squeeze %dma_start3A_74 : memref<1x128xi32, #tpu.memory_space<vmem>> -> memref<128xi32, #tpu.memory_space<vmem>>
    %dma_start3A_76 = arith.constant 0 : i32
    %dma_start3A_77 = arith.constant 0 : i32
    %dma_start3A_78 = tpu.memref_slice %arg2[%dma_start3A_76, %dma_start3A_77] : memref<10000x128xf32, #tpu.memory_space<hbm>> -> memref<10000x128xf32, #tpu.memory_space<hbm>>
    tpu.enqueue_indirect_dma source(%dma_start3A_78 : memref<10000x128xf32, #tpu.memory_space<hbm>>) target(%arg10 : memref<128x128xf32, #tpu.memory_space<vmem>>) offsets(%dma_start3A_75 : memref<128xi32, #tpu.memory_space<vmem>>) semaphore(%arg13 : memref<!tpu.dma_semaphore, #tpu.memory_space<semaphore_mem>>)
    %while3A_79 = arith.constant 0 : i32
    %while3A_80 = arith.constant 40 : i32
    %while3A_81 = arith.subi %while3A_80, %while3A_79 : i32
    %while3A_82 = arith.addi %while3A_79, %while3A_81 : i32
    %while3A_83 = arith.constant 1 : i32
    %while3A_84 = arith.divsi %while3A_81, %while3A_83 : i32
    %while3A_85 = arith.muli %while3A_84, %while3A_83 : i32
    %while3A_86 = arith.addi %while3A_79, %while3A_85 : i32
    %while3A_87 = arith.constant 1 : i32
    scf.for %while3A_156 = %while3A_79 to %while3A_86 step %while3A_87  : i32 {
      %mul3A_157 = arith.constant 2 : i32
      %mul3A_158 = arith.muli %while3A_156, %mul3A_157 : i32
      %add3A_159 = arith.constant 0 : i32
      %add3A_160 = arith.addi %mul3A_158, %add3A_159 : i32
      %add3A_161 = arith.constant 1 : i32
      %add3A_162 = arith.addi %add3A_160, %add3A_161 : i32
      %dma_start3A_163 = arith.constant 0 : i32
      %dma_start3A_164 = tpu.memref_slice %arg7[%add3A_162, %dma_start3A_163] : memref<82x128xi32, #tpu.memory_space<vmem>> -> memref<1x128xi32, #tpu.memory_space<vmem>>
      %dma_start3A_165 = tpu.memref_squeeze %dma_start3A_164 : memref<1x128xi32, #tpu.memory_space<vmem>> -> memref<128xi32, #tpu.memory_space<vmem>>
      %dma_start3A_166 = arith.constant 0 : i32
      %dma_start3A_167 = arith.constant 0 : i32
      %dma_start3A_168 = tpu.memref_slice %arg2[%dma_start3A_166, %dma_start3A_167] : memref<10000x128xf32, #tpu.memory_space<hbm>> -> memref<10000x128xf32, #tpu.memory_space<hbm>>
      tpu.enqueue_indirect_dma source(%dma_start3A_168 : memref<10000x128xf32, #tpu.memory_space<hbm>>) target(%arg11 : memref<128x128xf32, #tpu.memory_space<vmem>>) offsets(%dma_start3A_165 : memref<128xi32, #tpu.memory_space<vmem>>) semaphore(%arg14 : memref<!tpu.dma_semaphore, #tpu.memory_space<semaphore_mem>>)
      %dma_wait3A_169 = arith.constant 0 : i32
      %dma_wait3A_170 = arith.constant 0 : i32
      %dma_wait3A_171 = tpu.memref_slice %arg7[%dma_wait3A_169, %dma_wait3A_170] : memref<82x128xi32, #tpu.memory_space<vmem>> -> memref<1x128xi32, #tpu.memory_space<vmem>>
      %dma_wait3A_172 = tpu.memref_squeeze %dma_wait3A_171 : memref<1x128xi32, #tpu.memory_space<vmem>> -> memref<128xi32, #tpu.memory_space<vmem>>
      %dma_wait3A_173 = arith.constant 0 : i32
      %dma_wait3A_174 = arith.constant 0 : i32
      %dma_wait3A_175 = tpu.memref_slice %arg2[%dma_wait3A_173, %dma_wait3A_174] : memref<10000x128xf32, #tpu.memory_space<hbm>> -> memref<10000x128xf32, #tpu.memory_space<hbm>>
      tpu.wait_indirect_dma semaphore(%arg13 : memref<!tpu.dma_semaphore, #tpu.memory_space<semaphore_mem>>) src(%dma_wait3A_175 : memref<10000x128xf32, #tpu.memory_space<hbm>>) dst(%arg10 : memref<128x128xf32, #tpu.memory_space<vmem>>)
      %dma_wait3A_176 = arith.constant 0 : i32
      %dma_wait3A_177 = arith.constant 0 : i32
      %dma_wait3A_178 = arith.constant 0 : i32
      %dma_wait3A_179 = tpu.memref_slice %arg8[%dma_wait3A_177, %dma_wait3A_178] : memref<2x128xi32, #tpu.memory_space<vmem>> -> memref<1x128xi32, #tpu.memory_space<vmem>>
      %dma_wait3A_180 = tpu.memref_squeeze %dma_wait3A_179 : memref<1x128xi32, #tpu.memory_space<vmem>> -> memref<128xi32, #tpu.memory_space<vmem>>
      %dma_wait3A_181 = arith.constant 0 : i32
      %dma_wait3A_182 = tpu.memref_slice %arg4[%add3A, %dma_wait3A_176, %dma_wait3A_181] : memref<32x82x128xi32, #tpu.memory_space<hbm>> -> memref<1x1x128xi32, #tpu.memory_space<hbm>>
      %dma_wait3A_183 = tpu.memref_squeeze %dma_wait3A_182 : memref<1x1x128xi32, #tpu.memory_space<hbm>> -> memref<128xi32, #tpu.memory_space<hbm>>
      %dma_wait3A_184 = arith.constant 0 : i32
      %dma_wait3A_185 = tpu.memref_slice %arg8[%dma_wait3A_177, %dma_wait3A_184] : memref<2x128xi32, #tpu.memory_space<vmem>> -> memref<1x128xi32, #tpu.memory_space<vmem>>
      %dma_wait3A_186 = tpu.memref_squeeze %dma_wait3A_185 : memref<1x128xi32, #tpu.memory_space<vmem>> -> memref<128xi32, #tpu.memory_space<vmem>>
      %dma_wait3A_187 = arith.constant 0 : i32
      %dma_wait3A_188 = tpu.memref_slice %arg4[%add3A, %dma_wait3A_176, %dma_wait3A_187] : memref<32x82x128xi32, #tpu.memory_space<hbm>> -> memref<1x1x128xi32, #tpu.memory_space<hbm>>
      %dma_wait3A_189 = tpu.memref_squeeze %dma_wait3A_188 : memref<1x1x128xi32, #tpu.memory_space<hbm>> -> memref<128xi32, #tpu.memory_space<hbm>>
      tpu.wait_dma2 semaphore(%arg15 : memref<!tpu.dma_semaphore, #tpu.memory_space<semaphore_mem>>) src(%dma_wait3A_189 : memref<128xi32, #tpu.memory_space<hbm>>) dst(%dma_wait3A_186 : memref<128xi32, #tpu.memory_space<vmem>>)
      %dma_wait3A_190 = arith.constant 0 : i32
      %dma_wait3A_191 = arith.constant 0 : i32
      %dma_wait3A_192 = tpu.memref_slice %arg9[%dma_wait3A_191] : memref<256xf32, #tpu.memory_space<vmem>> -> memref<128xf32, #tpu.memory_space<vmem>>
      %dma_wait3A_193 = arith.constant 0 : i32
      %dma_wait3A_194 = tpu.memref_slice %arg5[%add3A, %dma_wait3A_190, %dma_wait3A_193] : memref<32x82x128xf32, #tpu.memory_space<hbm>> -> memref<1x1x128xf32, #tpu.memory_space<hbm>>
      %dma_wait3A_195 = tpu.memref_squeeze %dma_wait3A_194 : memref<1x1x128xf32, #tpu.memory_space<hbm>> -> memref<128xf32, #tpu.memory_space<hbm>>
      %dma_wait3A_196 = arith.constant 0 : i32
      %dma_wait3A_197 = tpu.memref_slice %arg9[%dma_wait3A_196] : memref<256xf32, #tpu.memory_space<vmem>> -> memref<128xf32, #tpu.memory_space<vmem>>
      %dma_wait3A_198 = arith.constant 0 : i32
      %dma_wait3A_199 = tpu.memref_slice %arg5[%add3A, %dma_wait3A_190, %dma_wait3A_198] : memref<32x82x128xf32, #tpu.memory_space<hbm>> -> memref<1x1x128xf32, #tpu.memory_space<hbm>>
      %dma_wait3A_200 = tpu.memref_squeeze %dma_wait3A_199 : memref<1x1x128xf32, #tpu.memory_space<hbm>> -> memref<128xf32, #tpu.memory_space<hbm>>
      tpu.wait_dma2 semaphore(%arg17 : memref<!tpu.dma_semaphore, #tpu.memory_space<semaphore_mem>>) src(%dma_wait3A_200 : memref<128xf32, #tpu.memory_space<hbm>>) dst(%dma_wait3A_197 : memref<128xf32, #tpu.memory_space<vmem>>)
      %while3A_201 = arith.constant 0 : i32
      %while3A_202 = arith.constant 0 : i32
      %while3A_203 = arith.constant 32 : i32
      %while3A_204 = arith.subi %while3A_203, %while3A_202 : i32
      %while3A_205 = arith.addi %while3A_202, %while3A_204 : i32
      %while3A_206 = arith.constant 1 : i32
      %while3A_207 = arith.divsi %while3A_204, %while3A_206 : i32
      %while3A_208 = arith.muli %while3A_207, %while3A_206 : i32
      %while3A_209 = arith.addi %while3A_202, %while3A_208 : i32
      %while3A_210 = arith.constant 1 : i32
      scf.for %while3A_316 = %while3A_202 to %while3A_209 step %while3A_210  : i32 {
        %mul3A_317 = arith.constant 4 : i32
        %mul3A_318 = arith.muli %while3A_316, %mul3A_317 : i32
        %add3A_319 = arith.constant 0 : i32
        %add3A_320 = arith.addi %mul3A_318, %add3A_319 : i32
        %add3A_321 = arith.addi %while3A_201, %add3A_320 : i32
        %broadcast_in_dim3A_322 = vector.broadcast %add3A_321 : i32 to vector<16xi32>
        %gather3A = tpu.vector_load_idx %arg9[%broadcast_in_dim3A_322] : memref<256xf32, #tpu.memory_space<vmem>>[vector<16xi32>], vector<16xf32>,
        %get3A = arith.index_cast %add3A_320 : i32 to index
        %get3A_323 = arith.constant 0 : index
        %get3A_324 = tpu.vector_load %arg10[%get3A, %get3A_323] {strides = array<i32>} : memref<128x128xf32, #tpu.memory_space<vmem>>, vector<16xf32>,
        %mul3A_325 = arith.mulf %get3A_324, %gather3A : vector<16xf32>
        %swap3A = arith.index_cast %add3A_320 : i32 to index
        %swap3A_326 = arith.constant 0 : index
        %swap3A_327 = tpu.vector_load %arg10[%swap3A, %swap3A_326] {strides = array<i32>} : memref<128x128xf32, #tpu.memory_space<vmem>>, vector<16xf32>,
        tpu.vector_store %arg10[%swap3A, %swap3A_326], %mul3A_325 {strides = array<i32>} : memref<128x128xf32, #tpu.memory_space<vmem>>, vector<16xf32>,
        %get3A_328 = arith.index_cast %add3A_320 : i32 to index
        %get3A_329 = arith.constant 16 : index
        %get3A_330 = tpu.vector_load %arg10[%get3A_328, %get3A_329] {strides = array<i32>} : memref<128x128xf32, #tpu.memory_space<vmem>>, vector<16xf32>,
        %mul3A_331 = arith.mulf %get3A_330, %gather3A : vector<16xf32>
        %swap3A_332 = arith.index_cast %add3A_320 : i32 to index
        %swap3A_333 = arith.constant 16 : index
        %swap3A_334 = tpu.vector_load %arg10[%swap3A_332, %swap3A_333] {strides = array<i32>} : memref<128x128xf32, #tpu.memory_space<vmem>>, vector<16xf32>,
        tpu.vector_store %arg10[%swap3A_332, %swap3A_333], %mul3A_331 {strides = array<i32>} : memref<128x128xf32, #tpu.memory_space<vmem>>, vector<16xf32>,
        %get3A_335 = arith.index_cast %add3A_320 : i32 to index
        %get3A_336 = arith.constant 32 : index
        %get3A_337 = tpu.vector_load %arg10[%get3A_335, %get3A_336] {strides = array<i32>} : memref<128x128xf32, #tpu.memory_space<vmem>>, vector<16xf32>,
        %mul3A_338 = arith.mulf %get3A_337, %gather3A : vector<16xf32>
        %swap3A_339 = arith.index_cast %add3A_320 : i32 to index
        %swap3A_340 = arith.constant 32 : index
        %swap3A_341 = tpu.vector_load %arg10[%swap3A_339, %swap3A_340] {strides = array<i32>} : memref<128x128xf32, #tpu.memory_space<vmem>>, vector<16xf32>,
        tpu.vector_store %arg10[%swap3A_339, %swap3A_340], %mul3A_338 {strides = array<i32>} : memref<128x128xf32, #tpu.memory_space<vmem>>, vector<16xf32>,
        %get3A_342 = arith.index_cast %add3A_320 : i32 to index
        %get3A_343 = arith.constant 48 : index
        %get3A_344 = tpu.vector_load %arg10[%get3A_342, %get3A_343] {strides = array<i32>} : memref<128x128xf32, #tpu.memory_space<vmem>>, vector<16xf32>,
        %mul3A_345 = arith.mulf %get3A_344, %gather3A : vector<16xf32>
        %swap3A_346 = arith.index_cast %add3A_320 : i32 to index
        %swap3A_347 = arith.constant 48 : index
        %swap3A_348 = tpu.vector_load %arg10[%swap3A_346, %swap3A_347] {strides = array<i32>} : memref<128x128xf32, #tpu.memory_space<vmem>>, vector<16xf32>,
        tpu.vector_store %arg10[%swap3A_346, %swap3A_347], %mul3A_345 {strides = array<i32>} : memref<128x128xf32, #tpu.memory_space<vmem>>, vector<16xf32>,
        %get3A_349 = arith.index_cast %add3A_320 : i32 to index
        %get3A_350 = arith.constant 64 : index
        %get3A_351 = tpu.vector_load %arg10[%get3A_349, %get3A_350] {strides = array<i32>} : memref<128x128xf32, #tpu.memory_space<vmem>>, vector<16xf32>,
        %mul3A_352 = arith.mulf %get3A_351, %gather3A : vector<16xf32>
        %swap3A_353 = arith.index_cast %add3A_320 : i32 to index
        %swap3A_354 = arith.constant 64 : index
        %swap3A_355 = tpu.vector_load %arg10[%swap3A_353, %swap3A_354] {strides = array<i32>} : memref<128x128xf32, #tpu.memory_space<vmem>>, vector<16xf32>,
        tpu.vector_store %arg10[%swap3A_353, %swap3A_354], %mul3A_352 {strides = array<i32>} : memref<128x128xf32, #tpu.memory_space<vmem>>, vector<16xf32>,
        %get3A_356 = arith.index_cast %add3A_320 : i32 to index
        %get3A_357 = arith.constant 80 : index
        %get3A_358 = tpu.vector_load %arg10[%get3A_356, %get3A_357] {strides = array<i32>} : memref<128x128xf32, #tpu.memory_space<vmem>>, vector<16xf32>,
        %mul3A_359 = arith.mulf %get3A_358, %gather3A : vector<16xf32>
        %swap3A_360 = arith.index_cast %add3A_320 : i32 to index
        %swap3A_361 = arith.constant 80 : index
        %swap3A_362 = tpu.vector_load %arg10[%swap3A_360, %swap3A_361] {strides = array<i32>} : memref<128x128xf32, #tpu.memory_space<vmem>>, vector<16xf32>,
        tpu.vector_store %arg10[%swap3A_360, %swap3A_361], %mul3A_359 {strides = array<i32>} : memref<128x128xf32, #tpu.memory_space<vmem>>, vector<16xf32>,
        %get3A_363 = arith.index_cast %add3A_320 : i32 to index
        %get3A_364 = arith.constant 96 : index
        %get3A_365 = tpu.vector_load %arg10[%get3A_363, %get3A_364] {strides = array<i32>} : memref<128x128xf32, #tpu.memory_space<vmem>>, vector<16xf32>,
        %mul3A_366 = arith.mulf %get3A_365, %gather3A : vector<16xf32>
        %swap3A_367 = arith.index_cast %add3A_320 : i32 to index
        %swap3A_368 = arith.constant 96 : index
        %swap3A_369 = tpu.vector_load %arg10[%swap3A_367, %swap3A_368] {strides = array<i32>} : memref<128x128xf32, #tpu.memory_space<vmem>>, vector<16xf32>,
        tpu.vector_store %arg10[%swap3A_367, %swap3A_368], %mul3A_366 {strides = array<i32>} : memref<128x128xf32, #tpu.memory_space<vmem>>, vector<16xf32>,
        %get3A_370 = arith.index_cast %add3A_320 : i32 to index
        %get3A_371 = arith.constant 112 : index
        %get3A_372 = tpu.vector_load %arg10[%get3A_370, %get3A_371] {strides = array<i32>} : memref<128x128xf32, #tpu.memory_space<vmem>>, vector<16xf32>,
        %mul3A_373 = arith.mulf %get3A_372, %gather3A : vector<16xf32>
        %swap3A_374 = arith.index_cast %add3A_320 : i32 to index
        %swap3A_375 = arith.constant 112 : index
        %swap3A_376 = tpu.vector_load %arg10[%swap3A_374, %swap3A_375] {strides = array<i32>} : memref<128x128xf32, #tpu.memory_space<vmem>>, vector<16xf32>,
        tpu.vector_store %arg10[%swap3A_374, %swap3A_375], %mul3A_373 {strides = array<i32>} : memref<128x128xf32, #tpu.memory_space<vmem>>, vector<16xf32>,
        %add3A_377 = arith.constant 1 : i32
        %add3A_378 = arith.addi %mul3A_318, %add3A_377 : i32
        %add3A_379 = arith.addi %while3A_201, %add3A_378 : i32
        %broadcast_in_dim3A_380 = vector.broadcast %add3A_379 : i32 to vector<16xi32>
        %gather3A_381 = tpu.vector_load_idx %arg9[%broadcast_in_dim3A_380] : memref<256xf32, #tpu.memory_space<vmem>>[vector<16xi32>], vector<16xf32>,
        %get3A_382 = arith.index_cast %add3A_378 : i32 to index
        %get3A_383 = arith.constant 0 : index
        %get3A_384 = tpu.vector_load %arg10[%get3A_382, %get3A_383] {strides = array<i32>} : memref<128x128xf32, #tpu.memory_space<vmem>>, vector<16xf32>,
        %mul3A_385 = arith.mulf %get3A_384, %gather3A_381 : vector<16xf32>
        %swap3A_386 = arith.index_cast %add3A_378 : i32 to index
        %swap3A_387 = arith.constant 0 : index
        %swap3A_388 = tpu.vector_load %arg10[%swap3A_386, %swap3A_387] {strides = array<i32>} : memref<128x128xf32, #tpu.memory_space<vmem>>, vector<16xf32>,
        tpu.vector_store %arg10[%swap3A_386, %swap3A_387], %mul3A_385 {strides = array<i32>} : memref<128x128xf32, #tpu.memory_space<vmem>>, vector<16xf32>,
        %get3A_389 = arith.index_cast %add3A_378 : i32 to index
        %get3A_390 = arith.constant 16 : index
        %get3A_391 = tpu.vector_load %arg10[%get3A_389, %get3A_390] {strides = array<i32>} : memref<128x128xf32, #tpu.memory_space<vmem>>, vector<16xf32>,
        %mul3A_392 = arith.mulf %get3A_391, %gather3A_381 : vector<16xf32>
        %swap3A_393 = arith.index_cast %add3A_378 : i32 to index
        %swap3A_394 = arith.constant 16 : index
        %swap3A_395 = tpu.vector_load %arg10[%swap3A_393, %swap3A_394] {strides = array<i32>} : memref<128x128xf32, #tpu.memory_space<vmem>>, vector<16xf32>,
        tpu.vector_store %arg10[%swap3A_393, %swap3A_394], %mul3A_392 {strides = array<i32>} : memref<128x128xf32, #tpu.memory_space<vmem>>, vector<16xf32>,
        %get3A_396 = arith.index_cast %add3A_378 : i32 to index
        %get3A_397 = arith.constant 32 : index
        %get3A_398 = tpu.vector_load %arg10[%get3A_396, %get3A_397] {strides = array<i32>} : memref<128x128xf32, #tpu.memory_space<vmem>>, vector<16xf32>,
        %mul3A_399 = arith.mulf %get3A_398, %gather3A_381 : vector<16xf32>
        %swap3A_400 = arith.index_cast %add3A_378 : i32 to index
        %swap3A_401 = arith.constant 32 : index
        %swap3A_402 = tpu.vector_load %arg10[%swap3A_400, %swap3A_401] {strides = array<i32>} : memref<128x128xf32, #tpu.memory_space<vmem>>, vector<16xf32>,
        tpu.vector_store %arg10[%swap3A_400, %swap3A_401], %mul3A_399 {strides = array<i32>} : memref<128x128xf32, #tpu.memory_space<vmem>>, vector<16xf32>,
        %get3A_403 = arith.index_cast %add3A_378 : i32 to index
        %get3A_404 = arith.constant 48 : index
        %get3A_405 = tpu.vector_load %arg10[%get3A_403, %get3A_404] {strides = array<i32>} : memref<128x128xf32, #tpu.memory_space<vmem>>, vector<16xf32>,
        %mul3A_406 = arith.mulf %get3A_405, %gather3A_381 : vector<16xf32>
        %swap3A_407 = arith.index_cast %add3A_378 : i32 to index
        %swap3A_408 = arith.constant 48 : index
        %swap3A_409 = tpu.vector_load %arg10[%swap3A_407, %swap3A_408] {strides = array<i32>} : memref<128x128xf32, #tpu.memory_space<vmem>>, vector<16xf32>,
        tpu.vector_store %arg10[%swap3A_407, %swap3A_408], %mul3A_406 {strides = array<i32>} : memref<128x128xf32, #tpu.memory_space<vmem>>, vector<16xf32>,
        %get3A_410 = arith.index_cast %add3A_378 : i32 to index
        %get3A_411 = arith.constant 64 : index
        %get3A_412 = tpu.vector_load %arg10[%get3A_410, %get3A_411] {strides = array<i32>} : memref<128x128xf32, #tpu.memory_space<vmem>>, vector<16xf32>,
        %mul3A_413 = arith.mulf %get3A_412, %gather3A_381 : vector<16xf32>
        %swap3A_414 = arith.index_cast %add3A_378 : i32 to index
        %swap3A_415 = arith.constant 64 : index
        %swap3A_416 = tpu.vector_load %arg10[%swap3A_414, %swap3A_415] {strides = array<i32>} : memref<128x128xf32, #tpu.memory_space<vmem>>, vector<16xf32>,
        tpu.vector_store %arg10[%swap3A_414, %swap3A_415], %mul3A_413 {strides = array<i32>} : memref<128x128xf32, #tpu.memory_space<vmem>>, vector<16xf32>,
        %get3A_417 = arith.index_cast %add3A_378 : i32 to index
        %get3A_418 = arith.constant 80 : index
        %get3A_419 = tpu.vector_load %arg10[%get3A_417, %get3A_418] {strides = array<i32>} : memref<128x128xf32, #tpu.memory_space<vmem>>, vector<16xf32>,
        %mul3A_420 = arith.mulf %get3A_419, %gather3A_381 : vector<16xf32>
        %swap3A_421 = arith.index_cast %add3A_378 : i32 to index
        %swap3A_422 = arith.constant 80 : index
        %swap3A_423 = tpu.vector_load %arg10[%swap3A_421, %swap3A_422] {strides = array<i32>} : memref<128x128xf32, #tpu.memory_space<vmem>>, vector<16xf32>,
        tpu.vector_store %arg10[%swap3A_421, %swap3A_422], %mul3A_420 {strides = array<i32>} : memref<128x128xf32, #tpu.memory_space<vmem>>, vector<16xf32>,
        %get3A_424 = arith.index_cast %add3A_378 : i32 to index
        %get3A_425 = arith.constant 96 : index
        %get3A_426 = tpu.vector_load %arg10[%get3A_424, %get3A_425] {strides = array<i32>} : memref<128x128xf32, #tpu.memory_space<vmem>>, vector<16xf32>,
        %mul3A_427 = arith.mulf %get3A_426, %gather3A_381 : vector<16xf32>
        %swap3A_428 = arith.index_cast %add3A_378 : i32 to index
        %swap3A_429 = arith.constant 96 : index
        %swap3A_430 = tpu.vector_load %arg10[%swap3A_428, %swap3A_429] {strides = array<i32>} : memref<128x128xf32, #tpu.memory_space<vmem>>, vector<16xf32>,
        tpu.vector_store %arg10[%swap3A_428, %swap3A_429], %mul3A_427 {strides = array<i32>} : memref<128x128xf32, #tpu.memory_space<vmem>>, vector<16xf32>,
        %get3A_431 = arith.index_cast %add3A_378 : i32 to index
        %get3A_432 = arith.constant 112 : index
        %get3A_433 = tpu.vector_load %arg10[%get3A_431, %get3A_432] {strides = array<i32>} : memref<128x128xf32, #tpu.memory_space<vmem>>, vector<16xf32>,
        %mul3A_434 = arith.mulf %get3A_433, %gather3A_381 : vector<16xf32>
        %swap3A_435 = arith.index_cast %add3A_378 : i32 to index
        %swap3A_436 = arith.constant 112 : index
        %swap3A_437 = tpu.vector_load %arg10[%swap3A_435, %swap3A_436] {strides = array<i32>} : memref<128x128xf32, #tpu.memory_space<vmem>>, vector<16xf32>,
        tpu.vector_store %arg10[%swap3A_435, %swap3A_436], %mul3A_434 {strides = array<i32>} : memref<128x128xf32, #tpu.memory_space<vmem>>, vector<16xf32>,
        %add3A_438 = arith.constant 2 : i32
        %add3A_439 = arith.addi %mul3A_318, %add3A_438 : i32
        %add3A_440 = arith.addi %while3A_201, %add3A_439 : i32
        %broadcast_in_dim3A_441 = vector.broadcast %add3A_440 : i32 to vector<16xi32>
        %gather3A_442 = tpu.vector_load_idx %arg9[%broadcast_in_dim3A_441] : memref<256xf32, #tpu.memory_space<vmem>>[vector<16xi32>], vector<16xf32>,
        %get3A_443 = arith.index_cast %add3A_439 : i32 to index
        %get3A_444 = arith.constant 0 : index
        %get3A_445 = tpu.vector_load %arg10[%get3A_443, %get3A_444] {strides = array<i32>} : memref<128x128xf32, #tpu.memory_space<vmem>>, vector<16xf32>,
        %mul3A_446 = arith.mulf %get3A_445, %gather3A_442 : vector<16xf32>
        %swap3A_447 = arith.index_cast %add3A_439 : i32 to index
        %swap3A_448 = arith.constant 0 : index
        %swap3A_449 = tpu.vector_load %arg10[%swap3A_447, %swap3A_448] {strides = array<i32>} : memref<128x128xf32, #tpu.memory_space<vmem>>, vector<16xf32>,
        tpu.vector_store %arg10[%swap3A_447, %swap3A_448], %mul3A_446 {strides = array<i32>} : memref<128x128xf32, #tpu.memory_space<vmem>>, vector<16xf32>,
        %get3A_450 = arith.index_cast %add3A_439 : i32 to index
        %get3A_451 = arith.constant 16 : index
        %get3A_452 = tpu.vector_load %arg10[%get3A_450, %get3A_451] {strides = array<i32>} : memref<128x128xf32, #tpu.memory_space<vmem>>, vector<16xf32>,
        %mul3A_453 = arith.mulf %get3A_452, %gather3A_442 : vector<16xf32>
        %swap3A_454 = arith.index_cast %add3A_439 : i32 to index
        %swap3A_455 = arith.constant 16 : index
        %swap3A_456 = tpu.vector_load %arg10[%swap3A_454, %swap3A_455] {strides = array<i32>} : memref<128x128xf32, #tpu.memory_space<vmem>>, vector<16xf32>,
        tpu.vector_store %arg10[%swap3A_454, %swap3A_455], %mul3A_453 {strides = array<i32>} : memref<128x128xf32, #tpu.memory_space<vmem>>, vector<16xf32>,
        %get3A_457 = arith.index_cast %add3A_439 : i32 to index
        %get3A_458 = arith.constant 32 : index
        %get3A_459 = tpu.vector_load %arg10[%get3A_457, %get3A_458] {strides = array<i32>} : memref<128x128xf32, #tpu.memory_space<vmem>>, vector<16xf32>,
        %mul3A_460 = arith.mulf %get3A_459, %gather3A_442 : vector<16xf32>
        %swap3A_461 = arith.index_cast %add3A_439 : i32 to index
        %swap3A_462 = arith.constant 32 : index
        %swap3A_463 = tpu.vector_load %arg10[%swap3A_461, %swap3A_462] {strides = array<i32>} : memref<128x128xf32, #tpu.memory_space<vmem>>, vector<16xf32>,
        tpu.vector_store %arg10[%swap3A_461, %swap3A_462], %mul3A_460 {strides = array<i32>} : memref<128x128xf32, #tpu.memory_space<vmem>>, vector<16xf32>,
        %get3A_464 = arith.index_cast %add3A_439 : i32 to index
        %get3A_465 = arith.constant 48 : index
        %get3A_466 = tpu.vector_load %arg10[%get3A_464, %get3A_465] {strides = array<i32>} : memref<128x128xf32, #tpu.memory_space<vmem>>, vector<16xf32>,
        %mul3A_467 = arith.mulf %get3A_466, %gather3A_442 : vector<16xf32>
        %swap3A_468 = arith.index_cast %add3A_439 : i32 to index
        %swap3A_469 = arith.constant 48 : index
        %swap3A_470 = tpu.vector_load %arg10[%swap3A_468, %swap3A_469] {strides = array<i32>} : memref<128x128xf32, #tpu.memory_space<vmem>>, vector<16xf32>,
        tpu.vector_store %arg10[%swap3A_468, %swap3A_469], %mul3A_467 {strides = array<i32>} : memref<128x128xf32, #tpu.memory_space<vmem>>, vector<16xf32>,
        %get3A_471 = arith.index_cast %add3A_439 : i32 to index
        %get3A_472 = arith.constant 64 : index
        %get3A_473 = tpu.vector_load %arg10[%get3A_471, %get3A_472] {strides = array<i32>} : memref<128x128xf32, #tpu.memory_space<vmem>>, vector<16xf32>,
        %mul3A_474 = arith.mulf %get3A_473, %gather3A_442 : vector<16xf32>
        %swap3A_475 = arith.index_cast %add3A_439 : i32 to index
        %swap3A_476 = arith.constant 64 : index
        %swap3A_477 = tpu.vector_load %arg10[%swap3A_475, %swap3A_476] {strides = array<i32>} : memref<128x128xf32, #tpu.memory_space<vmem>>, vector<16xf32>,
        tpu.vector_store %arg10[%swap3A_475, %swap3A_476], %mul3A_474 {strides = array<i32>} : memref<128x128xf32, #tpu.memory_space<vmem>>, vector<16xf32>,
        %get3A_478 = arith.index_cast %add3A_439 : i32 to index
        %get3A_479 = arith.constant 80 : index
        %get3A_480 = tpu.vector_load %arg10[%get3A_478, %get3A_479] {strides = array<i32>} : memref<128x128xf32, #tpu.memory_space<vmem>>, vector<16xf32>,
        %mul3A_481 = arith.mulf %get3A_480, %gather3A_442 : vector<16xf32>
        %swap3A_482 = arith.index_cast %add3A_439 : i32 to index
        %swap3A_483 = arith.constant 80 : index
        %swap3A_484 = tpu.vector_load %arg10[%swap3A_482, %swap3A_483] {strides = array<i32>} : memref<128x128xf32, #tpu.memory_space<vmem>>, vector<16xf32>,
        tpu.vector_store %arg10[%swap3A_482, %swap3A_483], %mul3A_481 {strides = array<i32>} : memref<128x128xf32, #tpu.memory_space<vmem>>, vector<16xf32>,
        %get3A_485 = arith.index_cast %add3A_439 : i32 to index
        %get3A_486 = arith.constant 96 : index
        %get3A_487 = tpu.vector_load %arg10[%get3A_485, %get3A_486] {strides = array<i32>} : memref<128x128xf32, #tpu.memory_space<vmem>>, vector<16xf32>,
        %mul3A_488 = arith.mulf %get3A_487, %gather3A_442 : vector<16xf32>
        %swap3A_489 = arith.index_cast %add3A_439 : i32 to index
        %swap3A_490 = arith.constant 96 : index
        %swap3A_491 = tpu.vector_load %arg10[%swap3A_489, %swap3A_490] {strides = array<i32>} : memref<128x128xf32, #tpu.memory_space<vmem>>, vector<16xf32>,
        tpu.vector_store %arg10[%swap3A_489, %swap3A_490], %mul3A_488 {strides = array<i32>} : memref<128x128xf32, #tpu.memory_space<vmem>>, vector<16xf32>,
        %get3A_492 = arith.index_cast %add3A_439 : i32 to index
        %get3A_493 = arith.constant 112 : index
        %get3A_494 = tpu.vector_load %arg10[%get3A_492, %get3A_493] {strides = array<i32>} : memref<128x128xf32, #tpu.memory_space<vmem>>, vector<16xf32>,
        %mul3A_495 = arith.mulf %get3A_494, %gather3A_442 : vector<16xf32>
        %swap3A_496 = arith.index_cast %add3A_439 : i32 to index
        %swap3A_497 = arith.constant 112 : index
        %swap3A_498 = tpu.vector_load %arg10[%swap3A_496, %swap3A_497] {strides = array<i32>} : memref<128x128xf32, #tpu.memory_space<vmem>>, vector<16xf32>,
        tpu.vector_store %arg10[%swap3A_496, %swap3A_497], %mul3A_495 {strides = array<i32>} : memref<128x128xf32, #tpu.memory_space<vmem>>, vector<16xf32>,
        %add3A_499 = arith.constant 3 : i32
        %add3A_500 = arith.addi %mul3A_318, %add3A_499 : i32
        %add3A_501 = arith.addi %while3A_201, %add3A_500 : i32
        %broadcast_in_dim3A_502 = vector.broadcast %add3A_501 : i32 to vector<16xi32>
        %gather3A_503 = tpu.vector_load_idx %arg9[%broadcast_in_dim3A_502] : memref<256xf32, #tpu.memory_space<vmem>>[vector<16xi32>], vector<16xf32>,
        %get3A_504 = arith.index_cast %add3A_500 : i32 to index
        %get3A_505 = arith.constant 0 : index
        %get3A_506 = tpu.vector_load %arg10[%get3A_504, %get3A_505] {strides = array<i32>} : memref<128x128xf32, #tpu.memory_space<vmem>>, vector<16xf32>,
        %mul3A_507 = arith.mulf %get3A_506, %gather3A_503 : vector<16xf32>
        %swap3A_508 = arith.index_cast %add3A_500 : i32 to index
        %swap3A_509 = arith.constant 0 : index
        %swap3A_510 = tpu.vector_load %arg10[%swap3A_508, %swap3A_509] {strides = array<i32>} : memref<128x128xf32, #tpu.memory_space<vmem>>, vector<16xf32>,
        tpu.vector_store %arg10[%swap3A_508, %swap3A_509], %mul3A_507 {strides = array<i32>} : memref<128x128xf32, #tpu.memory_space<vmem>>, vector<16xf32>,
        %get3A_511 = arith.index_cast %add3A_500 : i32 to index
        %get3A_512 = arith.constant 16 : index
        %get3A_513 = tpu.vector_load %arg10[%get3A_511, %get3A_512] {strides = array<i32>} : memref<128x128xf32, #tpu.memory_space<vmem>>, vector<16xf32>,
        %mul3A_514 = arith.mulf %get3A_513, %gather3A_503 : vector<16xf32>
        %swap3A_515 = arith.index_cast %add3A_500 : i32 to index
        %swap3A_516 = arith.constant 16 : index
        %swap3A_517 = tpu.vector_load %arg10[%swap3A_515, %swap3A_516] {strides = array<i32>} : memref<128x128xf32, #tpu.memory_space<vmem>>, vector<16xf32>,
        tpu.vector_store %arg10[%swap3A_515, %swap3A_516], %mul3A_514 {strides = array<i32>} : memref<128x128xf32, #tpu.memory_space<vmem>>, vector<16xf32>,
        %get3A_518 = arith.index_cast %add3A_500 : i32 to index
        %get3A_519 = arith.constant 32 : index
        %get3A_520 = tpu.vector_load %arg10[%get3A_518, %get3A_519] {strides = array<i32>} : memref<128x128xf32, #tpu.memory_space<vmem>>, vector<16xf32>,
        %mul3A_521 = arith.mulf %get3A_520, %gather3A_503 : vector<16xf32>
        %swap3A_522 = arith.index_cast %add3A_500 : i32 to index
        %swap3A_523 = arith.constant 32 : index
        %swap3A_524 = tpu.vector_load %arg10[%swap3A_522, %swap3A_523] {strides = array<i32>} : memref<128x128xf32, #tpu.memory_space<vmem>>, vector<16xf32>,
        tpu.vector_store %arg10[%swap3A_522, %swap3A_523], %mul3A_521 {strides = array<i32>} : memref<128x128xf32, #tpu.memory_space<vmem>>, vector<16xf32>,
        %get3A_525 = arith.index_cast %add3A_500 : i32 to index
        %get3A_526 = arith.constant 48 : index
        %get3A_527 = tpu.vector_load %arg10[%get3A_525, %get3A_526] {strides = array<i32>} : memref<128x128xf32, #tpu.memory_space<vmem>>, vector<16xf32>,
        %mul3A_528 = arith.mulf %get3A_527, %gather3A_503 : vector<16xf32>
        %swap3A_529 = arith.index_cast %add3A_500 : i32 to index
        %swap3A_530 = arith.constant 48 : index
        %swap3A_531 = tpu.vector_load %arg10[%swap3A_529, %swap3A_530] {strides = array<i32>} : memref<128x128xf32, #tpu.memory_space<vmem>>, vector<16xf32>,
        tpu.vector_store %arg10[%swap3A_529, %swap3A_530], %mul3A_528 {strides = array<i32>} : memref<128x128xf32, #tpu.memory_space<vmem>>, vector<16xf32>,
        %get3A_532 = arith.index_cast %add3A_500 : i32 to index
        %get3A_533 = arith.constant 64 : index
        %get3A_534 = tpu.vector_load %arg10[%get3A_532, %get3A_533] {strides = array<i32>} : memref<128x128xf32, #tpu.memory_space<vmem>>, vector<16xf32>,
        %mul3A_535 = arith.mulf %get3A_534, %gather3A_503 : vector<16xf32>
        %swap3A_536 = arith.index_cast %add3A_500 : i32 to index
        %swap3A_537 = arith.constant 64 : index
        %swap3A_538 = tpu.vector_load %arg10[%swap3A_536, %swap3A_537] {strides = array<i32>} : memref<128x128xf32, #tpu.memory_space<vmem>>, vector<16xf32>,
        tpu.vector_store %arg10[%swap3A_536, %swap3A_537], %mul3A_535 {strides = array<i32>} : memref<128x128xf32, #tpu.memory_space<vmem>>, vector<16xf32>,
        %get3A_539 = arith.index_cast %add3A_500 : i32 to index
        %get3A_540 = arith.constant 80 : index
        %get3A_541 = tpu.vector_load %arg10[%get3A_539, %get3A_540] {strides = array<i32>} : memref<128x128xf32, #tpu.memory_space<vmem>>, vector<16xf32>,
        %mul3A_542 = arith.mulf %get3A_541, %gather3A_503 : vector<16xf32>
        %swap3A_543 = arith.index_cast %add3A_500 : i32 to index
        %swap3A_544 = arith.constant 80 : index
        %swap3A_545 = tpu.vector_load %arg10[%swap3A_543, %swap3A_544] {strides = array<i32>} : memref<128x128xf32, #tpu.memory_space<vmem>>, vector<16xf32>,
        tpu.vector_store %arg10[%swap3A_543, %swap3A_544], %mul3A_542 {strides = array<i32>} : memref<128x128xf32, #tpu.memory_space<vmem>>, vector<16xf32>,
        %get3A_546 = arith.index_cast %add3A_500 : i32 to index
        %get3A_547 = arith.constant 96 : index
        %get3A_548 = tpu.vector_load %arg10[%get3A_546, %get3A_547] {strides = array<i32>} : memref<128x128xf32, #tpu.memory_space<vmem>>, vector<16xf32>,
        %mul3A_549 = arith.mulf %get3A_548, %gather3A_503 : vector<16xf32>
        %swap3A_550 = arith.index_cast %add3A_500 : i32 to index
        %swap3A_551 = arith.constant 96 : index
        %swap3A_552 = tpu.vector_load %arg10[%swap3A_550, %swap3A_551] {strides = array<i32>} : memref<128x128xf32, #tpu.memory_space<vmem>>, vector<16xf32>,
        tpu.vector_store %arg10[%swap3A_550, %swap3A_551], %mul3A_549 {strides = array<i32>} : memref<128x128xf32, #tpu.memory_space<vmem>>, vector<16xf32>,
        %get3A_553 = arith.index_cast %add3A_500 : i32 to index
        %get3A_554 = arith.constant 112 : index
        %get3A_555 = tpu.vector_load %arg10[%get3A_553, %get3A_554] {strides = array<i32>} : memref<128x128xf32, #tpu.memory_space<vmem>>, vector<16xf32>,
        %mul3A_556 = arith.mulf %get3A_555, %gather3A_503 : vector<16xf32>
        %swap3A_557 = arith.index_cast %add3A_500 : i32 to index
        %swap3A_558 = arith.constant 112 : index
        %swap3A_559 = tpu.vector_load %arg10[%swap3A_557, %swap3A_558] {strides = array<i32>} : memref<128x128xf32, #tpu.memory_space<vmem>>, vector<16xf32>,
        tpu.vector_store %arg10[%swap3A_557, %swap3A_558], %mul3A_556 {strides = array<i32>} : memref<128x128xf32, #tpu.memory_space<vmem>>, vector<16xf32>,
      }
      %while3A_211 = arith.constant 1 : i32
      scf.for %while3A_316 = %while3A_209 to %while3A_205 step %while3A_211  : i32 {
        %mul3A_317 = arith.constant 4 : i32
        %mul3A_318 = arith.muli %while3A_316, %mul3A_317 : i32
        %add3A_319 = arith.constant 0 : i32
        %add3A_320 = arith.addi %mul3A_318, %add3A_319 : i32
        %add3A_321 = arith.addi %while3A_201, %add3A_320 : i32
        %broadcast_in_dim3A_322 = vector.broadcast %add3A_321 : i32 to vector<16xi32>
        %gather3A = tpu.vector_load_idx %arg9[%broadcast_in_dim3A_322] : memref<256xf32, #tpu.memory_space<vmem>>[vector<16xi32>], vector<16xf32>,
        %get3A = arith.index_cast %add3A_320 : i32 to index
        %get3A_323 = arith.constant 0 : index
        %get3A_324 = tpu.vector_load %arg10[%get3A, %get3A_323] {strides = array<i32>} : memref<128x128xf32, #tpu.memory_space<vmem>>, vector<16xf32>,
        %mul3A_325 = arith.mulf %get3A_324, %gather3A : vector<16xf32>
        %swap3A = arith.index_cast %add3A_320 : i32 to index
        %swap3A_326 = arith.constant 0 : index
        %swap3A_327 = tpu.vector_load %arg10[%swap3A, %swap3A_326] {strides = array<i32>} : memref<128x128xf32, #tpu.memory_space<vmem>>, vector<16xf32>,
        tpu.vector_store %arg10[%swap3A, %swap3A_326], %mul3A_325 {strides = array<i32>} : memref<128x128xf32, #tpu.memory_space<vmem>>, vector<16xf32>,
        %get3A_328 = arith.index_cast %add3A_320 : i32 to index
        %get3A_329 = arith.constant 16 : index
        %get3A_330 = tpu.vector_load %arg10[%get3A_328, %get3A_329] {strides = array<i32>} : memref<128x128xf32, #tpu.memory_space<vmem>>, vector<16xf32>,
        %mul3A_331 = arith.mulf %get3A_330, %gather3A : vector<16xf32>
        %swap3A_332 = arith.index_cast %add3A_320 : i32 to index
        %swap3A_333 = arith.constant 16 : index
        %swap3A_334 = tpu.vector_load %arg10[%swap3A_332, %swap3A_333] {strides = array<i32>} : memref<128x128xf32, #tpu.memory_space<vmem>>, vector<16xf32>,
        tpu.vector_store %arg10[%swap3A_332, %swap3A_333], %mul3A_331 {strides = array<i32>} : memref<128x128xf32, #tpu.memory_space<vmem>>, vector<16xf32>,
        %get3A_335 = arith.index_cast %add3A_320 : i32 to index
        %get3A_336 = arith.constant 32 : index
        %get3A_337 = tpu.vector_load %arg10[%get3A_335, %get3A_336] {strides = array<i32>} : memref<128x128xf32, #tpu.memory_space<vmem>>, vector<16xf32>,
        %mul3A_338 = arith.mulf %get3A_337, %gather3A : vector<16xf32>
        %swap3A_339 = arith.index_cast %add3A_320 : i32 to index
        %swap3A_340 = arith.constant 32 : index
        %swap3A_341 = tpu.vector_load %arg10[%swap3A_339, %swap3A_340] {strides = array<i32>} : memref<128x128xf32, #tpu.memory_space<vmem>>, vector<16xf32>,
        tpu.vector_store %arg10[%swap3A_339, %swap3A_340], %mul3A_338 {strides = array<i32>} : memref<128x128xf32, #tpu.memory_space<vmem>>, vector<16xf32>,
        %get3A_342 = arith.index_cast %add3A_320 : i32 to index
        %get3A_343 = arith.constant 48 : index
        %get3A_344 = tpu.vector_load %arg10[%get3A_342, %get3A_343] {strides = array<i32>} : memref<128x128xf32, #tpu.memory_space<vmem>>, vector<16xf32>,
        %mul3A_345 = arith.mulf %get3A_344, %gather3A : vector<16xf32>
        %swap3A_346 = arith.index_cast %add3A_320 : i32 to index
        %swap3A_347 = arith.constant 48 : index
        %swap3A_348 = tpu.vector_load %arg10[%swap3A_346, %swap3A_347] {strides = array<i32>} : memref<128x128xf32, #tpu.memory_space<vmem>>, vector<16xf32>,
        tpu.vector_store %arg10[%swap3A_346, %swap3A_347], %mul3A_345 {strides = array<i32>} : memref<128x128xf32, #tpu.memory_space<vmem>>, vector<16xf32>,
        %get3A_349 = arith.index_cast %add3A_320 : i32 to index
        %get3A_350 = arith.constant 64 : index
        %get3A_351 = tpu.vector_load %arg10[%get3A_349, %get3A_350] {strides = array<i32>} : memref<128x128xf32, #tpu.memory_space<vmem>>, vector<16xf32>,
        %mul3A_352 = arith.mulf %get3A_351, %gather3A : vector<16xf32>
        %swap3A_353 = arith.index_cast %add3A_320 : i32 to index
        %swap3A_354 = arith.constant 64 : index
        %swap3A_355 = tpu.vector_load %arg10[%swap3A_353, %swap3A_354] {strides = array<i32>} : memref<128x128xf32, #tpu.memory_space<vmem>>, vector<16xf32>,
        tpu.vector_store %arg10[%swap3A_353, %swap3A_354], %mul3A_352 {strides = array<i32>} : memref<128x128xf32, #tpu.memory_space<vmem>>, vector<16xf32>,
        %get3A_356 = arith.index_cast %add3A_320 : i32 to index
        %get3A_357 = arith.constant 80 : index
        %get3A_358 = tpu.vector_load %arg10[%get3A_356, %get3A_357] {strides = array<i32>} : memref<128x128xf32, #tpu.memory_space<vmem>>, vector<16xf32>,
        %mul3A_359 = arith.mulf %get3A_358, %gather3A : vector<16xf32>
        %swap3A_360 = arith.index_cast %add3A_320 : i32 to index
        %swap3A_361 = arith.constant 80 : index
        %swap3A_362 = tpu.vector_load %arg10[%swap3A_360, %swap3A_361] {strides = array<i32>} : memref<128x128xf32, #tpu.memory_space<vmem>>, vector<16xf32>,
        tpu.vector_store %arg10[%swap3A_360, %swap3A_361], %mul3A_359 {strides = array<i32>} : memref<128x128xf32, #tpu.memory_space<vmem>>, vector<16xf32>,
        %get3A_363 = arith.index_cast %add3A_320 : i32 to index
        %get3A_364 = arith.constant 96 : index
        %get3A_365 = tpu.vector_load %arg10[%get3A_363, %get3A_364] {strides = array<i32>} : memref<128x128xf32, #tpu.memory_space<vmem>>, vector<16xf32>,
        %mul3A_366 = arith.mulf %get3A_365, %gather3A : vector<16xf32>
        %swap3A_367 = arith.index_cast %add3A_320 : i32 to index
        %swap3A_368 = arith.constant 96 : index
        %swap3A_369 = tpu.vector_load %arg10[%swap3A_367, %swap3A_368] {strides = array<i32>} : memref<128x128xf32, #tpu.memory_space<vmem>>, vector<16xf32>,
        tpu.vector_store %arg10[%swap3A_367, %swap3A_368], %mul3A_366 {strides = array<i32>} : memref<128x128xf32, #tpu.memory_space<vmem>>, vector<16xf32>,
        %get3A_370 = arith.index_cast %add3A_320 : i32 to index
        %get3A_371 = arith.constant 112 : index
        %get3A_372 = tpu.vector_load %arg10[%get3A_370, %get3A_371] {strides = array<i32>} : memref<128x128xf32, #tpu.memory_space<vmem>>, vector<16xf32>,
        %mul3A_373 = arith.mulf %get3A_372, %gather3A : vector<16xf32>
        %swap3A_374 = arith.index_cast %add3A_320 : i32 to index
        %swap3A_375 = arith.constant 112 : index
        %swap3A_376 = tpu.vector_load %arg10[%swap3A_374, %swap3A_375] {strides = array<i32>} : memref<128x128xf32, #tpu.memory_space<vmem>>, vector<16xf32>,
        tpu.vector_store %arg10[%swap3A_374, %swap3A_375], %mul3A_373 {strides = array<i32>} : memref<128x128xf32, #tpu.memory_space<vmem>>, vector<16xf32>,
        %add3A_377 = arith.constant 1 : i32
        %add3A_378 = arith.addi %mul3A_318, %add3A_377 : i32
        %add3A_379 = arith.addi %while3A_201, %add3A_378 : i32
        %broadcast_in_dim3A_380 = vector.broadcast %add3A_379 : i32 to vector<16xi32>
        %gather3A_381 = tpu.vector_load_idx %arg9[%broadcast_in_dim3A_380] : memref<256xf32, #tpu.memory_space<vmem>>[vector<16xi32>], vector<16xf32>,
        %get3A_382 = arith.index_cast %add3A_378 : i32 to index
        %get3A_383 = arith.constant 0 : index
        %get3A_384 = tpu.vector_load %arg10[%get3A_382, %get3A_383] {strides = array<i32>} : memref<128x128xf32, #tpu.memory_space<vmem>>, vector<16xf32>,
        %mul3A_385 = arith.mulf %get3A_384, %gather3A_381 : vector<16xf32>
        %swap3A_386 = arith.index_cast %add3A_378 : i32 to index
        %swap3A_387 = arith.constant 0 : index
        %swap3A_388 = tpu.vector_load %arg10[%swap3A_386, %swap3A_387] {strides = array<i32>} : memref<128x128xf32, #tpu.memory_space<vmem>>, vector<16xf32>,
        tpu.vector_store %arg10[%swap3A_386, %swap3A_387], %mul3A_385 {strides = array<i32>} : memref<128x128xf32, #tpu.memory_space<vmem>>, vector<16xf32>,
        %get3A_389 = arith.index_cast %add3A_378 : i32 to index
        %get3A_390 = arith.constant 16 : index
        %get3A_391 = tpu.vector_load %arg10[%get3A_389, %get3A_390] {strides = array<i32>} : memref<128x128xf32, #tpu.memory_space<vmem>>, vector<16xf32>,
        %mul3A_392 = arith.mulf %get3A_391, %gather3A_381 : vector<16xf32>
        %swap3A_393 = arith.index_cast %add3A_378 : i32 to index
        %swap3A_394 = arith.constant 16 : index
        %swap3A_395 = tpu.vector_load %arg10[%swap3A_393, %swap3A_394] {strides = array<i32>} : memref<128x128xf32, #tpu.memory_space<vmem>>, vector<16xf32>,
        tpu.vector_store %arg10[%swap3A_393, %swap3A_394], %mul3A_392 {strides = array<i32>} : memref<128x128xf32, #tpu.memory_space<vmem>>, vector<16xf32>,
        %get3A_396 = arith.index_cast %add3A_378 : i32 to index
        %get3A_397 = arith.constant 32 : index
        %get3A_398 = tpu.vector_load %arg10[%get3A_396, %get3A_397] {strides = array<i32>} : memref<128x128xf32, #tpu.memory_space<vmem>>, vector<16xf32>,
        %mul3A_399 = arith.mulf %get3A_398, %gather3A_381 : vector<16xf32>
        %swap3A_400 = arith.index_cast %add3A_378 : i32 to index
        %swap3A_401 = arith.constant 32 : index
        %swap3A_402 = tpu.vector_load %arg10[%swap3A_400, %swap3A_401] {strides = array<i32>} : memref<128x128xf32, #tpu.memory_space<vmem>>, vector<16xf32>,
        tpu.vector_store %arg10[%swap3A_400, %swap3A_401], %mul3A_399 {strides = array<i32>} : memref<128x128xf32, #tpu.memory_space<vmem>>, vector<16xf32>,
        %get3A_403 = arith.index_cast %add3A_378 : i32 to index
        %get3A_404 = arith.constant 48 : index
        %get3A_405 = tpu.vector_load %arg10[%get3A_403, %get3A_404] {strides = array<i32>} : memref<128x128xf32, #tpu.memory_space<vmem>>, vector<16xf32>,
        %mul3A_406 = arith.mulf %get3A_405, %gather3A_381 : vector<16xf32>
        %swap3A_407 = arith.index_cast %add3A_378 : i32 to index
        %swap3A_408 = arith.constant 48 : index
        %swap3A_409 = tpu.vector_load %arg10[%swap3A_407, %swap3A_408] {strides = array<i32>} : memref<128x128xf32, #tpu.memory_space<vmem>>, vector<16xf32>,
        tpu.vector_store %arg10[%swap3A_407, %swap3A_408], %mul3A_406 {strides = array<i32>} : memref<128x128xf32, #tpu.memory_space<vmem>>, vector<16xf32>,
        %get3A_410 = arith.index_cast %add3A_378 : i32 to index
        %get3A_411 = arith.constant 64 : index
        %get3A_412 = tpu.vector_load %arg10[%get3A_410, %get3A_411] {strides = array<i32>} : memref<128x128xf32, #tpu.memory_space<vmem>>, vector<16xf32>,
        %mul3A_413 = arith.mulf %get3A_412, %gather3A_381 : vector<16xf32>
        %swap3A_414 = arith.index_cast %add3A_378 : i32 to index
        %swap3A_415 = arith.constant 64 : index
        %swap3A_416 = tpu.vector_load %arg10[%swap3A_414, %swap3A_415] {strides = array<i32>} : memref<128x128xf32, #tpu.memory_space<vmem>>, vector<16xf32>,
        tpu.vector_store %arg10[%swap3A_414, %swap3A_415], %mul3A_413 {strides = array<i32>} : memref<128x128xf32, #tpu.memory_space<vmem>>, vector<16xf32>,
        %get3A_417 = arith.index_cast %add3A_378 : i32 to index
        %get3A_418 = arith.constant 80 : index
        %get3A_419 = tpu.vector_load %arg10[%get3A_417, %get3A_418] {strides = array<i32>} : memref<128x128xf32, #tpu.memory_space<vmem>>, vector<16xf32>,
        %mul3A_420 = arith.mulf %get3A_419, %gather3A_381 : vector<16xf32>
        %swap3A_421 = arith.index_cast %add3A_378 : i32 to index
        %swap3A_422 = arith.constant 80 : index
        %swap3A_423 = tpu.vector_load %arg10[%swap3A_421, %swap3A_422] {strides = array<i32>} : memref<128x128xf32, #tpu.memory_space<vmem>>, vector<16xf32>,
        tpu.vector_store %arg10[%swap3A_421, %swap3A_422], %mul3A_420 {strides = array<i32>} : memref<128x128xf32, #tpu.memory_space<vmem>>, vector<16xf32>,
        %get3A_424 = arith.index_cast %add3A_378 : i32 to index
        %get3A_425 = arith.constant 96 : index
        %get3A_426 = tpu.vector_load %arg10[%get3A_424, %get3A_425] {strides = array<i32>} : memref<128x128xf32, #tpu.memory_space<vmem>>, vector<16xf32>,
        %mul3A_427 = arith.mulf %get3A_426, %gather3A_381 : vector<16xf32>
        %swap3A_428 = arith.index_cast %add3A_378 : i32 to index
        %swap3A_429 = arith.constant 96 : index
        %swap3A_430 = tpu.vector_load %arg10[%swap3A_428, %swap3A_429] {strides = array<i32>} : memref<128x128xf32, #tpu.memory_space<vmem>>, vector<16xf32>,
        tpu.vector_store %arg10[%swap3A_428, %swap3A_429], %mul3A_427 {strides = array<i32>} : memref<128x128xf32, #tpu.memory_space<vmem>>, vector<16xf32>,
        %get3A_431 = arith.index_cast %add3A_378 : i32 to index
        %get3A_432 = arith.constant 112 : index
        %get3A_433 = tpu.vector_load %arg10[%get3A_431, %get3A_432] {strides = array<i32>} : memref<128x128xf32, #tpu.memory_space<vmem>>, vector<16xf32>,
        %mul3A_434 = arith.mulf %get3A_433, %gather3A_381 : vector<16xf32>
        %swap3A_435 = arith.index_cast %add3A_378 : i32 to index
        %swap3A_436 = arith.constant 112 : index
        %swap3A_437 = tpu.vector_load %arg10[%swap3A_435, %swap3A_436] {strides = array<i32>} : memref<128x128xf32, #tpu.memory_space<vmem>>, vector<16xf32>,
        tpu.vector_store %arg10[%swap3A_435, %swap3A_436], %mul3A_434 {strides = array<i32>} : memref<128x128xf32, #tpu.memory_space<vmem>>, vector<16xf32>,
        %add3A_438 = arith.constant 2 : i32
        %add3A_439 = arith.addi %mul3A_318, %add3A_438 : i32
        %add3A_440 = arith.addi %while3A_201, %add3A_439 : i32
        %broadcast_in_dim3A_441 = vector.broadcast %add3A_440 : i32 to vector<16xi32>
        %gather3A_442 = tpu.vector_load_idx %arg9[%broadcast_in_dim3A_441] : memref<256xf32, #tpu.memory_space<vmem>>[vector<16xi32>], vector<16xf32>,
        %get3A_443 = arith.index_cast %add3A_439 : i32 to index
        %get3A_444 = arith.constant 0 : index
        %get3A_445 = tpu.vector_load %arg10[%get3A_443, %get3A_444] {strides = array<i32>} : memref<128x128xf32, #tpu.memory_space<vmem>>, vector<16xf32>,
        %mul3A_446 = arith.mulf %get3A_445, %gather3A_442 : vector<16xf32>
        %swap3A_447 = arith.index_cast %add3A_439 : i32 to index
        %swap3A_448 = arith.constant 0 : index
        %swap3A_449 = tpu.vector_load %arg10[%swap3A_447, %swap3A_448] {strides = array<i32>} : memref<128x128xf32, #tpu.memory_space<vmem>>, vector<16xf32>,
        tpu.vector_store %arg10[%swap3A_447, %swap3A_448], %mul3A_446 {strides = array<i32>} : memref<128x128xf32, #tpu.memory_space<vmem>>, vector<16xf32>,
        %get3A_450 = arith.index_cast %add3A_439 : i32 to index
        %get3A_451 = arith.constant 16 : index
        %get3A_452 = tpu.vector_load %arg10[%get3A_450, %get3A_451] {strides = array<i32>} : memref<128x128xf32, #tpu.memory_space<vmem>>, vector<16xf32>,
        %mul3A_453 = arith.mulf %get3A_452, %gather3A_442 : vector<16xf32>
        %swap3A_454 = arith.index_cast %add3A_439 : i32 to index
        %swap3A_455 = arith.constant 16 : index
        %swap3A_456 = tpu.vector_load %arg10[%swap3A_454, %swap3A_455] {strides = array<i32>} : memref<128x128xf32, #tpu.memory_space<vmem>>, vector<16xf32>,
        tpu.vector_store %arg10[%swap3A_454, %swap3A_455], %mul3A_453 {strides = array<i32>} : memref<128x128xf32, #tpu.memory_space<vmem>>, vector<16xf32>,
        %get3A_457 = arith.index_cast %add3A_439 : i32 to index
        %get3A_458 = arith.constant 32 : index
        %get3A_459 = tpu.vector_load %arg10[%get3A_457, %get3A_458] {strides = array<i32>} : memref<128x128xf32, #tpu.memory_space<vmem>>, vector<16xf32>,
        %mul3A_460 = arith.mulf %get3A_459, %gather3A_442 : vector<16xf32>
        %swap3A_461 = arith.index_cast %add3A_439 : i32 to index
        %swap3A_462 = arith.constant 32 : index
        %swap3A_463 = tpu.vector_load %arg10[%swap3A_461, %swap3A_462] {strides = array<i32>} : memref<128x128xf32, #tpu.memory_space<vmem>>, vector<16xf32>,
        tpu.vector_store %arg10[%swap3A_461, %swap3A_462], %mul3A_460 {strides = array<i32>} : memref<128x128xf32, #tpu.memory_space<vmem>>, vector<16xf32>,
        %get3A_464 = arith.index_cast %add3A_439 : i32 to index
        %get3A_465 = arith.constant 48 : index
        %get3A_466 = tpu.vector_load %arg10[%get3A_464, %get3A_465] {strides = array<i32>} : memref<128x128xf32, #tpu.memory_space<vmem>>, vector<16xf32>,
        %mul3A_467 = arith.mulf %get3A_466, %gather3A_442 : vector<16xf32>
        %swap3A_468 = arith.index_cast %add3A_439 : i32 to index
        %swap3A_469 = arith.constant 48 : index
        %swap3A_470 = tpu.vector_load %arg10[%swap3A_468, %swap3A_469] {strides = array<i32>} : memref<128x128xf32, #tpu.memory_space<vmem>>, vector<16xf32>,
        tpu.vector_store %arg10[%swap3A_468, %swap3A_469], %mul3A_467 {strides = array<i32>} : memref<128x128xf32, #tpu.memory_space<vmem>>, vector<16xf32>,
        %get3A_471 = arith.index_cast %add3A_439 : i32 to index
        %get3A_472 = arith.constant 64 : index
        %get3A_473 = tpu.vector_load %arg10[%get3A_471, %get3A_472] {strides = array<i32>} : memref<128x128xf32, #tpu.memory_space<vmem>>, vector<16xf32>,
        %mul3A_474 = arith.mulf %get3A_473, %gather3A_442 : vector<16xf32>
        %swap3A_475 = arith.index_cast %add3A_439 : i32 to index
        %swap3A_476 = arith.constant 64 : index
        %swap3A_477 = tpu.vector_load %arg10[%swap3A_475, %swap3A_476] {strides = array<i32>} : memref<128x128xf32, #tpu.memory_space<vmem>>, vector<16xf32>,
        tpu.vector_store %arg10[%swap3A_475, %swap3A_476], %mul3A_474 {strides = array<i32>} : memref<128x128xf32, #tpu.memory_space<vmem>>, vector<16xf32>,
        %get3A_478 = arith.index_cast %add3A_439 : i32 to index
        %get3A_479 = arith.constant 80 : index
        %get3A_480 = tpu.vector_load %arg10[%get3A_478, %get3A_479] {strides = array<i32>} : memref<128x128xf32, #tpu.memory_space<vmem>>, vector<16xf32>,
        %mul3A_481 = arith.mulf %get3A_480, %gather3A_442 : vector<16xf32>
        %swap3A_482 = arith.index_cast %add3A_439 : i32 to index
        %swap3A_483 = arith.constant 80 : index
        %swap3A_484 = tpu.vector_load %arg10[%swap3A_482, %swap3A_483] {strides = array<i32>} : memref<128x128xf32, #tpu.memory_space<vmem>>, vector<16xf32>,
        tpu.vector_store %arg10[%swap3A_482, %swap3A_483], %mul3A_481 {strides = array<i32>} : memref<128x128xf32, #tpu.memory_space<vmem>>, vector<16xf32>,
        %get3A_485 = arith.index_cast %add3A_439 : i32 to index
        %get3A_486 = arith.constant 96 : index
        %get3A_487 = tpu.vector_load %arg10[%get3A_485, %get3A_486] {strides = array<i32>} : memref<128x128xf32, #tpu.memory_space<vmem>>, vector<16xf32>,
        %mul3A_488 = arith.mulf %get3A_487, %gather3A_442 : vector<16xf32>
        %swap3A_489 = arith.index_cast %add3A_439 : i32 to index
        %swap3A_490 = arith.constant 96 : index
        %swap3A_491 = tpu.vector_load %arg10[%swap3A_489, %swap3A_490] {strides = array<i32>} : memref<128x128xf32, #tpu.memory_space<vmem>>, vector<16xf32>,
        tpu.vector_store %arg10[%swap3A_489, %swap3A_490], %mul3A_488 {strides = array<i32>} : memref<128x128xf32, #tpu.memory_space<vmem>>, vector<16xf32>,
        %get3A_492 = arith.index_cast %add3A_439 : i32 to index
        %get3A_493 = arith.constant 112 : index
        %get3A_494 = tpu.vector_load %arg10[%get3A_492, %get3A_493] {strides = array<i32>} : memref<128x128xf32, #tpu.memory_space<vmem>>, vector<16xf32>,
        %mul3A_495 = arith.mulf %get3A_494, %gather3A_442 : vector<16xf32>
        %swap3A_496 = arith.index_cast %add3A_439 : i32 to index
        %swap3A_497 = arith.constant 112 : index
        %swap3A_498 = tpu.vector_load %arg10[%swap3A_496, %swap3A_497] {strides = array<i32>} : memref<128x128xf32, #tpu.memory_space<vmem>>, vector<16xf32>,
        tpu.vector_store %arg10[%swap3A_496, %swap3A_497], %mul3A_495 {strides = array<i32>} : memref<128x128xf32, #tpu.memory_space<vmem>>, vector<16xf32>,
        %add3A_499 = arith.constant 3 : i32
        %add3A_500 = arith.addi %mul3A_318, %add3A_499 : i32
        %add3A_501 = arith.addi %while3A_201, %add3A_500 : i32
        %broadcast_in_dim3A_502 = vector.broadcast %add3A_501 : i32 to vector<16xi32>
        %gather3A_503 = tpu.vector_load_idx %arg9[%broadcast_in_dim3A_502] : memref<256xf32, #tpu.memory_space<vmem>>[vector<16xi32>], vector<16xf32>,
        %get3A_504 = arith.index_cast %add3A_500 : i32 to index
        %get3A_505 = arith.constant 0 : index
        %get3A_506 = tpu.vector_load %arg10[%get3A_504, %get3A_505] {strides = array<i32>} : memref<128x128xf32, #tpu.memory_space<vmem>>, vector<16xf32>,
        %mul3A_507 = arith.mulf %get3A_506, %gather3A_503 : vector<16xf32>
        %swap3A_508 = arith.index_cast %add3A_500 : i32 to index
        %swap3A_509 = arith.constant 0 : index
        %swap3A_510 = tpu.vector_load %arg10[%swap3A_508, %swap3A_509] {strides = array<i32>} : memref<128x128xf32, #tpu.memory_space<vmem>>, vector<16xf32>,
        tpu.vector_store %arg10[%swap3A_508, %swap3A_509], %mul3A_507 {strides = array<i32>} : memref<128x128xf32, #tpu.memory_space<vmem>>, vector<16xf32>,
        %get3A_511 = arith.index_cast %add3A_500 : i32 to index
        %get3A_512 = arith.constant 16 : index
        %get3A_513 = tpu.vector_load %arg10[%get3A_511, %get3A_512] {strides = array<i32>} : memref<128x128xf32, #tpu.memory_space<vmem>>, vector<16xf32>,
        %mul3A_514 = arith.mulf %get3A_513, %gather3A_503 : vector<16xf32>
        %swap3A_515 = arith.index_cast %add3A_500 : i32 to index
        %swap3A_516 = arith.constant 16 : index
        %swap3A_517 = tpu.vector_load %arg10[%swap3A_515, %swap3A_516] {strides = array<i32>} : memref<128x128xf32, #tpu.memory_space<vmem>>, vector<16xf32>,
        tpu.vector_store %arg10[%swap3A_515, %swap3A_516], %mul3A_514 {strides = array<i32>} : memref<128x128xf32, #tpu.memory_space<vmem>>, vector<16xf32>,
        %get3A_518 = arith.index_cast %add3A_500 : i32 to index
        %get3A_519 = arith.constant 32 : index
        %get3A_520 = tpu.vector_load %arg10[%get3A_518, %get3A_519] {strides = array<i32>} : memref<128x128xf32, #tpu.memory_space<vmem>>, vector<16xf32>,
        %mul3A_521 = arith.mulf %get3A_520, %gather3A_503 : vector<16xf32>
        %swap3A_522 = arith.index_cast %add3A_500 : i32 to index
        %swap3A_523 = arith.constant 32 : index
        %swap3A_524 = tpu.vector_load %arg10[%swap3A_522, %swap3A_523] {strides = array<i32>} : memref<128x128xf32, #tpu.memory_space<vmem>>, vector<16xf32>,
        tpu.vector_store %arg10[%swap3A_522, %swap3A_523], %mul3A_521 {strides = array<i32>} : memref<128x128xf32, #tpu.memory_space<vmem>>, vector<16xf32>,
        %get3A_525 = arith.index_cast %add3A_500 : i32 to index
        %get3A_526 = arith.constant 48 : index
        %get3A_527 = tpu.vector_load %arg10[%get3A_525, %get3A_526] {strides = array<i32>} : memref<128x128xf32, #tpu.memory_space<vmem>>, vector<16xf32>,
        %mul3A_528 = arith.mulf %get3A_527, %gather3A_503 : vector<16xf32>
        %swap3A_529 = arith.index_cast %add3A_500 : i32 to index
        %swap3A_530 = arith.constant 48 : index
        %swap3A_531 = tpu.vector_load %arg10[%swap3A_529, %swap3A_530] {strides = array<i32>} : memref<128x128xf32, #tpu.memory_space<vmem>>, vector<16xf32>,
        tpu.vector_store %arg10[%swap3A_529, %swap3A_530], %mul3A_528 {strides = array<i32>} : memref<128x128xf32, #tpu.memory_space<vmem>>, vector<16xf32>,
        %get3A_532 = arith.index_cast %add3A_500 : i32 to index
        %get3A_533 = arith.constant 64 : index
        %get3A_534 = tpu.vector_load %arg10[%get3A_532, %get3A_533] {strides = array<i32>} : memref<128x128xf32, #tpu.memory_space<vmem>>, vector<16xf32>,
        %mul3A_535 = arith.mulf %get3A_534, %gather3A_503 : vector<16xf32>
        %swap3A_536 = arith.index_cast %add3A_500 : i32 to index
        %swap3A_537 = arith.constant 64 : index
        %swap3A_538 = tpu.vector_load %arg10[%swap3A_536, %swap3A_537] {strides = array<i32>} : memref<128x128xf32, #tpu.memory_space<vmem>>, vector<16xf32>,
        tpu.vector_store %arg10[%swap3A_536, %swap3A_537], %mul3A_535 {strides = array<i32>} : memref<128x128xf32, #tpu.memory_space<vmem>>, vector<16xf32>,
        %get3A_539 = arith.index_cast %add3A_500 : i32 to index
        %get3A_540 = arith.constant 80 : index
        %get3A_541 = tpu.vector_load %arg10[%get3A_539, %get3A_540] {strides = array<i32>} : memref<128x128xf32, #tpu.memory_space<vmem>>, vector<16xf32>,
        %mul3A_542 = arith.mulf %get3A_541, %gather3A_503 : vector<16xf32>
        %swap3A_543 = arith.index_cast %add3A_500 : i32 to index
        %swap3A_544 = arith.constant 80 : index
        %swap3A_545 = tpu.vector_load %arg10[%swap3A_543, %swap3A_544] {strides = array<i32>} : memref<128x128xf32, #tpu.memory_space<vmem>>, vector<16xf32>,
        tpu.vector_store %arg10[%swap3A_543, %swap3A_544], %mul3A_542 {strides = array<i32>} : memref<128x128xf32, #tpu.memory_space<vmem>>, vector<16xf32>,
        %get3A_546 = arith.index_cast %add3A_500 : i32 to index
        %get3A_547 = arith.constant 96 : index
        %get3A_548 = tpu.vector_load %arg10[%get3A_546, %get3A_547] {strides = array<i32>} : memref<128x128xf32, #tpu.memory_space<vmem>>, vector<16xf32>,
        %mul3A_549 = arith.mulf %get3A_548, %gather3A_503 : vector<16xf32>
        %swap3A_550 = arith.index_cast %add3A_500 : i32 to index
        %swap3A_551 = arith.constant 96 : index
        %swap3A_552 = tpu.vector_load %arg10[%swap3A_550, %swap3A_551] {strides = array<i32>} : memref<128x128xf32, #tpu.memory_space<vmem>>, vector<16xf32>,
        tpu.vector_store %arg10[%swap3A_550, %swap3A_551], %mul3A_549 {strides = array<i32>} : memref<128x128xf32, #tpu.memory_space<vmem>>, vector<16xf32>,
        %get3A_553 = arith.index_cast %add3A_500 : i32 to index
        %get3A_554 = arith.constant 112 : index
        %get3A_555 = tpu.vector_load %arg10[%get3A_553, %get3A_554] {strides = array<i32>} : memref<128x128xf32, #tpu.memory_space<vmem>>, vector<16xf32>,
        %mul3A_556 = arith.mulf %get3A_555, %gather3A_503 : vector<16xf32>
        %swap3A_557 = arith.index_cast %add3A_500 : i32 to index
        %swap3A_558 = arith.constant 112 : index
        %swap3A_559 = tpu.vector_load %arg10[%swap3A_557, %swap3A_558] {strides = array<i32>} : memref<128x128xf32, #tpu.memory_space<vmem>>, vector<16xf32>,
        tpu.vector_store %arg10[%swap3A_557, %swap3A_558], %mul3A_556 {strides = array<i32>} : memref<128x128xf32, #tpu.memory_space<vmem>>, vector<16xf32>,
      }
      %run_scoped3A = arith.constant 0 : i32
      "tpu.region"() ({
        %run_scoped3A_316 = tpu.sem_alloc : memref<!tpu.dma_semaphore, #tpu.memory_space<semaphore_mem>>
        %dma_start3A_317 = arith.constant 0 : i32
        %dma_start3A_318 = tpu.memref_slice %arg8[%run_scoped3A, %dma_start3A_317] : memref<2x128xi32, #tpu.memory_space<vmem>> -> memref<1x128xi32, #tpu.memory_space<vmem>>
        %dma_start3A_319 = tpu.memref_squeeze %dma_start3A_318 : memref<1x128xi32, #tpu.memory_space<vmem>> -> memref<128xi32, #tpu.memory_space<vmem>>
        %dma_start3A_320 = arith.constant 0 : i32
        %dma_start3A_321 = arith.constant 0 : i32
        %dma_start3A_322 = tpu.memref_slice %arg12[%dma_start3A_320, %dma_start3A_321] : memref<10240x128xf32, #tpu.memory_space<vmem_shared>> -> memref<10240x128xf32, #tpu.memory_space<vmem_shared>>
        tpu.enqueue_indirect_dma source(%arg10 : memref<128x128xf32, #tpu.memory_space<vmem>>) target(%dma_start3A_322 : memref<10240x128xf32, #tpu.memory_space<vmem_shared>>) offsets(%dma_start3A_319 : memref<128xi32, #tpu.memory_space<vmem>>) semaphore(%run_scoped3A_316 : memref<!tpu.dma_semaphore, #tpu.memory_space<semaphore_mem>>) {add = true}
        %dma_wait3A_323 = arith.constant 0 : i32
        %dma_wait3A_324 = tpu.memref_slice %arg8[%run_scoped3A, %dma_wait3A_323] : memref<2x128xi32, #tpu.memory_space<vmem>> -> memref<1x128xi32, #tpu.memory_space<vmem>>
        %dma_wait3A_325 = tpu.memref_squeeze %dma_wait3A_324 : memref<1x128xi32, #tpu.memory_space<vmem>> -> memref<128xi32, #tpu.memory_space<vmem>>
        %dma_wait3A_326 = arith.constant 0 : i32
        %dma_wait3A_327 = arith.constant 0 : i32
        %dma_wait3A_328 = tpu.memref_slice %arg12[%dma_wait3A_326, %dma_wait3A_327] : memref<10240x128xf32, #tpu.memory_space<vmem_shared>> -> memref<10240x128xf32, #tpu.memory_space<vmem_shared>>
        tpu.wait_indirect_dma semaphore(%run_scoped3A_316 : memref<!tpu.dma_semaphore, #tpu.memory_space<semaphore_mem>>) src(%arg10 : memref<128x128xf32, #tpu.memory_space<vmem>>) dst(%dma_wait3A_328 : memref<10240x128xf32, #tpu.memory_space<vmem_shared>>)
        tpu.yield
      }) : () -> ()
      %add3A_212 = arith.constant 2 : i32
      %add3A_213 = arith.addi %add3A_160, %add3A_212 : i32
      %dma_start3A_214 = arith.constant 0 : i32
      %dma_start3A_215 = arith.constant 0 : i32
      %dma_start3A_216 = tpu.memref_slice %arg8[%dma_start3A_214, %dma_start3A_215] : memref<2x128xi32, #tpu.memory_space<vmem>> -> memref<1x128xi32, #tpu.memory_space<vmem>>
      %dma_start3A_217 = tpu.memref_squeeze %dma_start3A_216 : memref<1x128xi32, #tpu.memory_space<vmem>> -> memref<128xi32, #tpu.memory_space<vmem>>
      %dma_start3A_218 = arith.constant 0 : i32
      %dma_start3A_219 = tpu.memref_slice %arg4[%add3A, %add3A_213, %dma_start3A_218] : memref<32x82x128xi32, #tpu.memory_space<hbm>> -> memref<1x1x128xi32, #tpu.memory_space<hbm>>
      %dma_start3A_220 = tpu.memref_squeeze %dma_start3A_219 : memref<1x1x128xi32, #tpu.memory_space<hbm>> -> memref<128xi32, #tpu.memory_space<hbm>>
      %dma_start3A_221 = arith.constant 0 : i32
      %dma_start3A_222 = tpu.memref_slice %arg8[%dma_start3A_214, %dma_start3A_221] : memref<2x128xi32, #tpu.memory_space<vmem>> -> memref<1x128xi32, #tpu.memory_space<vmem>>
      %dma_start3A_223 = tpu.memref_squeeze %dma_start3A_222 : memref<1x128xi32, #tpu.memory_space<vmem>> -> memref<128xi32, #tpu.memory_space<vmem>>
      %dma_start3A_224 = arith.constant 0 : i32
      %dma_start3A_225 = tpu.memref_slice %arg4[%add3A, %add3A_213, %dma_start3A_224] : memref<32x82x128xi32, #tpu.memory_space<hbm>> -> memref<1x1x128xi32, #tpu.memory_space<hbm>>
      %dma_start3A_226 = tpu.memref_squeeze %dma_start3A_225 : memref<1x1x128xi32, #tpu.memory_space<hbm>> -> memref<128xi32, #tpu.memory_space<hbm>>
      tpu.enqueue_dma source(%dma_start3A_226 : memref<128xi32, #tpu.memory_space<hbm>>) target(%dma_start3A_223 : memref<128xi32, #tpu.memory_space<vmem>>) target_semaphore(%arg15 : memref<!tpu.dma_semaphore, #tpu.memory_space<semaphore_mem>>)
      %dma_start3A_227 = arith.constant 0 : i32
      %dma_start3A_228 = tpu.memref_slice %arg9[%dma_start3A_227] : memref<256xf32, #tpu.memory_space<vmem>> -> memref<128xf32, #tpu.memory_space<vmem>>
      %dma_start3A_229 = arith.constant 0 : i32
      %dma_start3A_230 = tpu.memref_slice %arg5[%add3A, %add3A_213, %dma_start3A_229] : memref<32x82x128xf32, #tpu.memory_space<hbm>> -> memref<1x1x128xf32, #tpu.memory_space<hbm>>
      %dma_start3A_231 = tpu.memref_squeeze %dma_start3A_230 : memref<1x1x128xf32, #tpu.memory_space<hbm>> -> memref<128xf32, #tpu.memory_space<hbm>>
      %dma_start3A_232 = arith.constant 0 : i32
      %dma_start3A_233 = tpu.memref_slice %arg9[%dma_start3A_232] : memref<256xf32, #tpu.memory_space<vmem>> -> memref<128xf32, #tpu.memory_space<vmem>>
      %dma_start3A_234 = arith.constant 0 : i32
      %dma_start3A_235 = tpu.memref_slice %arg5[%add3A, %add3A_213, %dma_start3A_234] : memref<32x82x128xf32, #tpu.memory_space<hbm>> -> memref<1x1x128xf32, #tpu.memory_space<hbm>>
      %dma_start3A_236 = tpu.memref_squeeze %dma_start3A_235 : memref<1x1x128xf32, #tpu.memory_space<hbm>> -> memref<128xf32, #tpu.memory_space<hbm>>
      tpu.enqueue_dma source(%dma_start3A_236 : memref<128xf32, #tpu.memory_space<hbm>>) target(%dma_start3A_233 : memref<128xf32, #tpu.memory_space<vmem>>) target_semaphore(%arg17 : memref<!tpu.dma_semaphore, #tpu.memory_space<semaphore_mem>>)
      %add3A_237 = arith.constant 1 : i32
      %add3A_238 = arith.addi %mul3A_158, %add3A_237 : i32
      %add3A_239 = arith.constant 1 : i32
      %add3A_240 = arith.addi %add3A_238, %add3A_239 : i32
      %dma_start3A_241 = arith.constant 0 : i32
      %dma_start3A_242 = tpu.memref_slice %arg7[%add3A_240, %dma_start3A_241] : memref<82x128xi32, #tpu.memory_space<vmem>> -> memref<1x128xi32, #tpu.memory_space<vmem>>
      %dma_start3A_243 = tpu.memref_squeeze %dma_start3A_242 : memref<1x128xi32, #tpu.memory_space<vmem>> -> memref<128xi32, #tpu.memory_space<vmem>>
      %dma_start3A_244 = arith.constant 0 : i32
      %dma_start3A_245 = arith.constant 0 : i32
      %dma_start3A_246 = tpu.memref_slice %arg2[%dma_start3A_244, %dma_start3A_245] : memref<10000x128xf32, #tpu.memory_space<hbm>> -> memref<10000x128xf32, #tpu.memory_space<hbm>>
      tpu.enqueue_indirect_dma source(%dma_start3A_246 : memref<10000x128xf32, #tpu.memory_space<hbm>>) target(%arg10 : memref<128x128xf32, #tpu.memory_space<vmem>>) offsets(%dma_start3A_243 : memref<128xi32, #tpu.memory_space<vmem>>) semaphore(%arg13 : memref<!tpu.dma_semaphore, #tpu.memory_space<semaphore_mem>>)
      %dma_wait3A_247 = arith.constant 0 : i32
      %dma_wait3A_248 = arith.constant 0 : i32
      %dma_wait3A_249 = tpu.memref_slice %arg7[%dma_wait3A_247, %dma_wait3A_248] : memref<82x128xi32, #tpu.memory_space<vmem>> -> memref<1x128xi32, #tpu.memory_space<vmem>>
      %dma_wait3A_250 = tpu.memref_squeeze %dma_wait3A_249 : memref<1x128xi32, #tpu.memory_space<vmem>> -> memref<128xi32, #tpu.memory_space<vmem>>
      %dma_wait3A_251 = arith.constant 0 : i32
      %dma_wait3A_252 = arith.constant 0 : i32
      %dma_wait3A_253 = tpu.memref_slice %arg2[%dma_wait3A_251, %dma_wait3A_252] : memref<10000x128xf32, #tpu.memory_space<hbm>> -> memref<10000x128xf32, #tpu.memory_space<hbm>>
      tpu.wait_indirect_dma semaphore(%arg14 : memref<!tpu.dma_semaphore, #tpu.memory_space<semaphore_mem>>) src(%dma_wait3A_253 : memref<10000x128xf32, #tpu.memory_space<hbm>>) dst(%arg11 : memref<128x128xf32, #tpu.memory_space<vmem>>)
      %dma_wait3A_254 = arith.constant 0 : i32
      %dma_wait3A_255 = arith.constant 1 : i32
      %dma_wait3A_256 = arith.constant 0 : i32
      %dma_wait3A_257 = tpu.memref_slice %arg8[%dma_wait3A_255, %dma_wait3A_256] : memref<2x128xi32, #tpu.memory_space<vmem>> -> memref<1x128xi32, #tpu.memory_space<vmem>>
      %dma_wait3A_258 = tpu.memref_squeeze %dma_wait3A_257 : memref<1x128xi32, #tpu.memory_space<vmem>> -> memref<128xi32, #tpu.memory_space<vmem>>
      %dma_wait3A_259 = arith.constant 0 : i32
      %dma_wait3A_260 = tpu.memref_slice %arg4[%add3A, %dma_wait3A_254, %dma_wait3A_259] : memref<32x82x128xi32, #tpu.memory_space<hbm>> -> memref<1x1x128xi32, #tpu.memory_space<hbm>>
      %dma_wait3A_261 = tpu.memref_squeeze %dma_wait3A_260 : memref<1x1x128xi32, #tpu.memory_space<hbm>> -> memref<128xi32, #tpu.memory_space<hbm>>
      %dma_wait3A_262 = arith.constant 0 : i32
      %dma_wait3A_263 = tpu.memref_slice %arg8[%dma_wait3A_255, %dma_wait3A_262] : memref<2x128xi32, #tpu.memory_space<vmem>> -> memref<1x128xi32, #tpu.memory_space<vmem>>
      %dma_wait3A_264 = tpu.memref_squeeze %dma_wait3A_263 : memref<1x128xi32, #tpu.memory_space<vmem>> -> memref<128xi32, #tpu.memory_space<vmem>>
      %dma_wait3A_265 = arith.constant 0 : i32
      %dma_wait3A_266 = tpu.memref_slice %arg4[%add3A, %dma_wait3A_254, %dma_wait3A_265] : memref<32x82x128xi32, #tpu.memory_space<hbm>> -> memref<1x1x128xi32, #tpu.memory_space<hbm>>
      %dma_wait3A_267 = tpu.memref_squeeze %dma_wait3A_266 : memref<1x1x128xi32, #tpu.memory_space<hbm>> -> memref<128xi32, #tpu.memory_space<hbm>>
      tpu.wait_dma2 semaphore(%arg16 : memref<!tpu.dma_semaphore, #tpu.memory_space<semaphore_mem>>) src(%dma_wait3A_267 : memref<128xi32, #tpu.memory_space<hbm>>) dst(%dma_wait3A_264 : memref<128xi32, #tpu.memory_space<vmem>>)
      %dma_wait3A_268 = arith.constant 0 : i32
      %dma_wait3A_269 = arith.constant 128 : i32
      %dma_wait3A_270 = tpu.memref_slice %arg9[%dma_wait3A_269] : memref<256xf32, #tpu.memory_space<vmem>> -> memref<128xf32, #tpu.memory_space<vmem>>
      %dma_wait3A_271 = arith.constant 0 : i32
      %dma_wait3A_272 = tpu.memref_slice %arg5[%add3A, %dma_wait3A_268, %dma_wait3A_271] : memref<32x82x128xf32, #tpu.memory_space<hbm>> -> memref<1x1x128xf32, #tpu.memory_space<hbm>>
      %dma_wait3A_273 = tpu.memref_squeeze %dma_wait3A_272 : memref<1x1x128xf32, #tpu.memory_space<hbm>> -> memref<128xf32, #tpu.memory_space<hbm>>
      %dma_wait3A_274 = arith.constant 128 : i32
      %dma_wait3A_275 = tpu.memref_slice %arg9[%dma_wait3A_274] : memref<256xf32, #tpu.memory_space<vmem>> -> memref<128xf32, #tpu.memory_space<vmem>>
      %dma_wait3A_276 = arith.constant 0 : i32
      %dma_wait3A_277 = tpu.memref_slice %arg5[%add3A, %dma_wait3A_268, %dma_wait3A_276] : memref<32x82x128xf32, #tpu.memory_space<hbm>> -> memref<1x1x128xf32, #tpu.memory_space<hbm>>
      %dma_wait3A_278 = tpu.memref_squeeze %dma_wait3A_277 : memref<1x1x128xf32, #tpu.memory_space<hbm>> -> memref<128xf32, #tpu.memory_space<hbm>>
      tpu.wait_dma2 semaphore(%arg18 : memref<!tpu.dma_semaphore, #tpu.memory_space<semaphore_mem>>) src(%dma_wait3A_278 : memref<128xf32, #tpu.memory_space<hbm>>) dst(%dma_wait3A_275 : memref<128xf32, #tpu.memory_space<vmem>>)
      %while3A_279 = arith.constant 128 : i32
      %while3A_280 = arith.constant 0 : i32
      %while3A_281 = arith.constant 32 : i32
      %while3A_282 = arith.subi %while3A_281, %while3A_280 : i32
      %while3A_283 = arith.addi %while3A_280, %while3A_282 : i32
      %while3A_284 = arith.constant 1 : i32
      %while3A_285 = arith.divsi %while3A_282, %while3A_284 : i32
      %while3A_286 = arith.muli %while3A_285, %while3A_284 : i32
      %while3A_287 = arith.addi %while3A_280, %while3A_286 : i32
      %while3A_288 = arith.constant 1 : i32
      scf.for %while3A_316 = %while3A_280 to %while3A_287 step %while3A_288  : i32 {
        %mul3A_317 = arith.constant 4 : i32
        %mul3A_318 = arith.muli %while3A_316, %mul3A_317 : i32
        %add3A_319 = arith.constant 0 : i32
        %add3A_320 = arith.addi %mul3A_318, %add3A_319 : i32
        %add3A_321 = arith.addi %while3A_279, %add3A_320 : i32
        %broadcast_in_dim3A_322 = vector.broadcast %add3A_321 : i32 to vector<16xi32>
        %gather3A = tpu.vector_load_idx %arg9[%broadcast_in_dim3A_322] : memref<256xf32, #tpu.memory_space<vmem>>[vector<16xi32>], vector<16xf32>,
        %get3A = arith.index_cast %add3A_320 : i32 to index
        %get3A_323 = arith.constant 0 : index
        %get3A_324 = tpu.vector_load %arg11[%get3A, %get3A_323] {strides = array<i32>} : memref<128x128xf32, #tpu.memory_space<vmem>>, vector<16xf32>,
        %mul3A_325 = arith.mulf %get3A_324, %gather3A : vector<16xf32>
        %swap3A = arith.index_cast %add3A_320 : i32 to index
        %swap3A_326 = arith.constant 0 : index
        %swap3A_327 = tpu.vector_load %arg11[%swap3A, %swap3A_326] {strides = array<i32>} : memref<128x128xf32, #tpu.memory_space<vmem>>, vector<16xf32>,
        tpu.vector_store %arg11[%swap3A, %swap3A_326], %mul3A_325 {strides = array<i32>} : memref<128x128xf32, #tpu.memory_space<vmem>>, vector<16xf32>,
        %get3A_328 = arith.index_cast %add3A_320 : i32 to index
        %get3A_329 = arith.constant 16 : index
        %get3A_330 = tpu.vector_load %arg11[%get3A_328, %get3A_329] {strides = array<i32>} : memref<128x128xf32, #tpu.memory_space<vmem>>, vector<16xf32>,
        %mul3A_331 = arith.mulf %get3A_330, %gather3A : vector<16xf32>
        %swap3A_332 = arith.index_cast %add3A_320 : i32 to index
        %swap3A_333 = arith.constant 16 : index
        %swap3A_334 = tpu.vector_load %arg11[%swap3A_332, %swap3A_333] {strides = array<i32>} : memref<128x128xf32, #tpu.memory_space<vmem>>, vector<16xf32>,
        tpu.vector_store %arg11[%swap3A_332, %swap3A_333], %mul3A_331 {strides = array<i32>} : memref<128x128xf32, #tpu.memory_space<vmem>>, vector<16xf32>,
        %get3A_335 = arith.index_cast %add3A_320 : i32 to index
        %get3A_336 = arith.constant 32 : index
        %get3A_337 = tpu.vector_load %arg11[%get3A_335, %get3A_336] {strides = array<i32>} : memref<128x128xf32, #tpu.memory_space<vmem>>, vector<16xf32>,
        %mul3A_338 = arith.mulf %get3A_337, %gather3A : vector<16xf32>
        %swap3A_339 = arith.index_cast %add3A_320 : i32 to index
        %swap3A_340 = arith.constant 32 : index
        %swap3A_341 = tpu.vector_load %arg11[%swap3A_339, %swap3A_340] {strides = array<i32>} : memref<128x128xf32, #tpu.memory_space<vmem>>, vector<16xf32>,
        tpu.vector_store %arg11[%swap3A_339, %swap3A_340], %mul3A_338 {strides = array<i32>} : memref<128x128xf32, #tpu.memory_space<vmem>>, vector<16xf32>,
        %get3A_342 = arith.index_cast %add3A_320 : i32 to index
        %get3A_343 = arith.constant 48 : index
        %get3A_344 = tpu.vector_load %arg11[%get3A_342, %get3A_343] {strides = array<i32>} : memref<128x128xf32, #tpu.memory_space<vmem>>, vector<16xf32>,
        %mul3A_345 = arith.mulf %get3A_344, %gather3A : vector<16xf32>
        %swap3A_346 = arith.index_cast %add3A_320 : i32 to index
        %swap3A_347 = arith.constant 48 : index
        %swap3A_348 = tpu.vector_load %arg11[%swap3A_346, %swap3A_347] {strides = array<i32>} : memref<128x128xf32, #tpu.memory_space<vmem>>, vector<16xf32>,
        tpu.vector_store %arg11[%swap3A_346, %swap3A_347], %mul3A_345 {strides = array<i32>} : memref<128x128xf32, #tpu.memory_space<vmem>>, vector<16xf32>,
        %get3A_349 = arith.index_cast %add3A_320 : i32 to index
        %get3A_350 = arith.constant 64 : index
        %get3A_351 = tpu.vector_load %arg11[%get3A_349, %get3A_350] {strides = array<i32>} : memref<128x128xf32, #tpu.memory_space<vmem>>, vector<16xf32>,
        %mul3A_352 = arith.mulf %get3A_351, %gather3A : vector<16xf32>
        %swap3A_353 = arith.index_cast %add3A_320 : i32 to index
        %swap3A_354 = arith.constant 64 : index
        %swap3A_355 = tpu.vector_load %arg11[%swap3A_353, %swap3A_354] {strides = array<i32>} : memref<128x128xf32, #tpu.memory_space<vmem>>, vector<16xf32>,
        tpu.vector_store %arg11[%swap3A_353, %swap3A_354], %mul3A_352 {strides = array<i32>} : memref<128x128xf32, #tpu.memory_space<vmem>>, vector<16xf32>,
        %get3A_356 = arith.index_cast %add3A_320 : i32 to index
        %get3A_357 = arith.constant 80 : index
        %get3A_358 = tpu.vector_load %arg11[%get3A_356, %get3A_357] {strides = array<i32>} : memref<128x128xf32, #tpu.memory_space<vmem>>, vector<16xf32>,
        %mul3A_359 = arith.mulf %get3A_358, %gather3A : vector<16xf32>
        %swap3A_360 = arith.index_cast %add3A_320 : i32 to index
        %swap3A_361 = arith.constant 80 : index
        %swap3A_362 = tpu.vector_load %arg11[%swap3A_360, %swap3A_361] {strides = array<i32>} : memref<128x128xf32, #tpu.memory_space<vmem>>, vector<16xf32>,
        tpu.vector_store %arg11[%swap3A_360, %swap3A_361], %mul3A_359 {strides = array<i32>} : memref<128x128xf32, #tpu.memory_space<vmem>>, vector<16xf32>,
        %get3A_363 = arith.index_cast %add3A_320 : i32 to index
        %get3A_364 = arith.constant 96 : index
        %get3A_365 = tpu.vector_load %arg11[%get3A_363, %get3A_364] {strides = array<i32>} : memref<128x128xf32, #tpu.memory_space<vmem>>, vector<16xf32>,
        %mul3A_366 = arith.mulf %get3A_365, %gather3A : vector<16xf32>
        %swap3A_367 = arith.index_cast %add3A_320 : i32 to index
        %swap3A_368 = arith.constant 96 : index
        %swap3A_369 = tpu.vector_load %arg11[%swap3A_367, %swap3A_368] {strides = array<i32>} : memref<128x128xf32, #tpu.memory_space<vmem>>, vector<16xf32>,
        tpu.vector_store %arg11[%swap3A_367, %swap3A_368], %mul3A_366 {strides = array<i32>} : memref<128x128xf32, #tpu.memory_space<vmem>>, vector<16xf32>,
        %get3A_370 = arith.index_cast %add3A_320 : i32 to index
        %get3A_371 = arith.constant 112 : index
        %get3A_372 = tpu.vector_load %arg11[%get3A_370, %get3A_371] {strides = array<i32>} : memref<128x128xf32, #tpu.memory_space<vmem>>, vector<16xf32>,
        %mul3A_373 = arith.mulf %get3A_372, %gather3A : vector<16xf32>
        %swap3A_374 = arith.index_cast %add3A_320 : i32 to index
        %swap3A_375 = arith.constant 112 : index
        %swap3A_376 = tpu.vector_load %arg11[%swap3A_374, %swap3A_375] {strides = array<i32>} : memref<128x128xf32, #tpu.memory_space<vmem>>, vector<16xf32>,
        tpu.vector_store %arg11[%swap3A_374, %swap3A_375], %mul3A_373 {strides = array<i32>} : memref<128x128xf32, #tpu.memory_space<vmem>>, vector<16xf32>,
        %add3A_377 = arith.constant 1 : i32
        %add3A_378 = arith.addi %mul3A_318, %add3A_377 : i32
        %add3A_379 = arith.addi %while3A_279, %add3A_378 : i32
        %broadcast_in_dim3A_380 = vector.broadcast %add3A_379 : i32 to vector<16xi32>
        %gather3A_381 = tpu.vector_load_idx %arg9[%broadcast_in_dim3A_380] : memref<256xf32, #tpu.memory_space<vmem>>[vector<16xi32>], vector<16xf32>,
        %get3A_382 = arith.index_cast %add3A_378 : i32 to index
        %get3A_383 = arith.constant 0 : index
        %get3A_384 = tpu.vector_load %arg11[%get3A_382, %get3A_383] {strides = array<i32>} : memref<128x128xf32, #tpu.memory_space<vmem>>, vector<16xf32>,
        %mul3A_385 = arith.mulf %get3A_384, %gather3A_381 : vector<16xf32>
        %swap3A_386 = arith.index_cast %add3A_378 : i32 to index
        %swap3A_387 = arith.constant 0 : index
        %swap3A_388 = tpu.vector_load %arg11[%swap3A_386, %swap3A_387] {strides = array<i32>} : memref<128x128xf32, #tpu.memory_space<vmem>>, vector<16xf32>,
        tpu.vector_store %arg11[%swap3A_386, %swap3A_387], %mul3A_385 {strides = array<i32>} : memref<128x128xf32, #tpu.memory_space<vmem>>, vector<16xf32>,
        %get3A_389 = arith.index_cast %add3A_378 : i32 to index
        %get3A_390 = arith.constant 16 : index
        %get3A_391 = tpu.vector_load %arg11[%get3A_389, %get3A_390] {strides = array<i32>} : memref<128x128xf32, #tpu.memory_space<vmem>>, vector<16xf32>,
        %mul3A_392 = arith.mulf %get3A_391, %gather3A_381 : vector<16xf32>
        %swap3A_393 = arith.index_cast %add3A_378 : i32 to index
        %swap3A_394 = arith.constant 16 : index
        %swap3A_395 = tpu.vector_load %arg11[%swap3A_393, %swap3A_394] {strides = array<i32>} : memref<128x128xf32, #tpu.memory_space<vmem>>, vector<16xf32>,
        tpu.vector_store %arg11[%swap3A_393, %swap3A_394], %mul3A_392 {strides = array<i32>} : memref<128x128xf32, #tpu.memory_space<vmem>>, vector<16xf32>,
        %get3A_396 = arith.index_cast %add3A_378 : i32 to index
        %get3A_397 = arith.constant 32 : index
        %get3A_398 = tpu.vector_load %arg11[%get3A_396, %get3A_397] {strides = array<i32>} : memref<128x128xf32, #tpu.memory_space<vmem>>, vector<16xf32>,
        %mul3A_399 = arith.mulf %get3A_398, %gather3A_381 : vector<16xf32>
        %swap3A_400 = arith.index_cast %add3A_378 : i32 to index
        %swap3A_401 = arith.constant 32 : index
        %swap3A_402 = tpu.vector_load %arg11[%swap3A_400, %swap3A_401] {strides = array<i32>} : memref<128x128xf32, #tpu.memory_space<vmem>>, vector<16xf32>,
        tpu.vector_store %arg11[%swap3A_400, %swap3A_401], %mul3A_399 {strides = array<i32>} : memref<128x128xf32, #tpu.memory_space<vmem>>, vector<16xf32>,
        %get3A_403 = arith.index_cast %add3A_378 : i32 to index
        %get3A_404 = arith.constant 48 : index
        %get3A_405 = tpu.vector_load %arg11[%get3A_403, %get3A_404] {strides = array<i32>} : memref<128x128xf32, #tpu.memory_space<vmem>>, vector<16xf32>,
        %mul3A_406 = arith.mulf %get3A_405, %gather3A_381 : vector<16xf32>
        %swap3A_407 = arith.index_cast %add3A_378 : i32 to index
        %swap3A_408 = arith.constant 48 : index
        %swap3A_409 = tpu.vector_load %arg11[%swap3A_407, %swap3A_408] {strides = array<i32>} : memref<128x128xf32, #tpu.memory_space<vmem>>, vector<16xf32>,
        tpu.vector_store %arg11[%swap3A_407, %swap3A_408], %mul3A_406 {strides = array<i32>} : memref<128x128xf32, #tpu.memory_space<vmem>>, vector<16xf32>,
        %get3A_410 = arith.index_cast %add3A_378 : i32 to index
        %get3A_411 = arith.constant 64 : index
        %get3A_412 = tpu.vector_load %arg11[%get3A_410, %get3A_411] {strides = array<i32>} : memref<128x128xf32, #tpu.memory_space<vmem>>, vector<16xf32>,
        %mul3A_413 = arith.mulf %get3A_412, %gather3A_381 : vector<16xf32>
        %swap3A_414 = arith.index_cast %add3A_378 : i32 to index
        %swap3A_415 = arith.constant 64 : index
        %swap3A_416 = tpu.vector_load %arg11[%swap3A_414, %swap3A_415] {strides = array<i32>} : memref<128x128xf32, #tpu.memory_space<vmem>>, vector<16xf32>,
        tpu.vector_store %arg11[%swap3A_414, %swap3A_415], %mul3A_413 {strides = array<i32>} : memref<128x128xf32, #tpu.memory_space<vmem>>, vector<16xf32>,
        %get3A_417 = arith.index_cast %add3A_378 : i32 to index
        %get3A_418 = arith.constant 80 : index
        %get3A_419 = tpu.vector_load %arg11[%get3A_417, %get3A_418] {strides = array<i32>} : memref<128x128xf32, #tpu.memory_space<vmem>>, vector<16xf32>,
        %mul3A_420 = arith.mulf %get3A_419, %gather3A_381 : vector<16xf32>
        %swap3A_421 = arith.index_cast %add3A_378 : i32 to index
        %swap3A_422 = arith.constant 80 : index
        %swap3A_423 = tpu.vector_load %arg11[%swap3A_421, %swap3A_422] {strides = array<i32>} : memref<128x128xf32, #tpu.memory_space<vmem>>, vector<16xf32>,
        tpu.vector_store %arg11[%swap3A_421, %swap3A_422], %mul3A_420 {strides = array<i32>} : memref<128x128xf32, #tpu.memory_space<vmem>>, vector<16xf32>,
        %get3A_424 = arith.index_cast %add3A_378 : i32 to index
        %get3A_425 = arith.constant 96 : index
        %get3A_426 = tpu.vector_load %arg11[%get3A_424, %get3A_425] {strides = array<i32>} : memref<128x128xf32, #tpu.memory_space<vmem>>, vector<16xf32>,
        %mul3A_427 = arith.mulf %get3A_426, %gather3A_381 : vector<16xf32>
        %swap3A_428 = arith.index_cast %add3A_378 : i32 to index
        %swap3A_429 = arith.constant 96 : index
        %swap3A_430 = tpu.vector_load %arg11[%swap3A_428, %swap3A_429] {strides = array<i32>} : memref<128x128xf32, #tpu.memory_space<vmem>>, vector<16xf32>,
        tpu.vector_store %arg11[%swap3A_428, %swap3A_429], %mul3A_427 {strides = array<i32>} : memref<128x128xf32, #tpu.memory_space<vmem>>, vector<16xf32>,
        %get3A_431 = arith.index_cast %add3A_378 : i32 to index
        %get3A_432 = arith.constant 112 : index
        %get3A_433 = tpu.vector_load %arg11[%get3A_431, %get3A_432] {strides = array<i32>} : memref<128x128xf32, #tpu.memory_space<vmem>>, vector<16xf32>,
        %mul3A_434 = arith.mulf %get3A_433, %gather3A_381 : vector<16xf32>
        %swap3A_435 = arith.index_cast %add3A_378 : i32 to index
        %swap3A_436 = arith.constant 112 : index
        %swap3A_437 = tpu.vector_load %arg11[%swap3A_435, %swap3A_436] {strides = array<i32>} : memref<128x128xf32, #tpu.memory_space<vmem>>, vector<16xf32>,
        tpu.vector_store %arg11[%swap3A_435, %swap3A_436], %mul3A_434 {strides = array<i32>} : memref<128x128xf32, #tpu.memory_space<vmem>>, vector<16xf32>,
        %add3A_438 = arith.constant 2 : i32
        %add3A_439 = arith.addi %mul3A_318, %add3A_438 : i32
        %add3A_440 = arith.addi %while3A_279, %add3A_439 : i32
        %broadcast_in_dim3A_441 = vector.broadcast %add3A_440 : i32 to vector<16xi32>
        %gather3A_442 = tpu.vector_load_idx %arg9[%broadcast_in_dim3A_441] : memref<256xf32, #tpu.memory_space<vmem>>[vector<16xi32>], vector<16xf32>,
        %get3A_443 = arith.index_cast %add3A_439 : i32 to index
        %get3A_444 = arith.constant 0 : index
        %get3A_445 = tpu.vector_load %arg11[%get3A_443, %get3A_444] {strides = array<i32>} : memref<128x128xf32, #tpu.memory_space<vmem>>, vector<16xf32>,
        %mul3A_446 = arith.mulf %get3A_445, %gather3A_442 : vector<16xf32>
        %swap3A_447 = arith.index_cast %add3A_439 : i32 to index
        %swap3A_448 = arith.constant 0 : index
        %swap3A_449 = tpu.vector_load %arg11[%swap3A_447, %swap3A_448] {strides = array<i32>} : memref<128x128xf32, #tpu.memory_space<vmem>>, vector<16xf32>,
        tpu.vector_store %arg11[%swap3A_447, %swap3A_448], %mul3A_446 {strides = array<i32>} : memref<128x128xf32, #tpu.memory_space<vmem>>, vector<16xf32>,
        %get3A_450 = arith.index_cast %add3A_439 : i32 to index
        %get3A_451 = arith.constant 16 : index
        %get3A_452 = tpu.vector_load %arg11[%get3A_450, %get3A_451] {strides = array<i32>} : memref<128x128xf32, #tpu.memory_space<vmem>>, vector<16xf32>,
        %mul3A_453 = arith.mulf %get3A_452, %gather3A_442 : vector<16xf32>
        %swap3A_454 = arith.index_cast %add3A_439 : i32 to index
        %swap3A_455 = arith.constant 16 : index
        %swap3A_456 = tpu.vector_load %arg11[%swap3A_454, %swap3A_455] {strides = array<i32>} : memref<128x128xf32, #tpu.memory_space<vmem>>, vector<16xf32>,
        tpu.vector_store %arg11[%swap3A_454, %swap3A_455], %mul3A_453 {strides = array<i32>} : memref<128x128xf32, #tpu.memory_space<vmem>>, vector<16xf32>,
        %get3A_457 = arith.index_cast %add3A_439 : i32 to index
        %get3A_458 = arith.constant 32 : index
        %get3A_459 = tpu.vector_load %arg11[%get3A_457, %get3A_458] {strides = array<i32>} : memref<128x128xf32, #tpu.memory_space<vmem>>, vector<16xf32>,
        %mul3A_460 = arith.mulf %get3A_459, %gather3A_442 : vector<16xf32>
        %swap3A_461 = arith.index_cast %add3A_439 : i32 to index
        %swap3A_462 = arith.constant 32 : index
        %swap3A_463 = tpu.vector_load %arg11[%swap3A_461, %swap3A_462] {strides = array<i32>} : memref<128x128xf32, #tpu.memory_space<vmem>>, vector<16xf32>,
        tpu.vector_store %arg11[%swap3A_461, %swap3A_462], %mul3A_460 {strides = array<i32>} : memref<128x128xf32, #tpu.memory_space<vmem>>, vector<16xf32>,
        %get3A_464 = arith.index_cast %add3A_439 : i32 to index
        %get3A_465 = arith.constant 48 : index
        %get3A_466 = tpu.vector_load %arg11[%get3A_464, %get3A_465] {strides = array<i32>} : memref<128x128xf32, #tpu.memory_space<vmem>>, vector<16xf32>,
        %mul3A_467 = arith.mulf %get3A_466, %gather3A_442 : vector<16xf32>
        %swap3A_468 = arith.index_cast %add3A_439 : i32 to index
        %swap3A_469 = arith.constant 48 : index
        %swap3A_470 = tpu.vector_load %arg11[%swap3A_468, %swap3A_469] {strides = array<i32>} : memref<128x128xf32, #tpu.memory_space<vmem>>, vector<16xf32>,
        tpu.vector_store %arg11[%swap3A_468, %swap3A_469], %mul3A_467 {strides = array<i32>} : memref<128x128xf32, #tpu.memory_space<vmem>>, vector<16xf32>,
        %get3A_471 = arith.index_cast %add3A_439 : i32 to index
        %get3A_472 = arith.constant 64 : index
        %get3A_473 = tpu.vector_load %arg11[%get3A_471, %get3A_472] {strides = array<i32>} : memref<128x128xf32, #tpu.memory_space<vmem>>, vector<16xf32>,
        %mul3A_474 = arith.mulf %get3A_473, %gather3A_442 : vector<16xf32>
        %swap3A_475 = arith.index_cast %add3A_439 : i32 to index
        %swap3A_476 = arith.constant 64 : index
        %swap3A_477 = tpu.vector_load %arg11[%swap3A_475, %swap3A_476] {strides = array<i32>} : memref<128x128xf32, #tpu.memory_space<vmem>>, vector<16xf32>,
        tpu.vector_store %arg11[%swap3A_475, %swap3A_476], %mul3A_474 {strides = array<i32>} : memref<128x128xf32, #tpu.memory_space<vmem>>, vector<16xf32>,
        %get3A_478 = arith.index_cast %add3A_439 : i32 to index
        %get3A_479 = arith.constant 80 : index
        %get3A_480 = tpu.vector_load %arg11[%get3A_478, %get3A_479] {strides = array<i32>} : memref<128x128xf32, #tpu.memory_space<vmem>>, vector<16xf32>,
        %mul3A_481 = arith.mulf %get3A_480, %gather3A_442 : vector<16xf32>
        %swap3A_482 = arith.index_cast %add3A_439 : i32 to index
        %swap3A_483 = arith.constant 80 : index
        %swap3A_484 = tpu.vector_load %arg11[%swap3A_482, %swap3A_483] {strides = array<i32>} : memref<128x128xf32, #tpu.memory_space<vmem>>, vector<16xf32>,
        tpu.vector_store %arg11[%swap3A_482, %swap3A_483], %mul3A_481 {strides = array<i32>} : memref<128x128xf32, #tpu.memory_space<vmem>>, vector<16xf32>,
        %get3A_485 = arith.index_cast %add3A_439 : i32 to index
        %get3A_486 = arith.constant 96 : index
        %get3A_487 = tpu.vector_load %arg11[%get3A_485, %get3A_486] {strides = array<i32>} : memref<128x128xf32, #tpu.memory_space<vmem>>, vector<16xf32>,
        %mul3A_488 = arith.mulf %get3A_487, %gather3A_442 : vector<16xf32>
        %swap3A_489 = arith.index_cast %add3A_439 : i32 to index
        %swap3A_490 = arith.constant 96 : index
        %swap3A_491 = tpu.vector_load %arg11[%swap3A_489, %swap3A_490] {strides = array<i32>} : memref<128x128xf32, #tpu.memory_space<vmem>>, vector<16xf32>,
        tpu.vector_store %arg11[%swap3A_489, %swap3A_490], %mul3A_488 {strides = array<i32>} : memref<128x128xf32, #tpu.memory_space<vmem>>, vector<16xf32>,
        %get3A_492 = arith.index_cast %add3A_439 : i32 to index
        %get3A_493 = arith.constant 112 : index
        %get3A_494 = tpu.vector_load %arg11[%get3A_492, %get3A_493] {strides = array<i32>} : memref<128x128xf32, #tpu.memory_space<vmem>>, vector<16xf32>,
        %mul3A_495 = arith.mulf %get3A_494, %gather3A_442 : vector<16xf32>
        %swap3A_496 = arith.index_cast %add3A_439 : i32 to index
        %swap3A_497 = arith.constant 112 : index
        %swap3A_498 = tpu.vector_load %arg11[%swap3A_496, %swap3A_497] {strides = array<i32>} : memref<128x128xf32, #tpu.memory_space<vmem>>, vector<16xf32>,
        tpu.vector_store %arg11[%swap3A_496, %swap3A_497], %mul3A_495 {strides = array<i32>} : memref<128x128xf32, #tpu.memory_space<vmem>>, vector<16xf32>,
        %add3A_499 = arith.constant 3 : i32
        %add3A_500 = arith.addi %mul3A_318, %add3A_499 : i32
        %add3A_501 = arith.addi %while3A_279, %add3A_500 : i32
        %broadcast_in_dim3A_502 = vector.broadcast %add3A_501 : i32 to vector<16xi32>
        %gather3A_503 = tpu.vector_load_idx %arg9[%broadcast_in_dim3A_502] : memref<256xf32, #tpu.memory_space<vmem>>[vector<16xi32>], vector<16xf32>,
        %get3A_504 = arith.index_cast %add3A_500 : i32 to index
        %get3A_505 = arith.constant 0 : index
        %get3A_506 = tpu.vector_load %arg11[%get3A_504, %get3A_505] {strides = array<i32>} : memref<128x128xf32, #tpu.memory_space<vmem>>, vector<16xf32>,
        %mul3A_507 = arith.mulf %get3A_506, %gather3A_503 : vector<16xf32>
        %swap3A_508 = arith.index_cast %add3A_500 : i32 to index
        %swap3A_509 = arith.constant 0 : index
        %swap3A_510 = tpu.vector_load %arg11[%swap3A_508, %swap3A_509] {strides = array<i32>} : memref<128x128xf32, #tpu.memory_space<vmem>>, vector<16xf32>,
        tpu.vector_store %arg11[%swap3A_508, %swap3A_509], %mul3A_507 {strides = array<i32>} : memref<128x128xf32, #tpu.memory_space<vmem>>, vector<16xf32>,
        %get3A_511 = arith.index_cast %add3A_500 : i32 to index
        %get3A_512 = arith.constant 16 : index
        %get3A_513 = tpu.vector_load %arg11[%get3A_511, %get3A_512] {strides = array<i32>} : memref<128x128xf32, #tpu.memory_space<vmem>>, vector<16xf32>,
        %mul3A_514 = arith.mulf %get3A_513, %gather3A_503 : vector<16xf32>
        %swap3A_515 = arith.index_cast %add3A_500 : i32 to index
        %swap3A_516 = arith.constant 16 : index
        %swap3A_517 = tpu.vector_load %arg11[%swap3A_515, %swap3A_516] {strides = array<i32>} : memref<128x128xf32, #tpu.memory_space<vmem>>, vector<16xf32>,
        tpu.vector_store %arg11[%swap3A_515, %swap3A_516], %mul3A_514 {strides = array<i32>} : memref<128x128xf32, #tpu.memory_space<vmem>>, vector<16xf32>,
        %get3A_518 = arith.index_cast %add3A_500 : i32 to index
        %get3A_519 = arith.constant 32 : index
        %get3A_520 = tpu.vector_load %arg11[%get3A_518, %get3A_519] {strides = array<i32>} : memref<128x128xf32, #tpu.memory_space<vmem>>, vector<16xf32>,
        %mul3A_521 = arith.mulf %get3A_520, %gather3A_503 : vector<16xf32>
        %swap3A_522 = arith.index_cast %add3A_500 : i32 to index
        %swap3A_523 = arith.constant 32 : index
        %swap3A_524 = tpu.vector_load %arg11[%swap3A_522, %swap3A_523] {strides = array<i32>} : memref<128x128xf32, #tpu.memory_space<vmem>>, vector<16xf32>,
        tpu.vector_store %arg11[%swap3A_522, %swap3A_523], %mul3A_521 {strides = array<i32>} : memref<128x128xf32, #tpu.memory_space<vmem>>, vector<16xf32>,
        %get3A_525 = arith.index_cast %add3A_500 : i32 to index
        %get3A_526 = arith.constant 48 : index
        %get3A_527 = tpu.vector_load %arg11[%get3A_525, %get3A_526] {strides = array<i32>} : memref<128x128xf32, #tpu.memory_space<vmem>>, vector<16xf32>,
        %mul3A_528 = arith.mulf %get3A_527, %gather3A_503 : vector<16xf32>
        %swap3A_529 = arith.index_cast %add3A_500 : i32 to index
        %swap3A_530 = arith.constant 48 : index
        %swap3A_531 = tpu.vector_load %arg11[%swap3A_529, %swap3A_530] {strides = array<i32>} : memref<128x128xf32, #tpu.memory_space<vmem>>, vector<16xf32>,
        tpu.vector_store %arg11[%swap3A_529, %swap3A_530], %mul3A_528 {strides = array<i32>} : memref<128x128xf32, #tpu.memory_space<vmem>>, vector<16xf32>,
        %get3A_532 = arith.index_cast %add3A_500 : i32 to index
        %get3A_533 = arith.constant 64 : index
        %get3A_534 = tpu.vector_load %arg11[%get3A_532, %get3A_533] {strides = array<i32>} : memref<128x128xf32, #tpu.memory_space<vmem>>, vector<16xf32>,
        %mul3A_535 = arith.mulf %get3A_534, %gather3A_503 : vector<16xf32>
        %swap3A_536 = arith.index_cast %add3A_500 : i32 to index
        %swap3A_537 = arith.constant 64 : index
        %swap3A_538 = tpu.vector_load %arg11[%swap3A_536, %swap3A_537] {strides = array<i32>} : memref<128x128xf32, #tpu.memory_space<vmem>>, vector<16xf32>,
        tpu.vector_store %arg11[%swap3A_536, %swap3A_537], %mul3A_535 {strides = array<i32>} : memref<128x128xf32, #tpu.memory_space<vmem>>, vector<16xf32>,
        %get3A_539 = arith.index_cast %add3A_500 : i32 to index
        %get3A_540 = arith.constant 80 : index
        %get3A_541 = tpu.vector_load %arg11[%get3A_539, %get3A_540] {strides = array<i32>} : memref<128x128xf32, #tpu.memory_space<vmem>>, vector<16xf32>,
        %mul3A_542 = arith.mulf %get3A_541, %gather3A_503 : vector<16xf32>
        %swap3A_543 = arith.index_cast %add3A_500 : i32 to index
        %swap3A_544 = arith.constant 80 : index
        %swap3A_545 = tpu.vector_load %arg11[%swap3A_543, %swap3A_544] {strides = array<i32>} : memref<128x128xf32, #tpu.memory_space<vmem>>, vector<16xf32>,
        tpu.vector_store %arg11[%swap3A_543, %swap3A_544], %mul3A_542 {strides = array<i32>} : memref<128x128xf32, #tpu.memory_space<vmem>>, vector<16xf32>,
        %get3A_546 = arith.index_cast %add3A_500 : i32 to index
        %get3A_547 = arith.constant 96 : index
        %get3A_548 = tpu.vector_load %arg11[%get3A_546, %get3A_547] {strides = array<i32>} : memref<128x128xf32, #tpu.memory_space<vmem>>, vector<16xf32>,
        %mul3A_549 = arith.mulf %get3A_548, %gather3A_503 : vector<16xf32>
        %swap3A_550 = arith.index_cast %add3A_500 : i32 to index
        %swap3A_551 = arith.constant 96 : index
        %swap3A_552 = tpu.vector_load %arg11[%swap3A_550, %swap3A_551] {strides = array<i32>} : memref<128x128xf32, #tpu.memory_space<vmem>>, vector<16xf32>,
        tpu.vector_store %arg11[%swap3A_550, %swap3A_551], %mul3A_549 {strides = array<i32>} : memref<128x128xf32, #tpu.memory_space<vmem>>, vector<16xf32>,
        %get3A_553 = arith.index_cast %add3A_500 : i32 to index
        %get3A_554 = arith.constant 112 : index
        %get3A_555 = tpu.vector_load %arg11[%get3A_553, %get3A_554] {strides = array<i32>} : memref<128x128xf32, #tpu.memory_space<vmem>>, vector<16xf32>,
        %mul3A_556 = arith.mulf %get3A_555, %gather3A_503 : vector<16xf32>
        %swap3A_557 = arith.index_cast %add3A_500 : i32 to index
        %swap3A_558 = arith.constant 112 : index
        %swap3A_559 = tpu.vector_load %arg11[%swap3A_557, %swap3A_558] {strides = array<i32>} : memref<128x128xf32, #tpu.memory_space<vmem>>, vector<16xf32>,
        tpu.vector_store %arg11[%swap3A_557, %swap3A_558], %mul3A_556 {strides = array<i32>} : memref<128x128xf32, #tpu.memory_space<vmem>>, vector<16xf32>,
      }
      %while3A_289 = arith.constant 1 : i32
      scf.for %while3A_316 = %while3A_287 to %while3A_283 step %while3A_289  : i32 {
        %mul3A_317 = arith.constant 4 : i32
        %mul3A_318 = arith.muli %while3A_316, %mul3A_317 : i32
        %add3A_319 = arith.constant 0 : i32
        %add3A_320 = arith.addi %mul3A_318, %add3A_319 : i32
        %add3A_321 = arith.addi %while3A_279, %add3A_320 : i32
        %broadcast_in_dim3A_322 = vector.broadcast %add3A_321 : i32 to vector<16xi32>
        %gather3A = tpu.vector_load_idx %arg9[%broadcast_in_dim3A_322] : memref<256xf32, #tpu.memory_space<vmem>>[vector<16xi32>], vector<16xf32>,
        %get3A = arith.index_cast %add3A_320 : i32 to index
        %get3A_323 = arith.constant 0 : index
        %get3A_324 = tpu.vector_load %arg11[%get3A, %get3A_323] {strides = array<i32>} : memref<128x128xf32, #tpu.memory_space<vmem>>, vector<16xf32>,
        %mul3A_325 = arith.mulf %get3A_324, %gather3A : vector<16xf32>
        %swap3A = arith.index_cast %add3A_320 : i32 to index
        %swap3A_326 = arith.constant 0 : index
        %swap3A_327 = tpu.vector_load %arg11[%swap3A, %swap3A_326] {strides = array<i32>} : memref<128x128xf32, #tpu.memory_space<vmem>>, vector<16xf32>,
        tpu.vector_store %arg11[%swap3A, %swap3A_326], %mul3A_325 {strides = array<i32>} : memref<128x128xf32, #tpu.memory_space<vmem>>, vector<16xf32>,
        %get3A_328 = arith.index_cast %add3A_320 : i32 to index
        %get3A_329 = arith.constant 16 : index
        %get3A_330 = tpu.vector_load %arg11[%get3A_328, %get3A_329] {strides = array<i32>} : memref<128x128xf32, #tpu.memory_space<vmem>>, vector<16xf32>,
        %mul3A_331 = arith.mulf %get3A_330, %gather3A : vector<16xf32>
        %swap3A_332 = arith.index_cast %add3A_320 : i32 to index
        %swap3A_333 = arith.constant 16 : index
        %swap3A_334 = tpu.vector_load %arg11[%swap3A_332, %swap3A_333] {strides = array<i32>} : memref<128x128xf32, #tpu.memory_space<vmem>>, vector<16xf32>,
        tpu.vector_store %arg11[%swap3A_332, %swap3A_333], %mul3A_331 {strides = array<i32>} : memref<128x128xf32, #tpu.memory_space<vmem>>, vector<16xf32>,
        %get3A_335 = arith.index_cast %add3A_320 : i32 to index
        %get3A_336 = arith.constant 32 : index
        %get3A_337 = tpu.vector_load %arg11[%get3A_335, %get3A_336] {strides = array<i32>} : memref<128x128xf32, #tpu.memory_space<vmem>>, vector<16xf32>,
        %mul3A_338 = arith.mulf %get3A_337, %gather3A : vector<16xf32>
        %swap3A_339 = arith.index_cast %add3A_320 : i32 to index
        %swap3A_340 = arith.constant 32 : index
        %swap3A_341 = tpu.vector_load %arg11[%swap3A_339, %swap3A_340] {strides = array<i32>} : memref<128x128xf32, #tpu.memory_space<vmem>>, vector<16xf32>,
        tpu.vector_store %arg11[%swap3A_339, %swap3A_340], %mul3A_338 {strides = array<i32>} : memref<128x128xf32, #tpu.memory_space<vmem>>, vector<16xf32>,
        %get3A_342 = arith.index_cast %add3A_320 : i32 to index
        %get3A_343 = arith.constant 48 : index
        %get3A_344 = tpu.vector_load %arg11[%get3A_342, %get3A_343] {strides = array<i32>} : memref<128x128xf32, #tpu.memory_space<vmem>>, vector<16xf32>,
        %mul3A_345 = arith.mulf %get3A_344, %gather3A : vector<16xf32>
        %swap3A_346 = arith.index_cast %add3A_320 : i32 to index
        %swap3A_347 = arith.constant 48 : index
        %swap3A_348 = tpu.vector_load %arg11[%swap3A_346, %swap3A_347] {strides = array<i32>} : memref<128x128xf32, #tpu.memory_space<vmem>>, vector<16xf32>,
        tpu.vector_store %arg11[%swap3A_346, %swap3A_347], %mul3A_345 {strides = array<i32>} : memref<128x128xf32, #tpu.memory_space<vmem>>, vector<16xf32>,
        %get3A_349 = arith.index_cast %add3A_320 : i32 to index
        %get3A_350 = arith.constant 64 : index
        %get3A_351 = tpu.vector_load %arg11[%get3A_349, %get3A_350] {strides = array<i32>} : memref<128x128xf32, #tpu.memory_space<vmem>>, vector<16xf32>,
        %mul3A_352 = arith.mulf %get3A_351, %gather3A : vector<16xf32>
        %swap3A_353 = arith.index_cast %add3A_320 : i32 to index
        %swap3A_354 = arith.constant 64 : index
        %swap3A_355 = tpu.vector_load %arg11[%swap3A_353, %swap3A_354] {strides = array<i32>} : memref<128x128xf32, #tpu.memory_space<vmem>>, vector<16xf32>,
        tpu.vector_store %arg11[%swap3A_353, %swap3A_354], %mul3A_352 {strides = array<i32>} : memref<128x128xf32, #tpu.memory_space<vmem>>, vector<16xf32>,
        %get3A_356 = arith.index_cast %add3A_320 : i32 to index
        %get3A_357 = arith.constant 80 : index
        %get3A_358 = tpu.vector_load %arg11[%get3A_356, %get3A_357] {strides = array<i32>} : memref<128x128xf32, #tpu.memory_space<vmem>>, vector<16xf32>,
        %mul3A_359 = arith.mulf %get3A_358, %gather3A : vector<16xf32>
        %swap3A_360 = arith.index_cast %add3A_320 : i32 to index
        %swap3A_361 = arith.constant 80 : index
        %swap3A_362 = tpu.vector_load %arg11[%swap3A_360, %swap3A_361] {strides = array<i32>} : memref<128x128xf32, #tpu.memory_space<vmem>>, vector<16xf32>,
        tpu.vector_store %arg11[%swap3A_360, %swap3A_361], %mul3A_359 {strides = array<i32>} : memref<128x128xf32, #tpu.memory_space<vmem>>, vector<16xf32>,
        %get3A_363 = arith.index_cast %add3A_320 : i32 to index
        %get3A_364 = arith.constant 96 : index
        %get3A_365 = tpu.vector_load %arg11[%get3A_363, %get3A_364] {strides = array<i32>} : memref<128x128xf32, #tpu.memory_space<vmem>>, vector<16xf32>,
        %mul3A_366 = arith.mulf %get3A_365, %gather3A : vector<16xf32>
        %swap3A_367 = arith.index_cast %add3A_320 : i32 to index
        %swap3A_368 = arith.constant 96 : index
        %swap3A_369 = tpu.vector_load %arg11[%swap3A_367, %swap3A_368] {strides = array<i32>} : memref<128x128xf32, #tpu.memory_space<vmem>>, vector<16xf32>,
        tpu.vector_store %arg11[%swap3A_367, %swap3A_368], %mul3A_366 {strides = array<i32>} : memref<128x128xf32, #tpu.memory_space<vmem>>, vector<16xf32>,
        %get3A_370 = arith.index_cast %add3A_320 : i32 to index
        %get3A_371 = arith.constant 112 : index
        %get3A_372 = tpu.vector_load %arg11[%get3A_370, %get3A_371] {strides = array<i32>} : memref<128x128xf32, #tpu.memory_space<vmem>>, vector<16xf32>,
        %mul3A_373 = arith.mulf %get3A_372, %gather3A : vector<16xf32>
        %swap3A_374 = arith.index_cast %add3A_320 : i32 to index
        %swap3A_375 = arith.constant 112 : index
        %swap3A_376 = tpu.vector_load %arg11[%swap3A_374, %swap3A_375] {strides = array<i32>} : memref<128x128xf32, #tpu.memory_space<vmem>>, vector<16xf32>,
        tpu.vector_store %arg11[%swap3A_374, %swap3A_375], %mul3A_373 {strides = array<i32>} : memref<128x128xf32, #tpu.memory_space<vmem>>, vector<16xf32>,
        %add3A_377 = arith.constant 1 : i32
        %add3A_378 = arith.addi %mul3A_318, %add3A_377 : i32
        %add3A_379 = arith.addi %while3A_279, %add3A_378 : i32
        %broadcast_in_dim3A_380 = vector.broadcast %add3A_379 : i32 to vector<16xi32>
        %gather3A_381 = tpu.vector_load_idx %arg9[%broadcast_in_dim3A_380] : memref<256xf32, #tpu.memory_space<vmem>>[vector<16xi32>], vector<16xf32>,
        %get3A_382 = arith.index_cast %add3A_378 : i32 to index
        %get3A_383 = arith.constant 0 : index
        %get3A_384 = tpu.vector_load %arg11[%get3A_382, %get3A_383] {strides = array<i32>} : memref<128x128xf32, #tpu.memory_space<vmem>>, vector<16xf32>,
        %mul3A_385 = arith.mulf %get3A_384, %gather3A_381 : vector<16xf32>
        %swap3A_386 = arith.index_cast %add3A_378 : i32 to index
        %swap3A_387 = arith.constant 0 : index
        %swap3A_388 = tpu.vector_load %arg11[%swap3A_386, %swap3A_387] {strides = array<i32>} : memref<128x128xf32, #tpu.memory_space<vmem>>, vector<16xf32>,
        tpu.vector_store %arg11[%swap3A_386, %swap3A_387], %mul3A_385 {strides = array<i32>} : memref<128x128xf32, #tpu.memory_space<vmem>>, vector<16xf32>,
        %get3A_389 = arith.index_cast %add3A_378 : i32 to index
        %get3A_390 = arith.constant 16 : index
        %get3A_391 = tpu.vector_load %arg11[%get3A_389, %get3A_390] {strides = array<i32>} : memref<128x128xf32, #tpu.memory_space<vmem>>, vector<16xf32>,
        %mul3A_392 = arith.mulf %get3A_391, %gather3A_381 : vector<16xf32>
        %swap3A_393 = arith.index_cast %add3A_378 : i32 to index
        %swap3A_394 = arith.constant 16 : index
        %swap3A_395 = tpu.vector_load %arg11[%swap3A_393, %swap3A_394] {strides = array<i32>} : memref<128x128xf32, #tpu.memory_space<vmem>>, vector<16xf32>,
        tpu.vector_store %arg11[%swap3A_393, %swap3A_394], %mul3A_392 {strides = array<i32>} : memref<128x128xf32, #tpu.memory_space<vmem>>, vector<16xf32>,
        %get3A_396 = arith.index_cast %add3A_378 : i32 to index
        %get3A_397 = arith.constant 32 : index
        %get3A_398 = tpu.vector_load %arg11[%get3A_396, %get3A_397] {strides = array<i32>} : memref<128x128xf32, #tpu.memory_space<vmem>>, vector<16xf32>,
        %mul3A_399 = arith.mulf %get3A_398, %gather3A_381 : vector<16xf32>
        %swap3A_400 = arith.index_cast %add3A_378 : i32 to index
        %swap3A_401 = arith.constant 32 : index
        %swap3A_402 = tpu.vector_load %arg11[%swap3A_400, %swap3A_401] {strides = array<i32>} : memref<128x128xf32, #tpu.memory_space<vmem>>, vector<16xf32>,
        tpu.vector_store %arg11[%swap3A_400, %swap3A_401], %mul3A_399 {strides = array<i32>} : memref<128x128xf32, #tpu.memory_space<vmem>>, vector<16xf32>,
        %get3A_403 = arith.index_cast %add3A_378 : i32 to index
        %get3A_404 = arith.constant 48 : index
        %get3A_405 = tpu.vector_load %arg11[%get3A_403, %get3A_404] {strides = array<i32>} : memref<128x128xf32, #tpu.memory_space<vmem>>, vector<16xf32>,
        %mul3A_406 = arith.mulf %get3A_405, %gather3A_381 : vector<16xf32>
        %swap3A_407 = arith.index_cast %add3A_378 : i32 to index
        %swap3A_408 = arith.constant 48 : index
        %swap3A_409 = tpu.vector_load %arg11[%swap3A_407, %swap3A_408] {strides = array<i32>} : memref<128x128xf32, #tpu.memory_space<vmem>>, vector<16xf32>,
        tpu.vector_store %arg11[%swap3A_407, %swap3A_408], %mul3A_406 {strides = array<i32>} : memref<128x128xf32, #tpu.memory_space<vmem>>, vector<16xf32>,
        %get3A_410 = arith.index_cast %add3A_378 : i32 to index
        %get3A_411 = arith.constant 64 : index
        %get3A_412 = tpu.vector_load %arg11[%get3A_410, %get3A_411] {strides = array<i32>} : memref<128x128xf32, #tpu.memory_space<vmem>>, vector<16xf32>,
        %mul3A_413 = arith.mulf %get3A_412, %gather3A_381 : vector<16xf32>
        %swap3A_414 = arith.index_cast %add3A_378 : i32 to index
        %swap3A_415 = arith.constant 64 : index
        %swap3A_416 = tpu.vector_load %arg11[%swap3A_414, %swap3A_415] {strides = array<i32>} : memref<128x128xf32, #tpu.memory_space<vmem>>, vector<16xf32>,
        tpu.vector_store %arg11[%swap3A_414, %swap3A_415], %mul3A_413 {strides = array<i32>} : memref<128x128xf32, #tpu.memory_space<vmem>>, vector<16xf32>,
        %get3A_417 = arith.index_cast %add3A_378 : i32 to index
        %get3A_418 = arith.constant 80 : index
        %get3A_419 = tpu.vector_load %arg11[%get3A_417, %get3A_418] {strides = array<i32>} : memref<128x128xf32, #tpu.memory_space<vmem>>, vector<16xf32>,
        %mul3A_420 = arith.mulf %get3A_419, %gather3A_381 : vector<16xf32>
        %swap3A_421 = arith.index_cast %add3A_378 : i32 to index
        %swap3A_422 = arith.constant 80 : index
        %swap3A_423 = tpu.vector_load %arg11[%swap3A_421, %swap3A_422] {strides = array<i32>} : memref<128x128xf32, #tpu.memory_space<vmem>>, vector<16xf32>,
        tpu.vector_store %arg11[%swap3A_421, %swap3A_422], %mul3A_420 {strides = array<i32>} : memref<128x128xf32, #tpu.memory_space<vmem>>, vector<16xf32>,
        %get3A_424 = arith.index_cast %add3A_378 : i32 to index
        %get3A_425 = arith.constant 96 : index
        %get3A_426 = tpu.vector_load %arg11[%get3A_424, %get3A_425] {strides = array<i32>} : memref<128x128xf32, #tpu.memory_space<vmem>>, vector<16xf32>,
        %mul3A_427 = arith.mulf %get3A_426, %gather3A_381 : vector<16xf32>
        %swap3A_428 = arith.index_cast %add3A_378 : i32 to index
        %swap3A_429 = arith.constant 96 : index
        %swap3A_430 = tpu.vector_load %arg11[%swap3A_428, %swap3A_429] {strides = array<i32>} : memref<128x128xf32, #tpu.memory_space<vmem>>, vector<16xf32>,
        tpu.vector_store %arg11[%swap3A_428, %swap3A_429], %mul3A_427 {strides = array<i32>} : memref<128x128xf32, #tpu.memory_space<vmem>>, vector<16xf32>,
        %get3A_431 = arith.index_cast %add3A_378 : i32 to index
        %get3A_432 = arith.constant 112 : index
        %get3A_433 = tpu.vector_load %arg11[%get3A_431, %get3A_432] {strides = array<i32>} : memref<128x128xf32, #tpu.memory_space<vmem>>, vector<16xf32>,
        %mul3A_434 = arith.mulf %get3A_433, %gather3A_381 : vector<16xf32>
        %swap3A_435 = arith.index_cast %add3A_378 : i32 to index
        %swap3A_436 = arith.constant 112 : index
        %swap3A_437 = tpu.vector_load %arg11[%swap3A_435, %swap3A_436] {strides = array<i32>} : memref<128x128xf32, #tpu.memory_space<vmem>>, vector<16xf32>,
        tpu.vector_store %arg11[%swap3A_435, %swap3A_436], %mul3A_434 {strides = array<i32>} : memref<128x128xf32, #tpu.memory_space<vmem>>, vector<16xf32>,
        %add3A_438 = arith.constant 2 : i32
        %add3A_439 = arith.addi %mul3A_318, %add3A_438 : i32
        %add3A_440 = arith.addi %while3A_279, %add3A_439 : i32
        %broadcast_in_dim3A_441 = vector.broadcast %add3A_440 : i32 to vector<16xi32>
        %gather3A_442 = tpu.vector_load_idx %arg9[%broadcast_in_dim3A_441] : memref<256xf32, #tpu.memory_space<vmem>>[vector<16xi32>], vector<16xf32>,
        %get3A_443 = arith.index_cast %add3A_439 : i32 to index
        %get3A_444 = arith.constant 0 : index
        %get3A_445 = tpu.vector_load %arg11[%get3A_443, %get3A_444] {strides = array<i32>} : memref<128x128xf32, #tpu.memory_space<vmem>>, vector<16xf32>,
        %mul3A_446 = arith.mulf %get3A_445, %gather3A_442 : vector<16xf32>
        %swap3A_447 = arith.index_cast %add3A_439 : i32 to index
        %swap3A_448 = arith.constant 0 : index
        %swap3A_449 = tpu.vector_load %arg11[%swap3A_447, %swap3A_448] {strides = array<i32>} : memref<128x128xf32, #tpu.memory_space<vmem>>, vector<16xf32>,
        tpu.vector_store %arg11[%swap3A_447, %swap3A_448], %mul3A_446 {strides = array<i32>} : memref<128x128xf32, #tpu.memory_space<vmem>>, vector<16xf32>,
        %get3A_450 = arith.index_cast %add3A_439 : i32 to index
        %get3A_451 = arith.constant 16 : index
        %get3A_452 = tpu.vector_load %arg11[%get3A_450, %get3A_451] {strides = array<i32>} : memref<128x128xf32, #tpu.memory_space<vmem>>, vector<16xf32>,
        %mul3A_453 = arith.mulf %get3A_452, %gather3A_442 : vector<16xf32>
        %swap3A_454 = arith.index_cast %add3A_439 : i32 to index
        %swap3A_455 = arith.constant 16 : index
        %swap3A_456 = tpu.vector_load %arg11[%swap3A_454, %swap3A_455] {strides = array<i32>} : memref<128x128xf32, #tpu.memory_space<vmem>>, vector<16xf32>,
        tpu.vector_store %arg11[%swap3A_454, %swap3A_455], %mul3A_453 {strides = array<i32>} : memref<128x128xf32, #tpu.memory_space<vmem>>, vector<16xf32>,
        %get3A_457 = arith.index_cast %add3A_439 : i32 to index
        %get3A_458 = arith.constant 32 : index
        %get3A_459 = tpu.vector_load %arg11[%get3A_457, %get3A_458] {strides = array<i32>} : memref<128x128xf32, #tpu.memory_space<vmem>>, vector<16xf32>,
        %mul3A_460 = arith.mulf %get3A_459, %gather3A_442 : vector<16xf32>
        %swap3A_461 = arith.index_cast %add3A_439 : i32 to index
        %swap3A_462 = arith.constant 32 : index
        %swap3A_463 = tpu.vector_load %arg11[%swap3A_461, %swap3A_462] {strides = array<i32>} : memref<128x128xf32, #tpu.memory_space<vmem>>, vector<16xf32>,
        tpu.vector_store %arg11[%swap3A_461, %swap3A_462], %mul3A_460 {strides = array<i32>} : memref<128x128xf32, #tpu.memory_space<vmem>>, vector<16xf32>,
        %get3A_464 = arith.index_cast %add3A_439 : i32 to index
        %get3A_465 = arith.constant 48 : index
        %get3A_466 = tpu.vector_load %arg11[%get3A_464, %get3A_465] {strides = array<i32>} : memref<128x128xf32, #tpu.memory_space<vmem>>, vector<16xf32>,
        %mul3A_467 = arith.mulf %get3A_466, %gather3A_442 : vector<16xf32>
        %swap3A_468 = arith.index_cast %add3A_439 : i32 to index
        %swap3A_469 = arith.constant 48 : index
        %swap3A_470 = tpu.vector_load %arg11[%swap3A_468, %swap3A_469] {strides = array<i32>} : memref<128x128xf32, #tpu.memory_space<vmem>>, vector<16xf32>,
        tpu.vector_store %arg11[%swap3A_468, %swap3A_469], %mul3A_467 {strides = array<i32>} : memref<128x128xf32, #tpu.memory_space<vmem>>, vector<16xf32>,
        %get3A_471 = arith.index_cast %add3A_439 : i32 to index
        %get3A_472 = arith.constant 64 : index
        %get3A_473 = tpu.vector_load %arg11[%get3A_471, %get3A_472] {strides = array<i32>} : memref<128x128xf32, #tpu.memory_space<vmem>>, vector<16xf32>,
        %mul3A_474 = arith.mulf %get3A_473, %gather3A_442 : vector<16xf32>
        %swap3A_475 = arith.index_cast %add3A_439 : i32 to index
        %swap3A_476 = arith.constant 64 : index
        %swap3A_477 = tpu.vector_load %arg11[%swap3A_475, %swap3A_476] {strides = array<i32>} : memref<128x128xf32, #tpu.memory_space<vmem>>, vector<16xf32>,
        tpu.vector_store %arg11[%swap3A_475, %swap3A_476], %mul3A_474 {strides = array<i32>} : memref<128x128xf32, #tpu.memory_space<vmem>>, vector<16xf32>,
        %get3A_478 = arith.index_cast %add3A_439 : i32 to index
        %get3A_479 = arith.constant 80 : index
        %get3A_480 = tpu.vector_load %arg11[%get3A_478, %get3A_479] {strides = array<i32>} : memref<128x128xf32, #tpu.memory_space<vmem>>, vector<16xf32>,
        %mul3A_481 = arith.mulf %get3A_480, %gather3A_442 : vector<16xf32>
        %swap3A_482 = arith.index_cast %add3A_439 : i32 to index
        %swap3A_483 = arith.constant 80 : index
        %swap3A_484 = tpu.vector_load %arg11[%swap3A_482, %swap3A_483] {strides = array<i32>} : memref<128x128xf32, #tpu.memory_space<vmem>>, vector<16xf32>,
        tpu.vector_store %arg11[%swap3A_482, %swap3A_483], %mul3A_481 {strides = array<i32>} : memref<128x128xf32, #tpu.memory_space<vmem>>, vector<16xf32>,
        %get3A_485 = arith.index_cast %add3A_439 : i32 to index
        %get3A_486 = arith.constant 96 : index
        %get3A_487 = tpu.vector_load %arg11[%get3A_485, %get3A_486] {strides = array<i32>} : memref<128x128xf32, #tpu.memory_space<vmem>>, vector<16xf32>,
        %mul3A_488 = arith.mulf %get3A_487, %gather3A_442 : vector<16xf32>
        %swap3A_489 = arith.index_cast %add3A_439 : i32 to index
        %swap3A_490 = arith.constant 96 : index
        %swap3A_491 = tpu.vector_load %arg11[%swap3A_489, %swap3A_490] {strides = array<i32>} : memref<128x128xf32, #tpu.memory_space<vmem>>, vector<16xf32>,
        tpu.vector_store %arg11[%swap3A_489, %swap3A_490], %mul3A_488 {strides = array<i32>} : memref<128x128xf32, #tpu.memory_space<vmem>>, vector<16xf32>,
        %get3A_492 = arith.index_cast %add3A_439 : i32 to index
        %get3A_493 = arith.constant 112 : index
        %get3A_494 = tpu.vector_load %arg11[%get3A_492, %get3A_493] {strides = array<i32>} : memref<128x128xf32, #tpu.memory_space<vmem>>, vector<16xf32>,
        %mul3A_495 = arith.mulf %get3A_494, %gather3A_442 : vector<16xf32>
        %swap3A_496 = arith.index_cast %add3A_439 : i32 to index
        %swap3A_497 = arith.constant 112 : index
        %swap3A_498 = tpu.vector_load %arg11[%swap3A_496, %swap3A_497] {strides = array<i32>} : memref<128x128xf32, #tpu.memory_space<vmem>>, vector<16xf32>,
        tpu.vector_store %arg11[%swap3A_496, %swap3A_497], %mul3A_495 {strides = array<i32>} : memref<128x128xf32, #tpu.memory_space<vmem>>, vector<16xf32>,
        %add3A_499 = arith.constant 3 : i32
        %add3A_500 = arith.addi %mul3A_318, %add3A_499 : i32
        %add3A_501 = arith.addi %while3A_279, %add3A_500 : i32
        %broadcast_in_dim3A_502 = vector.broadcast %add3A_501 : i32 to vector<16xi32>
        %gather3A_503 = tpu.vector_load_idx %arg9[%broadcast_in_dim3A_502] : memref<256xf32, #tpu.memory_space<vmem>>[vector<16xi32>], vector<16xf32>,
        %get3A_504 = arith.index_cast %add3A_500 : i32 to index
        %get3A_505 = arith.constant 0 : index
        %get3A_506 = tpu.vector_load %arg11[%get3A_504, %get3A_505] {strides = array<i32>} : memref<128x128xf32, #tpu.memory_space<vmem>>, vector<16xf32>,
        %mul3A_507 = arith.mulf %get3A_506, %gather3A_503 : vector<16xf32>
        %swap3A_508 = arith.index_cast %add3A_500 : i32 to index
        %swap3A_509 = arith.constant 0 : index
        %swap3A_510 = tpu.vector_load %arg11[%swap3A_508, %swap3A_509] {strides = array<i32>} : memref<128x128xf32, #tpu.memory_space<vmem>>, vector<16xf32>,
        tpu.vector_store %arg11[%swap3A_508, %swap3A_509], %mul3A_507 {strides = array<i32>} : memref<128x128xf32, #tpu.memory_space<vmem>>, vector<16xf32>,
        %get3A_511 = arith.index_cast %add3A_500 : i32 to index
        %get3A_512 = arith.constant 16 : index
        %get3A_513 = tpu.vector_load %arg11[%get3A_511, %get3A_512] {strides = array<i32>} : memref<128x128xf32, #tpu.memory_space<vmem>>, vector<16xf32>,
        %mul3A_514 = arith.mulf %get3A_513, %gather3A_503 : vector<16xf32>
        %swap3A_515 = arith.index_cast %add3A_500 : i32 to index
        %swap3A_516 = arith.constant 16 : index
        %swap3A_517 = tpu.vector_load %arg11[%swap3A_515, %swap3A_516] {strides = array<i32>} : memref<128x128xf32, #tpu.memory_space<vmem>>, vector<16xf32>,
        tpu.vector_store %arg11[%swap3A_515, %swap3A_516], %mul3A_514 {strides = array<i32>} : memref<128x128xf32, #tpu.memory_space<vmem>>, vector<16xf32>,
        %get3A_518 = arith.index_cast %add3A_500 : i32 to index
        %get3A_519 = arith.constant 32 : index
        %get3A_520 = tpu.vector_load %arg11[%get3A_518, %get3A_519] {strides = array<i32>} : memref<128x128xf32, #tpu.memory_space<vmem>>, vector<16xf32>,
        %mul3A_521 = arith.mulf %get3A_520, %gather3A_503 : vector<16xf32>
        %swap3A_522 = arith.index_cast %add3A_500 : i32 to index
        %swap3A_523 = arith.constant 32 : index
        %swap3A_524 = tpu.vector_load %arg11[%swap3A_522, %swap3A_523] {strides = array<i32>} : memref<128x128xf32, #tpu.memory_space<vmem>>, vector<16xf32>,
        tpu.vector_store %arg11[%swap3A_522, %swap3A_523], %mul3A_521 {strides = array<i32>} : memref<128x128xf32, #tpu.memory_space<vmem>>, vector<16xf32>,
        %get3A_525 = arith.index_cast %add3A_500 : i32 to index
        %get3A_526 = arith.constant 48 : index
        %get3A_527 = tpu.vector_load %arg11[%get3A_525, %get3A_526] {strides = array<i32>} : memref<128x128xf32, #tpu.memory_space<vmem>>, vector<16xf32>,
        %mul3A_528 = arith.mulf %get3A_527, %gather3A_503 : vector<16xf32>
        %swap3A_529 = arith.index_cast %add3A_500 : i32 to index
        %swap3A_530 = arith.constant 48 : index
        %swap3A_531 = tpu.vector_load %arg11[%swap3A_529, %swap3A_530] {strides = array<i32>} : memref<128x128xf32, #tpu.memory_space<vmem>>, vector<16xf32>,
        tpu.vector_store %arg11[%swap3A_529, %swap3A_530], %mul3A_528 {strides = array<i32>} : memref<128x128xf32, #tpu.memory_space<vmem>>, vector<16xf32>,
        %get3A_532 = arith.index_cast %add3A_500 : i32 to index
        %get3A_533 = arith.constant 64 : index
        %get3A_534 = tpu.vector_load %arg11[%get3A_532, %get3A_533] {strides = array<i32>} : memref<128x128xf32, #tpu.memory_space<vmem>>, vector<16xf32>,
        %mul3A_535 = arith.mulf %get3A_534, %gather3A_503 : vector<16xf32>
        %swap3A_536 = arith.index_cast %add3A_500 : i32 to index
        %swap3A_537 = arith.constant 64 : index
        %swap3A_538 = tpu.vector_load %arg11[%swap3A_536, %swap3A_537] {strides = array<i32>} : memref<128x128xf32, #tpu.memory_space<vmem>>, vector<16xf32>,
        tpu.vector_store %arg11[%swap3A_536, %swap3A_537], %mul3A_535 {strides = array<i32>} : memref<128x128xf32, #tpu.memory_space<vmem>>, vector<16xf32>,
        %get3A_539 = arith.index_cast %add3A_500 : i32 to index
        %get3A_540 = arith.constant 80 : index
        %get3A_541 = tpu.vector_load %arg11[%get3A_539, %get3A_540] {strides = array<i32>} : memref<128x128xf32, #tpu.memory_space<vmem>>, vector<16xf32>,
        %mul3A_542 = arith.mulf %get3A_541, %gather3A_503 : vector<16xf32>
        %swap3A_543 = arith.index_cast %add3A_500 : i32 to index
        %swap3A_544 = arith.constant 80 : index
        %swap3A_545 = tpu.vector_load %arg11[%swap3A_543, %swap3A_544] {strides = array<i32>} : memref<128x128xf32, #tpu.memory_space<vmem>>, vector<16xf32>,
        tpu.vector_store %arg11[%swap3A_543, %swap3A_544], %mul3A_542 {strides = array<i32>} : memref<128x128xf32, #tpu.memory_space<vmem>>, vector<16xf32>,
        %get3A_546 = arith.index_cast %add3A_500 : i32 to index
        %get3A_547 = arith.constant 96 : index
        %get3A_548 = tpu.vector_load %arg11[%get3A_546, %get3A_547] {strides = array<i32>} : memref<128x128xf32, #tpu.memory_space<vmem>>, vector<16xf32>,
        %mul3A_549 = arith.mulf %get3A_548, %gather3A_503 : vector<16xf32>
        %swap3A_550 = arith.index_cast %add3A_500 : i32 to index
        %swap3A_551 = arith.constant 96 : index
        %swap3A_552 = tpu.vector_load %arg11[%swap3A_550, %swap3A_551] {strides = array<i32>} : memref<128x128xf32, #tpu.memory_space<vmem>>, vector<16xf32>,
        tpu.vector_store %arg11[%swap3A_550, %swap3A_551], %mul3A_549 {strides = array<i32>} : memref<128x128xf32, #tpu.memory_space<vmem>>, vector<16xf32>,
        %get3A_553 = arith.index_cast %add3A_500 : i32 to index
        %get3A_554 = arith.constant 112 : index
        %get3A_555 = tpu.vector_load %arg11[%get3A_553, %get3A_554] {strides = array<i32>} : memref<128x128xf32, #tpu.memory_space<vmem>>, vector<16xf32>,
        %mul3A_556 = arith.mulf %get3A_555, %gather3A_503 : vector<16xf32>
        %swap3A_557 = arith.index_cast %add3A_500 : i32 to index
        %swap3A_558 = arith.constant 112 : index
        %swap3A_559 = tpu.vector_load %arg11[%swap3A_557, %swap3A_558] {strides = array<i32>} : memref<128x128xf32, #tpu.memory_space<vmem>>, vector<16xf32>,
        tpu.vector_store %arg11[%swap3A_557, %swap3A_558], %mul3A_556 {strides = array<i32>} : memref<128x128xf32, #tpu.memory_space<vmem>>, vector<16xf32>,
      }
      %run_scoped3A_290 = arith.constant 1 : i32
      "tpu.region"() ({
        %run_scoped3A_316 = tpu.sem_alloc : memref<!tpu.dma_semaphore, #tpu.memory_space<semaphore_mem>>
        %dma_start3A_317 = arith.constant 0 : i32
        %dma_start3A_318 = tpu.memref_slice %arg8[%run_scoped3A_290, %dma_start3A_317] : memref<2x128xi32, #tpu.memory_space<vmem>> -> memref<1x128xi32, #tpu.memory_space<vmem>>
        %dma_start3A_319 = tpu.memref_squeeze %dma_start3A_318 : memref<1x128xi32, #tpu.memory_space<vmem>> -> memref<128xi32, #tpu.memory_space<vmem>>
        %dma_start3A_320 = arith.constant 0 : i32
        %dma_start3A_321 = arith.constant 0 : i32
        %dma_start3A_322 = tpu.memref_slice %arg12[%dma_start3A_320, %dma_start3A_321] : memref<10240x128xf32, #tpu.memory_space<vmem_shared>> -> memref<10240x128xf32, #tpu.memory_space<vmem_shared>>
        tpu.enqueue_indirect_dma source(%arg11 : memref<128x128xf32, #tpu.memory_space<vmem>>) target(%dma_start3A_322 : memref<10240x128xf32, #tpu.memory_space<vmem_shared>>) offsets(%dma_start3A_319 : memref<128xi32, #tpu.memory_space<vmem>>) semaphore(%run_scoped3A_316 : memref<!tpu.dma_semaphore, #tpu.memory_space<semaphore_mem>>) {add = true}
        %dma_wait3A_323 = arith.constant 0 : i32
        %dma_wait3A_324 = tpu.memref_slice %arg8[%run_scoped3A_290, %dma_wait3A_323] : memref<2x128xi32, #tpu.memory_space<vmem>> -> memref<1x128xi32, #tpu.memory_space<vmem>>
        %dma_wait3A_325 = tpu.memref_squeeze %dma_wait3A_324 : memref<1x128xi32, #tpu.memory_space<vmem>> -> memref<128xi32, #tpu.memory_space<vmem>>
        %dma_wait3A_326 = arith.constant 0 : i32
        %dma_wait3A_327 = arith.constant 0 : i32
        %dma_wait3A_328 = tpu.memref_slice %arg12[%dma_wait3A_326, %dma_wait3A_327] : memref<10240x128xf32, #tpu.memory_space<vmem_shared>> -> memref<10240x128xf32, #tpu.memory_space<vmem_shared>>
        tpu.wait_indirect_dma semaphore(%run_scoped3A_316 : memref<!tpu.dma_semaphore, #tpu.memory_space<semaphore_mem>>) src(%arg11 : memref<128x128xf32, #tpu.memory_space<vmem>>) dst(%dma_wait3A_328 : memref<10240x128xf32, #tpu.memory_space<vmem_shared>>)
        tpu.yield
      }) : () -> ()
      %add3A_291 = arith.constant 2 : i32
      %add3A_292 = arith.addi %add3A_238, %add3A_291 : i32
      %dma_start3A_293 = arith.constant 1 : i32
      %dma_start3A_294 = arith.constant 0 : i32
      %dma_start3A_295 = tpu.memref_slice %arg8[%dma_start3A_293, %dma_start3A_294] : memref<2x128xi32, #tpu.memory_space<vmem>> -> memref<1x128xi32, #tpu.memory_space<vmem>>
      %dma_start3A_296 = tpu.memref_squeeze %dma_start3A_295 : memref<1x128xi32, #tpu.memory_space<vmem>> -> memref<128xi32, #tpu.memory_space<vmem>>
      %dma_start3A_297 = arith.constant 0 : i32
      %dma_start3A_298 = tpu.memref_slice %arg4[%add3A, %add3A_292, %dma_start3A_297] : memref<32x82x128xi32, #tpu.memory_space<hbm>> -> memref<1x1x128xi32, #tpu.memory_space<hbm>>
      %dma_start3A_299 = tpu.memref_squeeze %dma_start3A_298 : memref<1x1x128xi32, #tpu.memory_space<hbm>> -> memref<128xi32, #tpu.memory_space<hbm>>
      %dma_start3A_300 = arith.constant 0 : i32
      %dma_start3A_301 = tpu.memref_slice %arg8[%dma_start3A_293, %dma_start3A_300] : memref<2x128xi32, #tpu.memory_space<vmem>> -> memref<1x128xi32, #tpu.memory_space<vmem>>
      %dma_start3A_302 = tpu.memref_squeeze %dma_start3A_301 : memref<1x128xi32, #tpu.memory_space<vmem>> -> memref<128xi32, #tpu.memory_space<vmem>>
      %dma_start3A_303 = arith.constant 0 : i32
      %dma_start3A_304 = tpu.memref_slice %arg4[%add3A, %add3A_292, %dma_start3A_303] : memref<32x82x128xi32, #tpu.memory_space<hbm>> -> memref<1x1x128xi32, #tpu.memory_space<hbm>>
      %dma_start3A_305 = tpu.memref_squeeze %dma_start3A_304 : memref<1x1x128xi32, #tpu.memory_space<hbm>> -> memref<128xi32, #tpu.memory_space<hbm>>
      tpu.enqueue_dma source(%dma_start3A_305 : memref<128xi32, #tpu.memory_space<hbm>>) target(%dma_start3A_302 : memref<128xi32, #tpu.memory_space<vmem>>) target_semaphore(%arg16 : memref<!tpu.dma_semaphore, #tpu.memory_space<semaphore_mem>>)
      %dma_start3A_306 = arith.constant 128 : i32
      %dma_start3A_307 = tpu.memref_slice %arg9[%dma_start3A_306] : memref<256xf32, #tpu.memory_space<vmem>> -> memref<128xf32, #tpu.memory_space<vmem>>
      %dma_start3A_308 = arith.constant 0 : i32
      %dma_start3A_309 = tpu.memref_slice %arg5[%add3A, %add3A_292, %dma_start3A_308] : memref<32x82x128xf32, #tpu.memory_space<hbm>> -> memref<1x1x128xf32, #tpu.memory_space<hbm>>
      %dma_start3A_310 = tpu.memref_squeeze %dma_start3A_309 : memref<1x1x128xf32, #tpu.memory_space<hbm>> -> memref<128xf32, #tpu.memory_space<hbm>>
      %dma_start3A_311 = arith.constant 128 : i32
      %dma_start3A_312 = tpu.memref_slice %arg9[%dma_start3A_311] : memref<256xf32, #tpu.memory_space<vmem>> -> memref<128xf32, #tpu.memory_space<vmem>>
      %dma_start3A_313 = arith.constant 0 : i32
      %dma_start3A_314 = tpu.memref_slice %arg5[%add3A, %add3A_292, %dma_start3A_313] : memref<32x82x128xf32, #tpu.memory_space<hbm>> -> memref<1x1x128xf32, #tpu.memory_space<hbm>>
      %dma_start3A_315 = tpu.memref_squeeze %dma_start3A_314 : memref<1x1x128xf32, #tpu.memory_space<hbm>> -> memref<128xf32, #tpu.memory_space<hbm>>
      tpu.enqueue_dma source(%dma_start3A_315 : memref<128xf32, #tpu.memory_space<hbm>>) target(%dma_start3A_312 : memref<128xf32, #tpu.memory_space<vmem>>) target_semaphore(%arg18 : memref<!tpu.dma_semaphore, #tpu.memory_space<semaphore_mem>>)
    }
    %while3A_88 = arith.constant 1 : i32
    scf.for %while3A_156 = %while3A_86 to %while3A_82 step %while3A_88  : i32 {
      %mul3A_157 = arith.constant 2 : i32
      %mul3A_158 = arith.muli %while3A_156, %mul3A_157 : i32
      %add3A_159 = arith.constant 0 : i32
      %add3A_160 = arith.addi %mul3A_158, %add3A_159 : i32
      %add3A_161 = arith.constant 1 : i32
      %add3A_162 = arith.addi %add3A_160, %add3A_161 : i32
      %dma_start3A_163 = arith.constant 0 : i32
      %dma_start3A_164 = tpu.memref_slice %arg7[%add3A_162, %dma_start3A_163] : memref<82x128xi32, #tpu.memory_space<vmem>> -> memref<1x128xi32, #tpu.memory_space<vmem>>
      %dma_start3A_165 = tpu.memref_squeeze %dma_start3A_164 : memref<1x128xi32, #tpu.memory_space<vmem>> -> memref<128xi32, #tpu.memory_space<vmem>>
      %dma_start3A_166 = arith.constant 0 : i32
      %dma_start3A_167 = arith.constant 0 : i32
      %dma_start3A_168 = tpu.memref_slice %arg2[%dma_start3A_166, %dma_start3A_167] : memref<10000x128xf32, #tpu.memory_space<hbm>> -> memref<10000x128xf32, #tpu.memory_space<hbm>>
      tpu.enqueue_indirect_dma source(%dma_start3A_168 : memref<10000x128xf32, #tpu.memory_space<hbm>>) target(%arg11 : memref<128x128xf32, #tpu.memory_space<vmem>>) offsets(%dma_start3A_165 : memref<128xi32, #tpu.memory_space<vmem>>) semaphore(%arg14 : memref<!tpu.dma_semaphore, #tpu.memory_space<semaphore_mem>>)
      %dma_wait3A_169 = arith.constant 0 : i32
      %dma_wait3A_170 = arith.constant 0 : i32
      %dma_wait3A_171 = tpu.memref_slice %arg7[%dma_wait3A_169, %dma_wait3A_170] : memref<82x128xi32, #tpu.memory_space<vmem>> -> memref<1x128xi32, #tpu.memory_space<vmem>>
      %dma_wait3A_172 = tpu.memref_squeeze %dma_wait3A_171 : memref<1x128xi32, #tpu.memory_space<vmem>> -> memref<128xi32, #tpu.memory_space<vmem>>
      %dma_wait3A_173 = arith.constant 0 : i32
      %dma_wait3A_174 = arith.constant 0 : i32
      %dma_wait3A_175 = tpu.memref_slice %arg2[%dma_wait3A_173, %dma_wait3A_174] : memref<10000x128xf32, #tpu.memory_space<hbm>> -> memref<10000x128xf32, #tpu.memory_space<hbm>>
      tpu.wait_indirect_dma semaphore(%arg13 : memref<!tpu.dma_semaphore, #tpu.memory_space<semaphore_mem>>) src(%dma_wait3A_175 : memref<10000x128xf32, #tpu.memory_space<hbm>>) dst(%arg10 : memref<128x128xf32, #tpu.memory_space<vmem>>)
      %dma_wait3A_176 = arith.constant 0 : i32
      %dma_wait3A_177 = arith.constant 0 : i32
      %dma_wait3A_178 = arith.constant 0 : i32
      %dma_wait3A_179 = tpu.memref_slice %arg8[%dma_wait3A_177, %dma_wait3A_178] : memref<2x128xi32, #tpu.memory_space<vmem>> -> memref<1x128xi32, #tpu.memory_space<vmem>>
      %dma_wait3A_180 = tpu.memref_squeeze %dma_wait3A_179 : memref<1x128xi32, #tpu.memory_space<vmem>> -> memref<128xi32, #tpu.memory_space<vmem>>
      %dma_wait3A_181 = arith.constant 0 : i32
      %dma_wait3A_182 = tpu.memref_slice %arg4[%add3A, %dma_wait3A_176, %dma_wait3A_181] : memref<32x82x128xi32, #tpu.memory_space<hbm>> -> memref<1x1x128xi32, #tpu.memory_space<hbm>>
      %dma_wait3A_183 = tpu.memref_squeeze %dma_wait3A_182 : memref<1x1x128xi32, #tpu.memory_space<hbm>> -> memref<128xi32, #tpu.memory_space<hbm>>
      %dma_wait3A_184 = arith.constant 0 : i32
      %dma_wait3A_185 = tpu.memref_slice %arg8[%dma_wait3A_177, %dma_wait3A_184] : memref<2x128xi32, #tpu.memory_space<vmem>> -> memref<1x128xi32, #tpu.memory_space<vmem>>
      %dma_wait3A_186 = tpu.memref_squeeze %dma_wait3A_185 : memref<1x128xi32, #tpu.memory_space<vmem>> -> memref<128xi32, #tpu.memory_space<vmem>>
      %dma_wait3A_187 = arith.constant 0 : i32
      %dma_wait3A_188 = tpu.memref_slice %arg4[%add3A, %dma_wait3A_176, %dma_wait3A_187] : memref<32x82x128xi32, #tpu.memory_space<hbm>> -> memref<1x1x128xi32, #tpu.memory_space<hbm>>
      %dma_wait3A_189 = tpu.memref_squeeze %dma_wait3A_188 : memref<1x1x128xi32, #tpu.memory_space<hbm>> -> memref<128xi32, #tpu.memory_space<hbm>>
      tpu.wait_dma2 semaphore(%arg15 : memref<!tpu.dma_semaphore, #tpu.memory_space<semaphore_mem>>) src(%dma_wait3A_189 : memref<128xi32, #tpu.memory_space<hbm>>) dst(%dma_wait3A_186 : memref<128xi32, #tpu.memory_space<vmem>>)
      %dma_wait3A_190 = arith.constant 0 : i32
      %dma_wait3A_191 = arith.constant 0 : i32
      %dma_wait3A_192 = tpu.memref_slice %arg9[%dma_wait3A_191] : memref<256xf32, #tpu.memory_space<vmem>> -> memref<128xf32, #tpu.memory_space<vmem>>
      %dma_wait3A_193 = arith.constant 0 : i32
      %dma_wait3A_194 = tpu.memref_slice %arg5[%add3A, %dma_wait3A_190, %dma_wait3A_193] : memref<32x82x128xf32, #tpu.memory_space<hbm>> -> memref<1x1x128xf32, #tpu.memory_space<hbm>>
      %dma_wait3A_195 = tpu.memref_squeeze %dma_wait3A_194 : memref<1x1x128xf32, #tpu.memory_space<hbm>> -> memref<128xf32, #tpu.memory_space<hbm>>
      %dma_wait3A_196 = arith.constant 0 : i32
      %dma_wait3A_197 = tpu.memref_slice %arg9[%dma_wait3A_196] : memref<256xf32, #tpu.memory_space<vmem>> -> memref<128xf32, #tpu.memory_space<vmem>>
      %dma_wait3A_198 = arith.constant 0 : i32
      %dma_wait3A_199 = tpu.memref_slice %arg5[%add3A, %dma_wait3A_190, %dma_wait3A_198] : memref<32x82x128xf32, #tpu.memory_space<hbm>> -> memref<1x1x128xf32, #tpu.memory_space<hbm>>
      %dma_wait3A_200 = tpu.memref_squeeze %dma_wait3A_199 : memref<1x1x128xf32, #tpu.memory_space<hbm>> -> memref<128xf32, #tpu.memory_space<hbm>>
      tpu.wait_dma2 semaphore(%arg17 : memref<!tpu.dma_semaphore, #tpu.memory_space<semaphore_mem>>) src(%dma_wait3A_200 : memref<128xf32, #tpu.memory_space<hbm>>) dst(%dma_wait3A_197 : memref<128xf32, #tpu.memory_space<vmem>>)
      %while3A_201 = arith.constant 0 : i32
      %while3A_202 = arith.constant 0 : i32
      %while3A_203 = arith.constant 32 : i32
      %while3A_204 = arith.subi %while3A_203, %while3A_202 : i32
      %while3A_205 = arith.addi %while3A_202, %while3A_204 : i32
      %while3A_206 = arith.constant 1 : i32
      %while3A_207 = arith.divsi %while3A_204, %while3A_206 : i32
      %while3A_208 = arith.muli %while3A_207, %while3A_206 : i32
      %while3A_209 = arith.addi %while3A_202, %while3A_208 : i32
      %while3A_210 = arith.constant 1 : i32
      scf.for %while3A_316 = %while3A_202 to %while3A_209 step %while3A_210  : i32 {
        %mul3A_317 = arith.constant 4 : i32
        %mul3A_318 = arith.muli %while3A_316, %mul3A_317 : i32
        %add3A_319 = arith.constant 0 : i32
        %add3A_320 = arith.addi %mul3A_318, %add3A_319 : i32
        %add3A_321 = arith.addi %while3A_201, %add3A_320 : i32
        %broadcast_in_dim3A_322 = vector.broadcast %add3A_321 : i32 to vector<16xi32>
        %gather3A = tpu.vector_load_idx %arg9[%broadcast_in_dim3A_322] : memref<256xf32, #tpu.memory_space<vmem>>[vector<16xi32>], vector<16xf32>,
        %get3A = arith.index_cast %add3A_320 : i32 to index
        %get3A_323 = arith.constant 0 : index
        %get3A_324 = tpu.vector_load %arg10[%get3A, %get3A_323] {strides = array<i32>} : memref<128x128xf32, #tpu.memory_space<vmem>>, vector<16xf32>,
        %mul3A_325 = arith.mulf %get3A_324, %gather3A : vector<16xf32>
        %swap3A = arith.index_cast %add3A_320 : i32 to index
        %swap3A_326 = arith.constant 0 : index
        %swap3A_327 = tpu.vector_load %arg10[%swap3A, %swap3A_326] {strides = array<i32>} : memref<128x128xf32, #tpu.memory_space<vmem>>, vector<16xf32>,
        tpu.vector_store %arg10[%swap3A, %swap3A_326], %mul3A_325 {strides = array<i32>} : memref<128x128xf32, #tpu.memory_space<vmem>>, vector<16xf32>,
        %get3A_328 = arith.index_cast %add3A_320 : i32 to index
        %get3A_329 = arith.constant 16 : index
        %get3A_330 = tpu.vector_load %arg10[%get3A_328, %get3A_329] {strides = array<i32>} : memref<128x128xf32, #tpu.memory_space<vmem>>, vector<16xf32>,
        %mul3A_331 = arith.mulf %get3A_330, %gather3A : vector<16xf32>
        %swap3A_332 = arith.index_cast %add3A_320 : i32 to index
        %swap3A_333 = arith.constant 16 : index
        %swap3A_334 = tpu.vector_load %arg10[%swap3A_332, %swap3A_333] {strides = array<i32>} : memref<128x128xf32, #tpu.memory_space<vmem>>, vector<16xf32>,
        tpu.vector_store %arg10[%swap3A_332, %swap3A_333], %mul3A_331 {strides = array<i32>} : memref<128x128xf32, #tpu.memory_space<vmem>>, vector<16xf32>,
        %get3A_335 = arith.index_cast %add3A_320 : i32 to index
        %get3A_336 = arith.constant 32 : index
        %get3A_337 = tpu.vector_load %arg10[%get3A_335, %get3A_336] {strides = array<i32>} : memref<128x128xf32, #tpu.memory_space<vmem>>, vector<16xf32>,
        %mul3A_338 = arith.mulf %get3A_337, %gather3A : vector<16xf32>
        %swap3A_339 = arith.index_cast %add3A_320 : i32 to index
        %swap3A_340 = arith.constant 32 : index
        %swap3A_341 = tpu.vector_load %arg10[%swap3A_339, %swap3A_340] {strides = array<i32>} : memref<128x128xf32, #tpu.memory_space<vmem>>, vector<16xf32>,
        tpu.vector_store %arg10[%swap3A_339, %swap3A_340], %mul3A_338 {strides = array<i32>} : memref<128x128xf32, #tpu.memory_space<vmem>>, vector<16xf32>,
        %get3A_342 = arith.index_cast %add3A_320 : i32 to index
        %get3A_343 = arith.constant 48 : index
        %get3A_344 = tpu.vector_load %arg10[%get3A_342, %get3A_343] {strides = array<i32>} : memref<128x128xf32, #tpu.memory_space<vmem>>, vector<16xf32>,
        %mul3A_345 = arith.mulf %get3A_344, %gather3A : vector<16xf32>
        %swap3A_346 = arith.index_cast %add3A_320 : i32 to index
        %swap3A_347 = arith.constant 48 : index
        %swap3A_348 = tpu.vector_load %arg10[%swap3A_346, %swap3A_347] {strides = array<i32>} : memref<128x128xf32, #tpu.memory_space<vmem>>, vector<16xf32>,
        tpu.vector_store %arg10[%swap3A_346, %swap3A_347], %mul3A_345 {strides = array<i32>} : memref<128x128xf32, #tpu.memory_space<vmem>>, vector<16xf32>,
        %get3A_349 = arith.index_cast %add3A_320 : i32 to index
        %get3A_350 = arith.constant 64 : index
        %get3A_351 = tpu.vector_load %arg10[%get3A_349, %get3A_350] {strides = array<i32>} : memref<128x128xf32, #tpu.memory_space<vmem>>, vector<16xf32>,
        %mul3A_352 = arith.mulf %get3A_351, %gather3A : vector<16xf32>
        %swap3A_353 = arith.index_cast %add3A_320 : i32 to index
        %swap3A_354 = arith.constant 64 : index
        %swap3A_355 = tpu.vector_load %arg10[%swap3A_353, %swap3A_354] {strides = array<i32>} : memref<128x128xf32, #tpu.memory_space<vmem>>, vector<16xf32>,
        tpu.vector_store %arg10[%swap3A_353, %swap3A_354], %mul3A_352 {strides = array<i32>} : memref<128x128xf32, #tpu.memory_space<vmem>>, vector<16xf32>,
        %get3A_356 = arith.index_cast %add3A_320 : i32 to index
        %get3A_357 = arith.constant 80 : index
        %get3A_358 = tpu.vector_load %arg10[%get3A_356, %get3A_357] {strides = array<i32>} : memref<128x128xf32, #tpu.memory_space<vmem>>, vector<16xf32>,
        %mul3A_359 = arith.mulf %get3A_358, %gather3A : vector<16xf32>
        %swap3A_360 = arith.index_cast %add3A_320 : i32 to index
        %swap3A_361 = arith.constant 80 : index
        %swap3A_362 = tpu.vector_load %arg10[%swap3A_360, %swap3A_361] {strides = array<i32>} : memref<128x128xf32, #tpu.memory_space<vmem>>, vector<16xf32>,
        tpu.vector_store %arg10[%swap3A_360, %swap3A_361], %mul3A_359 {strides = array<i32>} : memref<128x128xf32, #tpu.memory_space<vmem>>, vector<16xf32>,
        %get3A_363 = arith.index_cast %add3A_320 : i32 to index
        %get3A_364 = arith.constant 96 : index
        %get3A_365 = tpu.vector_load %arg10[%get3A_363, %get3A_364] {strides = array<i32>} : memref<128x128xf32, #tpu.memory_space<vmem>>, vector<16xf32>,
        %mul3A_366 = arith.mulf %get3A_365, %gather3A : vector<16xf32>
        %swap3A_367 = arith.index_cast %add3A_320 : i32 to index
        %swap3A_368 = arith.constant 96 : index
        %swap3A_369 = tpu.vector_load %arg10[%swap3A_367, %swap3A_368] {strides = array<i32>} : memref<128x128xf32, #tpu.memory_space<vmem>>, vector<16xf32>,
        tpu.vector_store %arg10[%swap3A_367, %swap3A_368], %mul3A_366 {strides = array<i32>} : memref<128x128xf32, #tpu.memory_space<vmem>>, vector<16xf32>,
        %get3A_370 = arith.index_cast %add3A_320 : i32 to index
        %get3A_371 = arith.constant 112 : index
        %get3A_372 = tpu.vector_load %arg10[%get3A_370, %get3A_371] {strides = array<i32>} : memref<128x128xf32, #tpu.memory_space<vmem>>, vector<16xf32>,
        %mul3A_373 = arith.mulf %get3A_372, %gather3A : vector<16xf32>
        %swap3A_374 = arith.index_cast %add3A_320 : i32 to index
        %swap3A_375 = arith.constant 112 : index
        %swap3A_376 = tpu.vector_load %arg10[%swap3A_374, %swap3A_375] {strides = array<i32>} : memref<128x128xf32, #tpu.memory_space<vmem>>, vector<16xf32>,
        tpu.vector_store %arg10[%swap3A_374, %swap3A_375], %mul3A_373 {strides = array<i32>} : memref<128x128xf32, #tpu.memory_space<vmem>>, vector<16xf32>,
        %add3A_377 = arith.constant 1 : i32
        %add3A_378 = arith.addi %mul3A_318, %add3A_377 : i32
        %add3A_379 = arith.addi %while3A_201, %add3A_378 : i32
        %broadcast_in_dim3A_380 = vector.broadcast %add3A_379 : i32 to vector<16xi32>
        %gather3A_381 = tpu.vector_load_idx %arg9[%broadcast_in_dim3A_380] : memref<256xf32, #tpu.memory_space<vmem>>[vector<16xi32>], vector<16xf32>,
        %get3A_382 = arith.index_cast %add3A_378 : i32 to index
        %get3A_383 = arith.constant 0 : index
        %get3A_384 = tpu.vector_load %arg10[%get3A_382, %get3A_383] {strides = array<i32>} : memref<128x128xf32, #tpu.memory_space<vmem>>, vector<16xf32>,
        %mul3A_385 = arith.mulf %get3A_384, %gather3A_381 : vector<16xf32>
        %swap3A_386 = arith.index_cast %add3A_378 : i32 to index
        %swap3A_387 = arith.constant 0 : index
        %swap3A_388 = tpu.vector_load %arg10[%swap3A_386, %swap3A_387] {strides = array<i32>} : memref<128x128xf32, #tpu.memory_space<vmem>>, vector<16xf32>,
        tpu.vector_store %arg10[%swap3A_386, %swap3A_387], %mul3A_385 {strides = array<i32>} : memref<128x128xf32, #tpu.memory_space<vmem>>, vector<16xf32>,
        %get3A_389 = arith.index_cast %add3A_378 : i32 to index
        %get3A_390 = arith.constant 16 : index
        %get3A_391 = tpu.vector_load %arg10[%get3A_389, %get3A_390] {strides = array<i32>} : memref<128x128xf32, #tpu.memory_space<vmem>>, vector<16xf32>,
        %mul3A_392 = arith.mulf %get3A_391, %gather3A_381 : vector<16xf32>
        %swap3A_393 = arith.index_cast %add3A_378 : i32 to index
        %swap3A_394 = arith.constant 16 : index
        %swap3A_395 = tpu.vector_load %arg10[%swap3A_393, %swap3A_394] {strides = array<i32>} : memref<128x128xf32, #tpu.memory_space<vmem>>, vector<16xf32>,
        tpu.vector_store %arg10[%swap3A_393, %swap3A_394], %mul3A_392 {strides = array<i32>} : memref<128x128xf32, #tpu.memory_space<vmem>>, vector<16xf32>,
        %get3A_396 = arith.index_cast %add3A_378 : i32 to index
        %get3A_397 = arith.constant 32 : index
        %get3A_398 = tpu.vector_load %arg10[%get3A_396, %get3A_397] {strides = array<i32>} : memref<128x128xf32, #tpu.memory_space<vmem>>, vector<16xf32>,
        %mul3A_399 = arith.mulf %get3A_398, %gather3A_381 : vector<16xf32>
        %swap3A_400 = arith.index_cast %add3A_378 : i32 to index
        %swap3A_401 = arith.constant 32 : index
        %swap3A_402 = tpu.vector_load %arg10[%swap3A_400, %swap3A_401] {strides = array<i32>} : memref<128x128xf32, #tpu.memory_space<vmem>>, vector<16xf32>,
        tpu.vector_store %arg10[%swap3A_400, %swap3A_401], %mul3A_399 {strides = array<i32>} : memref<128x128xf32, #tpu.memory_space<vmem>>, vector<16xf32>,
        %get3A_403 = arith.index_cast %add3A_378 : i32 to index
        %get3A_404 = arith.constant 48 : index
        %get3A_405 = tpu.vector_load %arg10[%get3A_403, %get3A_404] {strides = array<i32>} : memref<128x128xf32, #tpu.memory_space<vmem>>, vector<16xf32>,
        %mul3A_406 = arith.mulf %get3A_405, %gather3A_381 : vector<16xf32>
        %swap3A_407 = arith.index_cast %add3A_378 : i32 to index
        %swap3A_408 = arith.constant 48 : index
        %swap3A_409 = tpu.vector_load %arg10[%swap3A_407, %swap3A_408] {strides = array<i32>} : memref<128x128xf32, #tpu.memory_space<vmem>>, vector<16xf32>,
        tpu.vector_store %arg10[%swap3A_407, %swap3A_408], %mul3A_406 {strides = array<i32>} : memref<128x128xf32, #tpu.memory_space<vmem>>, vector<16xf32>,
        %get3A_410 = arith.index_cast %add3A_378 : i32 to index
        %get3A_411 = arith.constant 64 : index
        %get3A_412 = tpu.vector_load %arg10[%get3A_410, %get3A_411] {strides = array<i32>} : memref<128x128xf32, #tpu.memory_space<vmem>>, vector<16xf32>,
        %mul3A_413 = arith.mulf %get3A_412, %gather3A_381 : vector<16xf32>
        %swap3A_414 = arith.index_cast %add3A_378 : i32 to index
        %swap3A_415 = arith.constant 64 : index
        %swap3A_416 = tpu.vector_load %arg10[%swap3A_414, %swap3A_415] {strides = array<i32>} : memref<128x128xf32, #tpu.memory_space<vmem>>, vector<16xf32>,
        tpu.vector_store %arg10[%swap3A_414, %swap3A_415], %mul3A_413 {strides = array<i32>} : memref<128x128xf32, #tpu.memory_space<vmem>>, vector<16xf32>,
        %get3A_417 = arith.index_cast %add3A_378 : i32 to index
        %get3A_418 = arith.constant 80 : index
        %get3A_419 = tpu.vector_load %arg10[%get3A_417, %get3A_418] {strides = array<i32>} : memref<128x128xf32, #tpu.memory_space<vmem>>, vector<16xf32>,
        %mul3A_420 = arith.mulf %get3A_419, %gather3A_381 : vector<16xf32>
        %swap3A_421 = arith.index_cast %add3A_378 : i32 to index
        %swap3A_422 = arith.constant 80 : index
        %swap3A_423 = tpu.vector_load %arg10[%swap3A_421, %swap3A_422] {strides = array<i32>} : memref<128x128xf32, #tpu.memory_space<vmem>>, vector<16xf32>,
        tpu.vector_store %arg10[%swap3A_421, %swap3A_422], %mul3A_420 {strides = array<i32>} : memref<128x128xf32, #tpu.memory_space<vmem>>, vector<16xf32>,
        %get3A_424 = arith.index_cast %add3A_378 : i32 to index
        %get3A_425 = arith.constant 96 : index
        %get3A_426 = tpu.vector_load %arg10[%get3A_424, %get3A_425] {strides = array<i32>} : memref<128x128xf32, #tpu.memory_space<vmem>>, vector<16xf32>,
        %mul3A_427 = arith.mulf %get3A_426, %gather3A_381 : vector<16xf32>
        %swap3A_428 = arith.index_cast %add3A_378 : i32 to index
        %swap3A_429 = arith.constant 96 : index
        %swap3A_430 = tpu.vector_load %arg10[%swap3A_428, %swap3A_429] {strides = array<i32>} : memref<128x128xf32, #tpu.memory_space<vmem>>, vector<16xf32>,
        tpu.vector_store %arg10[%swap3A_428, %swap3A_429], %mul3A_427 {strides = array<i32>} : memref<128x128xf32, #tpu.memory_space<vmem>>, vector<16xf32>,
        %get3A_431 = arith.index_cast %add3A_378 : i32 to index
        %get3A_432 = arith.constant 112 : index
        %get3A_433 = tpu.vector_load %arg10[%get3A_431, %get3A_432] {strides = array<i32>} : memref<128x128xf32, #tpu.memory_space<vmem>>, vector<16xf32>,
        %mul3A_434 = arith.mulf %get3A_433, %gather3A_381 : vector<16xf32>
        %swap3A_435 = arith.index_cast %add3A_378 : i32 to index
        %swap3A_436 = arith.constant 112 : index
        %swap3A_437 = tpu.vector_load %arg10[%swap3A_435, %swap3A_436] {strides = array<i32>} : memref<128x128xf32, #tpu.memory_space<vmem>>, vector<16xf32>,
        tpu.vector_store %arg10[%swap3A_435, %swap3A_436], %mul3A_434 {strides = array<i32>} : memref<128x128xf32, #tpu.memory_space<vmem>>, vector<16xf32>,
        %add3A_438 = arith.constant 2 : i32
        %add3A_439 = arith.addi %mul3A_318, %add3A_438 : i32
        %add3A_440 = arith.addi %while3A_201, %add3A_439 : i32
        %broadcast_in_dim3A_441 = vector.broadcast %add3A_440 : i32 to vector<16xi32>
        %gather3A_442 = tpu.vector_load_idx %arg9[%broadcast_in_dim3A_441] : memref<256xf32, #tpu.memory_space<vmem>>[vector<16xi32>], vector<16xf32>,
        %get3A_443 = arith.index_cast %add3A_439 : i32 to index
        %get3A_444 = arith.constant 0 : index
        %get3A_445 = tpu.vector_load %arg10[%get3A_443, %get3A_444] {strides = array<i32>} : memref<128x128xf32, #tpu.memory_space<vmem>>, vector<16xf32>,
        %mul3A_446 = arith.mulf %get3A_445, %gather3A_442 : vector<16xf32>
        %swap3A_447 = arith.index_cast %add3A_439 : i32 to index
        %swap3A_448 = arith.constant 0 : index
        %swap3A_449 = tpu.vector_load %arg10[%swap3A_447, %swap3A_448] {strides = array<i32>} : memref<128x128xf32, #tpu.memory_space<vmem>>, vector<16xf32>,
        tpu.vector_store %arg10[%swap3A_447, %swap3A_448], %mul3A_446 {strides = array<i32>} : memref<128x128xf32, #tpu.memory_space<vmem>>, vector<16xf32>,
        %get3A_450 = arith.index_cast %add3A_439 : i32 to index
        %get3A_451 = arith.constant 16 : index
        %get3A_452 = tpu.vector_load %arg10[%get3A_450, %get3A_451] {strides = array<i32>} : memref<128x128xf32, #tpu.memory_space<vmem>>, vector<16xf32>,
        %mul3A_453 = arith.mulf %get3A_452, %gather3A_442 : vector<16xf32>
        %swap3A_454 = arith.index_cast %add3A_439 : i32 to index
        %swap3A_455 = arith.constant 16 : index
        %swap3A_456 = tpu.vector_load %arg10[%swap3A_454, %swap3A_455] {strides = array<i32>} : memref<128x128xf32, #tpu.memory_space<vmem>>, vector<16xf32>,
        tpu.vector_store %arg10[%swap3A_454, %swap3A_455], %mul3A_453 {strides = array<i32>} : memref<128x128xf32, #tpu.memory_space<vmem>>, vector<16xf32>,
        %get3A_457 = arith.index_cast %add3A_439 : i32 to index
        %get3A_458 = arith.constant 32 : index
        %get3A_459 = tpu.vector_load %arg10[%get3A_457, %get3A_458] {strides = array<i32>} : memref<128x128xf32, #tpu.memory_space<vmem>>, vector<16xf32>,
        %mul3A_460 = arith.mulf %get3A_459, %gather3A_442 : vector<16xf32>
        %swap3A_461 = arith.index_cast %add3A_439 : i32 to index
        %swap3A_462 = arith.constant 32 : index
        %swap3A_463 = tpu.vector_load %arg10[%swap3A_461, %swap3A_462] {strides = array<i32>} : memref<128x128xf32, #tpu.memory_space<vmem>>, vector<16xf32>,
        tpu.vector_store %arg10[%swap3A_461, %swap3A_462], %mul3A_460 {strides = array<i32>} : memref<128x128xf32, #tpu.memory_space<vmem>>, vector<16xf32>,
        %get3A_464 = arith.index_cast %add3A_439 : i32 to index
        %get3A_465 = arith.constant 48 : index
        %get3A_466 = tpu.vector_load %arg10[%get3A_464, %get3A_465] {strides = array<i32>} : memref<128x128xf32, #tpu.memory_space<vmem>>, vector<16xf32>,
        %mul3A_467 = arith.mulf %get3A_466, %gather3A_442 : vector<16xf32>
        %swap3A_468 = arith.index_cast %add3A_439 : i32 to index
        %swap3A_469 = arith.constant 48 : index
        %swap3A_470 = tpu.vector_load %arg10[%swap3A_468, %swap3A_469] {strides = array<i32>} : memref<128x128xf32, #tpu.memory_space<vmem>>, vector<16xf32>,
        tpu.vector_store %arg10[%swap3A_468, %swap3A_469], %mul3A_467 {strides = array<i32>} : memref<128x128xf32, #tpu.memory_space<vmem>>, vector<16xf32>,
        %get3A_471 = arith.index_cast %add3A_439 : i32 to index
        %get3A_472 = arith.constant 64 : index
        %get3A_473 = tpu.vector_load %arg10[%get3A_471, %get3A_472] {strides = array<i32>} : memref<128x128xf32, #tpu.memory_space<vmem>>, vector<16xf32>,
        %mul3A_474 = arith.mulf %get3A_473, %gather3A_442 : vector<16xf32>
        %swap3A_475 = arith.index_cast %add3A_439 : i32 to index
        %swap3A_476 = arith.constant 64 : index
        %swap3A_477 = tpu.vector_load %arg10[%swap3A_475, %swap3A_476] {strides = array<i32>} : memref<128x128xf32, #tpu.memory_space<vmem>>, vector<16xf32>,
        tpu.vector_store %arg10[%swap3A_475, %swap3A_476], %mul3A_474 {strides = array<i32>} : memref<128x128xf32, #tpu.memory_space<vmem>>, vector<16xf32>,
        %get3A_478 = arith.index_cast %add3A_439 : i32 to index
        %get3A_479 = arith.constant 80 : index
        %get3A_480 = tpu.vector_load %arg10[%get3A_478, %get3A_479] {strides = array<i32>} : memref<128x128xf32, #tpu.memory_space<vmem>>, vector<16xf32>,
        %mul3A_481 = arith.mulf %get3A_480, %gather3A_442 : vector<16xf32>
        %swap3A_482 = arith.index_cast %add3A_439 : i32 to index
        %swap3A_483 = arith.constant 80 : index
        %swap3A_484 = tpu.vector_load %arg10[%swap3A_482, %swap3A_483] {strides = array<i32>} : memref<128x128xf32, #tpu.memory_space<vmem>>, vector<16xf32>,
        tpu.vector_store %arg10[%swap3A_482, %swap3A_483], %mul3A_481 {strides = array<i32>} : memref<128x128xf32, #tpu.memory_space<vmem>>, vector<16xf32>,
        %get3A_485 = arith.index_cast %add3A_439 : i32 to index
        %get3A_486 = arith.constant 96 : index
        %get3A_487 = tpu.vector_load %arg10[%get3A_485, %get3A_486] {strides = array<i32>} : memref<128x128xf32, #tpu.memory_space<vmem>>, vector<16xf32>,
        %mul3A_488 = arith.mulf %get3A_487, %gather3A_442 : vector<16xf32>
        %swap3A_489 = arith.index_cast %add3A_439 : i32 to index
        %swap3A_490 = arith.constant 96 : index
        %swap3A_491 = tpu.vector_load %arg10[%swap3A_489, %swap3A_490] {strides = array<i32>} : memref<128x128xf32, #tpu.memory_space<vmem>>, vector<16xf32>,
        tpu.vector_store %arg10[%swap3A_489, %swap3A_490], %mul3A_488 {strides = array<i32>} : memref<128x128xf32, #tpu.memory_space<vmem>>, vector<16xf32>,
        %get3A_492 = arith.index_cast %add3A_439 : i32 to index
        %get3A_493 = arith.constant 112 : index
        %get3A_494 = tpu.vector_load %arg10[%get3A_492, %get3A_493] {strides = array<i32>} : memref<128x128xf32, #tpu.memory_space<vmem>>, vector<16xf32>,
        %mul3A_495 = arith.mulf %get3A_494, %gather3A_442 : vector<16xf32>
        %swap3A_496 = arith.index_cast %add3A_439 : i32 to index
        %swap3A_497 = arith.constant 112 : index
        %swap3A_498 = tpu.vector_load %arg10[%swap3A_496, %swap3A_497] {strides = array<i32>} : memref<128x128xf32, #tpu.memory_space<vmem>>, vector<16xf32>,
        tpu.vector_store %arg10[%swap3A_496, %swap3A_497], %mul3A_495 {strides = array<i32>} : memref<128x128xf32, #tpu.memory_space<vmem>>, vector<16xf32>,
        %add3A_499 = arith.constant 3 : i32
        %add3A_500 = arith.addi %mul3A_318, %add3A_499 : i32
        %add3A_501 = arith.addi %while3A_201, %add3A_500 : i32
        %broadcast_in_dim3A_502 = vector.broadcast %add3A_501 : i32 to vector<16xi32>
        %gather3A_503 = tpu.vector_load_idx %arg9[%broadcast_in_dim3A_502] : memref<256xf32, #tpu.memory_space<vmem>>[vector<16xi32>], vector<16xf32>,
        %get3A_504 = arith.index_cast %add3A_500 : i32 to index
        %get3A_505 = arith.constant 0 : index
        %get3A_506 = tpu.vector_load %arg10[%get3A_504, %get3A_505] {strides = array<i32>} : memref<128x128xf32, #tpu.memory_space<vmem>>, vector<16xf32>,
        %mul3A_507 = arith.mulf %get3A_506, %gather3A_503 : vector<16xf32>
        %swap3A_508 = arith.index_cast %add3A_500 : i32 to index
        %swap3A_509 = arith.constant 0 : index
        %swap3A_510 = tpu.vector_load %arg10[%swap3A_508, %swap3A_509] {strides = array<i32>} : memref<128x128xf32, #tpu.memory_space<vmem>>, vector<16xf32>,
        tpu.vector_store %arg10[%swap3A_508, %swap3A_509], %mul3A_507 {strides = array<i32>} : memref<128x128xf32, #tpu.memory_space<vmem>>, vector<16xf32>,
        %get3A_511 = arith.index_cast %add3A_500 : i32 to index
        %get3A_512 = arith.constant 16 : index
        %get3A_513 = tpu.vector_load %arg10[%get3A_511, %get3A_512] {strides = array<i32>} : memref<128x128xf32, #tpu.memory_space<vmem>>, vector<16xf32>,
        %mul3A_514 = arith.mulf %get3A_513, %gather3A_503 : vector<16xf32>
        %swap3A_515 = arith.index_cast %add3A_500 : i32 to index
        %swap3A_516 = arith.constant 16 : index
        %swap3A_517 = tpu.vector_load %arg10[%swap3A_515, %swap3A_516] {strides = array<i32>} : memref<128x128xf32, #tpu.memory_space<vmem>>, vector<16xf32>,
        tpu.vector_store %arg10[%swap3A_515, %swap3A_516], %mul3A_514 {strides = array<i32>} : memref<128x128xf32, #tpu.memory_space<vmem>>, vector<16xf32>,
        %get3A_518 = arith.index_cast %add3A_500 : i32 to index
        %get3A_519 = arith.constant 32 : index
        %get3A_520 = tpu.vector_load %arg10[%get3A_518, %get3A_519] {strides = array<i32>} : memref<128x128xf32, #tpu.memory_space<vmem>>, vector<16xf32>,
        %mul3A_521 = arith.mulf %get3A_520, %gather3A_503 : vector<16xf32>
        %swap3A_522 = arith.index_cast %add3A_500 : i32 to index
        %swap3A_523 = arith.constant 32 : index
        %swap3A_524 = tpu.vector_load %arg10[%swap3A_522, %swap3A_523] {strides = array<i32>} : memref<128x128xf32, #tpu.memory_space<vmem>>, vector<16xf32>,
        tpu.vector_store %arg10[%swap3A_522, %swap3A_523], %mul3A_521 {strides = array<i32>} : memref<128x128xf32, #tpu.memory_space<vmem>>, vector<16xf32>,
        %get3A_525 = arith.index_cast %add3A_500 : i32 to index
        %get3A_526 = arith.constant 48 : index
        %get3A_527 = tpu.vector_load %arg10[%get3A_525, %get3A_526] {strides = array<i32>} : memref<128x128xf32, #tpu.memory_space<vmem>>, vector<16xf32>,
        %mul3A_528 = arith.mulf %get3A_527, %gather3A_503 : vector<16xf32>
        %swap3A_529 = arith.index_cast %add3A_500 : i32 to index
        %swap3A_530 = arith.constant 48 : index
        %swap3A_531 = tpu.vector_load %arg10[%swap3A_529, %swap3A_530] {strides = array<i32>} : memref<128x128xf32, #tpu.memory_space<vmem>>, vector<16xf32>,
        tpu.vector_store %arg10[%swap3A_529, %swap3A_530], %mul3A_528 {strides = array<i32>} : memref<128x128xf32, #tpu.memory_space<vmem>>, vector<16xf32>,
        %get3A_532 = arith.index_cast %add3A_500 : i32 to index
        %get3A_533 = arith.constant 64 : index
        %get3A_534 = tpu.vector_load %arg10[%get3A_532, %get3A_533] {strides = array<i32>} : memref<128x128xf32, #tpu.memory_space<vmem>>, vector<16xf32>,
        %mul3A_535 = arith.mulf %get3A_534, %gather3A_503 : vector<16xf32>
        %swap3A_536 = arith.index_cast %add3A_500 : i32 to index
        %swap3A_537 = arith.constant 64 : index
        %swap3A_538 = tpu.vector_load %arg10[%swap3A_536, %swap3A_537] {strides = array<i32>} : memref<128x128xf32, #tpu.memory_space<vmem>>, vector<16xf32>,
        tpu.vector_store %arg10[%swap3A_536, %swap3A_537], %mul3A_535 {strides = array<i32>} : memref<128x128xf32, #tpu.memory_space<vmem>>, vector<16xf32>,
        %get3A_539 = arith.index_cast %add3A_500 : i32 to index
        %get3A_540 = arith.constant 80 : index
        %get3A_541 = tpu.vector_load %arg10[%get3A_539, %get3A_540] {strides = array<i32>} : memref<128x128xf32, #tpu.memory_space<vmem>>, vector<16xf32>,
        %mul3A_542 = arith.mulf %get3A_541, %gather3A_503 : vector<16xf32>
        %swap3A_543 = arith.index_cast %add3A_500 : i32 to index
        %swap3A_544 = arith.constant 80 : index
        %swap3A_545 = tpu.vector_load %arg10[%swap3A_543, %swap3A_544] {strides = array<i32>} : memref<128x128xf32, #tpu.memory_space<vmem>>, vector<16xf32>,
        tpu.vector_store %arg10[%swap3A_543, %swap3A_544], %mul3A_542 {strides = array<i32>} : memref<128x128xf32, #tpu.memory_space<vmem>>, vector<16xf32>,
        %get3A_546 = arith.index_cast %add3A_500 : i32 to index
        %get3A_547 = arith.constant 96 : index
        %get3A_548 = tpu.vector_load %arg10[%get3A_546, %get3A_547] {strides = array<i32>} : memref<128x128xf32, #tpu.memory_space<vmem>>, vector<16xf32>,
        %mul3A_549 = arith.mulf %get3A_548, %gather3A_503 : vector<16xf32>
        %swap3A_550 = arith.index_cast %add3A_500 : i32 to index
        %swap3A_551 = arith.constant 96 : index
        %swap3A_552 = tpu.vector_load %arg10[%swap3A_550, %swap3A_551] {strides = array<i32>} : memref<128x128xf32, #tpu.memory_space<vmem>>, vector<16xf32>,
        tpu.vector_store %arg10[%swap3A_550, %swap3A_551], %mul3A_549 {strides = array<i32>} : memref<128x128xf32, #tpu.memory_space<vmem>>, vector<16xf32>,
        %get3A_553 = arith.index_cast %add3A_500 : i32 to index
        %get3A_554 = arith.constant 112 : index
        %get3A_555 = tpu.vector_load %arg10[%get3A_553, %get3A_554] {strides = array<i32>} : memref<128x128xf32, #tpu.memory_space<vmem>>, vector<16xf32>,
        %mul3A_556 = arith.mulf %get3A_555, %gather3A_503 : vector<16xf32>
        %swap3A_557 = arith.index_cast %add3A_500 : i32 to index
        %swap3A_558 = arith.constant 112 : index
        %swap3A_559 = tpu.vector_load %arg10[%swap3A_557, %swap3A_558] {strides = array<i32>} : memref<128x128xf32, #tpu.memory_space<vmem>>, vector<16xf32>,
        tpu.vector_store %arg10[%swap3A_557, %swap3A_558], %mul3A_556 {strides = array<i32>} : memref<128x128xf32, #tpu.memory_space<vmem>>, vector<16xf32>,
      }
      %while3A_211 = arith.constant 1 : i32
      scf.for %while3A_316 = %while3A_209 to %while3A_205 step %while3A_211  : i32 {
        %mul3A_317 = arith.constant 4 : i32
        %mul3A_318 = arith.muli %while3A_316, %mul3A_317 : i32
        %add3A_319 = arith.constant 0 : i32
        %add3A_320 = arith.addi %mul3A_318, %add3A_319 : i32
        %add3A_321 = arith.addi %while3A_201, %add3A_320 : i32
        %broadcast_in_dim3A_322 = vector.broadcast %add3A_321 : i32 to vector<16xi32>
        %gather3A = tpu.vector_load_idx %arg9[%broadcast_in_dim3A_322] : memref<256xf32, #tpu.memory_space<vmem>>[vector<16xi32>], vector<16xf32>,
        %get3A = arith.index_cast %add3A_320 : i32 to index
        %get3A_323 = arith.constant 0 : index
        %get3A_324 = tpu.vector_load %arg10[%get3A, %get3A_323] {strides = array<i32>} : memref<128x128xf32, #tpu.memory_space<vmem>>, vector<16xf32>,
        %mul3A_325 = arith.mulf %get3A_324, %gather3A : vector<16xf32>
        %swap3A = arith.index_cast %add3A_320 : i32 to index
        %swap3A_326 = arith.constant 0 : index
        %swap3A_327 = tpu.vector_load %arg10[%swap3A, %swap3A_326] {strides = array<i32>} : memref<128x128xf32, #tpu.memory_space<vmem>>, vector<16xf32>,
        tpu.vector_store %arg10[%swap3A, %swap3A_326], %mul3A_325 {strides = array<i32>} : memref<128x128xf32, #tpu.memory_space<vmem>>, vector<16xf32>,
        %get3A_328 = arith.index_cast %add3A_320 : i32 to index
        %get3A_329 = arith.constant 16 : index
        %get3A_330 = tpu.vector_load %arg10[%get3A_328, %get3A_329] {strides = array<i32>} : memref<128x128xf32, #tpu.memory_space<vmem>>, vector<16xf32>,
        %mul3A_331 = arith.mulf %get3A_330, %gather3A : vector<16xf32>
        %swap3A_332 = arith.index_cast %add3A_320 : i32 to index
        %swap3A_333 = arith.constant 16 : index
        %swap3A_334 = tpu.vector_load %arg10[%swap3A_332, %swap3A_333] {strides = array<i32>} : memref<128x128xf32, #tpu.memory_space<vmem>>, vector<16xf32>,
        tpu.vector_store %arg10[%swap3A_332, %swap3A_333], %mul3A_331 {strides = array<i32>} : memref<128x128xf32, #tpu.memory_space<vmem>>, vector<16xf32>,
        %get3A_335 = arith.index_cast %add3A_320 : i32 to index
        %get3A_336 = arith.constant 32 : index
        %get3A_337 = tpu.vector_load %arg10[%get3A_335, %get3A_336] {strides = array<i32>} : memref<128x128xf32, #tpu.memory_space<vmem>>, vector<16xf32>,
        %mul3A_338 = arith.mulf %get3A_337, %gather3A : vector<16xf32>
        %swap3A_339 = arith.index_cast %add3A_320 : i32 to index
        %swap3A_340 = arith.constant 32 : index
        %swap3A_341 = tpu.vector_load %arg10[%swap3A_339, %swap3A_340] {strides = array<i32>} : memref<128x128xf32, #tpu.memory_space<vmem>>, vector<16xf32>,
        tpu.vector_store %arg10[%swap3A_339, %swap3A_340], %mul3A_338 {strides = array<i32>} : memref<128x128xf32, #tpu.memory_space<vmem>>, vector<16xf32>,
        %get3A_342 = arith.index_cast %add3A_320 : i32 to index
        %get3A_343 = arith.constant 48 : index
        %get3A_344 = tpu.vector_load %arg10[%get3A_342, %get3A_343] {strides = array<i32>} : memref<128x128xf32, #tpu.memory_space<vmem>>, vector<16xf32>,
        %mul3A_345 = arith.mulf %get3A_344, %gather3A : vector<16xf32>
        %swap3A_346 = arith.index_cast %add3A_320 : i32 to index
        %swap3A_347 = arith.constant 48 : index
        %swap3A_348 = tpu.vector_load %arg10[%swap3A_346, %swap3A_347] {strides = array<i32>} : memref<128x128xf32, #tpu.memory_space<vmem>>, vector<16xf32>,
        tpu.vector_store %arg10[%swap3A_346, %swap3A_347], %mul3A_345 {strides = array<i32>} : memref<128x128xf32, #tpu.memory_space<vmem>>, vector<16xf32>,
        %get3A_349 = arith.index_cast %add3A_320 : i32 to index
        %get3A_350 = arith.constant 64 : index
        %get3A_351 = tpu.vector_load %arg10[%get3A_349, %get3A_350] {strides = array<i32>} : memref<128x128xf32, #tpu.memory_space<vmem>>, vector<16xf32>,
        %mul3A_352 = arith.mulf %get3A_351, %gather3A : vector<16xf32>
        %swap3A_353 = arith.index_cast %add3A_320 : i32 to index
        %swap3A_354 = arith.constant 64 : index
        %swap3A_355 = tpu.vector_load %arg10[%swap3A_353, %swap3A_354] {strides = array<i32>} : memref<128x128xf32, #tpu.memory_space<vmem>>, vector<16xf32>,
        tpu.vector_store %arg10[%swap3A_353, %swap3A_354], %mul3A_352 {strides = array<i32>} : memref<128x128xf32, #tpu.memory_space<vmem>>, vector<16xf32>,
        %get3A_356 = arith.index_cast %add3A_320 : i32 to index
        %get3A_357 = arith.constant 80 : index
        %get3A_358 = tpu.vector_load %arg10[%get3A_356, %get3A_357] {strides = array<i32>} : memref<128x128xf32, #tpu.memory_space<vmem>>, vector<16xf32>,
        %mul3A_359 = arith.mulf %get3A_358, %gather3A : vector<16xf32>
        %swap3A_360 = arith.index_cast %add3A_320 : i32 to index
        %swap3A_361 = arith.constant 80 : index
        %swap3A_362 = tpu.vector_load %arg10[%swap3A_360, %swap3A_361] {strides = array<i32>} : memref<128x128xf32, #tpu.memory_space<vmem>>, vector<16xf32>,
        tpu.vector_store %arg10[%swap3A_360, %swap3A_361], %mul3A_359 {strides = array<i32>} : memref<128x128xf32, #tpu.memory_space<vmem>>, vector<16xf32>,
        %get3A_363 = arith.index_cast %add3A_320 : i32 to index
        %get3A_364 = arith.constant 96 : index
        %get3A_365 = tpu.vector_load %arg10[%get3A_363, %get3A_364] {strides = array<i32>} : memref<128x128xf32, #tpu.memory_space<vmem>>, vector<16xf32>,
        %mul3A_366 = arith.mulf %get3A_365, %gather3A : vector<16xf32>
        %swap3A_367 = arith.index_cast %add3A_320 : i32 to index
        %swap3A_368 = arith.constant 96 : index
        %swap3A_369 = tpu.vector_load %arg10[%swap3A_367, %swap3A_368] {strides = array<i32>} : memref<128x128xf32, #tpu.memory_space<vmem>>, vector<16xf32>,
        tpu.vector_store %arg10[%swap3A_367, %swap3A_368], %mul3A_366 {strides = array<i32>} : memref<128x128xf32, #tpu.memory_space<vmem>>, vector<16xf32>,
        %get3A_370 = arith.index_cast %add3A_320 : i32 to index
        %get3A_371 = arith.constant 112 : index
        %get3A_372 = tpu.vector_load %arg10[%get3A_370, %get3A_371] {strides = array<i32>} : memref<128x128xf32, #tpu.memory_space<vmem>>, vector<16xf32>,
        %mul3A_373 = arith.mulf %get3A_372, %gather3A : vector<16xf32>
        %swap3A_374 = arith.index_cast %add3A_320 : i32 to index
        %swap3A_375 = arith.constant 112 : index
        %swap3A_376 = tpu.vector_load %arg10[%swap3A_374, %swap3A_375] {strides = array<i32>} : memref<128x128xf32, #tpu.memory_space<vmem>>, vector<16xf32>,
        tpu.vector_store %arg10[%swap3A_374, %swap3A_375], %mul3A_373 {strides = array<i32>} : memref<128x128xf32, #tpu.memory_space<vmem>>, vector<16xf32>,
        %add3A_377 = arith.constant 1 : i32
        %add3A_378 = arith.addi %mul3A_318, %add3A_377 : i32
        %add3A_379 = arith.addi %while3A_201, %add3A_378 : i32
        %broadcast_in_dim3A_380 = vector.broadcast %add3A_379 : i32 to vector<16xi32>
        %gather3A_381 = tpu.vector_load_idx %arg9[%broadcast_in_dim3A_380] : memref<256xf32, #tpu.memory_space<vmem>>[vector<16xi32>], vector<16xf32>,
        %get3A_382 = arith.index_cast %add3A_378 : i32 to index
        %get3A_383 = arith.constant 0 : index
        %get3A_384 = tpu.vector_load %arg10[%get3A_382, %get3A_383] {strides = array<i32>} : memref<128x128xf32, #tpu.memory_space<vmem>>, vector<16xf32>,
        %mul3A_385 = arith.mulf %get3A_384, %gather3A_381 : vector<16xf32>
        %swap3A_386 = arith.index_cast %add3A_378 : i32 to index
        %swap3A_387 = arith.constant 0 : index
        %swap3A_388 = tpu.vector_load %arg10[%swap3A_386, %swap3A_387] {strides = array<i32>} : memref<128x128xf32, #tpu.memory_space<vmem>>, vector<16xf32>,
        tpu.vector_store %arg10[%swap3A_386, %swap3A_387], %mul3A_385 {strides = array<i32>} : memref<128x128xf32, #tpu.memory_space<vmem>>, vector<16xf32>,
        %get3A_389 = arith.index_cast %add3A_378 : i32 to index
        %get3A_390 = arith.constant 16 : index
        %get3A_391 = tpu.vector_load %arg10[%get3A_389, %get3A_390] {strides = array<i32>} : memref<128x128xf32, #tpu.memory_space<vmem>>, vector<16xf32>,
        %mul3A_392 = arith.mulf %get3A_391, %gather3A_381 : vector<16xf32>
        %swap3A_393 = arith.index_cast %add3A_378 : i32 to index
        %swap3A_394 = arith.constant 16 : index
        %swap3A_395 = tpu.vector_load %arg10[%swap3A_393, %swap3A_394] {strides = array<i32>} : memref<128x128xf32, #tpu.memory_space<vmem>>, vector<16xf32>,
        tpu.vector_store %arg10[%swap3A_393, %swap3A_394], %mul3A_392 {strides = array<i32>} : memref<128x128xf32, #tpu.memory_space<vmem>>, vector<16xf32>,
        %get3A_396 = arith.index_cast %add3A_378 : i32 to index
        %get3A_397 = arith.constant 32 : index
        %get3A_398 = tpu.vector_load %arg10[%get3A_396, %get3A_397] {strides = array<i32>} : memref<128x128xf32, #tpu.memory_space<vmem>>, vector<16xf32>,
        %mul3A_399 = arith.mulf %get3A_398, %gather3A_381 : vector<16xf32>
        %swap3A_400 = arith.index_cast %add3A_378 : i32 to index
        %swap3A_401 = arith.constant 32 : index
        %swap3A_402 = tpu.vector_load %arg10[%swap3A_400, %swap3A_401] {strides = array<i32>} : memref<128x128xf32, #tpu.memory_space<vmem>>, vector<16xf32>,
        tpu.vector_store %arg10[%swap3A_400, %swap3A_401], %mul3A_399 {strides = array<i32>} : memref<128x128xf32, #tpu.memory_space<vmem>>, vector<16xf32>,
        %get3A_403 = arith.index_cast %add3A_378 : i32 to index
        %get3A_404 = arith.constant 48 : index
        %get3A_405 = tpu.vector_load %arg10[%get3A_403, %get3A_404] {strides = array<i32>} : memref<128x128xf32, #tpu.memory_space<vmem>>, vector<16xf32>,
        %mul3A_406 = arith.mulf %get3A_405, %gather3A_381 : vector<16xf32>
        %swap3A_407 = arith.index_cast %add3A_378 : i32 to index
        %swap3A_408 = arith.constant 48 : index
        %swap3A_409 = tpu.vector_load %arg10[%swap3A_407, %swap3A_408] {strides = array<i32>} : memref<128x128xf32, #tpu.memory_space<vmem>>, vector<16xf32>,
        tpu.vector_store %arg10[%swap3A_407, %swap3A_408], %mul3A_406 {strides = array<i32>} : memref<128x128xf32, #tpu.memory_space<vmem>>, vector<16xf32>,
        %get3A_410 = arith.index_cast %add3A_378 : i32 to index
        %get3A_411 = arith.constant 64 : index
        %get3A_412 = tpu.vector_load %arg10[%get3A_410, %get3A_411] {strides = array<i32>} : memref<128x128xf32, #tpu.memory_space<vmem>>, vector<16xf32>,
        %mul3A_413 = arith.mulf %get3A_412, %gather3A_381 : vector<16xf32>
        %swap3A_414 = arith.index_cast %add3A_378 : i32 to index
        %swap3A_415 = arith.constant 64 : index
        %swap3A_416 = tpu.vector_load %arg10[%swap3A_414, %swap3A_415] {strides = array<i32>} : memref<128x128xf32, #tpu.memory_space<vmem>>, vector<16xf32>,
        tpu.vector_store %arg10[%swap3A_414, %swap3A_415], %mul3A_413 {strides = array<i32>} : memref<128x128xf32, #tpu.memory_space<vmem>>, vector<16xf32>,
        %get3A_417 = arith.index_cast %add3A_378 : i32 to index
        %get3A_418 = arith.constant 80 : index
        %get3A_419 = tpu.vector_load %arg10[%get3A_417, %get3A_418] {strides = array<i32>} : memref<128x128xf32, #tpu.memory_space<vmem>>, vector<16xf32>,
        %mul3A_420 = arith.mulf %get3A_419, %gather3A_381 : vector<16xf32>
        %swap3A_421 = arith.index_cast %add3A_378 : i32 to index
        %swap3A_422 = arith.constant 80 : index
        %swap3A_423 = tpu.vector_load %arg10[%swap3A_421, %swap3A_422] {strides = array<i32>} : memref<128x128xf32, #tpu.memory_space<vmem>>, vector<16xf32>,
        tpu.vector_store %arg10[%swap3A_421, %swap3A_422], %mul3A_420 {strides = array<i32>} : memref<128x128xf32, #tpu.memory_space<vmem>>, vector<16xf32>,
        %get3A_424 = arith.index_cast %add3A_378 : i32 to index
        %get3A_425 = arith.constant 96 : index
        %get3A_426 = tpu.vector_load %arg10[%get3A_424, %get3A_425] {strides = array<i32>} : memref<128x128xf32, #tpu.memory_space<vmem>>, vector<16xf32>,
        %mul3A_427 = arith.mulf %get3A_426, %gather3A_381 : vector<16xf32>
        %swap3A_428 = arith.index_cast %add3A_378 : i32 to index
        %swap3A_429 = arith.constant 96 : index
        %swap3A_430 = tpu.vector_load %arg10[%swap3A_428, %swap3A_429] {strides = array<i32>} : memref<128x128xf32, #tpu.memory_space<vmem>>, vector<16xf32>,
        tpu.vector_store %arg10[%swap3A_428, %swap3A_429], %mul3A_427 {strides = array<i32>} : memref<128x128xf32, #tpu.memory_space<vmem>>, vector<16xf32>,
        %get3A_431 = arith.index_cast %add3A_378 : i32 to index
        %get3A_432 = arith.constant 112 : index
        %get3A_433 = tpu.vector_load %arg10[%get3A_431, %get3A_432] {strides = array<i32>} : memref<128x128xf32, #tpu.memory_space<vmem>>, vector<16xf32>,
        %mul3A_434 = arith.mulf %get3A_433, %gather3A_381 : vector<16xf32>
        %swap3A_435 = arith.index_cast %add3A_378 : i32 to index
        %swap3A_436 = arith.constant 112 : index
        %swap3A_437 = tpu.vector_load %arg10[%swap3A_435, %swap3A_436] {strides = array<i32>} : memref<128x128xf32, #tpu.memory_space<vmem>>, vector<16xf32>,
        tpu.vector_store %arg10[%swap3A_435, %swap3A_436], %mul3A_434 {strides = array<i32>} : memref<128x128xf32, #tpu.memory_space<vmem>>, vector<16xf32>,
        %add3A_438 = arith.constant 2 : i32
        %add3A_439 = arith.addi %mul3A_318, %add3A_438 : i32
        %add3A_440 = arith.addi %while3A_201, %add3A_439 : i32
        %broadcast_in_dim3A_441 = vector.broadcast %add3A_440 : i32 to vector<16xi32>
        %gather3A_442 = tpu.vector_load_idx %arg9[%broadcast_in_dim3A_441] : memref<256xf32, #tpu.memory_space<vmem>>[vector<16xi32>], vector<16xf32>,
        %get3A_443 = arith.index_cast %add3A_439 : i32 to index
        %get3A_444 = arith.constant 0 : index
        %get3A_445 = tpu.vector_load %arg10[%get3A_443, %get3A_444] {strides = array<i32>} : memref<128x128xf32, #tpu.memory_space<vmem>>, vector<16xf32>,
        %mul3A_446 = arith.mulf %get3A_445, %gather3A_442 : vector<16xf32>
        %swap3A_447 = arith.index_cast %add3A_439 : i32 to index
        %swap3A_448 = arith.constant 0 : index
        %swap3A_449 = tpu.vector_load %arg10[%swap3A_447, %swap3A_448] {strides = array<i32>} : memref<128x128xf32, #tpu.memory_space<vmem>>, vector<16xf32>,
        tpu.vector_store %arg10[%swap3A_447, %swap3A_448], %mul3A_446 {strides = array<i32>} : memref<128x128xf32, #tpu.memory_space<vmem>>, vector<16xf32>,
        %get3A_450 = arith.index_cast %add3A_439 : i32 to index
        %get3A_451 = arith.constant 16 : index
        %get3A_452 = tpu.vector_load %arg10[%get3A_450, %get3A_451] {strides = array<i32>} : memref<128x128xf32, #tpu.memory_space<vmem>>, vector<16xf32>,
        %mul3A_453 = arith.mulf %get3A_452, %gather3A_442 : vector<16xf32>
        %swap3A_454 = arith.index_cast %add3A_439 : i32 to index
        %swap3A_455 = arith.constant 16 : index
        %swap3A_456 = tpu.vector_load %arg10[%swap3A_454, %swap3A_455] {strides = array<i32>} : memref<128x128xf32, #tpu.memory_space<vmem>>, vector<16xf32>,
        tpu.vector_store %arg10[%swap3A_454, %swap3A_455], %mul3A_453 {strides = array<i32>} : memref<128x128xf32, #tpu.memory_space<vmem>>, vector<16xf32>,
        %get3A_457 = arith.index_cast %add3A_439 : i32 to index
        %get3A_458 = arith.constant 32 : index
        %get3A_459 = tpu.vector_load %arg10[%get3A_457, %get3A_458] {strides = array<i32>} : memref<128x128xf32, #tpu.memory_space<vmem>>, vector<16xf32>,
        %mul3A_460 = arith.mulf %get3A_459, %gather3A_442 : vector<16xf32>
        %swap3A_461 = arith.index_cast %add3A_439 : i32 to index
        %swap3A_462 = arith.constant 32 : index
        %swap3A_463 = tpu.vector_load %arg10[%swap3A_461, %swap3A_462] {strides = array<i32>} : memref<128x128xf32, #tpu.memory_space<vmem>>, vector<16xf32>,
        tpu.vector_store %arg10[%swap3A_461, %swap3A_462], %mul3A_460 {strides = array<i32>} : memref<128x128xf32, #tpu.memory_space<vmem>>, vector<16xf32>,
        %get3A_464 = arith.index_cast %add3A_439 : i32 to index
        %get3A_465 = arith.constant 48 : index
        %get3A_466 = tpu.vector_load %arg10[%get3A_464, %get3A_465] {strides = array<i32>} : memref<128x128xf32, #tpu.memory_space<vmem>>, vector<16xf32>,
        %mul3A_467 = arith.mulf %get3A_466, %gather3A_442 : vector<16xf32>
        %swap3A_468 = arith.index_cast %add3A_439 : i32 to index
        %swap3A_469 = arith.constant 48 : index
        %swap3A_470 = tpu.vector_load %arg10[%swap3A_468, %swap3A_469] {strides = array<i32>} : memref<128x128xf32, #tpu.memory_space<vmem>>, vector<16xf32>,
        tpu.vector_store %arg10[%swap3A_468, %swap3A_469], %mul3A_467 {strides = array<i32>} : memref<128x128xf32, #tpu.memory_space<vmem>>, vector<16xf32>,
        %get3A_471 = arith.index_cast %add3A_439 : i32 to index
        %get3A_472 = arith.constant 64 : index
        %get3A_473 = tpu.vector_load %arg10[%get3A_471, %get3A_472] {strides = array<i32>} : memref<128x128xf32, #tpu.memory_space<vmem>>, vector<16xf32>,
        %mul3A_474 = arith.mulf %get3A_473, %gather3A_442 : vector<16xf32>
        %swap3A_475 = arith.index_cast %add3A_439 : i32 to index
        %swap3A_476 = arith.constant 64 : index
        %swap3A_477 = tpu.vector_load %arg10[%swap3A_475, %swap3A_476] {strides = array<i32>} : memref<128x128xf32, #tpu.memory_space<vmem>>, vector<16xf32>,
        tpu.vector_store %arg10[%swap3A_475, %swap3A_476], %mul3A_474 {strides = array<i32>} : memref<128x128xf32, #tpu.memory_space<vmem>>, vector<16xf32>,
        %get3A_478 = arith.index_cast %add3A_439 : i32 to index
        %get3A_479 = arith.constant 80 : index
        %get3A_480 = tpu.vector_load %arg10[%get3A_478, %get3A_479] {strides = array<i32>} : memref<128x128xf32, #tpu.memory_space<vmem>>, vector<16xf32>,
        %mul3A_481 = arith.mulf %get3A_480, %gather3A_442 : vector<16xf32>
        %swap3A_482 = arith.index_cast %add3A_439 : i32 to index
        %swap3A_483 = arith.constant 80 : index
        %swap3A_484 = tpu.vector_load %arg10[%swap3A_482, %swap3A_483] {strides = array<i32>} : memref<128x128xf32, #tpu.memory_space<vmem>>, vector<16xf32>,
        tpu.vector_store %arg10[%swap3A_482, %swap3A_483], %mul3A_481 {strides = array<i32>} : memref<128x128xf32, #tpu.memory_space<vmem>>, vector<16xf32>,
        %get3A_485 = arith.index_cast %add3A_439 : i32 to index
        %get3A_486 = arith.constant 96 : index
        %get3A_487 = tpu.vector_load %arg10[%get3A_485, %get3A_486] {strides = array<i32>} : memref<128x128xf32, #tpu.memory_space<vmem>>, vector<16xf32>,
        %mul3A_488 = arith.mulf %get3A_487, %gather3A_442 : vector<16xf32>
        %swap3A_489 = arith.index_cast %add3A_439 : i32 to index
        %swap3A_490 = arith.constant 96 : index
        %swap3A_491 = tpu.vector_load %arg10[%swap3A_489, %swap3A_490] {strides = array<i32>} : memref<128x128xf32, #tpu.memory_space<vmem>>, vector<16xf32>,
        tpu.vector_store %arg10[%swap3A_489, %swap3A_490], %mul3A_488 {strides = array<i32>} : memref<128x128xf32, #tpu.memory_space<vmem>>, vector<16xf32>,
        %get3A_492 = arith.index_cast %add3A_439 : i32 to index
        %get3A_493 = arith.constant 112 : index
        %get3A_494 = tpu.vector_load %arg10[%get3A_492, %get3A_493] {strides = array<i32>} : memref<128x128xf32, #tpu.memory_space<vmem>>, vector<16xf32>,
        %mul3A_495 = arith.mulf %get3A_494, %gather3A_442 : vector<16xf32>
        %swap3A_496 = arith.index_cast %add3A_439 : i32 to index
        %swap3A_497 = arith.constant 112 : index
        %swap3A_498 = tpu.vector_load %arg10[%swap3A_496, %swap3A_497] {strides = array<i32>} : memref<128x128xf32, #tpu.memory_space<vmem>>, vector<16xf32>,
        tpu.vector_store %arg10[%swap3A_496, %swap3A_497], %mul3A_495 {strides = array<i32>} : memref<128x128xf32, #tpu.memory_space<vmem>>, vector<16xf32>,
        %add3A_499 = arith.constant 3 : i32
        %add3A_500 = arith.addi %mul3A_318, %add3A_499 : i32
        %add3A_501 = arith.addi %while3A_201, %add3A_500 : i32
        %broadcast_in_dim3A_502 = vector.broadcast %add3A_501 : i32 to vector<16xi32>
        %gather3A_503 = tpu.vector_load_idx %arg9[%broadcast_in_dim3A_502] : memref<256xf32, #tpu.memory_space<vmem>>[vector<16xi32>], vector<16xf32>,
        %get3A_504 = arith.index_cast %add3A_500 : i32 to index
        %get3A_505 = arith.constant 0 : index
        %get3A_506 = tpu.vector_load %arg10[%get3A_504, %get3A_505] {strides = array<i32>} : memref<128x128xf32, #tpu.memory_space<vmem>>, vector<16xf32>,
        %mul3A_507 = arith.mulf %get3A_506, %gather3A_503 : vector<16xf32>
        %swap3A_508 = arith.index_cast %add3A_500 : i32 to index
        %swap3A_509 = arith.constant 0 : index
        %swap3A_510 = tpu.vector_load %arg10[%swap3A_508, %swap3A_509] {strides = array<i32>} : memref<128x128xf32, #tpu.memory_space<vmem>>, vector<16xf32>,
        tpu.vector_store %arg10[%swap3A_508, %swap3A_509], %mul3A_507 {strides = array<i32>} : memref<128x128xf32, #tpu.memory_space<vmem>>, vector<16xf32>,
        %get3A_511 = arith.index_cast %add3A_500 : i32 to index
        %get3A_512 = arith.constant 16 : index
        %get3A_513 = tpu.vector_load %arg10[%get3A_511, %get3A_512] {strides = array<i32>} : memref<128x128xf32, #tpu.memory_space<vmem>>, vector<16xf32>,
        %mul3A_514 = arith.mulf %get3A_513, %gather3A_503 : vector<16xf32>
        %swap3A_515 = arith.index_cast %add3A_500 : i32 to index
        %swap3A_516 = arith.constant 16 : index
        %swap3A_517 = tpu.vector_load %arg10[%swap3A_515, %swap3A_516] {strides = array<i32>} : memref<128x128xf32, #tpu.memory_space<vmem>>, vector<16xf32>,
        tpu.vector_store %arg10[%swap3A_515, %swap3A_516], %mul3A_514 {strides = array<i32>} : memref<128x128xf32, #tpu.memory_space<vmem>>, vector<16xf32>,
        %get3A_518 = arith.index_cast %add3A_500 : i32 to index
        %get3A_519 = arith.constant 32 : index
        %get3A_520 = tpu.vector_load %arg10[%get3A_518, %get3A_519] {strides = array<i32>} : memref<128x128xf32, #tpu.memory_space<vmem>>, vector<16xf32>,
        %mul3A_521 = arith.mulf %get3A_520, %gather3A_503 : vector<16xf32>
        %swap3A_522 = arith.index_cast %add3A_500 : i32 to index
        %swap3A_523 = arith.constant 32 : index
        %swap3A_524 = tpu.vector_load %arg10[%swap3A_522, %swap3A_523] {strides = array<i32>} : memref<128x128xf32, #tpu.memory_space<vmem>>, vector<16xf32>,
        tpu.vector_store %arg10[%swap3A_522, %swap3A_523], %mul3A_521 {strides = array<i32>} : memref<128x128xf32, #tpu.memory_space<vmem>>, vector<16xf32>,
        %get3A_525 = arith.index_cast %add3A_500 : i32 to index
        %get3A_526 = arith.constant 48 : index
        %get3A_527 = tpu.vector_load %arg10[%get3A_525, %get3A_526] {strides = array<i32>} : memref<128x128xf32, #tpu.memory_space<vmem>>, vector<16xf32>,
        %mul3A_528 = arith.mulf %get3A_527, %gather3A_503 : vector<16xf32>
        %swap3A_529 = arith.index_cast %add3A_500 : i32 to index
        %swap3A_530 = arith.constant 48 : index
        %swap3A_531 = tpu.vector_load %arg10[%swap3A_529, %swap3A_530] {strides = array<i32>} : memref<128x128xf32, #tpu.memory_space<vmem>>, vector<16xf32>,
        tpu.vector_store %arg10[%swap3A_529, %swap3A_530], %mul3A_528 {strides = array<i32>} : memref<128x128xf32, #tpu.memory_space<vmem>>, vector<16xf32>,
        %get3A_532 = arith.index_cast %add3A_500 : i32 to index
        %get3A_533 = arith.constant 64 : index
        %get3A_534 = tpu.vector_load %arg10[%get3A_532, %get3A_533] {strides = array<i32>} : memref<128x128xf32, #tpu.memory_space<vmem>>, vector<16xf32>,
        %mul3A_535 = arith.mulf %get3A_534, %gather3A_503 : vector<16xf32>
        %swap3A_536 = arith.index_cast %add3A_500 : i32 to index
        %swap3A_537 = arith.constant 64 : index
        %swap3A_538 = tpu.vector_load %arg10[%swap3A_536, %swap3A_537] {strides = array<i32>} : memref<128x128xf32, #tpu.memory_space<vmem>>, vector<16xf32>,
        tpu.vector_store %arg10[%swap3A_536, %swap3A_537], %mul3A_535 {strides = array<i32>} : memref<128x128xf32, #tpu.memory_space<vmem>>, vector<16xf32>,
        %get3A_539 = arith.index_cast %add3A_500 : i32 to index
        %get3A_540 = arith.constant 80 : index
        %get3A_541 = tpu.vector_load %arg10[%get3A_539, %get3A_540] {strides = array<i32>} : memref<128x128xf32, #tpu.memory_space<vmem>>, vector<16xf32>,
        %mul3A_542 = arith.mulf %get3A_541, %gather3A_503 : vector<16xf32>
        %swap3A_543 = arith.index_cast %add3A_500 : i32 to index
        %swap3A_544 = arith.constant 80 : index
        %swap3A_545 = tpu.vector_load %arg10[%swap3A_543, %swap3A_544] {strides = array<i32>} : memref<128x128xf32, #tpu.memory_space<vmem>>, vector<16xf32>,
        tpu.vector_store %arg10[%swap3A_543, %swap3A_544], %mul3A_542 {strides = array<i32>} : memref<128x128xf32, #tpu.memory_space<vmem>>, vector<16xf32>,
        %get3A_546 = arith.index_cast %add3A_500 : i32 to index
        %get3A_547 = arith.constant 96 : index
        %get3A_548 = tpu.vector_load %arg10[%get3A_546, %get3A_547] {strides = array<i32>} : memref<128x128xf32, #tpu.memory_space<vmem>>, vector<16xf32>,
        %mul3A_549 = arith.mulf %get3A_548, %gather3A_503 : vector<16xf32>
        %swap3A_550 = arith.index_cast %add3A_500 : i32 to index
        %swap3A_551 = arith.constant 96 : index
        %swap3A_552 = tpu.vector_load %arg10[%swap3A_550, %swap3A_551] {strides = array<i32>} : memref<128x128xf32, #tpu.memory_space<vmem>>, vector<16xf32>,
        tpu.vector_store %arg10[%swap3A_550, %swap3A_551], %mul3A_549 {strides = array<i32>} : memref<128x128xf32, #tpu.memory_space<vmem>>, vector<16xf32>,
        %get3A_553 = arith.index_cast %add3A_500 : i32 to index
        %get3A_554 = arith.constant 112 : index
        %get3A_555 = tpu.vector_load %arg10[%get3A_553, %get3A_554] {strides = array<i32>} : memref<128x128xf32, #tpu.memory_space<vmem>>, vector<16xf32>,
        %mul3A_556 = arith.mulf %get3A_555, %gather3A_503 : vector<16xf32>
        %swap3A_557 = arith.index_cast %add3A_500 : i32 to index
        %swap3A_558 = arith.constant 112 : index
        %swap3A_559 = tpu.vector_load %arg10[%swap3A_557, %swap3A_558] {strides = array<i32>} : memref<128x128xf32, #tpu.memory_space<vmem>>, vector<16xf32>,
        tpu.vector_store %arg10[%swap3A_557, %swap3A_558], %mul3A_556 {strides = array<i32>} : memref<128x128xf32, #tpu.memory_space<vmem>>, vector<16xf32>,
      }
      %run_scoped3A = arith.constant 0 : i32
      "tpu.region"() ({
        %run_scoped3A_316 = tpu.sem_alloc : memref<!tpu.dma_semaphore, #tpu.memory_space<semaphore_mem>>
        %dma_start3A_317 = arith.constant 0 : i32
        %dma_start3A_318 = tpu.memref_slice %arg8[%run_scoped3A, %dma_start3A_317] : memref<2x128xi32, #tpu.memory_space<vmem>> -> memref<1x128xi32, #tpu.memory_space<vmem>>
        %dma_start3A_319 = tpu.memref_squeeze %dma_start3A_318 : memref<1x128xi32, #tpu.memory_space<vmem>> -> memref<128xi32, #tpu.memory_space<vmem>>
        %dma_start3A_320 = arith.constant 0 : i32
        %dma_start3A_321 = arith.constant 0 : i32
        %dma_start3A_322 = tpu.memref_slice %arg12[%dma_start3A_320, %dma_start3A_321] : memref<10240x128xf32, #tpu.memory_space<vmem_shared>> -> memref<10240x128xf32, #tpu.memory_space<vmem_shared>>
        tpu.enqueue_indirect_dma source(%arg10 : memref<128x128xf32, #tpu.memory_space<vmem>>) target(%dma_start3A_322 : memref<10240x128xf32, #tpu.memory_space<vmem_shared>>) offsets(%dma_start3A_319 : memref<128xi32, #tpu.memory_space<vmem>>) semaphore(%run_scoped3A_316 : memref<!tpu.dma_semaphore, #tpu.memory_space<semaphore_mem>>) {add = true}
        %dma_wait3A_323 = arith.constant 0 : i32
        %dma_wait3A_324 = tpu.memref_slice %arg8[%run_scoped3A, %dma_wait3A_323] : memref<2x128xi32, #tpu.memory_space<vmem>> -> memref<1x128xi32, #tpu.memory_space<vmem>>
        %dma_wait3A_325 = tpu.memref_squeeze %dma_wait3A_324 : memref<1x128xi32, #tpu.memory_space<vmem>> -> memref<128xi32, #tpu.memory_space<vmem>>
        %dma_wait3A_326 = arith.constant 0 : i32
        %dma_wait3A_327 = arith.constant 0 : i32
        %dma_wait3A_328 = tpu.memref_slice %arg12[%dma_wait3A_326, %dma_wait3A_327] : memref<10240x128xf32, #tpu.memory_space<vmem_shared>> -> memref<10240x128xf32, #tpu.memory_space<vmem_shared>>
        tpu.wait_indirect_dma semaphore(%run_scoped3A_316 : memref<!tpu.dma_semaphore, #tpu.memory_space<semaphore_mem>>) src(%arg10 : memref<128x128xf32, #tpu.memory_space<vmem>>) dst(%dma_wait3A_328 : memref<10240x128xf32, #tpu.memory_space<vmem_shared>>)
        tpu.yield
      }) : () -> ()
      %add3A_212 = arith.constant 2 : i32
      %add3A_213 = arith.addi %add3A_160, %add3A_212 : i32
      %dma_start3A_214 = arith.constant 0 : i32
      %dma_start3A_215 = arith.constant 0 : i32
      %dma_start3A_216 = tpu.memref_slice %arg8[%dma_start3A_214, %dma_start3A_215] : memref<2x128xi32, #tpu.memory_space<vmem>> -> memref<1x128xi32, #tpu.memory_space<vmem>>
      %dma_start3A_217 = tpu.memref_squeeze %dma_start3A_216 : memref<1x128xi32, #tpu.memory_space<vmem>> -> memref<128xi32, #tpu.memory_space<vmem>>
      %dma_start3A_218 = arith.constant 0 : i32
      %dma_start3A_219 = tpu.memref_slice %arg4[%add3A, %add3A_213, %dma_start3A_218] : memref<32x82x128xi32, #tpu.memory_space<hbm>> -> memref<1x1x128xi32, #tpu.memory_space<hbm>>
      %dma_start3A_220 = tpu.memref_squeeze %dma_start3A_219 : memref<1x1x128xi32, #tpu.memory_space<hbm>> -> memref<128xi32, #tpu.memory_space<hbm>>
      %dma_start3A_221 = arith.constant 0 : i32
      %dma_start3A_222 = tpu.memref_slice %arg8[%dma_start3A_214, %dma_start3A_221] : memref<2x128xi32, #tpu.memory_space<vmem>> -> memref<1x128xi32, #tpu.memory_space<vmem>>
      %dma_start3A_223 = tpu.memref_squeeze %dma_start3A_222 : memref<1x128xi32, #tpu.memory_space<vmem>> -> memref<128xi32, #tpu.memory_space<vmem>>
      %dma_start3A_224 = arith.constant 0 : i32
      %dma_start3A_225 = tpu.memref_slice %arg4[%add3A, %add3A_213, %dma_start3A_224] : memref<32x82x128xi32, #tpu.memory_space<hbm>> -> memref<1x1x128xi32, #tpu.memory_space<hbm>>
      %dma_start3A_226 = tpu.memref_squeeze %dma_start3A_225 : memref<1x1x128xi32, #tpu.memory_space<hbm>> -> memref<128xi32, #tpu.memory_space<hbm>>
      tpu.enqueue_dma source(%dma_start3A_226 : memref<128xi32, #tpu.memory_space<hbm>>) target(%dma_start3A_223 : memref<128xi32, #tpu.memory_space<vmem>>) target_semaphore(%arg15 : memref<!tpu.dma_semaphore, #tpu.memory_space<semaphore_mem>>)
      %dma_start3A_227 = arith.constant 0 : i32
      %dma_start3A_228 = tpu.memref_slice %arg9[%dma_start3A_227] : memref<256xf32, #tpu.memory_space<vmem>> -> memref<128xf32, #tpu.memory_space<vmem>>
      %dma_start3A_229 = arith.constant 0 : i32
      %dma_start3A_230 = tpu.memref_slice %arg5[%add3A, %add3A_213, %dma_start3A_229] : memref<32x82x128xf32, #tpu.memory_space<hbm>> -> memref<1x1x128xf32, #tpu.memory_space<hbm>>
      %dma_start3A_231 = tpu.memref_squeeze %dma_start3A_230 : memref<1x1x128xf32, #tpu.memory_space<hbm>> -> memref<128xf32, #tpu.memory_space<hbm>>
      %dma_start3A_232 = arith.constant 0 : i32
      %dma_start3A_233 = tpu.memref_slice %arg9[%dma_start3A_232] : memref<256xf32, #tpu.memory_space<vmem>> -> memref<128xf32, #tpu.memory_space<vmem>>
      %dma_start3A_234 = arith.constant 0 : i32
      %dma_start3A_235 = tpu.memref_slice %arg5[%add3A, %add3A_213, %dma_start3A_234] : memref<32x82x128xf32, #tpu.memory_space<hbm>> -> memref<1x1x128xf32, #tpu.memory_space<hbm>>
      %dma_start3A_236 = tpu.memref_squeeze %dma_start3A_235 : memref<1x1x128xf32, #tpu.memory_space<hbm>> -> memref<128xf32, #tpu.memory_space<hbm>>
      tpu.enqueue_dma source(%dma_start3A_236 : memref<128xf32, #tpu.memory_space<hbm>>) target(%dma_start3A_233 : memref<128xf32, #tpu.memory_space<vmem>>) target_semaphore(%arg17 : memref<!tpu.dma_semaphore, #tpu.memory_space<semaphore_mem>>)
      %add3A_237 = arith.constant 1 : i32
      %add3A_238 = arith.addi %mul3A_158, %add3A_237 : i32
      %add3A_239 = arith.constant 1 : i32
      %add3A_240 = arith.addi %add3A_238, %add3A_239 : i32
      %dma_start3A_241 = arith.constant 0 : i32
      %dma_start3A_242 = tpu.memref_slice %arg7[%add3A_240, %dma_start3A_241] : memref<82x128xi32, #tpu.memory_space<vmem>> -> memref<1x128xi32, #tpu.memory_space<vmem>>
      %dma_start3A_243 = tpu.memref_squeeze %dma_start3A_242 : memref<1x128xi32, #tpu.memory_space<vmem>> -> memref<128xi32, #tpu.memory_space<vmem>>
      %dma_start3A_244 = arith.constant 0 : i32
      %dma_start3A_245 = arith.constant 0 : i32
      %dma_start3A_246 = tpu.memref_slice %arg2[%dma_start3A_244, %dma_start3A_245] : memref<10000x128xf32, #tpu.memory_space<hbm>> -> memref<10000x128xf32, #tpu.memory_space<hbm>>
      tpu.enqueue_indirect_dma source(%dma_start3A_246 : memref<10000x128xf32, #tpu.memory_space<hbm>>) target(%arg10 : memref<128x128xf32, #tpu.memory_space<vmem>>) offsets(%dma_start3A_243 : memref<128xi32, #tpu.memory_space<vmem>>) semaphore(%arg13 : memref<!tpu.dma_semaphore, #tpu.memory_space<semaphore_mem>>)
      %dma_wait3A_247 = arith.constant 0 : i32
      %dma_wait3A_248 = arith.constant 0 : i32
      %dma_wait3A_249 = tpu.memref_slice %arg7[%dma_wait3A_247, %dma_wait3A_248] : memref<82x128xi32, #tpu.memory_space<vmem>> -> memref<1x128xi32, #tpu.memory_space<vmem>>
      %dma_wait3A_250 = tpu.memref_squeeze %dma_wait3A_249 : memref<1x128xi32, #tpu.memory_space<vmem>> -> memref<128xi32, #tpu.memory_space<vmem>>
      %dma_wait3A_251 = arith.constant 0 : i32
      %dma_wait3A_252 = arith.constant 0 : i32
      %dma_wait3A_253 = tpu.memref_slice %arg2[%dma_wait3A_251, %dma_wait3A_252] : memref<10000x128xf32, #tpu.memory_space<hbm>> -> memref<10000x128xf32, #tpu.memory_space<hbm>>
      tpu.wait_indirect_dma semaphore(%arg14 : memref<!tpu.dma_semaphore, #tpu.memory_space<semaphore_mem>>) src(%dma_wait3A_253 : memref<10000x128xf32, #tpu.memory_space<hbm>>) dst(%arg11 : memref<128x128xf32, #tpu.memory_space<vmem>>)
      %dma_wait3A_254 = arith.constant 0 : i32
      %dma_wait3A_255 = arith.constant 1 : i32
      %dma_wait3A_256 = arith.constant 0 : i32
      %dma_wait3A_257 = tpu.memref_slice %arg8[%dma_wait3A_255, %dma_wait3A_256] : memref<2x128xi32, #tpu.memory_space<vmem>> -> memref<1x128xi32, #tpu.memory_space<vmem>>
      %dma_wait3A_258 = tpu.memref_squeeze %dma_wait3A_257 : memref<1x128xi32, #tpu.memory_space<vmem>> -> memref<128xi32, #tpu.memory_space<vmem>>
      %dma_wait3A_259 = arith.constant 0 : i32
      %dma_wait3A_260 = tpu.memref_slice %arg4[%add3A, %dma_wait3A_254, %dma_wait3A_259] : memref<32x82x128xi32, #tpu.memory_space<hbm>> -> memref<1x1x128xi32, #tpu.memory_space<hbm>>
      %dma_wait3A_261 = tpu.memref_squeeze %dma_wait3A_260 : memref<1x1x128xi32, #tpu.memory_space<hbm>> -> memref<128xi32, #tpu.memory_space<hbm>>
      %dma_wait3A_262 = arith.constant 0 : i32
      %dma_wait3A_263 = tpu.memref_slice %arg8[%dma_wait3A_255, %dma_wait3A_262] : memref<2x128xi32, #tpu.memory_space<vmem>> -> memref<1x128xi32, #tpu.memory_space<vmem>>
      %dma_wait3A_264 = tpu.memref_squeeze %dma_wait3A_263 : memref<1x128xi32, #tpu.memory_space<vmem>> -> memref<128xi32, #tpu.memory_space<vmem>>
      %dma_wait3A_265 = arith.constant 0 : i32
      %dma_wait3A_266 = tpu.memref_slice %arg4[%add3A, %dma_wait3A_254, %dma_wait3A_265] : memref<32x82x128xi32, #tpu.memory_space<hbm>> -> memref<1x1x128xi32, #tpu.memory_space<hbm>>
      %dma_wait3A_267 = tpu.memref_squeeze %dma_wait3A_266 : memref<1x1x128xi32, #tpu.memory_space<hbm>> -> memref<128xi32, #tpu.memory_space<hbm>>
      tpu.wait_dma2 semaphore(%arg16 : memref<!tpu.dma_semaphore, #tpu.memory_space<semaphore_mem>>) src(%dma_wait3A_267 : memref<128xi32, #tpu.memory_space<hbm>>) dst(%dma_wait3A_264 : memref<128xi32, #tpu.memory_space<vmem>>)
      %dma_wait3A_268 = arith.constant 0 : i32
      %dma_wait3A_269 = arith.constant 128 : i32
      %dma_wait3A_270 = tpu.memref_slice %arg9[%dma_wait3A_269] : memref<256xf32, #tpu.memory_space<vmem>> -> memref<128xf32, #tpu.memory_space<vmem>>
      %dma_wait3A_271 = arith.constant 0 : i32
      %dma_wait3A_272 = tpu.memref_slice %arg5[%add3A, %dma_wait3A_268, %dma_wait3A_271] : memref<32x82x128xf32, #tpu.memory_space<hbm>> -> memref<1x1x128xf32, #tpu.memory_space<hbm>>
      %dma_wait3A_273 = tpu.memref_squeeze %dma_wait3A_272 : memref<1x1x128xf32, #tpu.memory_space<hbm>> -> memref<128xf32, #tpu.memory_space<hbm>>
      %dma_wait3A_274 = arith.constant 128 : i32
      %dma_wait3A_275 = tpu.memref_slice %arg9[%dma_wait3A_274] : memref<256xf32, #tpu.memory_space<vmem>> -> memref<128xf32, #tpu.memory_space<vmem>>
      %dma_wait3A_276 = arith.constant 0 : i32
      %dma_wait3A_277 = tpu.memref_slice %arg5[%add3A, %dma_wait3A_268, %dma_wait3A_276] : memref<32x82x128xf32, #tpu.memory_space<hbm>> -> memref<1x1x128xf32, #tpu.memory_space<hbm>>
      %dma_wait3A_278 = tpu.memref_squeeze %dma_wait3A_277 : memref<1x1x128xf32, #tpu.memory_space<hbm>> -> memref<128xf32, #tpu.memory_space<hbm>>
      tpu.wait_dma2 semaphore(%arg18 : memref<!tpu.dma_semaphore, #tpu.memory_space<semaphore_mem>>) src(%dma_wait3A_278 : memref<128xf32, #tpu.memory_space<hbm>>) dst(%dma_wait3A_275 : memref<128xf32, #tpu.memory_space<vmem>>)
      %while3A_279 = arith.constant 128 : i32
      %while3A_280 = arith.constant 0 : i32
      %while3A_281 = arith.constant 32 : i32
      %while3A_282 = arith.subi %while3A_281, %while3A_280 : i32
      %while3A_283 = arith.addi %while3A_280, %while3A_282 : i32
      %while3A_284 = arith.constant 1 : i32
      %while3A_285 = arith.divsi %while3A_282, %while3A_284 : i32
      %while3A_286 = arith.muli %while3A_285, %while3A_284 : i32
      %while3A_287 = arith.addi %while3A_280, %while3A_286 : i32
      %while3A_288 = arith.constant 1 : i32
      scf.for %while3A_316 = %while3A_280 to %while3A_287 step %while3A_288  : i32 {
        %mul3A_317 = arith.constant 4 : i32
        %mul3A_318 = arith.muli %while3A_316, %mul3A_317 : i32
        %add3A_319 = arith.constant 0 : i32
        %add3A_320 = arith.addi %mul3A_318, %add3A_319 : i32
        %add3A_321 = arith.addi %while3A_279, %add3A_320 : i32
        %broadcast_in_dim3A_322 = vector.broadcast %add3A_321 : i32 to vector<16xi32>
        %gather3A = tpu.vector_load_idx %arg9[%broadcast_in_dim3A_322] : memref<256xf32, #tpu.memory_space<vmem>>[vector<16xi32>], vector<16xf32>,
        %get3A = arith.index_cast %add3A_320 : i32 to index
        %get3A_323 = arith.constant 0 : index
        %get3A_324 = tpu.vector_load %arg11[%get3A, %get3A_323] {strides = array<i32>} : memref<128x128xf32, #tpu.memory_space<vmem>>, vector<16xf32>,
        %mul3A_325 = arith.mulf %get3A_324, %gather3A : vector<16xf32>
        %swap3A = arith.index_cast %add3A_320 : i32 to index
        %swap3A_326 = arith.constant 0 : index
        %swap3A_327 = tpu.vector_load %arg11[%swap3A, %swap3A_326] {strides = array<i32>} : memref<128x128xf32, #tpu.memory_space<vmem>>, vector<16xf32>,
        tpu.vector_store %arg11[%swap3A, %swap3A_326], %mul3A_325 {strides = array<i32>} : memref<128x128xf32, #tpu.memory_space<vmem>>, vector<16xf32>,
        %get3A_328 = arith.index_cast %add3A_320 : i32 to index
        %get3A_329 = arith.constant 16 : index
        %get3A_330 = tpu.vector_load %arg11[%get3A_328, %get3A_329] {strides = array<i32>} : memref<128x128xf32, #tpu.memory_space<vmem>>, vector<16xf32>,
        %mul3A_331 = arith.mulf %get3A_330, %gather3A : vector<16xf32>
        %swap3A_332 = arith.index_cast %add3A_320 : i32 to index
        %swap3A_333 = arith.constant 16 : index
        %swap3A_334 = tpu.vector_load %arg11[%swap3A_332, %swap3A_333] {strides = array<i32>} : memref<128x128xf32, #tpu.memory_space<vmem>>, vector<16xf32>,
        tpu.vector_store %arg11[%swap3A_332, %swap3A_333], %mul3A_331 {strides = array<i32>} : memref<128x128xf32, #tpu.memory_space<vmem>>, vector<16xf32>,
        %get3A_335 = arith.index_cast %add3A_320 : i32 to index
        %get3A_336 = arith.constant 32 : index
        %get3A_337 = tpu.vector_load %arg11[%get3A_335, %get3A_336] {strides = array<i32>} : memref<128x128xf32, #tpu.memory_space<vmem>>, vector<16xf32>,
        %mul3A_338 = arith.mulf %get3A_337, %gather3A : vector<16xf32>
        %swap3A_339 = arith.index_cast %add3A_320 : i32 to index
        %swap3A_340 = arith.constant 32 : index
        %swap3A_341 = tpu.vector_load %arg11[%swap3A_339, %swap3A_340] {strides = array<i32>} : memref<128x128xf32, #tpu.memory_space<vmem>>, vector<16xf32>,
        tpu.vector_store %arg11[%swap3A_339, %swap3A_340], %mul3A_338 {strides = array<i32>} : memref<128x128xf32, #tpu.memory_space<vmem>>, vector<16xf32>,
        %get3A_342 = arith.index_cast %add3A_320 : i32 to index
        %get3A_343 = arith.constant 48 : index
        %get3A_344 = tpu.vector_load %arg11[%get3A_342, %get3A_343] {strides = array<i32>} : memref<128x128xf32, #tpu.memory_space<vmem>>, vector<16xf32>,
        %mul3A_345 = arith.mulf %get3A_344, %gather3A : vector<16xf32>
        %swap3A_346 = arith.index_cast %add3A_320 : i32 to index
        %swap3A_347 = arith.constant 48 : index
        %swap3A_348 = tpu.vector_load %arg11[%swap3A_346, %swap3A_347] {strides = array<i32>} : memref<128x128xf32, #tpu.memory_space<vmem>>, vector<16xf32>,
        tpu.vector_store %arg11[%swap3A_346, %swap3A_347], %mul3A_345 {strides = array<i32>} : memref<128x128xf32, #tpu.memory_space<vmem>>, vector<16xf32>,
        %get3A_349 = arith.index_cast %add3A_320 : i32 to index
        %get3A_350 = arith.constant 64 : index
        %get3A_351 = tpu.vector_load %arg11[%get3A_349, %get3A_350] {strides = array<i32>} : memref<128x128xf32, #tpu.memory_space<vmem>>, vector<16xf32>,
        %mul3A_352 = arith.mulf %get3A_351, %gather3A : vector<16xf32>
        %swap3A_353 = arith.index_cast %add3A_320 : i32 to index
        %swap3A_354 = arith.constant 64 : index
        %swap3A_355 = tpu.vector_load %arg11[%swap3A_353, %swap3A_354] {strides = array<i32>} : memref<128x128xf32, #tpu.memory_space<vmem>>, vector<16xf32>,
        tpu.vector_store %arg11[%swap3A_353, %swap3A_354], %mul3A_352 {strides = array<i32>} : memref<128x128xf32, #tpu.memory_space<vmem>>, vector<16xf32>,
        %get3A_356 = arith.index_cast %add3A_320 : i32 to index
        %get3A_357 = arith.constant 80 : index
        %get3A_358 = tpu.vector_load %arg11[%get3A_356, %get3A_357] {strides = array<i32>} : memref<128x128xf32, #tpu.memory_space<vmem>>, vector<16xf32>,
        %mul3A_359 = arith.mulf %get3A_358, %gather3A : vector<16xf32>
        %swap3A_360 = arith.index_cast %add3A_320 : i32 to index
        %swap3A_361 = arith.constant 80 : index
        %swap3A_362 = tpu.vector_load %arg11[%swap3A_360, %swap3A_361] {strides = array<i32>} : memref<128x128xf32, #tpu.memory_space<vmem>>, vector<16xf32>,
        tpu.vector_store %arg11[%swap3A_360, %swap3A_361], %mul3A_359 {strides = array<i32>} : memref<128x128xf32, #tpu.memory_space<vmem>>, vector<16xf32>,
        %get3A_363 = arith.index_cast %add3A_320 : i32 to index
        %get3A_364 = arith.constant 96 : index
        %get3A_365 = tpu.vector_load %arg11[%get3A_363, %get3A_364] {strides = array<i32>} : memref<128x128xf32, #tpu.memory_space<vmem>>, vector<16xf32>,
        %mul3A_366 = arith.mulf %get3A_365, %gather3A : vector<16xf32>
        %swap3A_367 = arith.index_cast %add3A_320 : i32 to index
        %swap3A_368 = arith.constant 96 : index
        %swap3A_369 = tpu.vector_load %arg11[%swap3A_367, %swap3A_368] {strides = array<i32>} : memref<128x128xf32, #tpu.memory_space<vmem>>, vector<16xf32>,
        tpu.vector_store %arg11[%swap3A_367, %swap3A_368], %mul3A_366 {strides = array<i32>} : memref<128x128xf32, #tpu.memory_space<vmem>>, vector<16xf32>,
        %get3A_370 = arith.index_cast %add3A_320 : i32 to index
        %get3A_371 = arith.constant 112 : index
        %get3A_372 = tpu.vector_load %arg11[%get3A_370, %get3A_371] {strides = array<i32>} : memref<128x128xf32, #tpu.memory_space<vmem>>, vector<16xf32>,
        %mul3A_373 = arith.mulf %get3A_372, %gather3A : vector<16xf32>
        %swap3A_374 = arith.index_cast %add3A_320 : i32 to index
        %swap3A_375 = arith.constant 112 : index
        %swap3A_376 = tpu.vector_load %arg11[%swap3A_374, %swap3A_375] {strides = array<i32>} : memref<128x128xf32, #tpu.memory_space<vmem>>, vector<16xf32>,
        tpu.vector_store %arg11[%swap3A_374, %swap3A_375], %mul3A_373 {strides = array<i32>} : memref<128x128xf32, #tpu.memory_space<vmem>>, vector<16xf32>,
        %add3A_377 = arith.constant 1 : i32
        %add3A_378 = arith.addi %mul3A_318, %add3A_377 : i32
        %add3A_379 = arith.addi %while3A_279, %add3A_378 : i32
        %broadcast_in_dim3A_380 = vector.broadcast %add3A_379 : i32 to vector<16xi32>
        %gather3A_381 = tpu.vector_load_idx %arg9[%broadcast_in_dim3A_380] : memref<256xf32, #tpu.memory_space<vmem>>[vector<16xi32>], vector<16xf32>,
        %get3A_382 = arith.index_cast %add3A_378 : i32 to index
        %get3A_383 = arith.constant 0 : index
        %get3A_384 = tpu.vector_load %arg11[%get3A_382, %get3A_383] {strides = array<i32>} : memref<128x128xf32, #tpu.memory_space<vmem>>, vector<16xf32>,
        %mul3A_385 = arith.mulf %get3A_384, %gather3A_381 : vector<16xf32>
        %swap3A_386 = arith.index_cast %add3A_378 : i32 to index
        %swap3A_387 = arith.constant 0 : index
        %swap3A_388 = tpu.vector_load %arg11[%swap3A_386, %swap3A_387] {strides = array<i32>} : memref<128x128xf32, #tpu.memory_space<vmem>>, vector<16xf32>,
        tpu.vector_store %arg11[%swap3A_386, %swap3A_387], %mul3A_385 {strides = array<i32>} : memref<128x128xf32, #tpu.memory_space<vmem>>, vector<16xf32>,
        %get3A_389 = arith.index_cast %add3A_378 : i32 to index
        %get3A_390 = arith.constant 16 : index
        %get3A_391 = tpu.vector_load %arg11[%get3A_389, %get3A_390] {strides = array<i32>} : memref<128x128xf32, #tpu.memory_space<vmem>>, vector<16xf32>,
        %mul3A_392 = arith.mulf %get3A_391, %gather3A_381 : vector<16xf32>
        %swap3A_393 = arith.index_cast %add3A_378 : i32 to index
        %swap3A_394 = arith.constant 16 : index
        %swap3A_395 = tpu.vector_load %arg11[%swap3A_393, %swap3A_394] {strides = array<i32>} : memref<128x128xf32, #tpu.memory_space<vmem>>, vector<16xf32>,
        tpu.vector_store %arg11[%swap3A_393, %swap3A_394], %mul3A_392 {strides = array<i32>} : memref<128x128xf32, #tpu.memory_space<vmem>>, vector<16xf32>,
        %get3A_396 = arith.index_cast %add3A_378 : i32 to index
        %get3A_397 = arith.constant 32 : index
        %get3A_398 = tpu.vector_load %arg11[%get3A_396, %get3A_397] {strides = array<i32>} : memref<128x128xf32, #tpu.memory_space<vmem>>, vector<16xf32>,
        %mul3A_399 = arith.mulf %get3A_398, %gather3A_381 : vector<16xf32>
        %swap3A_400 = arith.index_cast %add3A_378 : i32 to index
        %swap3A_401 = arith.constant 32 : index
        %swap3A_402 = tpu.vector_load %arg11[%swap3A_400, %swap3A_401] {strides = array<i32>} : memref<128x128xf32, #tpu.memory_space<vmem>>, vector<16xf32>,
        tpu.vector_store %arg11[%swap3A_400, %swap3A_401], %mul3A_399 {strides = array<i32>} : memref<128x128xf32, #tpu.memory_space<vmem>>, vector<16xf32>,
        %get3A_403 = arith.index_cast %add3A_378 : i32 to index
        %get3A_404 = arith.constant 48 : index
        %get3A_405 = tpu.vector_load %arg11[%get3A_403, %get3A_404] {strides = array<i32>} : memref<128x128xf32, #tpu.memory_space<vmem>>, vector<16xf32>,
        %mul3A_406 = arith.mulf %get3A_405, %gather3A_381 : vector<16xf32>
        %swap3A_407 = arith.index_cast %add3A_378 : i32 to index
        %swap3A_408 = arith.constant 48 : index
        %swap3A_409 = tpu.vector_load %arg11[%swap3A_407, %swap3A_408] {strides = array<i32>} : memref<128x128xf32, #tpu.memory_space<vmem>>, vector<16xf32>,
        tpu.vector_store %arg11[%swap3A_407, %swap3A_408], %mul3A_406 {strides = array<i32>} : memref<128x128xf32, #tpu.memory_space<vmem>>, vector<16xf32>,
        %get3A_410 = arith.index_cast %add3A_378 : i32 to index
        %get3A_411 = arith.constant 64 : index
        %get3A_412 = tpu.vector_load %arg11[%get3A_410, %get3A_411] {strides = array<i32>} : memref<128x128xf32, #tpu.memory_space<vmem>>, vector<16xf32>,
        %mul3A_413 = arith.mulf %get3A_412, %gather3A_381 : vector<16xf32>
        %swap3A_414 = arith.index_cast %add3A_378 : i32 to index
        %swap3A_415 = arith.constant 64 : index
        %swap3A_416 = tpu.vector_load %arg11[%swap3A_414, %swap3A_415] {strides = array<i32>} : memref<128x128xf32, #tpu.memory_space<vmem>>, vector<16xf32>,
        tpu.vector_store %arg11[%swap3A_414, %swap3A_415], %mul3A_413 {strides = array<i32>} : memref<128x128xf32, #tpu.memory_space<vmem>>, vector<16xf32>,
        %get3A_417 = arith.index_cast %add3A_378 : i32 to index
        %get3A_418 = arith.constant 80 : index
        %get3A_419 = tpu.vector_load %arg11[%get3A_417, %get3A_418] {strides = array<i32>} : memref<128x128xf32, #tpu.memory_space<vmem>>, vector<16xf32>,
        %mul3A_420 = arith.mulf %get3A_419, %gather3A_381 : vector<16xf32>
        %swap3A_421 = arith.index_cast %add3A_378 : i32 to index
        %swap3A_422 = arith.constant 80 : index
        %swap3A_423 = tpu.vector_load %arg11[%swap3A_421, %swap3A_422] {strides = array<i32>} : memref<128x128xf32, #tpu.memory_space<vmem>>, vector<16xf32>,
        tpu.vector_store %arg11[%swap3A_421, %swap3A_422], %mul3A_420 {strides = array<i32>} : memref<128x128xf32, #tpu.memory_space<vmem>>, vector<16xf32>,
        %get3A_424 = arith.index_cast %add3A_378 : i32 to index
        %get3A_425 = arith.constant 96 : index
        %get3A_426 = tpu.vector_load %arg11[%get3A_424, %get3A_425] {strides = array<i32>} : memref<128x128xf32, #tpu.memory_space<vmem>>, vector<16xf32>,
        %mul3A_427 = arith.mulf %get3A_426, %gather3A_381 : vector<16xf32>
        %swap3A_428 = arith.index_cast %add3A_378 : i32 to index
        %swap3A_429 = arith.constant 96 : index
        %swap3A_430 = tpu.vector_load %arg11[%swap3A_428, %swap3A_429] {strides = array<i32>} : memref<128x128xf32, #tpu.memory_space<vmem>>, vector<16xf32>,
        tpu.vector_store %arg11[%swap3A_428, %swap3A_429], %mul3A_427 {strides = array<i32>} : memref<128x128xf32, #tpu.memory_space<vmem>>, vector<16xf32>,
        %get3A_431 = arith.index_cast %add3A_378 : i32 to index
        %get3A_432 = arith.constant 112 : index
        %get3A_433 = tpu.vector_load %arg11[%get3A_431, %get3A_432] {strides = array<i32>} : memref<128x128xf32, #tpu.memory_space<vmem>>, vector<16xf32>,
        %mul3A_434 = arith.mulf %get3A_433, %gather3A_381 : vector<16xf32>
        %swap3A_435 = arith.index_cast %add3A_378 : i32 to index
        %swap3A_436 = arith.constant 112 : index
        %swap3A_437 = tpu.vector_load %arg11[%swap3A_435, %swap3A_436] {strides = array<i32>} : memref<128x128xf32, #tpu.memory_space<vmem>>, vector<16xf32>,
        tpu.vector_store %arg11[%swap3A_435, %swap3A_436], %mul3A_434 {strides = array<i32>} : memref<128x128xf32, #tpu.memory_space<vmem>>, vector<16xf32>,
        %add3A_438 = arith.constant 2 : i32
        %add3A_439 = arith.addi %mul3A_318, %add3A_438 : i32
        %add3A_440 = arith.addi %while3A_279, %add3A_439 : i32
        %broadcast_in_dim3A_441 = vector.broadcast %add3A_440 : i32 to vector<16xi32>
        %gather3A_442 = tpu.vector_load_idx %arg9[%broadcast_in_dim3A_441] : memref<256xf32, #tpu.memory_space<vmem>>[vector<16xi32>], vector<16xf32>,
        %get3A_443 = arith.index_cast %add3A_439 : i32 to index
        %get3A_444 = arith.constant 0 : index
        %get3A_445 = tpu.vector_load %arg11[%get3A_443, %get3A_444] {strides = array<i32>} : memref<128x128xf32, #tpu.memory_space<vmem>>, vector<16xf32>,
        %mul3A_446 = arith.mulf %get3A_445, %gather3A_442 : vector<16xf32>
        %swap3A_447 = arith.index_cast %add3A_439 : i32 to index
        %swap3A_448 = arith.constant 0 : index
        %swap3A_449 = tpu.vector_load %arg11[%swap3A_447, %swap3A_448] {strides = array<i32>} : memref<128x128xf32, #tpu.memory_space<vmem>>, vector<16xf32>,
        tpu.vector_store %arg11[%swap3A_447, %swap3A_448], %mul3A_446 {strides = array<i32>} : memref<128x128xf32, #tpu.memory_space<vmem>>, vector<16xf32>,
        %get3A_450 = arith.index_cast %add3A_439 : i32 to index
        %get3A_451 = arith.constant 16 : index
        %get3A_452 = tpu.vector_load %arg11[%get3A_450, %get3A_451] {strides = array<i32>} : memref<128x128xf32, #tpu.memory_space<vmem>>, vector<16xf32>,
        %mul3A_453 = arith.mulf %get3A_452, %gather3A_442 : vector<16xf32>
        %swap3A_454 = arith.index_cast %add3A_439 : i32 to index
        %swap3A_455 = arith.constant 16 : index
        %swap3A_456 = tpu.vector_load %arg11[%swap3A_454, %swap3A_455] {strides = array<i32>} : memref<128x128xf32, #tpu.memory_space<vmem>>, vector<16xf32>,
        tpu.vector_store %arg11[%swap3A_454, %swap3A_455], %mul3A_453 {strides = array<i32>} : memref<128x128xf32, #tpu.memory_space<vmem>>, vector<16xf32>,
        %get3A_457 = arith.index_cast %add3A_439 : i32 to index
        %get3A_458 = arith.constant 32 : index
        %get3A_459 = tpu.vector_load %arg11[%get3A_457, %get3A_458] {strides = array<i32>} : memref<128x128xf32, #tpu.memory_space<vmem>>, vector<16xf32>,
        %mul3A_460 = arith.mulf %get3A_459, %gather3A_442 : vector<16xf32>
        %swap3A_461 = arith.index_cast %add3A_439 : i32 to index
        %swap3A_462 = arith.constant 32 : index
        %swap3A_463 = tpu.vector_load %arg11[%swap3A_461, %swap3A_462] {strides = array<i32>} : memref<128x128xf32, #tpu.memory_space<vmem>>, vector<16xf32>,
        tpu.vector_store %arg11[%swap3A_461, %swap3A_462], %mul3A_460 {strides = array<i32>} : memref<128x128xf32, #tpu.memory_space<vmem>>, vector<16xf32>,
        %get3A_464 = arith.index_cast %add3A_439 : i32 to index
        %get3A_465 = arith.constant 48 : index
        %get3A_466 = tpu.vector_load %arg11[%get3A_464, %get3A_465] {strides = array<i32>} : memref<128x128xf32, #tpu.memory_space<vmem>>, vector<16xf32>,
        %mul3A_467 = arith.mulf %get3A_466, %gather3A_442 : vector<16xf32>
        %swap3A_468 = arith.index_cast %add3A_439 : i32 to index
        %swap3A_469 = arith.constant 48 : index
        %swap3A_470 = tpu.vector_load %arg11[%swap3A_468, %swap3A_469] {strides = array<i32>} : memref<128x128xf32, #tpu.memory_space<vmem>>, vector<16xf32>,
        tpu.vector_store %arg11[%swap3A_468, %swap3A_469], %mul3A_467 {strides = array<i32>} : memref<128x128xf32, #tpu.memory_space<vmem>>, vector<16xf32>,
        %get3A_471 = arith.index_cast %add3A_439 : i32 to index
        %get3A_472 = arith.constant 64 : index
        %get3A_473 = tpu.vector_load %arg11[%get3A_471, %get3A_472] {strides = array<i32>} : memref<128x128xf32, #tpu.memory_space<vmem>>, vector<16xf32>,
        %mul3A_474 = arith.mulf %get3A_473, %gather3A_442 : vector<16xf32>
        %swap3A_475 = arith.index_cast %add3A_439 : i32 to index
        %swap3A_476 = arith.constant 64 : index
        %swap3A_477 = tpu.vector_load %arg11[%swap3A_475, %swap3A_476] {strides = array<i32>} : memref<128x128xf32, #tpu.memory_space<vmem>>, vector<16xf32>,
        tpu.vector_store %arg11[%swap3A_475, %swap3A_476], %mul3A_474 {strides = array<i32>} : memref<128x128xf32, #tpu.memory_space<vmem>>, vector<16xf32>,
        %get3A_478 = arith.index_cast %add3A_439 : i32 to index
        %get3A_479 = arith.constant 80 : index
        %get3A_480 = tpu.vector_load %arg11[%get3A_478, %get3A_479] {strides = array<i32>} : memref<128x128xf32, #tpu.memory_space<vmem>>, vector<16xf32>,
        %mul3A_481 = arith.mulf %get3A_480, %gather3A_442 : vector<16xf32>
        %swap3A_482 = arith.index_cast %add3A_439 : i32 to index
        %swap3A_483 = arith.constant 80 : index
        %swap3A_484 = tpu.vector_load %arg11[%swap3A_482, %swap3A_483] {strides = array<i32>} : memref<128x128xf32, #tpu.memory_space<vmem>>, vector<16xf32>,
        tpu.vector_store %arg11[%swap3A_482, %swap3A_483], %mul3A_481 {strides = array<i32>} : memref<128x128xf32, #tpu.memory_space<vmem>>, vector<16xf32>,
        %get3A_485 = arith.index_cast %add3A_439 : i32 to index
        %get3A_486 = arith.constant 96 : index
        %get3A_487 = tpu.vector_load %arg11[%get3A_485, %get3A_486] {strides = array<i32>} : memref<128x128xf32, #tpu.memory_space<vmem>>, vector<16xf32>,
        %mul3A_488 = arith.mulf %get3A_487, %gather3A_442 : vector<16xf32>
        %swap3A_489 = arith.index_cast %add3A_439 : i32 to index
        %swap3A_490 = arith.constant 96 : index
        %swap3A_491 = tpu.vector_load %arg11[%swap3A_489, %swap3A_490] {strides = array<i32>} : memref<128x128xf32, #tpu.memory_space<vmem>>, vector<16xf32>,
        tpu.vector_store %arg11[%swap3A_489, %swap3A_490], %mul3A_488 {strides = array<i32>} : memref<128x128xf32, #tpu.memory_space<vmem>>, vector<16xf32>,
        %get3A_492 = arith.index_cast %add3A_439 : i32 to index
        %get3A_493 = arith.constant 112 : index
        %get3A_494 = tpu.vector_load %arg11[%get3A_492, %get3A_493] {strides = array<i32>} : memref<128x128xf32, #tpu.memory_space<vmem>>, vector<16xf32>,
        %mul3A_495 = arith.mulf %get3A_494, %gather3A_442 : vector<16xf32>
        %swap3A_496 = arith.index_cast %add3A_439 : i32 to index
        %swap3A_497 = arith.constant 112 : index
        %swap3A_498 = tpu.vector_load %arg11[%swap3A_496, %swap3A_497] {strides = array<i32>} : memref<128x128xf32, #tpu.memory_space<vmem>>, vector<16xf32>,
        tpu.vector_store %arg11[%swap3A_496, %swap3A_497], %mul3A_495 {strides = array<i32>} : memref<128x128xf32, #tpu.memory_space<vmem>>, vector<16xf32>,
        %add3A_499 = arith.constant 3 : i32
        %add3A_500 = arith.addi %mul3A_318, %add3A_499 : i32
        %add3A_501 = arith.addi %while3A_279, %add3A_500 : i32
        %broadcast_in_dim3A_502 = vector.broadcast %add3A_501 : i32 to vector<16xi32>
        %gather3A_503 = tpu.vector_load_idx %arg9[%broadcast_in_dim3A_502] : memref<256xf32, #tpu.memory_space<vmem>>[vector<16xi32>], vector<16xf32>,
        %get3A_504 = arith.index_cast %add3A_500 : i32 to index
        %get3A_505 = arith.constant 0 : index
        %get3A_506 = tpu.vector_load %arg11[%get3A_504, %get3A_505] {strides = array<i32>} : memref<128x128xf32, #tpu.memory_space<vmem>>, vector<16xf32>,
        %mul3A_507 = arith.mulf %get3A_506, %gather3A_503 : vector<16xf32>
        %swap3A_508 = arith.index_cast %add3A_500 : i32 to index
        %swap3A_509 = arith.constant 0 : index
        %swap3A_510 = tpu.vector_load %arg11[%swap3A_508, %swap3A_509] {strides = array<i32>} : memref<128x128xf32, #tpu.memory_space<vmem>>, vector<16xf32>,
        tpu.vector_store %arg11[%swap3A_508, %swap3A_509], %mul3A_507 {strides = array<i32>} : memref<128x128xf32, #tpu.memory_space<vmem>>, vector<16xf32>,
        %get3A_511 = arith.index_cast %add3A_500 : i32 to index
        %get3A_512 = arith.constant 16 : index
        %get3A_513 = tpu.vector_load %arg11[%get3A_511, %get3A_512] {strides = array<i32>} : memref<128x128xf32, #tpu.memory_space<vmem>>, vector<16xf32>,
        %mul3A_514 = arith.mulf %get3A_513, %gather3A_503 : vector<16xf32>
        %swap3A_515 = arith.index_cast %add3A_500 : i32 to index
        %swap3A_516 = arith.constant 16 : index
        %swap3A_517 = tpu.vector_load %arg11[%swap3A_515, %swap3A_516] {strides = array<i32>} : memref<128x128xf32, #tpu.memory_space<vmem>>, vector<16xf32>,
        tpu.vector_store %arg11[%swap3A_515, %swap3A_516], %mul3A_514 {strides = array<i32>} : memref<128x128xf32, #tpu.memory_space<vmem>>, vector<16xf32>,
        %get3A_518 = arith.index_cast %add3A_500 : i32 to index
        %get3A_519 = arith.constant 32 : index
        %get3A_520 = tpu.vector_load %arg11[%get3A_518, %get3A_519] {strides = array<i32>} : memref<128x128xf32, #tpu.memory_space<vmem>>, vector<16xf32>,
        %mul3A_521 = arith.mulf %get3A_520, %gather3A_503 : vector<16xf32>
        %swap3A_522 = arith.index_cast %add3A_500 : i32 to index
        %swap3A_523 = arith.constant 32 : index
        %swap3A_524 = tpu.vector_load %arg11[%swap3A_522, %swap3A_523] {strides = array<i32>} : memref<128x128xf32, #tpu.memory_space<vmem>>, vector<16xf32>,
        tpu.vector_store %arg11[%swap3A_522, %swap3A_523], %mul3A_521 {strides = array<i32>} : memref<128x128xf32, #tpu.memory_space<vmem>>, vector<16xf32>,
        %get3A_525 = arith.index_cast %add3A_500 : i32 to index
        %get3A_526 = arith.constant 48 : index
        %get3A_527 = tpu.vector_load %arg11[%get3A_525, %get3A_526] {strides = array<i32>} : memref<128x128xf32, #tpu.memory_space<vmem>>, vector<16xf32>,
        %mul3A_528 = arith.mulf %get3A_527, %gather3A_503 : vector<16xf32>
        %swap3A_529 = arith.index_cast %add3A_500 : i32 to index
        %swap3A_530 = arith.constant 48 : index
        %swap3A_531 = tpu.vector_load %arg11[%swap3A_529, %swap3A_530] {strides = array<i32>} : memref<128x128xf32, #tpu.memory_space<vmem>>, vector<16xf32>,
        tpu.vector_store %arg11[%swap3A_529, %swap3A_530], %mul3A_528 {strides = array<i32>} : memref<128x128xf32, #tpu.memory_space<vmem>>, vector<16xf32>,
        %get3A_532 = arith.index_cast %add3A_500 : i32 to index
        %get3A_533 = arith.constant 64 : index
        %get3A_534 = tpu.vector_load %arg11[%get3A_532, %get3A_533] {strides = array<i32>} : memref<128x128xf32, #tpu.memory_space<vmem>>, vector<16xf32>,
        %mul3A_535 = arith.mulf %get3A_534, %gather3A_503 : vector<16xf32>
        %swap3A_536 = arith.index_cast %add3A_500 : i32 to index
        %swap3A_537 = arith.constant 64 : index
        %swap3A_538 = tpu.vector_load %arg11[%swap3A_536, %swap3A_537] {strides = array<i32>} : memref<128x128xf32, #tpu.memory_space<vmem>>, vector<16xf32>,
        tpu.vector_store %arg11[%swap3A_536, %swap3A_537], %mul3A_535 {strides = array<i32>} : memref<128x128xf32, #tpu.memory_space<vmem>>, vector<16xf32>,
        %get3A_539 = arith.index_cast %add3A_500 : i32 to index
        %get3A_540 = arith.constant 80 : index
        %get3A_541 = tpu.vector_load %arg11[%get3A_539, %get3A_540] {strides = array<i32>} : memref<128x128xf32, #tpu.memory_space<vmem>>, vector<16xf32>,
        %mul3A_542 = arith.mulf %get3A_541, %gather3A_503 : vector<16xf32>
        %swap3A_543 = arith.index_cast %add3A_500 : i32 to index
        %swap3A_544 = arith.constant 80 : index
        %swap3A_545 = tpu.vector_load %arg11[%swap3A_543, %swap3A_544] {strides = array<i32>} : memref<128x128xf32, #tpu.memory_space<vmem>>, vector<16xf32>,
        tpu.vector_store %arg11[%swap3A_543, %swap3A_544], %mul3A_542 {strides = array<i32>} : memref<128x128xf32, #tpu.memory_space<vmem>>, vector<16xf32>,
        %get3A_546 = arith.index_cast %add3A_500 : i32 to index
        %get3A_547 = arith.constant 96 : index
        %get3A_548 = tpu.vector_load %arg11[%get3A_546, %get3A_547] {strides = array<i32>} : memref<128x128xf32, #tpu.memory_space<vmem>>, vector<16xf32>,
        %mul3A_549 = arith.mulf %get3A_548, %gather3A_503 : vector<16xf32>
        %swap3A_550 = arith.index_cast %add3A_500 : i32 to index
        %swap3A_551 = arith.constant 96 : index
        %swap3A_552 = tpu.vector_load %arg11[%swap3A_550, %swap3A_551] {strides = array<i32>} : memref<128x128xf32, #tpu.memory_space<vmem>>, vector<16xf32>,
        tpu.vector_store %arg11[%swap3A_550, %swap3A_551], %mul3A_549 {strides = array<i32>} : memref<128x128xf32, #tpu.memory_space<vmem>>, vector<16xf32>,
        %get3A_553 = arith.index_cast %add3A_500 : i32 to index
        %get3A_554 = arith.constant 112 : index
        %get3A_555 = tpu.vector_load %arg11[%get3A_553, %get3A_554] {strides = array<i32>} : memref<128x128xf32, #tpu.memory_space<vmem>>, vector<16xf32>,
        %mul3A_556 = arith.mulf %get3A_555, %gather3A_503 : vector<16xf32>
        %swap3A_557 = arith.index_cast %add3A_500 : i32 to index
        %swap3A_558 = arith.constant 112 : index
        %swap3A_559 = tpu.vector_load %arg11[%swap3A_557, %swap3A_558] {strides = array<i32>} : memref<128x128xf32, #tpu.memory_space<vmem>>, vector<16xf32>,
        tpu.vector_store %arg11[%swap3A_557, %swap3A_558], %mul3A_556 {strides = array<i32>} : memref<128x128xf32, #tpu.memory_space<vmem>>, vector<16xf32>,
      }
      %while3A_289 = arith.constant 1 : i32
      scf.for %while3A_316 = %while3A_287 to %while3A_283 step %while3A_289  : i32 {
        %mul3A_317 = arith.constant 4 : i32
        %mul3A_318 = arith.muli %while3A_316, %mul3A_317 : i32
        %add3A_319 = arith.constant 0 : i32
        %add3A_320 = arith.addi %mul3A_318, %add3A_319 : i32
        %add3A_321 = arith.addi %while3A_279, %add3A_320 : i32
        %broadcast_in_dim3A_322 = vector.broadcast %add3A_321 : i32 to vector<16xi32>
        %gather3A = tpu.vector_load_idx %arg9[%broadcast_in_dim3A_322] : memref<256xf32, #tpu.memory_space<vmem>>[vector<16xi32>], vector<16xf32>,
        %get3A = arith.index_cast %add3A_320 : i32 to index
        %get3A_323 = arith.constant 0 : index
        %get3A_324 = tpu.vector_load %arg11[%get3A, %get3A_323] {strides = array<i32>} : memref<128x128xf32, #tpu.memory_space<vmem>>, vector<16xf32>,
        %mul3A_325 = arith.mulf %get3A_324, %gather3A : vector<16xf32>
        %swap3A = arith.index_cast %add3A_320 : i32 to index
        %swap3A_326 = arith.constant 0 : index
        %swap3A_327 = tpu.vector_load %arg11[%swap3A, %swap3A_326] {strides = array<i32>} : memref<128x128xf32, #tpu.memory_space<vmem>>, vector<16xf32>,
        tpu.vector_store %arg11[%swap3A, %swap3A_326], %mul3A_325 {strides = array<i32>} : memref<128x128xf32, #tpu.memory_space<vmem>>, vector<16xf32>,
        %get3A_328 = arith.index_cast %add3A_320 : i32 to index
        %get3A_329 = arith.constant 16 : index
        %get3A_330 = tpu.vector_load %arg11[%get3A_328, %get3A_329] {strides = array<i32>} : memref<128x128xf32, #tpu.memory_space<vmem>>, vector<16xf32>,
        %mul3A_331 = arith.mulf %get3A_330, %gather3A : vector<16xf32>
        %swap3A_332 = arith.index_cast %add3A_320 : i32 to index
        %swap3A_333 = arith.constant 16 : index
        %swap3A_334 = tpu.vector_load %arg11[%swap3A_332, %swap3A_333] {strides = array<i32>} : memref<128x128xf32, #tpu.memory_space<vmem>>, vector<16xf32>,
        tpu.vector_store %arg11[%swap3A_332, %swap3A_333], %mul3A_331 {strides = array<i32>} : memref<128x128xf32, #tpu.memory_space<vmem>>, vector<16xf32>,
        %get3A_335 = arith.index_cast %add3A_320 : i32 to index
        %get3A_336 = arith.constant 32 : index
        %get3A_337 = tpu.vector_load %arg11[%get3A_335, %get3A_336] {strides = array<i32>} : memref<128x128xf32, #tpu.memory_space<vmem>>, vector<16xf32>,
        %mul3A_338 = arith.mulf %get3A_337, %gather3A : vector<16xf32>
        %swap3A_339 = arith.index_cast %add3A_320 : i32 to index
        %swap3A_340 = arith.constant 32 : index
        %swap3A_341 = tpu.vector_load %arg11[%swap3A_339, %swap3A_340] {strides = array<i32>} : memref<128x128xf32, #tpu.memory_space<vmem>>, vector<16xf32>,
        tpu.vector_store %arg11[%swap3A_339, %swap3A_340], %mul3A_338 {strides = array<i32>} : memref<128x128xf32, #tpu.memory_space<vmem>>, vector<16xf32>,
        %get3A_342 = arith.index_cast %add3A_320 : i32 to index
        %get3A_343 = arith.constant 48 : index
        %get3A_344 = tpu.vector_load %arg11[%get3A_342, %get3A_343] {strides = array<i32>} : memref<128x128xf32, #tpu.memory_space<vmem>>, vector<16xf32>,
        %mul3A_345 = arith.mulf %get3A_344, %gather3A : vector<16xf32>
        %swap3A_346 = arith.index_cast %add3A_320 : i32 to index
        %swap3A_347 = arith.constant 48 : index
        %swap3A_348 = tpu.vector_load %arg11[%swap3A_346, %swap3A_347] {strides = array<i32>} : memref<128x128xf32, #tpu.memory_space<vmem>>, vector<16xf32>,
        tpu.vector_store %arg11[%swap3A_346, %swap3A_347], %mul3A_345 {strides = array<i32>} : memref<128x128xf32, #tpu.memory_space<vmem>>, vector<16xf32>,
        %get3A_349 = arith.index_cast %add3A_320 : i32 to index
        %get3A_350 = arith.constant 64 : index
        %get3A_351 = tpu.vector_load %arg11[%get3A_349, %get3A_350] {strides = array<i32>} : memref<128x128xf32, #tpu.memory_space<vmem>>, vector<16xf32>,
        %mul3A_352 = arith.mulf %get3A_351, %gather3A : vector<16xf32>
        %swap3A_353 = arith.index_cast %add3A_320 : i32 to index
        %swap3A_354 = arith.constant 64 : index
        %swap3A_355 = tpu.vector_load %arg11[%swap3A_353, %swap3A_354] {strides = array<i32>} : memref<128x128xf32, #tpu.memory_space<vmem>>, vector<16xf32>,
        tpu.vector_store %arg11[%swap3A_353, %swap3A_354], %mul3A_352 {strides = array<i32>} : memref<128x128xf32, #tpu.memory_space<vmem>>, vector<16xf32>,
        %get3A_356 = arith.index_cast %add3A_320 : i32 to index
        %get3A_357 = arith.constant 80 : index
        %get3A_358 = tpu.vector_load %arg11[%get3A_356, %get3A_357] {strides = array<i32>} : memref<128x128xf32, #tpu.memory_space<vmem>>, vector<16xf32>,
        %mul3A_359 = arith.mulf %get3A_358, %gather3A : vector<16xf32>
        %swap3A_360 = arith.index_cast %add3A_320 : i32 to index
        %swap3A_361 = arith.constant 80 : index
        %swap3A_362 = tpu.vector_load %arg11[%swap3A_360, %swap3A_361] {strides = array<i32>} : memref<128x128xf32, #tpu.memory_space<vmem>>, vector<16xf32>,
        tpu.vector_store %arg11[%swap3A_360, %swap3A_361], %mul3A_359 {strides = array<i32>} : memref<128x128xf32, #tpu.memory_space<vmem>>, vector<16xf32>,
        %get3A_363 = arith.index_cast %add3A_320 : i32 to index
        %get3A_364 = arith.constant 96 : index
        %get3A_365 = tpu.vector_load %arg11[%get3A_363, %get3A_364] {strides = array<i32>} : memref<128x128xf32, #tpu.memory_space<vmem>>, vector<16xf32>,
        %mul3A_366 = arith.mulf %get3A_365, %gather3A : vector<16xf32>
        %swap3A_367 = arith.index_cast %add3A_320 : i32 to index
        %swap3A_368 = arith.constant 96 : index
        %swap3A_369 = tpu.vector_load %arg11[%swap3A_367, %swap3A_368] {strides = array<i32>} : memref<128x128xf32, #tpu.memory_space<vmem>>, vector<16xf32>,
        tpu.vector_store %arg11[%swap3A_367, %swap3A_368], %mul3A_366 {strides = array<i32>} : memref<128x128xf32, #tpu.memory_space<vmem>>, vector<16xf32>,
        %get3A_370 = arith.index_cast %add3A_320 : i32 to index
        %get3A_371 = arith.constant 112 : index
        %get3A_372 = tpu.vector_load %arg11[%get3A_370, %get3A_371] {strides = array<i32>} : memref<128x128xf32, #tpu.memory_space<vmem>>, vector<16xf32>,
        %mul3A_373 = arith.mulf %get3A_372, %gather3A : vector<16xf32>
        %swap3A_374 = arith.index_cast %add3A_320 : i32 to index
        %swap3A_375 = arith.constant 112 : index
        %swap3A_376 = tpu.vector_load %arg11[%swap3A_374, %swap3A_375] {strides = array<i32>} : memref<128x128xf32, #tpu.memory_space<vmem>>, vector<16xf32>,
        tpu.vector_store %arg11[%swap3A_374, %swap3A_375], %mul3A_373 {strides = array<i32>} : memref<128x128xf32, #tpu.memory_space<vmem>>, vector<16xf32>,
        %add3A_377 = arith.constant 1 : i32
        %add3A_378 = arith.addi %mul3A_318, %add3A_377 : i32
        %add3A_379 = arith.addi %while3A_279, %add3A_378 : i32
        %broadcast_in_dim3A_380 = vector.broadcast %add3A_379 : i32 to vector<16xi32>
        %gather3A_381 = tpu.vector_load_idx %arg9[%broadcast_in_dim3A_380] : memref<256xf32, #tpu.memory_space<vmem>>[vector<16xi32>], vector<16xf32>,
        %get3A_382 = arith.index_cast %add3A_378 : i32 to index
        %get3A_383 = arith.constant 0 : index
        %get3A_384 = tpu.vector_load %arg11[%get3A_382, %get3A_383] {strides = array<i32>} : memref<128x128xf32, #tpu.memory_space<vmem>>, vector<16xf32>,
        %mul3A_385 = arith.mulf %get3A_384, %gather3A_381 : vector<16xf32>
        %swap3A_386 = arith.index_cast %add3A_378 : i32 to index
        %swap3A_387 = arith.constant 0 : index
        %swap3A_388 = tpu.vector_load %arg11[%swap3A_386, %swap3A_387] {strides = array<i32>} : memref<128x128xf32, #tpu.memory_space<vmem>>, vector<16xf32>,
        tpu.vector_store %arg11[%swap3A_386, %swap3A_387], %mul3A_385 {strides = array<i32>} : memref<128x128xf32, #tpu.memory_space<vmem>>, vector<16xf32>,
        %get3A_389 = arith.index_cast %add3A_378 : i32 to index
        %get3A_390 = arith.constant 16 : index
        %get3A_391 = tpu.vector_load %arg11[%get3A_389, %get3A_390] {strides = array<i32>} : memref<128x128xf32, #tpu.memory_space<vmem>>, vector<16xf32>,
        %mul3A_392 = arith.mulf %get3A_391, %gather3A_381 : vector<16xf32>
        %swap3A_393 = arith.index_cast %add3A_378 : i32 to index
        %swap3A_394 = arith.constant 16 : index
        %swap3A_395 = tpu.vector_load %arg11[%swap3A_393, %swap3A_394] {strides = array<i32>} : memref<128x128xf32, #tpu.memory_space<vmem>>, vector<16xf32>,
        tpu.vector_store %arg11[%swap3A_393, %swap3A_394], %mul3A_392 {strides = array<i32>} : memref<128x128xf32, #tpu.memory_space<vmem>>, vector<16xf32>,
        %get3A_396 = arith.index_cast %add3A_378 : i32 to index
        %get3A_397 = arith.constant 32 : index
        %get3A_398 = tpu.vector_load %arg11[%get3A_396, %get3A_397] {strides = array<i32>} : memref<128x128xf32, #tpu.memory_space<vmem>>, vector<16xf32>,
        %mul3A_399 = arith.mulf %get3A_398, %gather3A_381 : vector<16xf32>
        %swap3A_400 = arith.index_cast %add3A_378 : i32 to index
        %swap3A_401 = arith.constant 32 : index
        %swap3A_402 = tpu.vector_load %arg11[%swap3A_400, %swap3A_401] {strides = array<i32>} : memref<128x128xf32, #tpu.memory_space<vmem>>, vector<16xf32>,
        tpu.vector_store %arg11[%swap3A_400, %swap3A_401], %mul3A_399 {strides = array<i32>} : memref<128x128xf32, #tpu.memory_space<vmem>>, vector<16xf32>,
        %get3A_403 = arith.index_cast %add3A_378 : i32 to index
        %get3A_404 = arith.constant 48 : index
        %get3A_405 = tpu.vector_load %arg11[%get3A_403, %get3A_404] {strides = array<i32>} : memref<128x128xf32, #tpu.memory_space<vmem>>, vector<16xf32>,
        %mul3A_406 = arith.mulf %get3A_405, %gather3A_381 : vector<16xf32>
        %swap3A_407 = arith.index_cast %add3A_378 : i32 to index
        %swap3A_408 = arith.constant 48 : index
        %swap3A_409 = tpu.vector_load %arg11[%swap3A_407, %swap3A_408] {strides = array<i32>} : memref<128x128xf32, #tpu.memory_space<vmem>>, vector<16xf32>,
        tpu.vector_store %arg11[%swap3A_407, %swap3A_408], %mul3A_406 {strides = array<i32>} : memref<128x128xf32, #tpu.memory_space<vmem>>, vector<16xf32>,
        %get3A_410 = arith.index_cast %add3A_378 : i32 to index
        %get3A_411 = arith.constant 64 : index
        %get3A_412 = tpu.vector_load %arg11[%get3A_410, %get3A_411] {strides = array<i32>} : memref<128x128xf32, #tpu.memory_space<vmem>>, vector<16xf32>,
        %mul3A_413 = arith.mulf %get3A_412, %gather3A_381 : vector<16xf32>
        %swap3A_414 = arith.index_cast %add3A_378 : i32 to index
        %swap3A_415 = arith.constant 64 : index
        %swap3A_416 = tpu.vector_load %arg11[%swap3A_414, %swap3A_415] {strides = array<i32>} : memref<128x128xf32, #tpu.memory_space<vmem>>, vector<16xf32>,
        tpu.vector_store %arg11[%swap3A_414, %swap3A_415], %mul3A_413 {strides = array<i32>} : memref<128x128xf32, #tpu.memory_space<vmem>>, vector<16xf32>,
        %get3A_417 = arith.index_cast %add3A_378 : i32 to index
        %get3A_418 = arith.constant 80 : index
        %get3A_419 = tpu.vector_load %arg11[%get3A_417, %get3A_418] {strides = array<i32>} : memref<128x128xf32, #tpu.memory_space<vmem>>, vector<16xf32>,
        %mul3A_420 = arith.mulf %get3A_419, %gather3A_381 : vector<16xf32>
        %swap3A_421 = arith.index_cast %add3A_378 : i32 to index
        %swap3A_422 = arith.constant 80 : index
        %swap3A_423 = tpu.vector_load %arg11[%swap3A_421, %swap3A_422] {strides = array<i32>} : memref<128x128xf32, #tpu.memory_space<vmem>>, vector<16xf32>,
        tpu.vector_store %arg11[%swap3A_421, %swap3A_422], %mul3A_420 {strides = array<i32>} : memref<128x128xf32, #tpu.memory_space<vmem>>, vector<16xf32>,
        %get3A_424 = arith.index_cast %add3A_378 : i32 to index
        %get3A_425 = arith.constant 96 : index
        %get3A_426 = tpu.vector_load %arg11[%get3A_424, %get3A_425] {strides = array<i32>} : memref<128x128xf32, #tpu.memory_space<vmem>>, vector<16xf32>,
        %mul3A_427 = arith.mulf %get3A_426, %gather3A_381 : vector<16xf32>
        %swap3A_428 = arith.index_cast %add3A_378 : i32 to index
        %swap3A_429 = arith.constant 96 : index
        %swap3A_430 = tpu.vector_load %arg11[%swap3A_428, %swap3A_429] {strides = array<i32>} : memref<128x128xf32, #tpu.memory_space<vmem>>, vector<16xf32>,
        tpu.vector_store %arg11[%swap3A_428, %swap3A_429], %mul3A_427 {strides = array<i32>} : memref<128x128xf32, #tpu.memory_space<vmem>>, vector<16xf32>,
        %get3A_431 = arith.index_cast %add3A_378 : i32 to index
        %get3A_432 = arith.constant 112 : index
        %get3A_433 = tpu.vector_load %arg11[%get3A_431, %get3A_432] {strides = array<i32>} : memref<128x128xf32, #tpu.memory_space<vmem>>, vector<16xf32>,
        %mul3A_434 = arith.mulf %get3A_433, %gather3A_381 : vector<16xf32>
        %swap3A_435 = arith.index_cast %add3A_378 : i32 to index
        %swap3A_436 = arith.constant 112 : index
        %swap3A_437 = tpu.vector_load %arg11[%swap3A_435, %swap3A_436] {strides = array<i32>} : memref<128x128xf32, #tpu.memory_space<vmem>>, vector<16xf32>,
        tpu.vector_store %arg11[%swap3A_435, %swap3A_436], %mul3A_434 {strides = array<i32>} : memref<128x128xf32, #tpu.memory_space<vmem>>, vector<16xf32>,
        %add3A_438 = arith.constant 2 : i32
        %add3A_439 = arith.addi %mul3A_318, %add3A_438 : i32
        %add3A_440 = arith.addi %while3A_279, %add3A_439 : i32
        %broadcast_in_dim3A_441 = vector.broadcast %add3A_440 : i32 to vector<16xi32>
        %gather3A_442 = tpu.vector_load_idx %arg9[%broadcast_in_dim3A_441] : memref<256xf32, #tpu.memory_space<vmem>>[vector<16xi32>], vector<16xf32>,
        %get3A_443 = arith.index_cast %add3A_439 : i32 to index
        %get3A_444 = arith.constant 0 : index
        %get3A_445 = tpu.vector_load %arg11[%get3A_443, %get3A_444] {strides = array<i32>} : memref<128x128xf32, #tpu.memory_space<vmem>>, vector<16xf32>,
        %mul3A_446 = arith.mulf %get3A_445, %gather3A_442 : vector<16xf32>
        %swap3A_447 = arith.index_cast %add3A_439 : i32 to index
        %swap3A_448 = arith.constant 0 : index
        %swap3A_449 = tpu.vector_load %arg11[%swap3A_447, %swap3A_448] {strides = array<i32>} : memref<128x128xf32, #tpu.memory_space<vmem>>, vector<16xf32>,
        tpu.vector_store %arg11[%swap3A_447, %swap3A_448], %mul3A_446 {strides = array<i32>} : memref<128x128xf32, #tpu.memory_space<vmem>>, vector<16xf32>,
        %get3A_450 = arith.index_cast %add3A_439 : i32 to index
        %get3A_451 = arith.constant 16 : index
        %get3A_452 = tpu.vector_load %arg11[%get3A_450, %get3A_451] {strides = array<i32>} : memref<128x128xf32, #tpu.memory_space<vmem>>, vector<16xf32>,
        %mul3A_453 = arith.mulf %get3A_452, %gather3A_442 : vector<16xf32>
        %swap3A_454 = arith.index_cast %add3A_439 : i32 to index
        %swap3A_455 = arith.constant 16 : index
        %swap3A_456 = tpu.vector_load %arg11[%swap3A_454, %swap3A_455] {strides = array<i32>} : memref<128x128xf32, #tpu.memory_space<vmem>>, vector<16xf32>,
        tpu.vector_store %arg11[%swap3A_454, %swap3A_455], %mul3A_453 {strides = array<i32>} : memref<128x128xf32, #tpu.memory_space<vmem>>, vector<16xf32>,
        %get3A_457 = arith.index_cast %add3A_439 : i32 to index
        %get3A_458 = arith.constant 32 : index
        %get3A_459 = tpu.vector_load %arg11[%get3A_457, %get3A_458] {strides = array<i32>} : memref<128x128xf32, #tpu.memory_space<vmem>>, vector<16xf32>,
        %mul3A_460 = arith.mulf %get3A_459, %gather3A_442 : vector<16xf32>
        %swap3A_461 = arith.index_cast %add3A_439 : i32 to index
        %swap3A_462 = arith.constant 32 : index
        %swap3A_463 = tpu.vector_load %arg11[%swap3A_461, %swap3A_462] {strides = array<i32>} : memref<128x128xf32, #tpu.memory_space<vmem>>, vector<16xf32>,
        tpu.vector_store %arg11[%swap3A_461, %swap3A_462], %mul3A_460 {strides = array<i32>} : memref<128x128xf32, #tpu.memory_space<vmem>>, vector<16xf32>,
        %get3A_464 = arith.index_cast %add3A_439 : i32 to index
        %get3A_465 = arith.constant 48 : index
        %get3A_466 = tpu.vector_load %arg11[%get3A_464, %get3A_465] {strides = array<i32>} : memref<128x128xf32, #tpu.memory_space<vmem>>, vector<16xf32>,
        %mul3A_467 = arith.mulf %get3A_466, %gather3A_442 : vector<16xf32>
        %swap3A_468 = arith.index_cast %add3A_439 : i32 to index
        %swap3A_469 = arith.constant 48 : index
        %swap3A_470 = tpu.vector_load %arg11[%swap3A_468, %swap3A_469] {strides = array<i32>} : memref<128x128xf32, #tpu.memory_space<vmem>>, vector<16xf32>,
        tpu.vector_store %arg11[%swap3A_468, %swap3A_469], %mul3A_467 {strides = array<i32>} : memref<128x128xf32, #tpu.memory_space<vmem>>, vector<16xf32>,
        %get3A_471 = arith.index_cast %add3A_439 : i32 to index
        %get3A_472 = arith.constant 64 : index
        %get3A_473 = tpu.vector_load %arg11[%get3A_471, %get3A_472] {strides = array<i32>} : memref<128x128xf32, #tpu.memory_space<vmem>>, vector<16xf32>,
        %mul3A_474 = arith.mulf %get3A_473, %gather3A_442 : vector<16xf32>
        %swap3A_475 = arith.index_cast %add3A_439 : i32 to index
        %swap3A_476 = arith.constant 64 : index
        %swap3A_477 = tpu.vector_load %arg11[%swap3A_475, %swap3A_476] {strides = array<i32>} : memref<128x128xf32, #tpu.memory_space<vmem>>, vector<16xf32>,
        tpu.vector_store %arg11[%swap3A_475, %swap3A_476], %mul3A_474 {strides = array<i32>} : memref<128x128xf32, #tpu.memory_space<vmem>>, vector<16xf32>,
        %get3A_478 = arith.index_cast %add3A_439 : i32 to index
        %get3A_479 = arith.constant 80 : index
        %get3A_480 = tpu.vector_load %arg11[%get3A_478, %get3A_479] {strides = array<i32>} : memref<128x128xf32, #tpu.memory_space<vmem>>, vector<16xf32>,
        %mul3A_481 = arith.mulf %get3A_480, %gather3A_442 : vector<16xf32>
        %swap3A_482 = arith.index_cast %add3A_439 : i32 to index
        %swap3A_483 = arith.constant 80 : index
        %swap3A_484 = tpu.vector_load %arg11[%swap3A_482, %swap3A_483] {strides = array<i32>} : memref<128x128xf32, #tpu.memory_space<vmem>>, vector<16xf32>,
        tpu.vector_store %arg11[%swap3A_482, %swap3A_483], %mul3A_481 {strides = array<i32>} : memref<128x128xf32, #tpu.memory_space<vmem>>, vector<16xf32>,
        %get3A_485 = arith.index_cast %add3A_439 : i32 to index
        %get3A_486 = arith.constant 96 : index
        %get3A_487 = tpu.vector_load %arg11[%get3A_485, %get3A_486] {strides = array<i32>} : memref<128x128xf32, #tpu.memory_space<vmem>>, vector<16xf32>,
        %mul3A_488 = arith.mulf %get3A_487, %gather3A_442 : vector<16xf32>
        %swap3A_489 = arith.index_cast %add3A_439 : i32 to index
        %swap3A_490 = arith.constant 96 : index
        %swap3A_491 = tpu.vector_load %arg11[%swap3A_489, %swap3A_490] {strides = array<i32>} : memref<128x128xf32, #tpu.memory_space<vmem>>, vector<16xf32>,
        tpu.vector_store %arg11[%swap3A_489, %swap3A_490], %mul3A_488 {strides = array<i32>} : memref<128x128xf32, #tpu.memory_space<vmem>>, vector<16xf32>,
        %get3A_492 = arith.index_cast %add3A_439 : i32 to index
        %get3A_493 = arith.constant 112 : index
        %get3A_494 = tpu.vector_load %arg11[%get3A_492, %get3A_493] {strides = array<i32>} : memref<128x128xf32, #tpu.memory_space<vmem>>, vector<16xf32>,
        %mul3A_495 = arith.mulf %get3A_494, %gather3A_442 : vector<16xf32>
        %swap3A_496 = arith.index_cast %add3A_439 : i32 to index
        %swap3A_497 = arith.constant 112 : index
        %swap3A_498 = tpu.vector_load %arg11[%swap3A_496, %swap3A_497] {strides = array<i32>} : memref<128x128xf32, #tpu.memory_space<vmem>>, vector<16xf32>,
        tpu.vector_store %arg11[%swap3A_496, %swap3A_497], %mul3A_495 {strides = array<i32>} : memref<128x128xf32, #tpu.memory_space<vmem>>, vector<16xf32>,
        %add3A_499 = arith.constant 3 : i32
        %add3A_500 = arith.addi %mul3A_318, %add3A_499 : i32
        %add3A_501 = arith.addi %while3A_279, %add3A_500 : i32
        %broadcast_in_dim3A_502 = vector.broadcast %add3A_501 : i32 to vector<16xi32>
        %gather3A_503 = tpu.vector_load_idx %arg9[%broadcast_in_dim3A_502] : memref<256xf32, #tpu.memory_space<vmem>>[vector<16xi32>], vector<16xf32>,
        %get3A_504 = arith.index_cast %add3A_500 : i32 to index
        %get3A_505 = arith.constant 0 : index
        %get3A_506 = tpu.vector_load %arg11[%get3A_504, %get3A_505] {strides = array<i32>} : memref<128x128xf32, #tpu.memory_space<vmem>>, vector<16xf32>,
        %mul3A_507 = arith.mulf %get3A_506, %gather3A_503 : vector<16xf32>
        %swap3A_508 = arith.index_cast %add3A_500 : i32 to index
        %swap3A_509 = arith.constant 0 : index
        %swap3A_510 = tpu.vector_load %arg11[%swap3A_508, %swap3A_509] {strides = array<i32>} : memref<128x128xf32, #tpu.memory_space<vmem>>, vector<16xf32>,
        tpu.vector_store %arg11[%swap3A_508, %swap3A_509], %mul3A_507 {strides = array<i32>} : memref<128x128xf32, #tpu.memory_space<vmem>>, vector<16xf32>,
        %get3A_511 = arith.index_cast %add3A_500 : i32 to index
        %get3A_512 = arith.constant 16 : index
        %get3A_513 = tpu.vector_load %arg11[%get3A_511, %get3A_512] {strides = array<i32>} : memref<128x128xf32, #tpu.memory_space<vmem>>, vector<16xf32>,
        %mul3A_514 = arith.mulf %get3A_513, %gather3A_503 : vector<16xf32>
        %swap3A_515 = arith.index_cast %add3A_500 : i32 to index
        %swap3A_516 = arith.constant 16 : index
        %swap3A_517 = tpu.vector_load %arg11[%swap3A_515, %swap3A_516] {strides = array<i32>} : memref<128x128xf32, #tpu.memory_space<vmem>>, vector<16xf32>,
        tpu.vector_store %arg11[%swap3A_515, %swap3A_516], %mul3A_514 {strides = array<i32>} : memref<128x128xf32, #tpu.memory_space<vmem>>, vector<16xf32>,
        %get3A_518 = arith.index_cast %add3A_500 : i32 to index
        %get3A_519 = arith.constant 32 : index
        %get3A_520 = tpu.vector_load %arg11[%get3A_518, %get3A_519] {strides = array<i32>} : memref<128x128xf32, #tpu.memory_space<vmem>>, vector<16xf32>,
        %mul3A_521 = arith.mulf %get3A_520, %gather3A_503 : vector<16xf32>
        %swap3A_522 = arith.index_cast %add3A_500 : i32 to index
        %swap3A_523 = arith.constant 32 : index
        %swap3A_524 = tpu.vector_load %arg11[%swap3A_522, %swap3A_523] {strides = array<i32>} : memref<128x128xf32, #tpu.memory_space<vmem>>, vector<16xf32>,
        tpu.vector_store %arg11[%swap3A_522, %swap3A_523], %mul3A_521 {strides = array<i32>} : memref<128x128xf32, #tpu.memory_space<vmem>>, vector<16xf32>,
        %get3A_525 = arith.index_cast %add3A_500 : i32 to index
        %get3A_526 = arith.constant 48 : index
        %get3A_527 = tpu.vector_load %arg11[%get3A_525, %get3A_526] {strides = array<i32>} : memref<128x128xf32, #tpu.memory_space<vmem>>, vector<16xf32>,
        %mul3A_528 = arith.mulf %get3A_527, %gather3A_503 : vector<16xf32>
        %swap3A_529 = arith.index_cast %add3A_500 : i32 to index
        %swap3A_530 = arith.constant 48 : index
        %swap3A_531 = tpu.vector_load %arg11[%swap3A_529, %swap3A_530] {strides = array<i32>} : memref<128x128xf32, #tpu.memory_space<vmem>>, vector<16xf32>,
        tpu.vector_store %arg11[%swap3A_529, %swap3A_530], %mul3A_528 {strides = array<i32>} : memref<128x128xf32, #tpu.memory_space<vmem>>, vector<16xf32>,
        %get3A_532 = arith.index_cast %add3A_500 : i32 to index
        %get3A_533 = arith.constant 64 : index
        %get3A_534 = tpu.vector_load %arg11[%get3A_532, %get3A_533] {strides = array<i32>} : memref<128x128xf32, #tpu.memory_space<vmem>>, vector<16xf32>,
        %mul3A_535 = arith.mulf %get3A_534, %gather3A_503 : vector<16xf32>
        %swap3A_536 = arith.index_cast %add3A_500 : i32 to index
        %swap3A_537 = arith.constant 64 : index
        %swap3A_538 = tpu.vector_load %arg11[%swap3A_536, %swap3A_537] {strides = array<i32>} : memref<128x128xf32, #tpu.memory_space<vmem>>, vector<16xf32>,
        tpu.vector_store %arg11[%swap3A_536, %swap3A_537], %mul3A_535 {strides = array<i32>} : memref<128x128xf32, #tpu.memory_space<vmem>>, vector<16xf32>,
        %get3A_539 = arith.index_cast %add3A_500 : i32 to index
        %get3A_540 = arith.constant 80 : index
        %get3A_541 = tpu.vector_load %arg11[%get3A_539, %get3A_540] {strides = array<i32>} : memref<128x128xf32, #tpu.memory_space<vmem>>, vector<16xf32>,
        %mul3A_542 = arith.mulf %get3A_541, %gather3A_503 : vector<16xf32>
        %swap3A_543 = arith.index_cast %add3A_500 : i32 to index
        %swap3A_544 = arith.constant 80 : index
        %swap3A_545 = tpu.vector_load %arg11[%swap3A_543, %swap3A_544] {strides = array<i32>} : memref<128x128xf32, #tpu.memory_space<vmem>>, vector<16xf32>,
        tpu.vector_store %arg11[%swap3A_543, %swap3A_544], %mul3A_542 {strides = array<i32>} : memref<128x128xf32, #tpu.memory_space<vmem>>, vector<16xf32>,
        %get3A_546 = arith.index_cast %add3A_500 : i32 to index
        %get3A_547 = arith.constant 96 : index
        %get3A_548 = tpu.vector_load %arg11[%get3A_546, %get3A_547] {strides = array<i32>} : memref<128x128xf32, #tpu.memory_space<vmem>>, vector<16xf32>,
        %mul3A_549 = arith.mulf %get3A_548, %gather3A_503 : vector<16xf32>
        %swap3A_550 = arith.index_cast %add3A_500 : i32 to index
        %swap3A_551 = arith.constant 96 : index
        %swap3A_552 = tpu.vector_load %arg11[%swap3A_550, %swap3A_551] {strides = array<i32>} : memref<128x128xf32, #tpu.memory_space<vmem>>, vector<16xf32>,
        tpu.vector_store %arg11[%swap3A_550, %swap3A_551], %mul3A_549 {strides = array<i32>} : memref<128x128xf32, #tpu.memory_space<vmem>>, vector<16xf32>,
        %get3A_553 = arith.index_cast %add3A_500 : i32 to index
        %get3A_554 = arith.constant 112 : index
        %get3A_555 = tpu.vector_load %arg11[%get3A_553, %get3A_554] {strides = array<i32>} : memref<128x128xf32, #tpu.memory_space<vmem>>, vector<16xf32>,
        %mul3A_556 = arith.mulf %get3A_555, %gather3A_503 : vector<16xf32>
        %swap3A_557 = arith.index_cast %add3A_500 : i32 to index
        %swap3A_558 = arith.constant 112 : index
        %swap3A_559 = tpu.vector_load %arg11[%swap3A_557, %swap3A_558] {strides = array<i32>} : memref<128x128xf32, #tpu.memory_space<vmem>>, vector<16xf32>,
        tpu.vector_store %arg11[%swap3A_557, %swap3A_558], %mul3A_556 {strides = array<i32>} : memref<128x128xf32, #tpu.memory_space<vmem>>, vector<16xf32>,
      }
      %run_scoped3A_290 = arith.constant 1 : i32
      "tpu.region"() ({
        %run_scoped3A_316 = tpu.sem_alloc : memref<!tpu.dma_semaphore, #tpu.memory_space<semaphore_mem>>
        %dma_start3A_317 = arith.constant 0 : i32
        %dma_start3A_318 = tpu.memref_slice %arg8[%run_scoped3A_290, %dma_start3A_317] : memref<2x128xi32, #tpu.memory_space<vmem>> -> memref<1x128xi32, #tpu.memory_space<vmem>>
        %dma_start3A_319 = tpu.memref_squeeze %dma_start3A_318 : memref<1x128xi32, #tpu.memory_space<vmem>> -> memref<128xi32, #tpu.memory_space<vmem>>
        %dma_start3A_320 = arith.constant 0 : i32
        %dma_start3A_321 = arith.constant 0 : i32
        %dma_start3A_322 = tpu.memref_slice %arg12[%dma_start3A_320, %dma_start3A_321] : memref<10240x128xf32, #tpu.memory_space<vmem_shared>> -> memref<10240x128xf32, #tpu.memory_space<vmem_shared>>
        tpu.enqueue_indirect_dma source(%arg11 : memref<128x128xf32, #tpu.memory_space<vmem>>) target(%dma_start3A_322 : memref<10240x128xf32, #tpu.memory_space<vmem_shared>>) offsets(%dma_start3A_319 : memref<128xi32, #tpu.memory_space<vmem>>) semaphore(%run_scoped3A_316 : memref<!tpu.dma_semaphore, #tpu.memory_space<semaphore_mem>>) {add = true}
        %dma_wait3A_323 = arith.constant 0 : i32
        %dma_wait3A_324 = tpu.memref_slice %arg8[%run_scoped3A_290, %dma_wait3A_323] : memref<2x128xi32, #tpu.memory_space<vmem>> -> memref<1x128xi32, #tpu.memory_space<vmem>>
        %dma_wait3A_325 = tpu.memref_squeeze %dma_wait3A_324 : memref<1x128xi32, #tpu.memory_space<vmem>> -> memref<128xi32, #tpu.memory_space<vmem>>
        %dma_wait3A_326 = arith.constant 0 : i32
        %dma_wait3A_327 = arith.constant 0 : i32
        %dma_wait3A_328 = tpu.memref_slice %arg12[%dma_wait3A_326, %dma_wait3A_327] : memref<10240x128xf32, #tpu.memory_space<vmem_shared>> -> memref<10240x128xf32, #tpu.memory_space<vmem_shared>>
        tpu.wait_indirect_dma semaphore(%run_scoped3A_316 : memref<!tpu.dma_semaphore, #tpu.memory_space<semaphore_mem>>) src(%arg11 : memref<128x128xf32, #tpu.memory_space<vmem>>) dst(%dma_wait3A_328 : memref<10240x128xf32, #tpu.memory_space<vmem_shared>>)
        tpu.yield
      }) : () -> ()
      %add3A_291 = arith.constant 2 : i32
      %add3A_292 = arith.addi %add3A_238, %add3A_291 : i32
      %dma_start3A_293 = arith.constant 1 : i32
      %dma_start3A_294 = arith.constant 0 : i32
      %dma_start3A_295 = tpu.memref_slice %arg8[%dma_start3A_293, %dma_start3A_294] : memref<2x128xi32, #tpu.memory_space<vmem>> -> memref<1x128xi32, #tpu.memory_space<vmem>>
      %dma_start3A_296 = tpu.memref_squeeze %dma_start3A_295 : memref<1x128xi32, #tpu.memory_space<vmem>> -> memref<128xi32, #tpu.memory_space<vmem>>
      %dma_start3A_297 = arith.constant 0 : i32
      %dma_start3A_298 = tpu.memref_slice %arg4[%add3A, %add3A_292, %dma_start3A_297] : memref<32x82x128xi32, #tpu.memory_space<hbm>> -> memref<1x1x128xi32, #tpu.memory_space<hbm>>
      %dma_start3A_299 = tpu.memref_squeeze %dma_start3A_298 : memref<1x1x128xi32, #tpu.memory_space<hbm>> -> memref<128xi32, #tpu.memory_space<hbm>>
      %dma_start3A_300 = arith.constant 0 : i32
      %dma_start3A_301 = tpu.memref_slice %arg8[%dma_start3A_293, %dma_start3A_300] : memref<2x128xi32, #tpu.memory_space<vmem>> -> memref<1x128xi32, #tpu.memory_space<vmem>>
      %dma_start3A_302 = tpu.memref_squeeze %dma_start3A_301 : memref<1x128xi32, #tpu.memory_space<vmem>> -> memref<128xi32, #tpu.memory_space<vmem>>
      %dma_start3A_303 = arith.constant 0 : i32
      %dma_start3A_304 = tpu.memref_slice %arg4[%add3A, %add3A_292, %dma_start3A_303] : memref<32x82x128xi32, #tpu.memory_space<hbm>> -> memref<1x1x128xi32, #tpu.memory_space<hbm>>
      %dma_start3A_305 = tpu.memref_squeeze %dma_start3A_304 : memref<1x1x128xi32, #tpu.memory_space<hbm>> -> memref<128xi32, #tpu.memory_space<hbm>>
      tpu.enqueue_dma source(%dma_start3A_305 : memref<128xi32, #tpu.memory_space<hbm>>) target(%dma_start3A_302 : memref<128xi32, #tpu.memory_space<vmem>>) target_semaphore(%arg16 : memref<!tpu.dma_semaphore, #tpu.memory_space<semaphore_mem>>)
      %dma_start3A_306 = arith.constant 128 : i32
      %dma_start3A_307 = tpu.memref_slice %arg9[%dma_start3A_306] : memref<256xf32, #tpu.memory_space<vmem>> -> memref<128xf32, #tpu.memory_space<vmem>>
      %dma_start3A_308 = arith.constant 0 : i32
      %dma_start3A_309 = tpu.memref_slice %arg5[%add3A, %add3A_292, %dma_start3A_308] : memref<32x82x128xf32, #tpu.memory_space<hbm>> -> memref<1x1x128xf32, #tpu.memory_space<hbm>>
      %dma_start3A_310 = tpu.memref_squeeze %dma_start3A_309 : memref<1x1x128xf32, #tpu.memory_space<hbm>> -> memref<128xf32, #tpu.memory_space<hbm>>
      %dma_start3A_311 = arith.constant 128 : i32
      %dma_start3A_312 = tpu.memref_slice %arg9[%dma_start3A_311] : memref<256xf32, #tpu.memory_space<vmem>> -> memref<128xf32, #tpu.memory_space<vmem>>
      %dma_start3A_313 = arith.constant 0 : i32
      %dma_start3A_314 = tpu.memref_slice %arg5[%add3A, %add3A_292, %dma_start3A_313] : memref<32x82x128xf32, #tpu.memory_space<hbm>> -> memref<1x1x128xf32, #tpu.memory_space<hbm>>
      %dma_start3A_315 = tpu.memref_squeeze %dma_start3A_314 : memref<1x1x128xf32, #tpu.memory_space<hbm>> -> memref<128xf32, #tpu.memory_space<hbm>>
      tpu.enqueue_dma source(%dma_start3A_315 : memref<128xf32, #tpu.memory_space<hbm>>) target(%dma_start3A_312 : memref<128xf32, #tpu.memory_space<vmem>>) target_semaphore(%arg18 : memref<!tpu.dma_semaphore, #tpu.memory_space<semaphore_mem>>)
    }
    %dma_wait3A = arith.constant 0 : i32
    %dma_wait3A_89 = arith.constant 0 : i32
    %dma_wait3A_90 = tpu.memref_slice %arg7[%dma_wait3A, %dma_wait3A_89] : memref<82x128xi32, #tpu.memory_space<vmem>> -> memref<1x128xi32, #tpu.memory_space<vmem>>
    %dma_wait3A_91 = tpu.memref_squeeze %dma_wait3A_90 : memref<1x128xi32, #tpu.memory_space<vmem>> -> memref<128xi32, #tpu.memory_space<vmem>>
    %dma_wait3A_92 = arith.constant 0 : i32
    %dma_wait3A_93 = arith.constant 0 : i32
    %dma_wait3A_94 = tpu.memref_slice %arg2[%dma_wait3A_92, %dma_wait3A_93] : memref<10000x128xf32, #tpu.memory_space<hbm>> -> memref<10000x128xf32, #tpu.memory_space<hbm>>
    tpu.wait_indirect_dma semaphore(%arg13 : memref<!tpu.dma_semaphore, #tpu.memory_space<semaphore_mem>>) src(%dma_wait3A_94 : memref<10000x128xf32, #tpu.memory_space<hbm>>) dst(%arg10 : memref<128x128xf32, #tpu.memory_space<vmem>>)
    %dma_wait3A_95 = arith.constant 0 : i32
    %dma_wait3A_96 = arith.constant 0 : i32
    %dma_wait3A_97 = arith.constant 0 : i32
    %dma_wait3A_98 = tpu.memref_slice %arg8[%dma_wait3A_96, %dma_wait3A_97] : memref<2x128xi32, #tpu.memory_space<vmem>> -> memref<1x128xi32, #tpu.memory_space<vmem>>
    %dma_wait3A_99 = tpu.memref_squeeze %dma_wait3A_98 : memref<1x128xi32, #tpu.memory_space<vmem>> -> memref<128xi32, #tpu.memory_space<vmem>>
    %dma_wait3A_100 = arith.constant 0 : i32
    %dma_wait3A_101 = tpu.memref_slice %arg4[%add3A, %dma_wait3A_95, %dma_wait3A_100] : memref<32x82x128xi32, #tpu.memory_space<hbm>> -> memref<1x1x128xi32, #tpu.memory_space<hbm>>
    %dma_wait3A_102 = tpu.memref_squeeze %dma_wait3A_101 : memref<1x1x128xi32, #tpu.memory_space<hbm>> -> memref<128xi32, #tpu.memory_space<hbm>>
    %dma_wait3A_103 = arith.constant 0 : i32
    %dma_wait3A_104 = tpu.memref_slice %arg8[%dma_wait3A_96, %dma_wait3A_103] : memref<2x128xi32, #tpu.memory_space<vmem>> -> memref<1x128xi32, #tpu.memory_space<vmem>>
    %dma_wait3A_105 = tpu.memref_squeeze %dma_wait3A_104 : memref<1x128xi32, #tpu.memory_space<vmem>> -> memref<128xi32, #tpu.memory_space<vmem>>
    %dma_wait3A_106 = arith.constant 0 : i32
    %dma_wait3A_107 = tpu.memref_slice %arg4[%add3A, %dma_wait3A_95, %dma_wait3A_106] : memref<32x82x128xi32, #tpu.memory_space<hbm>> -> memref<1x1x128xi32, #tpu.memory_space<hbm>>
    %dma_wait3A_108 = tpu.memref_squeeze %dma_wait3A_107 : memref<1x1x128xi32, #tpu.memory_space<hbm>> -> memref<128xi32, #tpu.memory_space<hbm>>
    tpu.wait_dma2 semaphore(%arg15 : memref<!tpu.dma_semaphore, #tpu.memory_space<semaphore_mem>>) src(%dma_wait3A_108 : memref<128xi32, #tpu.memory_space<hbm>>) dst(%dma_wait3A_105 : memref<128xi32, #tpu.memory_space<vmem>>)
    %dma_wait3A_109 = arith.constant 0 : i32
    %dma_wait3A_110 = arith.constant 0 : i32
    %dma_wait3A_111 = tpu.memref_slice %arg9[%dma_wait3A_110] : memref<256xf32, #tpu.memory_space<vmem>> -> memref<128xf32, #tpu.memory_space<vmem>>
    %dma_wait3A_112 = arith.constant 0 : i32
    %dma_wait3A_113 = tpu.memref_slice %arg5[%add3A, %dma_wait3A_109, %dma_wait3A_112] : memref<32x82x128xf32, #tpu.memory_space<hbm>> -> memref<1x1x128xf32, #tpu.memory_space<hbm>>
    %dma_wait3A_114 = tpu.memref_squeeze %dma_wait3A_113 : memref<1x1x128xf32, #tpu.memory_space<hbm>> -> memref<128xf32, #tpu.memory_space<hbm>>
    %dma_wait3A_115 = arith.constant 0 : i32
    %dma_wait3A_116 = tpu.memref_slice %arg9[%dma_wait3A_115] : memref<256xf32, #tpu.memory_space<vmem>> -> memref<128xf32, #tpu.memory_space<vmem>>
    %dma_wait3A_117 = arith.constant 0 : i32
    %dma_wait3A_118 = tpu.memref_slice %arg5[%add3A, %dma_wait3A_109, %dma_wait3A_117] : memref<32x82x128xf32, #tpu.memory_space<hbm>> -> memref<1x1x128xf32, #tpu.memory_space<hbm>>
    %dma_wait3A_119 = tpu.memref_squeeze %dma_wait3A_118 : memref<1x1x128xf32, #tpu.memory_space<hbm>> -> memref<128xf32, #tpu.memory_space<hbm>>
    tpu.wait_dma2 semaphore(%arg17 : memref<!tpu.dma_semaphore, #tpu.memory_space<semaphore_mem>>) src(%dma_wait3A_119 : memref<128xf32, #tpu.memory_space<hbm>>) dst(%dma_wait3A_116 : memref<128xf32, #tpu.memory_space<vmem>>)
    %dma_wait3A_120 = arith.constant 0 : i32
    %dma_wait3A_121 = arith.constant 1 : i32
    %dma_wait3A_122 = arith.constant 0 : i32
    %dma_wait3A_123 = tpu.memref_slice %arg8[%dma_wait3A_121, %dma_wait3A_122] : memref<2x128xi32, #tpu.memory_space<vmem>> -> memref<1x128xi32, #tpu.memory_space<vmem>>
    %dma_wait3A_124 = tpu.memref_squeeze %dma_wait3A_123 : memref<1x128xi32, #tpu.memory_space<vmem>> -> memref<128xi32, #tpu.memory_space<vmem>>
    %dma_wait3A_125 = arith.constant 0 : i32
    %dma_wait3A_126 = tpu.memref_slice %arg4[%add3A, %dma_wait3A_120, %dma_wait3A_125] : memref<32x82x128xi32, #tpu.memory_space<hbm>> -> memref<1x1x128xi32, #tpu.memory_space<hbm>>
    %dma_wait3A_127 = tpu.memref_squeeze %dma_wait3A_126 : memref<1x1x128xi32, #tpu.memory_space<hbm>> -> memref<128xi32, #tpu.memory_space<hbm>>
    %dma_wait3A_128 = arith.constant 0 : i32
    %dma_wait3A_129 = tpu.memref_slice %arg8[%dma_wait3A_121, %dma_wait3A_128] : memref<2x128xi32, #tpu.memory_space<vmem>> -> memref<1x128xi32, #tpu.memory_space<vmem>>
    %dma_wait3A_130 = tpu.memref_squeeze %dma_wait3A_129 : memref<1x128xi32, #tpu.memory_space<vmem>> -> memref<128xi32, #tpu.memory_space<vmem>>
    %dma_wait3A_131 = arith.constant 0 : i32
    %dma_wait3A_132 = tpu.memref_slice %arg4[%add3A, %dma_wait3A_120, %dma_wait3A_131] : memref<32x82x128xi32, #tpu.memory_space<hbm>> -> memref<1x1x128xi32, #tpu.memory_space<hbm>>
    %dma_wait3A_133 = tpu.memref_squeeze %dma_wait3A_132 : memref<1x1x128xi32, #tpu.memory_space<hbm>> -> memref<128xi32, #tpu.memory_space<hbm>>
    tpu.wait_dma2 semaphore(%arg16 : memref<!tpu.dma_semaphore, #tpu.memory_space<semaphore_mem>>) src(%dma_wait3A_133 : memref<128xi32, #tpu.memory_space<hbm>>) dst(%dma_wait3A_130 : memref<128xi32, #tpu.memory_space<vmem>>)
    %dma_wait3A_134 = arith.constant 0 : i32
    %dma_wait3A_135 = arith.constant 128 : i32
    %dma_wait3A_136 = tpu.memref_slice %arg9[%dma_wait3A_135] : memref<256xf32, #tpu.memory_space<vmem>> -> memref<128xf32, #tpu.memory_space<vmem>>
    %dma_wait3A_137 = arith.constant 0 : i32
    %dma_wait3A_138 = tpu.memref_slice %arg5[%add3A, %dma_wait3A_134, %dma_wait3A_137] : memref<32x82x128xf32, #tpu.memory_space<hbm>> -> memref<1x1x128xf32, #tpu.memory_space<hbm>>
    %dma_wait3A_139 = tpu.memref_squeeze %dma_wait3A_138 : memref<1x1x128xf32, #tpu.memory_space<hbm>> -> memref<128xf32, #tpu.memory_space<hbm>>
    %dma_wait3A_140 = arith.constant 128 : i32
    %dma_wait3A_141 = tpu.memref_slice %arg9[%dma_wait3A_140] : memref<256xf32, #tpu.memory_space<vmem>> -> memref<128xf32, #tpu.memory_space<vmem>>
    %dma_wait3A_142 = arith.constant 0 : i32
    %dma_wait3A_143 = tpu.memref_slice %arg5[%add3A, %dma_wait3A_134, %dma_wait3A_142] : memref<32x82x128xf32, #tpu.memory_space<hbm>> -> memref<1x1x128xf32, #tpu.memory_space<hbm>>
    %dma_wait3A_144 = tpu.memref_squeeze %dma_wait3A_143 : memref<1x1x128xf32, #tpu.memory_space<hbm>> -> memref<128xf32, #tpu.memory_space<hbm>>
    tpu.wait_dma2 semaphore(%arg18 : memref<!tpu.dma_semaphore, #tpu.memory_space<semaphore_mem>>) src(%dma_wait3A_144 : memref<128xf32, #tpu.memory_space<hbm>>) dst(%dma_wait3A_141 : memref<128xf32, #tpu.memory_space<vmem>>)
    %barrier3A_145 = arith.constant 0 : index
    tpu.barrier barrier_id(%barrier3A_145)
    %add3A_146 = arith.constant 0 : i32
    %add3A_147 = arith.addi %mul3A_12, %add3A_146 : i32
    "tpu.region"() ({
      %run_scoped3A = tpu.sem_alloc : memref<!tpu.dma_semaphore, #tpu.memory_space<semaphore_mem>>
      %dma_start3A_156 = arith.constant 0 : i32
      %dma_start3A_157 = tpu.memref_slice %arg6[%arg0, %add3A_147, %dma_start3A_156] : memref<2x10240x128xf32, #tpu.memory_space<hbm>> -> memref<1x128x128xf32, #tpu.memory_space<hbm>>
      %dma_start3A_158 = tpu.memref_squeeze %dma_start3A_157 : memref<1x128x128xf32, #tpu.memory_space<hbm>> -> memref<128x128xf32, #tpu.memory_space<hbm>>
      %dma_start3A_159 = arith.constant 0 : i32
      %dma_start3A_160 = tpu.memref_slice %arg12[%add3A_147, %dma_start3A_159] : memref<10240x128xf32, #tpu.memory_space<vmem_shared>> -> memref<128x128xf32, #tpu.memory_space<vmem_shared>>
      tpu.enqueue_dma source(%dma_start3A_160 : memref<128x128xf32, #tpu.memory_space<vmem_shared>>) target(%dma_start3A_158 : memref<128x128xf32, #tpu.memory_space<hbm>>) target_semaphore(%run_scoped3A : memref<!tpu.dma_semaphore, #tpu.memory_space<semaphore_mem>>)
      %dma_wait3A_161 = arith.constant 0 : i32
      %dma_wait3A_162 = tpu.memref_slice %arg6[%arg0, %add3A_147, %dma_wait3A_161] : memref<2x10240x128xf32, #tpu.memory_space<hbm>> -> memref<1x128x128xf32, #tpu.memory_space<hbm>>
      %dma_wait3A_163 = tpu.memref_squeeze %dma_wait3A_162 : memref<1x128x128xf32, #tpu.memory_space<hbm>> -> memref<128x128xf32, #tpu.memory_space<hbm>>
      %dma_wait3A_164 = arith.constant 0 : i32
      %dma_wait3A_165 = tpu.memref_slice %arg12[%add3A_147, %dma_wait3A_164] : memref<10240x128xf32, #tpu.memory_space<vmem_shared>> -> memref<128x128xf32, #tpu.memory_space<vmem_shared>>
      tpu.wait_dma2 semaphore(%run_scoped3A : memref<!tpu.dma_semaphore, #tpu.memory_space<semaphore_mem>>) src(%dma_wait3A_165 : memref<128x128xf32, #tpu.memory_space<vmem_shared>>) dst(%dma_wait3A_163 : memref<128x128xf32, #tpu.memory_space<hbm>>)
      tpu.yield
    }) : () -> ()
    %add3A_148 = arith.constant 128 : i32
    %add3A_149 = arith.addi %mul3A_12, %add3A_148 : i32
    "tpu.region"() ({
      %run_scoped3A = tpu.sem_alloc : memref<!tpu.dma_semaphore, #tpu.memory_space<semaphore_mem>>
      %dma_start3A_156 = arith.constant 0 : i32
      %dma_start3A_157 = tpu.memref_slice %arg6[%arg0, %add3A_149, %dma_start3A_156] : memref<2x10240x128xf32, #tpu.memory_space<hbm>> -> memref<1x128x128xf32, #tpu.memory_space<hbm>>
      %dma_start3A_158 = tpu.memref_squeeze %dma_start3A_157 : memref<1x128x128xf32, #tpu.memory_space<hbm>> -> memref<128x128xf32, #tpu.memory_space<hbm>>
      %dma_start3A_159 = arith.constant 0 : i32
      %dma_start3A_160 = tpu.memref_slice %arg12[%add3A_149, %dma_start3A_159] : memref<10240x128xf32, #tpu.memory_space<vmem_shared>> -> memref<128x128xf32, #tpu.memory_space<vmem_shared>>
      tpu.enqueue_dma source(%dma_start3A_160 : memref<128x128xf32, #tpu.memory_space<vmem_shared>>) target(%dma_start3A_158 : memref<128x128xf32, #tpu.memory_space<hbm>>) target_semaphore(%run_scoped3A : memref<!tpu.dma_semaphore, #tpu.memory_space<semaphore_mem>>)
      %dma_wait3A_161 = arith.constant 0 : i32
      %dma_wait3A_162 = tpu.memref_slice %arg6[%arg0, %add3A_149, %dma_wait3A_161] : memref<2x10240x128xf32, #tpu.memory_space<hbm>> -> memref<1x128x128xf32, #tpu.memory_space<hbm>>
      %dma_wait3A_163 = tpu.memref_squeeze %dma_wait3A_162 : memref<1x128x128xf32, #tpu.memory_space<hbm>> -> memref<128x128xf32, #tpu.memory_space<hbm>>
      %dma_wait3A_164 = arith.constant 0 : i32
      %dma_wait3A_165 = tpu.memref_slice %arg12[%add3A_149, %dma_wait3A_164] : memref<10240x128xf32, #tpu.memory_space<vmem_shared>> -> memref<128x128xf32, #tpu.memory_space<vmem_shared>>
      tpu.wait_dma2 semaphore(%run_scoped3A : memref<!tpu.dma_semaphore, #tpu.memory_space<semaphore_mem>>) src(%dma_wait3A_165 : memref<128x128xf32, #tpu.memory_space<vmem_shared>>) dst(%dma_wait3A_163 : memref<128x128xf32, #tpu.memory_space<hbm>>)
      tpu.yield
    }) : () -> ()
    %add3A_150 = arith.constant 256 : i32
    %add3A_151 = arith.addi %mul3A_12, %add3A_150 : i32
    "tpu.region"() ({
      %run_scoped3A = tpu.sem_alloc : memref<!tpu.dma_semaphore, #tpu.memory_space<semaphore_mem>>
      %dma_start3A_156 = arith.constant 0 : i32
      %dma_start3A_157 = tpu.memref_slice %arg6[%arg0, %add3A_151, %dma_start3A_156] : memref<2x10240x128xf32, #tpu.memory_space<hbm>> -> memref<1x128x128xf32, #tpu.memory_space<hbm>>
      %dma_start3A_158 = tpu.memref_squeeze %dma_start3A_157 : memref<1x128x128xf32, #tpu.memory_space<hbm>> -> memref<128x128xf32, #tpu.memory_space<hbm>>
      %dma_start3A_159 = arith.constant 0 : i32
      %dma_start3A_160 = tpu.memref_slice %arg12[%add3A_151, %dma_start3A_159] : memref<10240x128xf32, #tpu.memory_space<vmem_shared>> -> memref<128x128xf32, #tpu.memory_space<vmem_shared>>
      tpu.enqueue_dma source(%dma_start3A_160 : memref<128x128xf32, #tpu.memory_space<vmem_shared>>) target(%dma_start3A_158 : memref<128x128xf32, #tpu.memory_space<hbm>>) target_semaphore(%run_scoped3A : memref<!tpu.dma_semaphore, #tpu.memory_space<semaphore_mem>>)
      %dma_wait3A_161 = arith.constant 0 : i32
      %dma_wait3A_162 = tpu.memref_slice %arg6[%arg0, %add3A_151, %dma_wait3A_161] : memref<2x10240x128xf32, #tpu.memory_space<hbm>> -> memref<1x128x128xf32, #tpu.memory_space<hbm>>
      %dma_wait3A_163 = tpu.memref_squeeze %dma_wait3A_162 : memref<1x128x128xf32, #tpu.memory_space<hbm>> -> memref<128x128xf32, #tpu.memory_space<hbm>>
      %dma_wait3A_164 = arith.constant 0 : i32
      %dma_wait3A_165 = tpu.memref_slice %arg12[%add3A_151, %dma_wait3A_164] : memref<10240x128xf32, #tpu.memory_space<vmem_shared>> -> memref<128x128xf32, #tpu.memory_space<vmem_shared>>
      tpu.wait_dma2 semaphore(%run_scoped3A : memref<!tpu.dma_semaphore, #tpu.memory_space<semaphore_mem>>) src(%dma_wait3A_165 : memref<128x128xf32, #tpu.memory_space<vmem_shared>>) dst(%dma_wait3A_163 : memref<128x128xf32, #tpu.memory_space<hbm>>)
      tpu.yield
    }) : () -> ()
    %add3A_152 = arith.constant 384 : i32
    %add3A_153 = arith.addi %mul3A_12, %add3A_152 : i32
    "tpu.region"() ({
      %run_scoped3A = tpu.sem_alloc : memref<!tpu.dma_semaphore, #tpu.memory_space<semaphore_mem>>
      %dma_start3A_156 = arith.constant 0 : i32
      %dma_start3A_157 = tpu.memref_slice %arg6[%arg0, %add3A_153, %dma_start3A_156] : memref<2x10240x128xf32, #tpu.memory_space<hbm>> -> memref<1x128x128xf32, #tpu.memory_space<hbm>>
      %dma_start3A_158 = tpu.memref_squeeze %dma_start3A_157 : memref<1x128x128xf32, #tpu.memory_space<hbm>> -> memref<128x128xf32, #tpu.memory_space<hbm>>
      %dma_start3A_159 = arith.constant 0 : i32
      %dma_start3A_160 = tpu.memref_slice %arg12[%add3A_153, %dma_start3A_159] : memref<10240x128xf32, #tpu.memory_space<vmem_shared>> -> memref<128x128xf32, #tpu.memory_space<vmem_shared>>
      tpu.enqueue_dma source(%dma_start3A_160 : memref<128x128xf32, #tpu.memory_space<vmem_shared>>) target(%dma_start3A_158 : memref<128x128xf32, #tpu.memory_space<hbm>>) target_semaphore(%run_scoped3A : memref<!tpu.dma_semaphore, #tpu.memory_space<semaphore_mem>>)
      %dma_wait3A_161 = arith.constant 0 : i32
      %dma_wait3A_162 = tpu.memref_slice %arg6[%arg0, %add3A_153, %dma_wait3A_161] : memref<2x10240x128xf32, #tpu.memory_space<hbm>> -> memref<1x128x128xf32, #tpu.memory_space<hbm>>
      %dma_wait3A_163 = tpu.memref_squeeze %dma_wait3A_162 : memref<1x128x128xf32, #tpu.memory_space<hbm>> -> memref<128x128xf32, #tpu.memory_space<hbm>>
      %dma_wait3A_164 = arith.constant 0 : i32
      %dma_wait3A_165 = tpu.memref_slice %arg12[%add3A_153, %dma_wait3A_164] : memref<10240x128xf32, #tpu.memory_space<vmem_shared>> -> memref<128x128xf32, #tpu.memory_space<vmem_shared>>
      tpu.wait_dma2 semaphore(%run_scoped3A : memref<!tpu.dma_semaphore, #tpu.memory_space<semaphore_mem>>) src(%dma_wait3A_165 : memref<128x128xf32, #tpu.memory_space<vmem_shared>>) dst(%dma_wait3A_163 : memref<128x128xf32, #tpu.memory_space<hbm>>)
      tpu.yield
    }) : () -> ()
    %add3A_154 = arith.constant 512 : i32
    %add3A_155 = arith.addi %mul3A_12, %add3A_154 : i32
    "tpu.region"() ({
      %run_scoped3A = tpu.sem_alloc : memref<!tpu.dma_semaphore, #tpu.memory_space<semaphore_mem>>
      %dma_start3A_156 = arith.constant 0 : i32
      %dma_start3A_157 = tpu.memref_slice %arg6[%arg0, %add3A_155, %dma_start3A_156] : memref<2x10240x128xf32, #tpu.memory_space<hbm>> -> memref<1x128x128xf32, #tpu.memory_space<hbm>>
      %dma_start3A_158 = tpu.memref_squeeze %dma_start3A_157 : memref<1x128x128xf32, #tpu.memory_space<hbm>> -> memref<128x128xf32, #tpu.memory_space<hbm>>
      %dma_start3A_159 = arith.constant 0 : i32
      %dma_start3A_160 = tpu.memref_slice %arg12[%add3A_155, %dma_start3A_159] : memref<10240x128xf32, #tpu.memory_space<vmem_shared>> -> memref<128x128xf32, #tpu.memory_space<vmem_shared>>
      tpu.enqueue_dma source(%dma_start3A_160 : memref<128x128xf32, #tpu.memory_space<vmem_shared>>) target(%dma_start3A_158 : memref<128x128xf32, #tpu.memory_space<hbm>>) target_semaphore(%run_scoped3A : memref<!tpu.dma_semaphore, #tpu.memory_space<semaphore_mem>>)
      %dma_wait3A_161 = arith.constant 0 : i32
      %dma_wait3A_162 = tpu.memref_slice %arg6[%arg0, %add3A_155, %dma_wait3A_161] : memref<2x10240x128xf32, #tpu.memory_space<hbm>> -> memref<1x128x128xf32, #tpu.memory_space<hbm>>
      %dma_wait3A_163 = tpu.memref_squeeze %dma_wait3A_162 : memref<1x128x128xf32, #tpu.memory_space<hbm>> -> memref<128x128xf32, #tpu.memory_space<hbm>>
      %dma_wait3A_164 = arith.constant 0 : i32
      %dma_wait3A_165 = tpu.memref_slice %arg12[%add3A_155, %dma_wait3A_164] : memref<10240x128xf32, #tpu.memory_space<vmem_shared>> -> memref<128x128xf32, #tpu.memory_space<vmem_shared>>
      tpu.wait_dma2 semaphore(%run_scoped3A : memref<!tpu.dma_semaphore, #tpu.memory_space<semaphore_mem>>) src(%dma_wait3A_165 : memref<128x128xf32, #tpu.memory_space<vmem_shared>>) dst(%dma_wait3A_163 : memref<128x128xf32, #tpu.memory_space<hbm>>)
      tpu.yield
    }) : () -> ()
    return
  }
}

module attributes {stable_mosaic.version = 14 : i64} {
  func.func @_gemm_body(%arg0: i32, %arg1: memref<1000x128xf32, #tpu.memory_space<vmem>>, %arg2: memref<128x128xf32, #tpu.memory_space<vmem>>, %arg3: memref<1000x1xf32, #tpu.memory_space<vmem>>, %arg4: memref<1000x128xf32, #tpu.memory_space<vmem>>) attributes {dimension_semantics = [#tpu.dimension_semantics<arbitrary>], iteration_bounds = array<i64: 10>, scalar_prefetch = 0 : i64, scratch_operands = 0 : i64, tpu.core_type = #tpu.core_type<tc>, window_params = [{transform_indices = @transform_0, window_bounds = array<i64: 1000, 128>}, {transform_indices = @transform_1, window_bounds = array<i64: 128, 128>}, {transform_indices = @transform_2, window_bounds = array<i64: 1000, 1>}, {transform_indices = @transform_3, window_bounds = array<i64: 1000, 128>}]} {
    %get3A = arith.constant 0 : index
    %get3A_0 = arith.constant 0 : index
    %get3A_1 = vector.load %arg1[%get3A, %get3A_0] : memref<1000x128xf32, #tpu.memory_space<vmem>>, vector<1000x128xf32>
    %get3A_2 = arith.constant 0 : index
    %get3A_3 = arith.constant 0 : index
    %get3A_4 = vector.load %arg2[%get3A_2, %get3A_3] : memref<128x128xf32, #tpu.memory_space<vmem>>, vector<128x128xf32>
    %dot_general3A = arith.constant dense<0.000000e+00> : vector<1000x128xf32>
    %dot_general3A_5 = tpu.matmul %get3A_1, %get3A_4, %dot_general3A {dimension_numbers = #tpu.dot_dimension_numbers<[1], [0], [0], [1], [0, 0, 1, 1], [], []>, transpose_lhs_hint = false} : vector<1000x128xf32>, vector<128x128xf32>, vector<1000x128xf32> -> vector<1000x128xf32>
    %get3A_6 = arith.constant 0 : index
    %get3A_7 = arith.constant 0 : index
    %get3A_8 = vector.load %arg3[%get3A_6, %get3A_7] : memref<1000x1xf32, #tpu.memory_space<vmem>>, vector<1000x1xf32>
    %mul3A = vector.broadcast %get3A_8 : vector<1000x1xf32> to vector<1000x128xf32>
    %mul3A_9 = arith.mulf %dot_general3A_5, %mul3A : vector<1000x128xf32>
    %swap3A = arith.constant 0 : index
    %swap3A_10 = arith.constant 0 : index
    %swap3A_11 = vector.load %arg4[%swap3A, %swap3A_10] : memref<1000x128xf32, #tpu.memory_space<vmem>>, vector<1000x128xf32>
    tpu.vector_store %arg4[%swap3A, %swap3A_10], %mul3A_9 {strides = array<i32>} : memref<1000x128xf32, #tpu.memory_space<vmem>>, vector<1000x128xf32>,
    return
  }
  func.func @transform_0(%arg0: i32) -> (i32, i32) {
    %mul3A = arith.constant 0 : i32
    %mul3A_0 = arith.muli %arg0, %mul3A : i32
    %c0_i32 = arith.constant 0 : i32
    return %arg0, %mul3A_0 : i32, i32
  }
  func.func @transform_1(%arg0: i32) -> (i32, i32) {
    %mul3A = arith.constant 0 : i32
    %mul3A_0 = arith.muli %arg0, %mul3A : i32
    %mul3A_1 = arith.constant 0 : i32
    %mul3A_2 = arith.muli %arg0, %mul3A_1 : i32
    %c0_i32 = arith.constant 0 : i32
    return %mul3A_0, %mul3A_2 : i32, i32
  }
  func.func @transform_2(%arg0: i32) -> (i32, i32) {
    %mul3A = arith.constant 0 : i32
    %mul3A_0 = arith.muli %arg0, %mul3A : i32
    %c0_i32 = arith.constant 0 : i32
    return %arg0, %mul3A_0 : i32, i32
  }
  func.func @transform_3(%arg0: i32) -> (i32, i32) {
    %mul3A = arith.constant 0 : i32
    %mul3A_0 = arith.muli %arg0, %mul3A : i32
    %c0_i32 = arith.constant 0 : i32
    return %arg0, %mul3A_0 : i32, i32
  }
}

module attributes {stable_mosaic.version = 14 : i64} {
  func.func @_combine_body(%arg0: i32, %arg1: memref<2x1000x128xf32, #tpu.memory_space<vmem>>, %arg2: memref<1000x1xf32, #tpu.memory_space<vmem>>, %arg3: memref<1x128xf32, #tpu.memory_space<vmem>>, %arg4: memref<1000x128xf32, #tpu.memory_space<vmem>>) attributes {dimension_semantics = [#tpu.dimension_semantics<arbitrary>], iteration_bounds = array<i64: 10>, scalar_prefetch = 0 : i64, scratch_operands = 0 : i64, tpu.core_type = #tpu.core_type<tc>, window_params = [{transform_indices = @transform_0, window_bounds = array<i64: 2, 1000, 128>}, {transform_indices = @transform_1, window_bounds = array<i64: 1000, 1>}, {transform_indices = @transform_2, window_bounds = array<i64: 1, 128>}, {transform_indices = @transform_3, window_bounds = array<i64: 1000, 128>}]} {
    %get3A = arith.constant 0 : index
    %get3A_0 = arith.constant 0 : index
    %get3A_1 = arith.constant 0 : index
    %get3A_2 = vector.load %arg1[%get3A, %get3A_0, %get3A_1] : memref<2x1000x128xf32, #tpu.memory_space<vmem>>, vector<1x1000x128xf32>
    %get3A_3 = vector.shape_cast %get3A_2 : vector<1x1000x128xf32> to vector<1000x128xf32>
    %get3A_4 = arith.constant 1 : index
    %get3A_5 = arith.constant 0 : index
    %get3A_6 = arith.constant 0 : index
    %get3A_7 = vector.load %arg1[%get3A_4, %get3A_5, %get3A_6] : memref<2x1000x128xf32, #tpu.memory_space<vmem>>, vector<1x1000x128xf32>
    %get3A_8 = vector.shape_cast %get3A_7 : vector<1x1000x128xf32> to vector<1000x128xf32>
    %add3A = arith.addf %get3A_3, %get3A_8 : vector<1000x128xf32>
    %get3A_9 = arith.constant 0 : index
    %get3A_10 = arith.constant 0 : index
    %get3A_11 = vector.load %arg2[%get3A_9, %get3A_10] : memref<1000x1xf32, #tpu.memory_space<vmem>>, vector<1000x1xf32>
    %mul3A = vector.broadcast %get3A_11 : vector<1000x1xf32> to vector<1000x128xf32>
    %mul3A_12 = arith.mulf %add3A, %mul3A : vector<1000x128xf32>
    %get3A_13 = arith.constant 0 : index
    %get3A_14 = arith.constant 0 : index
    %get3A_15 = vector.load %arg3[%get3A_13, %get3A_14] : memref<1x128xf32, #tpu.memory_space<vmem>>, vector<1x128xf32>
    %add3A_16 = vector.broadcast %get3A_15 : vector<1x128xf32> to vector<1000x128xf32>
    %add3A_17 = arith.addf %mul3A_12, %add3A_16 : vector<1000x128xf32>
    %swap3A = arith.constant 0 : index
    %swap3A_18 = arith.constant 0 : index
    %swap3A_19 = vector.load %arg4[%swap3A, %swap3A_18] : memref<1000x128xf32, #tpu.memory_space<vmem>>, vector<1000x128xf32>
    tpu.vector_store %arg4[%swap3A, %swap3A_18], %add3A_17 {strides = array<i32>} : memref<1000x128xf32, #tpu.memory_space<vmem>>, vector<1000x128xf32>,
    return
  }
  func.func @transform_0(%arg0: i32) -> (i32, i32, i32) {
    %mul3A = arith.constant 0 : i32
    %mul3A_0 = arith.muli %arg0, %mul3A : i32
    %mul3A_1 = arith.constant 0 : i32
    %mul3A_2 = arith.muli %arg0, %mul3A_1 : i32
    %c0_i32 = arith.constant 0 : i32
    return %mul3A_0, %arg0, %mul3A_2 : i32, i32, i32
  }
  func.func @transform_1(%arg0: i32) -> (i32, i32) {
    %mul3A = arith.constant 0 : i32
    %mul3A_0 = arith.muli %arg0, %mul3A : i32
    %c0_i32 = arith.constant 0 : i32
    return %arg0, %mul3A_0 : i32, i32
  }
  func.func @transform_2(%arg0: i32) -> (i32, i32) {
    %mul3A = arith.constant 0 : i32
    %mul3A_0 = arith.muli %arg0, %mul3A : i32
    %mul3A_1 = arith.constant 0 : i32
    %mul3A_2 = arith.muli %arg0, %mul3A_1 : i32
    %c0_i32 = arith.constant 0 : i32
    return %mul3A_0, %mul3A_2 : i32, i32
  }
  func.func @transform_3(%arg0: i32) -> (i32, i32) {
    %mul3A = arith.constant 0 : i32
    %mul3A_0 = arith.muli %arg0, %mul3A : i32
    %c0_i32 = arith.constant 0 : i32
    return %arg0, %mul3A_0 : i32, i32
  }
}

</mosaic_0001>

<sc_bundles>
// kernel: kernel.5.cloned.1.call-start
scs
__scs_entry_jumppad:
0x0: {  	(pc) =	sbr.rel $0x88, $3  }
0x1: {  	(tag) =	ssettag $0x0;
	lr =	simm.s32 $0x1  }
0x2: {  	[smem:$0x3F9B] =	sst lr;
	_ =	strace $0xD0000000  }
0x3: {  	_ = 	snop  }
0x4: {  	_ = 	snop  }
0x5: {  	_ = 	snop  }
0x6: {  	_ = 	snop  }
0x7: {  	_ = 	snop  }
__scs_overlays_trampoline_lowered:
0x8: {  	[smem:$0x3FAA] =	sst s0  }
0x9: {  	[smem:$0x3FAB] =	sst s1  }
0xa: {  	[smem:$0x3FAC] =	sst s2  }
0xb: {  	[smem:$0x3FAD] =	sst s3  }
0xc: {  	[smem:$0x3FAE] =	sst s4  }
0xd: {  	[smem:$0x3FAF] =	sst s5  }
0xe: {  	[smem:$0x3FB0] =	sst s6  }
0xf: {  	[smem:$0x3FB1] =	sst s7  }
0x10: {  	[smem:$0x3FB2] =	sst s8  }
0x11: {  	[smem:$0x3FB3] =	sst s9;
	s0 =	simm.s32 @!p0 $0x0  }
0x12: {  	s1 =	sld [smem:$0x3F99];
	s0 =	simm.s32 @p0 $0x1  }
0x13: {  	[smem:$0x3FB4] =	sst s0;
	s0 =	simm.s32 @!p1 $0x0  }
0x14: {  	s2 =	sld [smem:$0x3F98];
	s0 =	simm.s32 @p1 $0x1  }
0x15: {  	[smem:$0x3FB5] =	sst s0;
	s0 =	simm.s32 @!p2 $0x0  }
0x16: {  	s3 =	sld [smem:$0x3FDB];
	s0 =	simm.s32 @p2 $0x1  }
0x17: {  	s4 =	simm.s32 $0x1BF5;
	[smem:$0x3FB7] =	sst s0  }
0x18: {  	s0 =	sld [smem:$0x3F9A];
	_ =	swait.ge [sflag:s4], $0x0  }
0x19: {  	s7 =	sld [smem:$0x3F9B]  }
0x1a: {  	s8 =	sadd.s32 $0xFFFFE003, lr  }
0x1b: {  	s9 =	sadd.s32 $0xFFFFFEF7, lr;
	s5 =	simm.s32 $0xFFFFFFFF;
	p2 =	slt.u32 s8, $0xFFFFF086  }
0x1c: {  	p1 =	slt.u32 s9, $0xF7A;
	s5 =	simm.s32 @!p2 $0x0  }
0x1d: {  	s5 =	simm.s32 @p1 $0x1;
	p0 =	seq.s32 s7, s2  }
0x1e: {  	s7 =	smul.u32 @!p0 $0xF7A, s2;
	p2 =	seq.s32 @!p0 s5, $0x0  }
0x1f: {  	s9 =	smul.u32 $0xF7A, s1;
	s8 =	simm.s32 @!p0 $0x1BF5;
	p2 =	por !p2, p0  }
0x20: {  	[sflag:s8] =	ssyncset.s32 @!p0 $0xFFFFF086;
	s6 =	sadd.s32 @!p0 s3, s7;
	s7 =	simm.s32 @!p0 $0x108  }
0x21: {  	s3 =	sadd.s32 s3, s9;
	s6 =	sadd.s32 @!p0 $0x88, s6;
	s7 =	simm.s32 @p2 $0x1082  }
0x22: {  	[simem:s7], [sflag:s8] =	dma.local @!p0 [hbm:s6], $0xF7A  }
0x23: {  	s9 =	sor.u32 $0xD0000000, s2;
	s6 =	simm.s32 $0x108;
	_ =	swait.ge @!p0 [sflag:s8], $0x0  }
0x24: {  	s3 =	sadd.s32 $0x88, s3;
	s6 =	simm.s32 @!p1 $0x1082;
	[sflag:s4] =	ssyncset.s32 $0xFFFFF086  }
0x25: {  	[simem:s6], [sflag:s4] =	dma.local [hbm:s3], $0xF7A  }
0x26: {  	[smem:$0x3F9B] =	sst s1;
	(tag) =	ssettag s2;
	_ =	strace s9  }
0x27: {  	s1 =	sld [smem:$0x3FAB]  }
0x28: {  	s2 =	sld [smem:$0x3FAC]  }
0x29: {  	s4 =	sld [smem:$0x3FAE]  }
0x2a: {  	p0 =	seq.s32 s5, $0x0;
	s5 =	sld [smem:$0x3FAF]  }
0x2b: {  	s6 =	sld [smem:$0x3FB0]  }
0x2c: {  	s7 =	sld [smem:$0x3FB1]  }
0x2d: {  	s3 =	simm.s32 $0x108;
	s8 =	sld [smem:$0x3FB2]  }
0x2e: {  	s3 =	simm.s32 @!p0 $0x1082;
	s9 =	sld [smem:$0x3FB3]  }
0x2f: {  	lr =	sadd.s32 s0, s3;
	s0 =	sld [smem:$0x3FAA]  }
0x30: {  	s3 =	sld [smem:$0x3FAD]  }
0x31: {  	[smem:$0x3FB6] =	sst s10  }
0x32: {  	s10 =	sld [smem:$0x3FB4];
	_ =	sdelay $0x3  }
0x33: {  	p0 =	seq.s32 s10, $0x1;
	s10 =	sld [smem:$0x3FB6];
	_ =	sdelay $0x3  }
0x34: {  	[smem:$0x3FB6] =	sst s10  }
0x35: {  	s10 =	sld [smem:$0x3FB5];
	_ =	sdelay $0x3  }
0x36: {  	p1 =	seq.s32 s10, $0x1;
	s10 =	sld [smem:$0x3FB6];
	_ =	sdelay $0x3  }
0x37: {  	[smem:$0x3FB6] =	sst s10  }
0x38: {  	s10 =	sld [smem:$0x3FB7]  }
0x39: {  	_ = 	snop;
	(pc) =	sbr.ind lr, $3  }
0x3a: {  	_ = 	snop  }
0x3b: {  	_ = 	snop  }
0x3c: {  	p2 =	seq.s32 s10, $0x1;
	s10 =	sld [smem:$0x3FB6]  }
0x3d: {  	_ =	shalt  }
0x3e: {  	_ =	shalt  }
0x3f: {  	_ =	shalt  }
0x40: {  	_ =	shalt  }
0x41: {  	_ =	shalt  }
0x42: {  	_ =	shalt  }
0x43: {  	_ =	shalt  }
0x44: {  	_ =	shalt  }
0x45: {  	_ =	shalt  }
0x46: {  	_ =	shalt  }
0x47: {  	_ =	shalt  }
0x48: {  	_ =	shalt  }
0x49: {  	_ =	shalt  }
0x4a: {  	_ =	shalt  }
0x4b: {  	_ =	shalt  }
0x4c: {  	_ =	shalt  }
0x4d: {  	_ =	shalt  }
0x4e: {  	_ =	shalt  }
0x4f: {  	_ =	shalt  }
0x50: {  	_ =	shalt  }
0x51: {  	_ =	shalt  }
0x52: {  	_ =	shalt  }
0x53: {  	_ =	shalt  }
0x54: {  	_ =	shalt  }
0x55: {  	_ =	shalt  }
0x56: {  	_ =	shalt  }
0x57: {  	_ =	shalt  }
0x58: {  	_ =	shalt  }
0x59: {  	_ =	shalt  }
0x5a: {  	_ =	shalt  }
0x5b: {  	_ =	shalt  }
0x5c: {  	_ =	shalt  }
0x5d: {  	_ =	shalt  }
0x5e: {  	_ =	shalt  }
0x5f: {  	_ =	shalt  }
0x60: {  	_ =	shalt  }
0x61: {  	_ =	shalt  }
0x62: {  	_ =	shalt  }
0x63: {  	_ =	shalt  }
0x64: {  	_ =	shalt  }
0x65: {  	_ =	shalt  }
0x66: {  	_ =	shalt  }
0x67: {  	_ =	shalt  }
0x68: {  	_ =	shalt  }
0x69: {  	_ =	shalt  }
0x6a: {  	_ =	shalt  }
0x6b: {  	_ =	shalt  }
0x6c: {  	_ =	shalt  }
0x6d: {  	_ =	shalt  }
0x6e: {  	_ =	shalt  }
0x6f: {  	_ =	shalt  }
0x70: {  	_ =	shalt  }
0x71: {  	_ =	shalt  }
0x72: {  	_ =	shalt  }
0x73: {  	_ =	shalt  }
0x74: {  	_ =	shalt  }
0x75: {  	_ =	shalt  }
0x76: {  	_ =	shalt  }
0x77: {  	_ =	shalt  }
0x78: {  	_ =	shalt  }
0x79: {  	_ =	shalt  }
0x7a: {  	_ =	shalt  }
0x7b: {  	_ =	shalt  }
0x7c: {  	_ =	shalt  }
0x7d: {  	_ =	shalt  }
0x7e: {  	_ =	shalt  }
0x7f: {  	_ =	shalt  }
0x80: {  	_ =	shalt  }
0x81: {  	_ =	shalt  }
0x82: {  	_ =	shalt  }
0x83: {  	_ =	shalt  }
0x84: {  	_ =	shalt  }
0x85: {  	_ =	shalt  }
0x86: {  	_ =	shalt  }
0x87: {  	_ =	shalt  }
.Lfunc_end0:
.L_simem_size_0:
called_computation_lowered:
.L_overlay_start_0:
0x88: {  	s2 =	sld [smem:$0x3FD9]  }
0x89: {  	s3 =	sld [smem:$0x3FFE];
	_ =	sdelay $0x1  }
0x8a: {  	s1 =	srdreg.scid  }
0x8b: {  	s0 =	sand.u32 $0x1, s1  }
0x8c: {  	s17 =	sshll.u32 s0, $0xA;
	s2 =	sadd.s32 s3, s2  }
0x8d: {  	s2 =	sadd.s32 s2, s17  }
0x8e: {  	[smem:$0x3FC2] =	sst s2  }
0x8f: {  	_ = 	snop  }
0x90: {  	s2 =	sld [smem:$0x3FD0];
	(tm) =	ssettm $0x1  }
0x91: {  	s18 =	sld [smem:$0x3FFB];
	_ =	sdelay $0x3  }
0x92: {  	_ =	strace s18  }
0x93: {  	s3 =	sld [smem:$0x3FFC];
	_ =	sdelay $0x3  }
0x94: {  	_ =	strace s3  }
0x95: {  	s3 =	sld [smem:$0x3FFD];
	_ =	sdelay $0x3  }
0x96: {  	_ =	strace s3  }
0x97: {  	_ =	strace $0x8FFFFFFF  }
0x98: {  	s19 =	sld [smem:$0x3FDB];
	_ =	sdelay $0x1  }
0x99: {  	s4 =	simm.s32 $_scs_section_size  }
0x9a: {  	s5 =	simm.s32 $_size__tile_overlayer_lowered;
	s6 =	simm.s32 $_tile_overlayer_lowered  }
0x9b: {  	s22 =	simm.s32 $0x1BFF;
	s21 =	sshll.u32 s6, $0x1;
	s3 =	sadd.s32 s4, s19  }
0x9c: {  	s7 =	simm.s32 $0x0;
	s20 =	sshll.u32 s5, $0x1;
	s5 =	sadd.s32 s21, s3  }
0x9d: {  	[timem:s7], [sflag:s22] =	dma.local [hbm:s5], s20  }
0x9e: {  	_ =	swait.ge [sflag:s22], s20  }
0x9f: {  	s4 =	ssub.s32 $0x0, s20;
	[sflag:s22] =	ssyncset.done $0x0  }
0xa0: {  	[sflag:s22] =	ssyncadd.s32 s4;
	_ =	sdelay $0x1  }
0xa1: {  	s23 =	simm.s32 $0x1B8B  }
0xa2: {  	_ =	swait.ge [sflag:s23], $0x1  }
0xa3: {  	[sflag:s23] =	ssyncset.done $0x0  }
0xa4: {  	s25 =	simm.s32 $0x1B8E;
	s24 =	sld [smem:$0x3FFE];
	[sflag:s23] =	ssyncadd.s32 $0xFFFFFFFF  }
0xa5: {  	s26 =	simm.s32 $execute0_lowered;
	[smem:$0x3FD2] =	sst s25  }
0xa6: {  	s5 =	sshll.u32 s26, $0x1;
	_ =	strace $0x80000046;
	[dreg:$0x1] =	wrdreg $0xFFFFFFFF  }
0xa7: {  	s28 =	simm.s32 $_size_execute0_lowered;
	s3 =	sadd.s32 s3, s5;
	[dreg:$0x0] =	wrdreg $0x0  }
0xa8: {  	s5 =	sshll.u32 s28, $0x1;
	[dreg:$0x2] =	wrdreg s3  }
0xa9: {  	[dreg:$0x3] =	wrdreg s5  }
0xaa: {  	[dreg:$0x4] =	wrdreg $0xC0  }
0xab: {  	_ =	task [dreg:s7], $0x5FFFF  }
0xac: {  	[dreg:$0x1] =	wrdreg $0xFFFFFFFF  }
0xad: {  	[dreg:$0x0] =	wrdreg $0x60  }
0xae: {  	[dreg:$0x2] =	wrdreg s2  }
0xaf: {  	[dreg:$0x3] =	wrdreg s24  }
0xb0: {  	[dreg:$0x4] =	wrdreg $0xAE000  }
0xb1: {  	[dreg:$0x5] =	wrdreg $0x9  }
0xb2: {  	_ =	task.clear_ibuf [dreg:s7], $0x6FFFF;
	_ =	strace $0x90000046  }
0xb3: {  	s29 =	simm.s32 $0x9;
	_ =	strace $0x80000048  }
0xb4: {  	_ =	swait.ge [sflag:s29], $0x1  }
0xb5: {  	[sflag:s29] =	ssyncadd.s32 $0xFFFFFFFF  }
0xb6: {  	_ =	strace $0x90000048  }
0xb7: {  	_ =	sfence  }
0xb8: {  	s30 =	sld [smem:$0x0];
	_ =	sdelay $0x2  }
0xb9: {  	s31 =	sshll.u32 s1, $0xD;
	s1 =	sshrl.u32 s1, $0x2  }
0xba: {  	s3 =	sand.u32 $0x4000, s31;
	s1 =	sadd.s32 s1, s30  }
0xbb: {  	s0 =	sor.u32 s3, s0;
	s1 =	sshll.u32 s1, $0x11  }
0xbc: {  	s0 =	sor.u32 s1, s0  }
0xbd: {  	s0 =	sadd.s32 $0x8F2B, s0  }
0xbe: {  	[sflag:s0] =	ssyncadd.remote.s32 $0x1  }
0xbf: {  	_ =	sfence.sel $0xFFFF  }
0xc0: {  	[dreg:$0x0] =	wrdreg $0xFFFFFFFF;
	(pc) =	sbr.abs _section_cstart, $3  }
0xc1: {  	[dreg:$0x1] =	wrdreg $0xFFFFFFFF  }
0xc2: {  	_ =	task.clear_ibuf [dreg:s7], $0x2FFFF;
	_ =	strace $0x9FFFFFFF  }
0xc3: {  	(tm) =	ssettm $0x7FFFFFFF  }
tec
execute0_lowered:
.L_overlay_start_1:
0x0: {  	(tag) =	ssettag $0x1  }
0x1: {  	s1 =	rddreg [dreg:$0x0];
	s0 =	srdreg.scid  }
0x2: {  	s12 =	stileid.u32;
	s2 =	rddreg [dreg:$0x1]  }
0x3: {  	s3 =	rddreg [dreg:$0x2];
	s28 =	simm.s32 $0x2D00;
	s29 =	simm.s32 $0x2C80  }
0x4: {  	s30 =	simm.s32 $0x2D80;
	s31 =	simm.s32 $0x80;
	s0 =	sand.u32 $0x1, s0  }
0x5: {  	s4 =	sshll.u32 s12, $0x1;
	s6 =	sadd.s32 $0xC600, s2;
	s10 =	smul.u32 $0x50000, s12  }
0x6: {  	s7 =	sadd.s32 $0x1600, s2;
	s13 =	smul.u32 $0x14000, s12;
	s5 =	sor.u32 s0, s4  }
0x7: {  	s4 =	simm.s32 $0x0;
	s11 =	ssub.s32 $0x2, s0;
	s0 =	smul.u32 $0x140000, s0  }
0x8: {  	s5 =	smul.u32 $0x2C00, s5;
	[smem:$0x7FF] =	sst s4;
	s21 =	sshrl.u32 s11, $0x1  }
0x9: {  	s10 =	sshrl.u32 s10, $0x2;
	s15 =	sadd.s32 $0x4000, s13;
	s16 =	sadd.s32 $0x8000, s13  }
0xa: {  	s17 =	sadd.s32 $0xC000, s13;
	s18 =	sadd.s32 $0x10000, s13;
	_ =	strace $0x80000047  }
0xb: {  	s14 =	ssub.s32 s11, s21;
	s10 =	sadd.s32 s10, s3;
	s11 =	sadd.s32 s15, s3  }
0xc: {  	s19 =	sadd.s32 s16, s3;
	s20 =	sadd.s32 s17, s3;
	s21 =	sadd.s32 s18, s3  }
0xd: {  	s25 =	sadd.s32 s13, s0;
	s26 =	sadd.s32 s0, s15;
	[dreg:$0x4] =	wrdreg s11  }
0xe: {  	s13 =	simm.s32 $0x3;
	s8 =	sshrl.u32 s5, $0x3;
	[dreg:$0x5] =	wrdreg s19  }
0xf: {  	s12 =	sshrl.u32 s25, $0x3;
	s15 =	sshrl.u32 s26, $0x3;
	[dreg:$0x6] =	wrdreg s20  }
0x10: {  	s26 =	smax.u32 s14, $0x1;
	s14 =	simm.s32 $0x5;
	[dreg:$0x7] =	wrdreg s21  }
0x11: {  	s9 =	sadd.s32 s8, s2;
	s22 =	sadd.s32 s6, s8;
	[dreg:$0x12] =	wrdreg s26  }
0x12: {  	s2 =	sadd.s32 $0x22600, s2;
	s23 =	sadd.s32 s7, s8;
	[dreg:$0x9] =	wrdreg s22  }
0x13: {  	s8 =	sor.u32 $0x10, s8;
	s9 =	sadd.s32 $0x17600, s9;
	[dreg:$0xa] =	wrdreg s23  }
0x14: {  	s26 =	simm.s32 $0x2C00;
	s24 =	sadd.s32 s6, s8;
	[dreg:$0x8] =	wrdreg s9  }
0x15: {  	s8 =	sadd.s32 s7, s8;
	s22 =	sadd.s32 s2, s15;
	[dreg:$0xb] =	wrdreg s24  }
0x16: {  	s23 =	sadd.s32 s0, s16;
	s15 =	simm.s32 $0x2;
	[dreg:$0xc] =	wrdreg s8  }
0x17: {  	s16 =	simm.s32 $0x4;
	s8 =	sadd.s32 s2, s12;
	[dreg:$0xe] =	wrdreg s22  }
0x18: {  	s24 =	sadd.s32 s0, s17;
	s0 =	sadd.s32 s0, s18;
	s17 =	simm.s32 $0x6  }
0x19: {  	s18 =	simm.s32 $0x0;
	[dreg:$0xd] =	wrdreg s8;
	s8 =	sshrl.u32 s23, $0x3  }
0x1a: {  	s25 =	sshrl.u32 s24, $0x3;
	s0 =	sshrl.u32 s0, $0x3;
	s8 =	sadd.s32 s2, s8  }
0x1b: {  	s24 =	simm.s32 $0x2E00;
	s0 =	sadd.s32 s2, s0;
	[dreg:$0xf] =	wrdreg s8  }
0x1c: {  	s8 =	sadd.s32 s2, s25;
	[dreg:$0x11] =	wrdreg s0;
	s25 =	simm.s32 $0x7  }
0x1d: {  	v0 =	vimm.f32 $0.0e+00;
	s2 =	simm.s32 $0x6E00;
	s0 =	simm.s32 $0x1;
	[dreg:$0x10] =	wrdreg s8  }
.LBB2_1:
0x1e: {  	s8 =	simm.s32 $0x0;
	s9 =	simm.s32 $0x200  }
.LBB2_2:
0x1f: {  	p0 =	sne.s32 s9, $0xFE00;
	[tilespmem:s8+$0x2E70] =	vst v0  }
0x20: {  	[tilespmem:s8+$0x2E00] =	vst v0  }
0x21: {  	[tilespmem:s8+$0x2E10] =	vst v0  }
.Ltmp0:
0x22: {  	[tilespmem:s8+$0x2E20] =	vst v0;
	(pc) =	sbr.rel @p0 .LBB2_2-.Ltmp0, $4  }
0x23: {  	[tilespmem:s8+$0x2E30] =	vst v0  }
0x24: {  	[tilespmem:s8+$0x2E40] =	vst v0  }
0x25: {  	[tilespmem:s8+$0x2E50] =	vst v0  }
0x26: {  	[tilespmem:s8+$0x2E60] =	vst v0;
	s8 =	sshra.s32 s9, $0x2;
	s9 =	sadd.s32 $0x200, s9  }
0x27: {  	[tilespmem:s8+$0x2E70] =	vst v0  }
0x28: {  	[tilespmem:s8+$0x2E00] =	vst v0  }
0x29: {  	[tilespmem:s8+$0x2E10] =	vst v0  }
0x2a: {  	[tilespmem:s8+$0x2E20] =	vst v0  }
0x2b: {  	[tilespmem:s8+$0x2E30] =	vst v0  }
0x2c: {  	[tilespmem:s8+$0x2E40] =	vst v0  }
0x2d: {  	[tilespmem:s8+$0x2E50] =	vst v0  }
0x2e: {  	[tilespmem:s8+$0x2E60] =	vst v0  }
0x2f: {  	[spmem:s10] =	stream.linear.scatter [tilespmem:s24], [sflag:$0x7], $0x4000, $0x38;
	[tilespmem:$0x1EE00] =	vst v63  }
0x30: {  	_ =	swait.ge [sflag:s25], $0x4000  }
0x31: {  	[sflag:s25] =	ssyncset.done $0x0  }
0x32: {  	[sflag:s25] =	ssyncadd.s32 $0xFFFFC000  }
0x33: {  	[spmem:s11] =	stream.linear.scatter [tilespmem:s24], [sflag:$0x7], $0x4000, $0x38;
	[tilespmem:$0x1EE00] =	vst v63  }
0x34: {  	_ =	swait.ge [sflag:s25], $0x4000  }
0x35: {  	[sflag:s25] =	ssyncset.done $0x0  }
0x36: {  	[sflag:s25] =	ssyncadd.s32 $0xFFFFC000  }
0x37: {  	[spmem:s19] =	stream.linear.scatter [tilespmem:s24], [sflag:$0x7], $0x4000, $0x38;
	[tilespmem:$0x1EE00] =	vst v63  }
0x38: {  	_ =	swait.ge [sflag:s25], $0x4000  }
0x39: {  	[sflag:s25] =	ssyncset.done $0x0  }
0x3a: {  	[sflag:s25] =	ssyncadd.s32 $0xFFFFC000  }
0x3b: {  	[spmem:s20] =	stream.linear.scatter [tilespmem:s24], [sflag:$0x7], $0x4000, $0x38;
	[tilespmem:$0x1EE00] =	vst v63  }
0x3c: {  	_ =	swait.ge [sflag:s25], $0x4000  }
0x3d: {  	[sflag:s25] =	ssyncset.done $0x0  }
0x3e: {  	[sflag:s25] =	ssyncadd.s32 $0xFFFFC000  }
0x3f: {  	[spmem:s21] =	stream.linear.scatter [tilespmem:s24], [sflag:$0x7], $0x4000, $0x38;
	[tilespmem:$0x1EE00] =	vst v63  }
0x40: {  	_ =	swait.ge [sflag:s25], $0x4000  }
0x41: {  	[sflag:s25] =	ssyncset.done $0x0  }
0x42: {  	s19 =	simm.s32 $0x0;
	s11 =	rddreg [dreg:$0x8];
	[sflag:s25] =	ssyncadd.s32 $0xFFFFC000  }
0x43: {  	[tilespmem:s19], [sflag:$0x7] =	stream.linear.gather [hbm4b:s11+s19], $0x2900, $0x38;
	[tilespmem:$0x1EE00] =	vst v63  }
0x44: {  	_ =	swait.ge [sflag:s25], $0x2900  }
0x45: {  	[sflag:s25] =	ssyncset.done $0x0  }
0x46: {  	[sflag:s25] =	ssyncadd.s32 $0xFFFFD700  }
0x47: {  	[bflag:$0x0] =	sbarrier.arrive $0xFFFF  }
0x48: {  	s20 =	rddreg [dreg:$0x9]  }
0x49: {  	[tilespmem:s26], [sflag:$0x3] =	stream.linear.gather [hbm4b:s20+s19], $0x80, $0x38;
	[tilespmem:$0x1EE00] =	vst v63  }
0x4a: {  	s21 =	rddreg [dreg:$0xa]  }
0x4b: {  	[tilespmem:s28], [sflag:$0x5] =	stream.linear.gather [hbm4b:s21+s19], $0x80, $0x38;
	[tilespmem:$0x1EE00] =	vst v63  }
0x4c: {  	s22 =	rddreg [dreg:$0xb]  }
0x4d: {  	[tilespmem:s29], [sflag:$0x4] =	stream.linear.gather [hbm4b:s22+s19], $0x80, $0x38;
	[tilespmem:$0x1EE00] =	vst v63  }
0x4e: {  	s23 =	rddreg [dreg:$0xc]  }
0x4f: {  	[tilespmem:s30], [sflag:$0x6] =	stream.linear.gather [hbm4b:s23+s19], $0x80, $0x38;
	[tilespmem:$0x1EE00] =	vst v63  }
0x50: {  	s12 =	smov.u32 s10;
	s20 =	simm.s32 $0x0  }
0x51: {  	[tilespmem:s24], [sflag:$0x1] =	stream.indirect.gather [hbm4b:s1+s31], $0x80, s19, s31, $0xb8;
	[tilespmem:$0x1EE00] =	vst v63  }
.LBB2_4:
0x52: {  	s21 =	sshll.u32 s20, $0x8  }
0x53: {  	s8 =	sand.u32 $0x3FFFFF00, s21  }
0x54: {  	s8 =	sor.u32 $0x80, s8  }
0x55: {  	[tilespmem:s2], [sflag:$0x2] =	stream.indirect.gather [hbm4b:s1+s31], $0x80, s8, s31, $0xb8;
	[tilespmem:$0x1EE00] =	vst v63  }
0x56: {  	_ =	swait.ge [sflag:s0], $0x4000  }
0x57: {  	[sflag:s0] =	ssyncset.done $0x0  }
0x58: {  	v1 =	vmov s19;
	[sflag:s0] =	ssyncadd.s32 $0xFFFFC000  }
0x59: {  	v1 =	vand.u32 $0xFFFFFFFC, v1;
	_ =	swait.ge [sflag:s13], $0x80  }
0x5a: {  	v1 =	vbroadcast v1, $0x0;
	[sflag:s13] =	ssyncset.done $0x0  }
0x5b: {  	[sflag:s13] =	ssyncadd.s32 $0xFFFFFF80  }
0x5c: {  	_ =	swait.ge [sflag:s14], $0x80  }
0x5d: {  	[sflag:s14] =	ssyncset.done $0x0  }
0x5e: {  	s22 =	simm.s32 $0x2F00;
	[sflag:s14] =	ssyncadd.s32 $0xFFFFFF80  }
0x5f: {  	v2 =	vld [tilespmem:s22+$0xFFFFFF70]  }
0x60: {  	v1 =	vld.idx.msk [tilespmem:v1+s28+$0x0], $0xffff  }
0x61: {  	v3 =	vld [tilespmem:s22+$0xFFFFFF00]  }
0x62: {  	v4 =	vld [tilespmem:s22+$0xFFFFFF20]  }
0x63: {  	v5 =	vld [tilespmem:s22+$0xFFFFFF50]  }
0x64: {  	v6 =	vld [tilespmem:s22+$0xFFFFFF40]  }
0x65: {  	v7 =	vld [tilespmem:s22+$0xFFFFFF60];
	v2 =	vmul.f32 v2, v1  }
0x66: {  	s11 =	simm.s32 $0x1;
	v8 =	vld [tilespmem:s22+$0xFFFFFF30];
	v3 =	vmul.f32 v3, v1  }
0x67: {  	v9 =	vld [tilespmem:s22+$0xFFFFFF10];
	v4 =	vmul.f32 v4, v1;
	[tilespmem:s22+$0xFFFFFF70] =	vst v2;
	v2 =	vmov s11  }
0x68: {  	v5 =	vmul.f32 v5, v1;
	[tilespmem:s22+$0xFFFFFF00] =	vst v3;
	v2 =	vand.u32 $0xFFFFFFFD, v2  }
0x69: {  	v3 =	vmul.f32 v6, v1;
	[tilespmem:s22+$0xFFFFFF20] =	vst v4;
	v2 =	vbroadcast v2, $0x0  }
0x6a: {  	v4 =	vmul.f32 v7, v1;
	[tilespmem:s22+$0xFFFFFF50] =	vst v5  }
0x6b: {  	v5 =	vmul.f32 v8, v1;
	[tilespmem:s22+$0xFFFFFF40] =	vst v3  }
0x6c: {  	v1 =	vmul.f32 v9, v1;
	[tilespmem:s22+$0xFFFFFF60] =	vst v4  }
0x6d: {  	[tilespmem:s22+$0xFFFFFF30] =	vst v5  }
0x6e: {  	[tilespmem:s22+$0xFFFFFF10] =	vst v1;
	v1 =	vld [tilespmem:s22+$0xFFFFFF90]  }
0x6f: {  	v3 =	vld.idx.msk [tilespmem:v2+s28+$0x0], $0xffff  }
0x70: {  	v2 =	vld [tilespmem:s22+$0xFFFFFFA0]  }
0x71: {  	v4 =	vld [tilespmem:s22+$0xFFFFFF80]  }
0x72: {  	v5 =	vld [tilespmem:s22+$0xFFFFFFB0]  }
0x73: {  	v6 =	vld [tilespmem:s22+$0xFFFFFFC0]  }
0x74: {  	v7 =	vld [tilespmem:s22+$0xFFFFFFD0];
	v1 =	vmul.f32 v1, v3  }
0x75: {  	s23 =	simm.s32 $0x2;
	v8 =	vld [tilespmem:s22+$0xFFFFFFF0];
	v2 =	vmul.f32 v2, v3  }
0x76: {  	v63 =	vld [tilespmem:s22+$0xFFFFFFE0];
	v4 =	vmul.f32 v4, v3;
	[tilespmem:s22+$0xFFFFFF90] =	vst v1;
	v1 =	vmov s23  }
0x77: {  	v5 =	vmul.f32 v5, v3;
	[tilespmem:s22+$0xFFFFFFA0] =	vst v2;
	v1 =	vand.u32 $0xFFFFFFFE, v1  }
0x78: {  	v2 =	vmul.f32 v6, v3;
	[tilespmem:s22+$0xFFFFFF80] =	vst v4;
	v6 =	vld [tilespmem:s22+$0x60];
	v10 =	vbroadcast v1, $0x0  }
0x79: {  	v4 =	vmul.f32 v7, v3;
	[tilespmem:s22+$0xFFFFFFB0] =	vst v5;
	v7 =	vld [tilespmem:s22+$0x0]  }
0x7a: {  	v5 =	vmul.f32 v8, v3;
	v1 =	vld [tilespmem:s22+$0x20];
	[tilespmem:s22+$0xFFFFFFC0] =	vst v2  }
0x7b: {  	v3 =	vmul.f32 v63, v3;
	v2 =	vld [tilespmem:s22+$0x30];
	[tilespmem:s22+$0xFFFFFFD0] =	vst v4  }
0x7c: {  	[tilespmem:s22+$0xFFFFFFF0] =	vst v5;
	v4 =	vld [tilespmem:s22+$0x40]  }
0x7d: {  	[tilespmem:s22+$0xFFFFFFE0] =	vst v3;
	v5 =	vld [tilespmem:s22+$0x10]  }
0x7e: {  	s9 =	simm.s32 $0x2F00;
	s8 =	simm.s32 $0x4;
	s23 =	simm.s32 $0x0;
	v3 =	vld.idx.msk [tilespmem:v10+s28+$0x0], $0xffff  }
.LBB2_5:
0x7f: {  	p0 =	sne.s32 s8, $0x7C  }
0x80: {  	v8 =	vld [tilespmem:s22+$0x50];
	s9 =	sadd.s32 $0x200, s9;
	s10 =	smov.u32 s8;
	s8 =	sadd.s32 $0x4, s8  }
0x81: {  	v9 =	vld [tilespmem:s22+$0x70];
	_ =	sdelay $0x1  }
0x82: {  	v6 =	vmul.f32 v6, v3;
	v7 =	vmul.f32 v7, v3  }
0x83: {  	v4 =	vmul.f32 v4, v3;
	v5 =	vmul.f32 v5, v3  }
0x84: {  	v1 =	vmul.f32 v1, v3;
	v2 =	vmul.f32 v2, v3;
	[tilespmem:s22+$0x60] =	vst v6  }
0x85: {  	[tilespmem:s22+$0x40] =	vst v4;
	v4 =	vmul.f32 v8, v3;
	v3 =	vmul.f32 v9, v3  }
0x86: {  	s11 =	sadd.s32 $0x3, s23;
	s23 =	smov.u32 s10;
	[tilespmem:s22+$0x20] =	vst v1;
	v6 =	vld [tilespmem:s22+$0x80]  }
0x87: {  	v1 =	vld [tilespmem:s9+$0x20];
	[tilespmem:s22+$0x0] =	vst v7;
	v7 =	vmov s11  }
0x88: {  	[tilespmem:s22+$0x50] =	vst v4;
	v4 =	vld [tilespmem:s22+$0xE0]  }
0x89: {  	[tilespmem:s22+$0x30] =	vst v2;
	v8 =	vld [tilespmem:s22+$0xC0]  }
0x8a: {  	v2 =	vld [tilespmem:s9+$0x30];
	[tilespmem:s22+$0x10] =	vst v5  }
0x8b: {  	[tilespmem:s22+$0x70] =	vst v3;
	v3 =	vld [tilespmem:s22+$0xA0]  }
0x8c: {  	v5 =	vld.idx.msk [tilespmem:v7+s28+$0x0], $0xffff  }
0x8d: {  	v7 =	vld [tilespmem:s22+$0x90]  }
0x8e: {  	v9 =	vld [tilespmem:s22+$0xB0]  }
0x8f: {  	v10 =	vld [tilespmem:s22+$0xD0]  }
0x90: {  	v11 =	vld [tilespmem:s22+$0xF0];
	_ =	sdelay $0x1  }
0x91: {  	v6 =	vmul.f32 v6, v5;
	v7 =	vmul.f32 v7, v5  }
0x92: {  	v3 =	vmul.f32 v3, v5;
	v9 =	vmul.f32 v9, v5  }
0x93: {  	v12 =	vmov s23;
	[tilespmem:s22+$0x80] =	vst v6;
	v6 =	vmul.f32 v8, v5;
	v8 =	vmul.f32 v10, v5  }
0x94: {  	v10 =	vand.u32 $0xFFFFFFFC, v12;
	[tilespmem:s22+$0xA0] =	vst v3;
	v3 =	vmul.f32 v4, v5;
	v4 =	vmul.f32 v11, v5  }
0x95: {  	v5 =	vbroadcast v10, $0x0;
	[tilespmem:s22+$0xC0] =	vst v6  }
0x96: {  	[tilespmem:s22+$0xF0] =	vst v4  }
0x97: {  	v4 =	vld [tilespmem:s9+$0xFFFFFF40];
	[tilespmem:s22+$0xE0] =	vst v3  }
0x98: {  	v3 =	vld [tilespmem:s9+$0xFFFFFF50];
	[tilespmem:s22+$0x90] =	vst v7  }
0x99: {  	v6 =	vld [tilespmem:s9+$0xFFFFFF60];
	[tilespmem:s22+$0xB0] =	vst v9  }
0x9a: {  	v7 =	vld [tilespmem:s9+$0xFFFFFF70];
	[tilespmem:s22+$0xD0] =	vst v8;
	s22 =	smov.u32 s9  }
0x9b: {  	v5 =	vld.idx.msk [tilespmem:v5+s28+$0x0], $0xffff  }
0x9c: {  	v8 =	vld [tilespmem:s9+$0xFFFFFF00]  }
0x9d: {  	v9 =	vld [tilespmem:s9+$0xFFFFFF20]  }
0x9e: {  	v10 =	vld [tilespmem:s9+$0xFFFFFF10]  }
0x9f: {  	v11 =	vld [tilespmem:s9+$0xFFFFFF30];
	_ =	sdelay $0x1  }
0xa0: {  	v7 =	vmul.f32 v7, v5;
	v8 =	vmul.f32 v8, v5  }
0xa1: {  	s10 =	sadd.s32 $0x1, s23;
	v6 =	vmul.f32 v6, v5;
	v9 =	vmul.f32 v9, v5  }
0xa2: {  	v3 =	vmul.f32 v3, v5;
	v10 =	vmul.f32 v10, v5;
	[tilespmem:s9+$0xFFFFFF70] =	vst v7;
	v7 =	vmov s10  }
0xa3: {  	v4 =	vmul.f32 v4, v5;
	[tilespmem:s9+$0xFFFFFF00] =	vst v8;
	v8 =	vmul.f32 v11, v5;
	v5 =	vand.u32 $0xFFFFFFFD, v7  }
0xa4: {  	[tilespmem:s9+$0xFFFFFF20] =	vst v9;
	v5 =	vbroadcast v5, $0x0  }
0xa5: {  	[tilespmem:s9+$0xFFFFFF50] =	vst v3  }
0xa6: {  	[tilespmem:s9+$0xFFFFFF40] =	vst v4;
	v3 =	vld [tilespmem:s9+$0xFFFFFFF0]  }
0xa7: {  	[tilespmem:s9+$0xFFFFFF60] =	vst v6;
	v4 =	vld [tilespmem:s9+$0xFFFFFFC0]  }
0xa8: {  	[tilespmem:s9+$0xFFFFFF30] =	vst v8;
	v6 =	vld [tilespmem:s9+$0xFFFFFFD0]  }
0xa9: {  	[tilespmem:s9+$0xFFFFFF10] =	vst v10;
	v7 =	vld [tilespmem:s9+$0xFFFFFF90]  }
0xaa: {  	v5 =	vld.idx.msk [tilespmem:v5+s28+$0x0], $0xffff  }
0xab: {  	v8 =	vld [tilespmem:s9+$0xFFFFFF80]  }
0xac: {  	v9 =	vld [tilespmem:s9+$0xFFFFFFA0]  }
0xad: {  	v10 =	vld [tilespmem:s9+$0xFFFFFFB0]  }
0xae: {  	v11 =	vld [tilespmem:s9+$0xFFFFFFE0];
	_ =	sdelay $0x1  }
0xaf: {  	v7 =	vmul.f32 v7, v5;
	v8 =	vmul.f32 v8, v5  }
0xb0: {  	s10 =	sadd.s32 $0x2, s23;
	v6 =	vmul.f32 v6, v5;
	v9 =	vmul.f32 v9, v5  }
0xb1: {  	v4 =	vmul.f32 v4, v5;
	[tilespmem:s9+$0xFFFFFF90] =	vst v7;
	v7 =	vmul.f32 v10, v5;
	v10 =	vmov s10  }
0xb2: {  	v3 =	vmul.f32 v3, v5;
	[tilespmem:s9+$0xFFFFFFA0] =	vst v9;
	v9 =	vmul.f32 v11, v5;
	v5 =	vand.u32 $0xFFFFFFFE, v10  }
0xb3: {  	[tilespmem:s9+$0xFFFFFF80] =	vst v8;
	v5 =	vbroadcast v5, $0x0  }
0xb4: {  	[tilespmem:s9+$0xFFFFFFB0] =	vst v7  }
0xb5: {  	[tilespmem:s9+$0xFFFFFFC0] =	vst v4  }
0xb6: {  	[tilespmem:s9+$0xFFFFFFD0] =	vst v6  }
.Ltmp1:
0xb7: {  	[tilespmem:s9+$0xFFFFFFF0] =	vst v3;
	v4 =	vld [tilespmem:s9+$0x40];
	(pc) =	sbr.rel @p0 .LBB2_5-.Ltmp1, $4  }
0xb8: {  	[tilespmem:s9+$0xFFFFFFE0] =	vst v9;
	v6 =	vld [tilespmem:s9+$0x60]  }
0xb9: {  	v3 =	vld.idx.msk [tilespmem:v5+s28+$0x0], $0xffff  }
0xba: {  	v7 =	vld [tilespmem:s9+$0x0]  }
0xbb: {  	v5 =	vld [tilespmem:s9+$0x10]  }
0xbc: {  	_ =	sdelay $0x1  }
0xbd: {  	v6 =	vmul.f32 v6, v3  }
0xbe: {  	v8 =	vld [tilespmem:s22+$0x50];
	v4 =	vmul.f32 v4, v3  }
0xbf: {  	v9 =	vld [tilespmem:s22+$0x70];
	v1 =	vmul.f32 v1, v3;
	[tilespmem:s22+$0x60] =	vst v6  }
0xc0: {  	v6 =	vmul.f32 v7, v3;
	[tilespmem:s22+$0x40] =	vst v4  }
0xc1: {  	s8 =	sadd.s32 $0x3, s23;
	[tilespmem:s22+$0x20] =	vst v1;
	v1 =	vmul.f32 v2, v3  }
0xc2: {  	v5 =	vmul.f32 v5, v3;
	[tilespmem:s22+$0x0] =	vst v6;
	v6 =	vmov s8  }
0xc3: {  	v4 =	vmul.f32 v8, v3;
	[tilespmem:s22+$0x30] =	vst v1  }
0xc4: {  	v3 =	vmul.f32 v9, v3;
	[tilespmem:s22+$0x10] =	vst v5  }
0xc5: {  	[tilespmem:s22+$0x50] =	vst v4  }
0xc6: {  	v2 =	vld [tilespmem:s22+$0x80];
	[tilespmem:s22+$0x70] =	vst v3  }
0xc7: {  	v1 =	vld.idx.msk [tilespmem:v6+s28+$0x0], $0xffff  }
0xc8: {  	v3 =	vld [tilespmem:s22+$0xA0]  }
0xc9: {  	v4 =	vld [tilespmem:s22+$0xC0]  }
0xca: {  	v5 =	vld [tilespmem:s22+$0xF0]  }
0xcb: {  	v6 =	vld [tilespmem:s22+$0xE0]  }
0xcc: {  	v7 =	vld [tilespmem:s22+$0x90];
	v2 =	vmul.f32 v2, v1  }
0xcd: {  	v8 =	vld [tilespmem:s22+$0xB0];
	v3 =	vmul.f32 v3, v1  }
0xce: {  	v61 =	vld [tilespmem:s22+$0xD0];
	[tilespmem:s22+$0x80] =	vst v2;
	v2 =	vmul.f32 v4, v1  }
0xcf: {  	[tilespmem:s22+$0xA0] =	vst v3;
	v3 =	vmul.f32 v5, v1  }
0xd0: {  	v4 =	vmul.f32 v6, v1;
	[tilespmem:s22+$0xC0] =	vst v2  }
0xd1: {  	v2 =	vmul.f32 v7, v1;
	[tilespmem:s22+$0xF0] =	vst v3  }
0xd2: {  	v3 =	vmul.f32 v8, v1;
	[tilespmem:s22+$0xE0] =	vst v4  }
0xd3: {  	s11 =	sadd.s32 $0x100, s21;
	v1 =	vmul.f32 v61, v1;
	[tilespmem:s22+$0x90] =	vst v2  }
0xd4: {  	s9 =	sand.u32 $0x7C00, s11;
	[tilespmem:s22+$0xB0] =	vst v3  }
0xd5: {  	s23 =	simm.s32 $0x80;
	s10 =	sand.u32 $0x300, s11;
	s9 =	sadd.s32 s5, s9;
	[tilespmem:s22+$0xD0] =	vst v1  }
0xd6: {  	[spmem:s3] =	stream.indirect.scatter.add.f32 [tilespmem:s24], [sflag:$0x7], $0x80, s26, s23, $0xb8;
	[tilespmem:$0x1EE00] =	vst v63  }
0xd7: {  	s9 =	sor.u32 s10, s9;
	_ =	swait.ge [sflag:s25], $0x4000  }
0xd8: {  	s9 =	sshrl.u32 s9, $0x3;
	[sflag:s25] =	ssyncset.done $0x0  }
0xd9: {  	s22 =	sadd.s32 s6, s9;
	[sflag:s25] =	ssyncadd.s32 $0xFFFFC000  }
0xda: {  	[tilespmem:s26], [sflag:$0x3] =	stream.linear.gather [hbm4b:s22+s4], $0x80, $0x38;
	[tilespmem:$0x1EE00] =	vst v63  }
0xdb: {  	s9 =	sadd.s32 s7, s9  }
0xdc: {  	[tilespmem:s28], [sflag:$0x5] =	stream.linear.gather [hbm4b:s9+s4], $0x80, $0x38;
	[tilespmem:$0x1EE00] =	vst v63  }
0xdd: {  	s8 =	sand.u32 $0x3FFFFF00, s11  }
0xde: {  	[tilespmem:s24], [sflag:$0x1] =	stream.indirect.gather [hbm4b:s1+s23], $0x80, s8, s23, $0xb8;
	[tilespmem:$0x1EE00] =	vst v63  }
0xdf: {  	_ =	swait.ge [sflag:s15], $0x4000  }
0xe0: {  	[sflag:s15] =	ssyncset.done $0x0  }
0xe1: {  	v1 =	vmov s23;
	[sflag:s15] =	ssyncadd.s32 $0xFFFFC000  }
0xe2: {  	v1 =	vand.u32 $0xFFFFFFFC, v1;
	_ =	swait.ge [sflag:s16], $0x80  }
0xe3: {  	v1 =	vbroadcast v1, $0x0;
	[sflag:s16] =	ssyncset.done $0x0  }
0xe4: {  	[sflag:s16] =	ssyncadd.s32 $0xFFFFFF80  }
0xe5: {  	_ =	swait.ge [sflag:s17], $0x80  }
0xe6: {  	[sflag:s17] =	ssyncset.done $0x0  }
0xe7: {  	s22 =	simm.s32 $0x6F00;
	[sflag:s17] =	ssyncadd.s32 $0xFFFFFF80  }
0xe8: {  	v2 =	vld [tilespmem:s22+$0xFFFFFF70]  }
0xe9: {  	v1 =	vld.idx.msk [tilespmem:v1+s28+$0x0], $0xffff  }
0xea: {  	v3 =	vld [tilespmem:s22+$0xFFFFFF00]  }
0xeb: {  	v4 =	vld [tilespmem:s22+$0xFFFFFF20]  }
0xec: {  	v5 =	vld [tilespmem:s22+$0xFFFFFF50]  }
0xed: {  	v6 =	vld [tilespmem:s22+$0xFFFFFF40]  }
0xee: {  	v7 =	vld [tilespmem:s22+$0xFFFFFF60];
	v2 =	vmul.f32 v2, v1  }
0xef: {  	s10 =	simm.s32 $0x81;
	v8 =	vld [tilespmem:s22+$0xFFFFFF30];
	v3 =	vmul.f32 v3, v1  }
0xf0: {  	v62 =	vld [tilespmem:s22+$0xFFFFFF10];
	v4 =	vmul.f32 v4, v1;
	[tilespmem:s22+$0xFFFFFF70] =	vst v2;
	v2 =	vmov s10  }
0xf1: {  	v5 =	vmul.f32 v5, v1;
	[tilespmem:s22+$0xFFFFFF00] =	vst v3;
	v2 =	vand.u32 $0xFFFFFFFD, v2  }
0xf2: {  	v3 =	vmul.f32 v6, v1;
	[tilespmem:s22+$0xFFFFFF20] =	vst v4;
	v2 =	vbroadcast v2, $0x0  }
0xf3: {  	v4 =	vmul.f32 v7, v1;
	[tilespmem:s22+$0xFFFFFF50] =	vst v5  }
0xf4: {  	v5 =	vmul.f32 v8, v1;
	[tilespmem:s22+$0xFFFFFF40] =	vst v3  }
0xf5: {  	v1 =	vmul.f32 v62, v1;
	[tilespmem:s22+$0xFFFFFF60] =	vst v4  }
0xf6: {  	[tilespmem:s22+$0xFFFFFF30] =	vst v5  }
0xf7: {  	[tilespmem:s22+$0xFFFFFF10] =	vst v1;
	v1 =	vld [tilespmem:s22+$0xFFFFFF90]  }
0xf8: {  	v3 =	vld.idx.msk [tilespmem:v2+s28+$0x0], $0xffff  }
0xf9: {  	v2 =	vld [tilespmem:s22+$0xFFFFFFA0]  }
0xfa: {  	v4 =	vld [tilespmem:s22+$0xFFFFFF80]  }
0xfb: {  	v5 =	vld [tilespmem:s22+$0xFFFFFFB0]  }
0xfc: {  	v6 =	vld [tilespmem:s22+$0xFFFFFFC0]  }
0xfd: {  	v7 =	vld [tilespmem:s22+$0xFFFFFFD0];
	v1 =	vmul.f32 v1, v3  }
0xfe: {  	s11 =	simm.s32 $0x82;
	v8 =	vld [tilespmem:s22+$0xFFFFFFF0];
	v2 =	vmul.f32 v2, v3  }
0xff: {  	v63 =	vld [tilespmem:s22+$0xFFFFFFE0];
	v4 =	vmul.f32 v4, v3;
	[tilespmem:s22+$0xFFFFFF90] =	vst v1;
	v1 =	vmov s11  }
0x100: {  	v5 =	vmul.f32 v5, v3;
	[tilespmem:s22+$0xFFFFFFA0] =	vst v2;
	v1 =	vand.u32 $0xFFFFFFFE, v1  }
0x101: {  	v2 =	vmul.f32 v6, v3;
	[tilespmem:s22+$0xFFFFFF80] =	vst v4;
	v6 =	vld [tilespmem:s22+$0x60];
	v10 =	vbroadcast v1, $0x0  }
0x102: {  	v4 =	vmul.f32 v7, v3;
	[tilespmem:s22+$0xFFFFFFB0] =	vst v5;
	v7 =	vld [tilespmem:s22+$0x0]  }
0x103: {  	v5 =	vmul.f32 v8, v3;
	v1 =	vld [tilespmem:s22+$0x20];
	[tilespmem:s22+$0xFFFFFFC0] =	vst v2  }
0x104: {  	v3 =	vmul.f32 v63, v3;
	v2 =	vld [tilespmem:s22+$0x30];
	[tilespmem:s22+$0xFFFFFFD0] =	vst v4  }
0x105: {  	[tilespmem:s22+$0xFFFFFFF0] =	vst v5;
	v4 =	vld [tilespmem:s22+$0x40]  }
0x106: {  	[tilespmem:s22+$0xFFFFFFE0] =	vst v3;
	v5 =	vld [tilespmem:s22+$0x10]  }
0x107: {  	s9 =	simm.s32 $0x6F00;
	s8 =	simm.s32 $0x84;
	v3 =	vld.idx.msk [tilespmem:v10+s28+$0x0], $0xffff  }
.LBB2_7:
0x108: {  	p0 =	sne.s32 s8, $0xFC  }
0x109: {  	v8 =	vld [tilespmem:s22+$0x50];
	s9 =	sadd.s32 $0x200, s9;
	s10 =	smov.u32 s8;
	s8 =	sadd.s32 $0x4, s8  }
0x10a: {  	v9 =	vld [tilespmem:s22+$0x70];
	_ =	sdelay $0x1  }
0x10b: {  	v6 =	vmul.f32 v6, v3;
	v7 =	vmul.f32 v7, v3  }
0x10c: {  	v4 =	vmul.f32 v4, v3;
	v5 =	vmul.f32 v5, v3  }
0x10d: {  	v1 =	vmul.f32 v1, v3;
	v2 =	vmul.f32 v2, v3;
	[tilespmem:s22+$0x60] =	vst v6  }
0x10e: {  	[tilespmem:s22+$0x40] =	vst v4;
	v4 =	vmul.f32 v8, v3;
	v3 =	vmul.f32 v9, v3  }
0x10f: {  	s11 =	sadd.s32 $0x3, s23;
	s23 =	smov.u32 s10;
	[tilespmem:s22+$0x20] =	vst v1;
	v6 =	vld [tilespmem:s22+$0x80]  }
0x110: {  	v1 =	vld [tilespmem:s9+$0x20];
	[tilespmem:s22+$0x0] =	vst v7;
	v7 =	vmov s11  }
0x111: {  	[tilespmem:s22+$0x50] =	vst v4;
	v4 =	vld [tilespmem:s22+$0xE0]  }
0x112: {  	[tilespmem:s22+$0x30] =	vst v2;
	v8 =	vld [tilespmem:s22+$0xC0]  }
0x113: {  	v2 =	vld [tilespmem:s9+$0x30];
	[tilespmem:s22+$0x10] =	vst v5  }
0x114: {  	[tilespmem:s22+$0x70] =	vst v3;
	v3 =	vld [tilespmem:s22+$0xA0]  }
0x115: {  	v5 =	vld.idx.msk [tilespmem:v7+s28+$0x0], $0xffff  }
0x116: {  	v7 =	vld [tilespmem:s22+$0x90]  }
0x117: {  	v9 =	vld [tilespmem:s22+$0xB0]  }
0x118: {  	v10 =	vld [tilespmem:s22+$0xD0]  }
0x119: {  	v11 =	vld [tilespmem:s22+$0xF0];
	_ =	sdelay $0x1  }
0x11a: {  	v6 =	vmul.f32 v6, v5;
	v7 =	vmul.f32 v7, v5  }
0x11b: {  	v3 =	vmul.f32 v3, v5;
	v9 =	vmul.f32 v9, v5  }
0x11c: {  	v12 =	vmov s23;
	[tilespmem:s22+$0x80] =	vst v6;
	v6 =	vmul.f32 v8, v5;
	v8 =	vmul.f32 v10, v5  }
0x11d: {  	v10 =	vand.u32 $0xFFFFFFFC, v12;
	[tilespmem:s22+$0xA0] =	vst v3;
	v3 =	vmul.f32 v4, v5;
	v4 =	vmul.f32 v11, v5  }
0x11e: {  	v5 =	vbroadcast v10, $0x0;
	[tilespmem:s22+$0xC0] =	vst v6  }
0x11f: {  	[tilespmem:s22+$0xF0] =	vst v4  }
0x120: {  	v4 =	vld [tilespmem:s9+$0xFFFFFF40];
	[tilespmem:s22+$0xE0] =	vst v3  }
0x121: {  	v3 =	vld [tilespmem:s9+$0xFFFFFF50];
	[tilespmem:s22+$0x90] =	vst v7  }
0x122: {  	v6 =	vld [tilespmem:s9+$0xFFFFFF60];
	[tilespmem:s22+$0xB0] =	vst v9  }
0x123: {  	v7 =	vld [tilespmem:s9+$0xFFFFFF70];
	[tilespmem:s22+$0xD0] =	vst v8;
	s22 =	smov.u32 s9  }
0x124: {  	v5 =	vld.idx.msk [tilespmem:v5+s28+$0x0], $0xffff  }
0x125: {  	v8 =	vld [tilespmem:s9+$0xFFFFFF00]  }
0x126: {  	v9 =	vld [tilespmem:s9+$0xFFFFFF20]  }
0x127: {  	v10 =	vld [tilespmem:s9+$0xFFFFFF10]  }
0x128: {  	v11 =	vld [tilespmem:s9+$0xFFFFFF30];
	_ =	sdelay $0x1  }
0x129: {  	v7 =	vmul.f32 v7, v5;
	v8 =	vmul.f32 v8, v5  }
0x12a: {  	s10 =	sadd.s32 $0x1, s23;
	v6 =	vmul.f32 v6, v5;
	v9 =	vmul.f32 v9, v5  }
0x12b: {  	v3 =	vmul.f32 v3, v5;
	v10 =	vmul.f32 v10, v5;
	[tilespmem:s9+$0xFFFFFF70] =	vst v7;
	v7 =	vmov s10  }
0x12c: {  	v4 =	vmul.f32 v4, v5;
	[tilespmem:s9+$0xFFFFFF00] =	vst v8;
	v8 =	vmul.f32 v11, v5;
	v5 =	vand.u32 $0xFFFFFFFD, v7  }
0x12d: {  	[tilespmem:s9+$0xFFFFFF20] =	vst v9;
	v5 =	vbroadcast v5, $0x0  }
0x12e: {  	[tilespmem:s9+$0xFFFFFF50] =	vst v3  }
0x12f: {  	[tilespmem:s9+$0xFFFFFF40] =	vst v4;
	v3 =	vld [tilespmem:s9+$0xFFFFFFF0]  }
0x130: {  	[tilespmem:s9+$0xFFFFFF60] =	vst v6;
	v4 =	vld [tilespmem:s9+$0xFFFFFFC0]  }
0x131: {  	[tilespmem:s9+$0xFFFFFF30] =	vst v8;
	v6 =	vld [tilespmem:s9+$0xFFFFFFD0]  }
0x132: {  	[tilespmem:s9+$0xFFFFFF10] =	vst v10;
	v7 =	vld [tilespmem:s9+$0xFFFFFF90]  }
0x133: {  	v5 =	vld.idx.msk [tilespmem:v5+s28+$0x0], $0xffff  }
0x134: {  	v8 =	vld [tilespmem:s9+$0xFFFFFF80]  }
0x135: {  	v9 =	vld [tilespmem:s9+$0xFFFFFFA0]  }
0x136: {  	v10 =	vld [tilespmem:s9+$0xFFFFFFB0]  }
0x137: {  	v11 =	vld [tilespmem:s9+$0xFFFFFFE0];
	_ =	sdelay $0x1  }
0x138: {  	v7 =	vmul.f32 v7, v5;
	v8 =	vmul.f32 v8, v5  }
0x139: {  	s10 =	sadd.s32 $0x2, s23;
	v6 =	vmul.f32 v6, v5;
	v9 =	vmul.f32 v9, v5  }
0x13a: {  	v4 =	vmul.f32 v4, v5;
	[tilespmem:s9+$0xFFFFFF90] =	vst v7;
	v7 =	vmul.f32 v10, v5;
	v10 =	vmov s10  }
0x13b: {  	v3 =	vmul.f32 v3, v5;
	[tilespmem:s9+$0xFFFFFFA0] =	vst v9;
	v9 =	vmul.f32 v11, v5;
	v5 =	vand.u32 $0xFFFFFFFE, v10  }
0x13c: {  	[tilespmem:s9+$0xFFFFFF80] =	vst v8;
	v5 =	vbroadcast v5, $0x0  }
0x13d: {  	[tilespmem:s9+$0xFFFFFFB0] =	vst v7  }
0x13e: {  	[tilespmem:s9+$0xFFFFFFC0] =	vst v4  }
0x13f: {  	[tilespmem:s9+$0xFFFFFFD0] =	vst v6  }
.Ltmp2:
0x140: {  	[tilespmem:s9+$0xFFFFFFF0] =	vst v3;
	v4 =	vld [tilespmem:s9+$0x40];
	(pc) =	sbr.rel @p0 .LBB2_7-.Ltmp2, $4  }
0x141: {  	[tilespmem:s9+$0xFFFFFFE0] =	vst v9;
	v6 =	vld [tilespmem:s9+$0x60]  }
0x142: {  	v3 =	vld.idx.msk [tilespmem:v5+s28+$0x0], $0xffff  }
0x143: {  	v7 =	vld [tilespmem:s9+$0x0]  }
0x144: {  	v5 =	vld [tilespmem:s9+$0x10]  }
0x145: {  	_ =	sdelay $0x1  }
0x146: {  	v6 =	vmul.f32 v6, v3  }
0x147: {  	v8 =	vld [tilespmem:s22+$0x50];
	v4 =	vmul.f32 v4, v3  }
0x148: {  	v9 =	vld [tilespmem:s22+$0x70];
	v1 =	vmul.f32 v1, v3;
	[tilespmem:s22+$0x60] =	vst v6  }
0x149: {  	v54 =	vmul.f32 v7, v3;
	[tilespmem:s22+$0x40] =	vst v4  }
0x14a: {  	s8 =	sadd.s32 $0x3, s23;
	[tilespmem:s22+$0x20] =	vst v1;
	v1 =	vmul.f32 v2, v3  }
0x14b: {  	v56 =	vmov s8;
	v5 =	vmul.f32 v5, v3;
	[tilespmem:s22+$0x0] =	vst v54  }
0x14c: {  	v55 =	vmul.f32 v8, v3;
	[tilespmem:s22+$0x30] =	vst v1  }
0x14d: {  	v3 =	vmul.f32 v9, v3;
	[tilespmem:s22+$0x10] =	vst v5  }
0x14e: {  	[tilespmem:s22+$0x50] =	vst v55  }
0x14f: {  	v2 =	vld [tilespmem:s22+$0x80];
	[tilespmem:s22+$0x70] =	vst v3  }
0x150: {  	v1 =	vld.idx.msk [tilespmem:v56+s28+$0x0], $0xffff  }
0x151: {  	v3 =	vld [tilespmem:s22+$0xA0]  }
0x152: {  	v59 =	vld [tilespmem:s22+$0xE0]  }
0x153: {  	v57 =	vld [tilespmem:s22+$0xC0]  }
0x154: {  	v58 =	vld [tilespmem:s22+$0xF0]  }
0x155: {  	v60 =	vld [tilespmem:s22+$0x90];
	v2 =	vmul.f32 v2, v1  }
0x156: {  	v61 =	vld [tilespmem:s22+$0xB0];
	v3 =	vmul.f32 v3, v1  }
0x157: {  	v62 =	vld [tilespmem:s22+$0xD0];
	v63 =	vmul.f32 v59, v1;
	[tilespmem:s22+$0x80] =	vst v2  }
0x158: {  	v2 =	vmul.f32 v57, v1;
	[tilespmem:s22+$0xA0] =	vst v3  }
0x159: {  	v3 =	vmul.f32 v58, v1;
	[tilespmem:s22+$0xE0] =	vst v63  }
0x15a: {  	[tilespmem:s22+$0xC0] =	vst v2;
	v2 =	vmul.f32 v60, v1  }
0x15b: {  	[tilespmem:s22+$0xF0] =	vst v3;
	v3 =	vmul.f32 v61, v1  }
0x15c: {  	v1 =	vmul.f32 v62, v1;
	[tilespmem:s22+$0x90] =	vst v2  }
0x15d: {  	[tilespmem:s22+$0xB0] =	vst v3  }
0x15e: {  	[tilespmem:s22+$0xD0] =	vst v1;
	s22 =	sadd.s32 $0x180, s21  }
0x15f: {  	[spmem:s3] =	stream.indirect.scatter.add.f32 [tilespmem:s2], [sflag:$0x7], $0x80, s29, s31, $0xb8;
	[tilespmem:$0x1EE00] =	vst v63  }
0x160: {  	s9 =	sand.u32 $0x7C00, s22  }
0x161: {  	s20 =	sadd.s32 $0x1, s20;
	s8 =	sand.u32 $0x380, s22;
	s9 =	sadd.s32 s5, s9  }
0x162: {  	p0 =	sne.s32 s20, $0x28;
	_ =	swait.ge [sflag:s25], $0x4000;
	s8 =	sor.u32 s8, s9  }
.Ltmp3:
0x163: {  	[sflag:s25] =	ssyncset.done $0x0;
	s8 =	sshrl.u32 s8, $0x3;
	(pc) =	sbr.rel @p0 .LBB2_4-.Ltmp3, $4  }
0x164: {  	[sflag:s25] =	ssyncadd.s32 $0xFFFFC000;
	s23 =	sadd.s32 s6, s8  }
0x165: {  	[tilespmem:s29], [sflag:$0x4] =	stream.linear.gather [hbm4b:s23+s4], $0x80, $0x38;
	[tilespmem:$0x1EE00] =	vst v63  }
0x166: {  	s8 =	sadd.s32 s7, s8  }
0x167: {  	[tilespmem:s30], [sflag:$0x6] =	stream.linear.gather [hbm4b:s8+s4], $0x80, $0x38;
	[tilespmem:$0x1EE00] =	vst v63  }
0x168: {  	_ =	swait.ge [sflag:s0], $0x4000  }
0x169: {  	[sflag:s0] =	ssyncset.done $0x0  }
0x16a: {  	[sflag:s0] =	ssyncadd.s32 $0xFFFFC000  }
0x16b: {  	_ =	swait.ge [sflag:s13], $0x80  }
0x16c: {  	[sflag:s13] =	ssyncset.done $0x0  }
0x16d: {  	[sflag:s13] =	ssyncadd.s32 $0xFFFFFF80  }
0x16e: {  	_ =	swait.ge [sflag:s14], $0x80  }
0x16f: {  	[sflag:s14] =	ssyncset.done $0x0  }
0x170: {  	[sflag:s14] =	ssyncadd.s32 $0xFFFFFF80  }
0x171: {  	_ =	swait.ge [sflag:s16], $0x80  }
0x172: {  	[sflag:s16] =	ssyncset.done $0x0  }
0x173: {  	[sflag:s16] =	ssyncadd.s32 $0xFFFFFF80  }
0x174: {  	_ =	swait.ge [sflag:s17], $0x80  }
0x175: {  	[sflag:s17] =	ssyncset.done $0x0  }
0x176: {  	s8 =	stileid.u32;
	[sflag:s17] =	ssyncadd.s32 $0xFFFFFF80  }
0x177: {  	s8 =	sshll.u32 s8, $0x6;
	[bflag:$0x0] =	sbarrier.arrive $0xFFFF  }
0x178: {  	s9 =	sshrl.u32 s12, $0x3;
	s8 =	sor.u32 $0x1C07, s8;
	s11 =	rddreg [dreg:$0xd]  }
0x179: {  	[hbm:s11], [sflag:s8] =	dma.local [spmem:s9], $0x800  }
0x17a: {  	_ =	swait.ge [sflag:s25], $0x800  }
0x17b: {  	s10 =	smov.u32 s12;
	[sflag:s25] =	ssyncset.done $0x0;
	s11 =	rddreg [dreg:$0x4]  }
0x17c: {  	s19 =	rddreg [dreg:$0xe];
	[sflag:s25] =	ssyncadd.s32 $0xFFFFF800;
	s12 =	sshrl.u32 s11, $0x3  }
0x17d: {  	[hbm:s19], [sflag:s8] =	dma.local [spmem:s12], $0x800  }
0x17e: {  	_ =	swait.ge [sflag:s25], $0x800  }
0x17f: {  	[sflag:s25] =	ssyncset.done $0x0;
	s19 =	rddreg [dreg:$0x5]  }
0x180: {  	s21 =	rddreg [dreg:$0xf];
	[sflag:s25] =	ssyncadd.s32 $0xFFFFF800;
	s20 =	sshrl.u32 s19, $0x3  }
0x181: {  	[hbm:s21], [sflag:s8] =	dma.local [spmem:s20], $0x800  }
0x182: {  	_ =	swait.ge [sflag:s25], $0x800  }
0x183: {  	[sflag:s25] =	ssyncset.done $0x0;
	s20 =	rddreg [dreg:$0x6]  }
0x184: {  	s23 =	rddreg [dreg:$0x10];
	[sflag:s25] =	ssyncadd.s32 $0xFFFFF800;
	s22 =	sshrl.u32 s20, $0x3  }
0x185: {  	[hbm:s23], [sflag:s8] =	dma.local [spmem:s22], $0x800  }
0x186: {  	_ =	swait.ge [sflag:s25], $0x800  }
0x187: {  	[sflag:s25] =	ssyncset.done $0x0;
	s21 =	rddreg [dreg:$0x7]  }
0x188: {  	s22 =	rddreg [dreg:$0x11];
	[sflag:s25] =	ssyncadd.s32 $0xFFFFF800;
	s12 =	sshrl.u32 s21, $0x3  }
0x189: {  	[hbm:s22], [sflag:s8] =	dma.local [spmem:s12], $0x800  }
0x18a: {  	_ =	swait.ge [sflag:s25], $0x800  }
0x18b: {  	s18 =	sadd.s32 $0x1, s18;
	s23 =	rddreg [dreg:$0x12]  }
0x18c: {  	p0 =	sne.s32 s18, s23  }
.Ltmp4:
0x18d: {  	_ = 	snop;
	(pc) =	sbr.rel @p0 .LBB2_1-.Ltmp4, $3  }
0x18e: {  	_ =	sdelay $0x1  }
0x18f: {  	[sflag:s25] =	ssyncset.done $0x0  }
0x190: {  	[sflag:s25] =	ssyncadd.s32 $0xFFFFF800  }
0x191: {  	_ =	sfence.sel $0x180000  }
0x192: {  	[bflag:$0x0] =	sbarrier.arrive $0xFFFF  }
0x193: {  	_ =	strace $0x90000047  }
0x194: {  	s0 =	stileid.u32;
	[bflag:$0x2] =	sbarrier.arrive $0xFFFF  }
0x195: {  	p0 =	sne.s32 s0, $0x0;
	s0 =	rddreg [dreg:$0x3]  }
0x196: {  	s0 =	sadd.s32 @!p0 $0x100000, s0  }
0x197: {  	[sflag:s0] =	ssyncadd.tile.s32 @!p0 $0x1;
	_ =	shalt  }
.Lfunc_end2:
_tile_overlayer_lowered:
.L_overlay_start_2:
0x198: {  	(tag) =	ssettag $0x2  }
0x199: {  	s0 =	rddreg [dreg:$0x0];
	s2 =	stileid.u32  }
0x19a: {  	s1 =	rddreg [dreg:$0x1];
	p0 =	sne.s32 s2, $0x0  }
0x19b: {  	s3 =	rddreg [dreg:$0x2];
	[bflag:$0x3] =	sbarrier.arrive $0xFFFF;
	s2 =	simm.s32 @!p0 $0x1C07  }
0x19c: {  	[timem:s3], [sflag:s2] =	dma.local @!p0 [hbm:s0], s1  }
0x19d: {  	s0 =	simm.s32 @!p0 $0x7  }
0x19e: {  	_ =	swait.ge @!p0 [sflag:s0], s1  }
0x19f: {  	s1 =	ssub.s32 @!p0 $0x0, s1;
	[sflag:s0] =	ssyncset.done @!p0 $0x0  }
0x1a0: {  	[sflag:s0] =	ssyncadd.s32 @!p0 s1  }
0x1a1: {  	[bflag:$0x3] =	sbarrier.arrive $0xFFFF  }
0x1a2: {  	_ =	shalt  }

</sc_bundles>
